<compile_context>
chip_gen: v7x
topology: tpu7x:2x2x1
jax: 0.10.2.dev20260603
libtpu: 0.0.44.dev20260713+nightly
codegen_flags: <defaults>
</compile_context>

<pallas_src>
import functools

import jax
import jax.numpy as jnp
from jax import lax
from jax.experimental import pallas as pl
from jax.experimental.pallas import tpu as pltpu
from jax.experimental.pallas import tpu_sc as plsc

N = 10000
E = 320000
D = 128
D_EDGE = 16
D_U = 32

NC = 2
NS = 16
NW = NC * NS
C = 80

EA = 163840
EB = E - EA

_mesh = plsc.VectorSubcoreMesh(core_axis_name="c", subcore_axis_name="s")


def _make_gather(e_part):
    pw = e_part // NW
    nch = pw // C
    assert nch % 4 == 1 and nch >= 9

    def body(psrc, pdst, src, dst, out, idx_s, idx_d,
             b0, b1, b2, b3, g0, g1, g2, g3, t0, t1, t2, t3):
        bufs = (b0, b1, b2, b3)
        gsem = (g0, g1, g2, g3)
        tsem = (t0, t1, t2, t3)
        wid = lax.axis_index("s") * NC + lax.axis_index("c")
        base = wid * pw

        pltpu.sync_copy(src.at[pl.ds(base, pw)], idx_s)
        pltpu.sync_copy(dst.at[pl.ds(base, pw)], idx_d)

        def issue_g(k, u):
            pltpu.async_copy(
                psrc.at[idx_s.at[pl.ds(k * C, C)]], bufs[u].at[0], gsem[u])
            pltpu.async_copy(
                pdst.at[idx_d.at[pl.ds(k * C, C)]], bufs[u].at[1], gsem[u])

        def wait_g(u):
            pltpu.make_async_copy(
                psrc.at[idx_s.at[pl.ds(0, C)]], bufs[u].at[0], gsem[u]).wait()
            pltpu.make_async_copy(
                pdst.at[idx_d.at[pl.ds(0, C)]], bufs[u].at[1], gsem[u]).wait()

        def add_halves(u):
            bb = bufs[u]

            def row(r, carry):
                for g8 in range(D // 16):
                    cc = g8 * 16
                    bb[0, r, pl.ds(cc, 16)] = (bb[0, r, pl.ds(cc, 16)]
                                               + bb[1, r, pl.ds(cc, 16)])
                return carry

            lax.fori_loop(0, C, row, 0)

        def issue_st(k, u):
            pltpu.sync_copy(bufs[u].at[0], out.at[pl.ds(base + k * C, C)])

        def wait_st(u):
            del u

        issue_g(0, 0)
        issue_g(1, 1)
        wait_g(0)
        add_halves(0)
        issue_st(0, 0)
        issue_g(2, 2)
        wait_g(1)
        add_halves(1)
        issue_st(1, 1)
        issue_g(3, 3)
        wait_g(2)
        add_halves(2)
        issue_st(2, 2)
        wait_st(0)
        issue_g(4, 0)
        wait_g(3)
        add_halves(3)
        issue_st(3, 3)
        wait_st(1)
        issue_g(5, 1)

        def outer(i, carry):
            k0 = 4 * i
            for u in range(4):
                wait_g(u)
                add_halves(u)
                issue_st(k0 + u, u)
                wait_st((u + 2) % 4)
                issue_g(k0 + u + 2, (u + 2) % 4)
            return carry

        lax.fori_loop(1, (nch - 9) // 4 + 1, outer, 0)
        for j in range(nch - 5, nch - 2):
            u = j % 4
            wait_g(u)
            add_halves(u)
            issue_st(j, u)
            wait_st((u + 2) % 4)
            issue_g(j + 2, (u + 2) % 4)
        for j in range(nch - 2, nch):
            u = j % 4
            wait_g(u)
            add_halves(u)
            issue_st(j, u)
        for u in range(4):
            wait_st(u)

    return pl.kernel(
        body,
        mesh=_mesh,
        out_type=jax.ShapeDtypeStruct((e_part, D), jnp.float32),
        scratch_types=[
            pltpu.VMEM((pw,), jnp.int32), pltpu.VMEM((pw,), jnp.int32),
            pltpu.VMEM((2, C, D), jnp.float32),
            pltpu.VMEM((2, C, D), jnp.float32),
            pltpu.VMEM((2, C, D), jnp.float32),
            pltpu.VMEM((2, C, D), jnp.float32),
            pltpu.SemaphoreType.DMA, pltpu.SemaphoreType.DMA,
            pltpu.SemaphoreType.DMA, pltpu.SemaphoreType.DMA,
            pltpu.SemaphoreType.DMA, pltpu.SemaphoreType.DMA,
            pltpu.SemaphoreType.DMA, pltpu.SemaphoreType.DMA,
        ],
    )


_gather_full = _make_gather(E)


PW = E // NW
NCH = PW // C


def _scatter_body(eout, dsti, zeros, hpart,
                  b0, b1, b2, b3, i0, i1, i2, i3, hsh,
                  l0, l1, l2, l3, a0, a1, a2, a3):
    bufs = (b0, b1, b2, b3)
    ibufs = (i0, i1, i2, i3)
    lsem = (l0, l1, l2, l3)
    asem = (a0, a1, a2, a3)
    cid = lax.axis_index("c")
    sid = lax.axis_index("s")
    wid = sid * NC + cid
    base = wid * PW
    rz = 624
    tail = N - rz * NS

    pltpu.sync_copy(zeros.at[pl.ds(sid * rz, rz)], hsh.at[pl.ds(sid * rz, rz)])

    @pl.when(sid == 0)
    def _():
        pltpu.sync_copy(zeros.at[pl.ds(rz * NS, tail)],
                        hsh.at[pl.ds(rz * NS, tail)])

    plsc.subcore_barrier()

    def issue_ld(k, u):
        pltpu.async_copy(eout.at[pl.ds(base + k * C, C)], bufs[u], lsem[u])
        pltpu.async_copy(dsti.at[pl.ds(base + k * C, C)], ibufs[u], lsem[u])

    def wait_ld(u):
        pltpu.make_async_copy(
            eout.at[pl.ds(base, C)], bufs[u], lsem[u]).wait()
        pltpu.make_async_copy(
            dsti.at[pl.ds(base, C)], ibufs[u], lsem[u]).wait()

    def issue_sc(u):
        pltpu.async_copy(bufs[u], hsh.at[ibufs[u]], asem[u], add=True)

    def wait_sc(u):
        pltpu.make_async_copy(bufs[u], hsh.at[ibufs[u]], asem[u]).wait()

    issue_ld(0, 0)
    issue_ld(1, 1)
    wait_ld(0)
    issue_sc(0)
    issue_ld(2, 2)
    wait_ld(1)
    issue_sc(1)
    issue_ld(3, 3)
    wait_ld(2)
    issue_sc(2)
    wait_sc(0)
    issue_ld(4, 0)
    wait_ld(3)
    issue_sc(3)
    wait_sc(1)
    issue_ld(5, 1)

    def outer(i, carry):
        k0 = 4 * i
        for u in range(4):
            wait_ld(u)
            issue_sc(u)
            wait_sc((u + 2) % 4)
            issue_ld(k0 + u + 2, (u + 2) % 4)
        return carry

    lax.fori_loop(1, (NCH - 9) // 4 + 1, outer, 0)
    for j in range(NCH - 5, NCH - 2):
        u = j % 4
        wait_ld(u)
        issue_sc(u)
        wait_sc((u + 2) % 4)
        issue_ld(j + 2, (u + 2) % 4)
    for j in range(NCH - 2, NCH):
        u = j % 4
        wait_ld(u)
        issue_sc(u)
    for u in range(4):
        wait_sc(u)

    plsc.subcore_barrier()
    pltpu.sync_copy(hsh.at[pl.ds(sid * rz, rz)],
                    hpart.at[cid, pl.ds(sid * rz, rz)])

    @pl.when(sid == 0)
    def _():
        pltpu.sync_copy(hsh.at[pl.ds(rz * NS, tail)],
                        hpart.at[cid, pl.ds(rz * NS, tail)])


_scatter_call = pl.kernel(
    _scatter_body,
    mesh=_mesh,
    out_type=jax.ShapeDtypeStruct((NC, N, D), jnp.float32),
    scratch_types=[
        pltpu.VMEM((C, D), jnp.float32), pltpu.VMEM((C, D), jnp.float32),
        pltpu.VMEM((C, D), jnp.float32), pltpu.VMEM((C, D), jnp.float32),
        pltpu.VMEM((C,), jnp.int32), pltpu.VMEM((C,), jnp.int32),
        pltpu.VMEM((C,), jnp.int32), pltpu.VMEM((C,), jnp.int32),
        pltpu.VMEM_SHARED((N, D), jnp.float32),
        pltpu.SemaphoreType.DMA, pltpu.SemaphoreType.DMA,
        pltpu.SemaphoreType.DMA, pltpu.SemaphoreType.DMA,
        pltpu.SemaphoreType.DMA, pltpu.SemaphoreType.DMA,
        pltpu.SemaphoreType.DMA, pltpu.SemaphoreType.DMA,
    ],
)


_B1 = 2000
_BE = 8000
_NBA = EA // _BE


def _prep_body(nf, wsrc, wdst, g, weu, be1, wnu, bn1, psrc_o, pdst_o, ce_o, cn_o):
    nfb = nf[...]
    psrc_o[...] = jnp.dot(nfb, wsrc[...], preferred_element_type=jnp.float32)
    pdst_o[...] = jnp.dot(nfb, wdst[...], preferred_element_type=jnp.float32)

    @pl.when(pl.program_id(0) == 0)
    def _():
        gv = g[...]
        ce_o[...] = jnp.dot(gv, weu[...], preferred_element_type=jnp.float32) + be1[...]
        cn_o[...] = jnp.dot(gv, wnu[...], preferred_element_type=jnp.float32) + bn1[...]


def _edge_compute(gsum, ef, wef, we2, ce, be2):
    pre = gsum[...] + ce[...]
    pre = pre + jnp.dot(ef[...], wef[...], preferred_element_type=jnp.float32)
    r = jnp.maximum(pre, 0.0)
    return jnp.dot(r, we2[...], preferred_element_type=jnp.float32) + be2[...]


def _edge_body(gsum, ef, wef, we2, ce, be2, out, ecol_o):
    eo = _edge_compute(gsum, ef, wef, we2, ce, be2)
    out[...] = eo
    colsum = jnp.sum(eo, axis=0, keepdims=True)

    @pl.when(pl.program_id(0) == 0)
    def _():
        ecol_o[...] = colsum

    @pl.when(pl.program_id(0) != 0)
    def _():
        ecol_o[...] = ecol_o[...] + colsum




def _node_body(nf, hp, g, ec, wnf, wnh, cn, wn2, bn2, wun, wue, wug, bu1,
               wu2, bu2, nout_o, uout_o, comb):
    h = hp[0] + hp[1]
    pre = (jnp.dot(nf[...], wnf[...], preferred_element_type=jnp.float32)
           + jnp.dot(h, wnh[...], preferred_element_type=jnp.float32)
           + cn[...])
    r = jnp.maximum(pre, 0.0)
    nout = jnp.dot(r, wn2[...], preferred_element_type=jnp.float32) + bn2[...]
    nout_o[...] = nout
    ncol = jnp.sum(nout, axis=0, keepdims=True)

    @pl.when(pl.program_id(0) == 0)
    def _():
        comb[...] = ncol

    @pl.when(pl.program_id(0) != 0)
    def _():
        comb[...] = comb[...] + ncol

    @pl.when(pl.program_id(0) == pl.num_programs(0) - 1)
    def _():
        upre = (jnp.dot(comb[...], wun[...], preferred_element_type=jnp.float32)
                + jnp.dot(ec[...], wue[...], preferred_element_type=jnp.float32)
                + jnp.dot(g[...], wug[...], preferred_element_type=jnp.float32)
                + bu1[...])
        ur = jnp.maximum(upre, 0.0)
        uout_o[...] = jnp.dot(ur, wu2[...], preferred_element_type=jnp.float32) + bu2[...]


def _const_spec(shape):
    return pl.BlockSpec(shape, lambda i: tuple(0 for _ in shape))


_prep_call = pl.pallas_call(
    _prep_body,
    grid=(N // _B1,),
    in_specs=[
        pl.BlockSpec((_B1, D), lambda i: (i, 0)),
        _const_spec((D, D)), _const_spec((D, D)),
        _const_spec((1, D_U)), _const_spec((D_U, D)), _const_spec((1, D)),
        _const_spec((D_U, D)), _const_spec((1, D)),
    ],
    out_specs=[
        pl.BlockSpec((_B1, D), lambda i: (i, 0)),
        pl.BlockSpec((_B1, D), lambda i: (i, 0)),
        _const_spec((1, D)), _const_spec((1, D)),
    ],
    out_shape=[
        jax.ShapeDtypeStruct((N, D), jnp.float32),
        jax.ShapeDtypeStruct((N, D), jnp.float32),
        jax.ShapeDtypeStruct((1, D), jnp.float32),
        jax.ShapeDtypeStruct((1, D), jnp.float32),
    ],
)

_edge_call = pl.pallas_call(
    _edge_body,
    grid=(E // _BE,),
    in_specs=[
        pl.BlockSpec((_BE, D), lambda i: (i, 0)),
        pl.BlockSpec((_BE, D_EDGE), lambda i: (i, 0)),
        _const_spec((D_EDGE, D)), _const_spec((D, D)),
        _const_spec((1, D)), _const_spec((1, D)),
    ],
    out_specs=[pl.BlockSpec((_BE, D), lambda i: (i, 0)),
               _const_spec((1, D))],
    out_shape=[jax.ShapeDtypeStruct((E, D), jnp.float32),
               jax.ShapeDtypeStruct((1, D), jnp.float32)],
)

_node_call = pl.pallas_call(
    _node_body,
    grid=(N // _B1,),
    in_specs=[
        pl.BlockSpec((_B1, D), lambda i: (i, 0)),
        pl.BlockSpec((NC, _B1, D), lambda i: (0, i, 0)),
        _const_spec((1, D_U)), _const_spec((1, D)),
        _const_spec((D, D)), _const_spec((D, D)), _const_spec((1, D)),
        _const_spec((D, D)), _const_spec((1, D)),
        _const_spec((D, D)), _const_spec((D, D)), _const_spec((D_U, D)),
        _const_spec((1, D)), _const_spec((D, D)), _const_spec((1, D)),
    ],
    out_specs=[
        pl.BlockSpec((_B1, D), lambda i: (i, 0)),
        _const_spec((1, D)),
    ],
    out_shape=[
        jax.ShapeDtypeStruct((N, D), jnp.float32),
        jax.ShapeDtypeStruct((1, D), jnp.float32),
    ],
    scratch_shapes=[pltpu.VMEM((1, D), jnp.float32)],
)


def kernel(edge_index, edge_feat, node_feat, g_repr,
           W_e1, b_e1, W_e2, b_e2, W_n1, b_n1, W_n2, b_n2,
           W_u1, b_u1, W_u2, b_u2):
    src = edge_index[0]
    dst = edge_index[1]

    W_ef = W_e1[:D_EDGE]
    W_es = W_e1[D_EDGE:D_EDGE + D]
    W_ed = W_e1[D_EDGE + D:D_EDGE + 2 * D]
    W_eu = W_e1[D_EDGE + 2 * D:]
    W_nf = W_n1[:D]
    W_nh = W_n1[D:2 * D]
    W_nu = W_n1[2 * D:]
    W_un = W_u1[:D]
    W_ue = W_u1[D:2 * D]
    W_ug = W_u1[2 * D:]

    psrc, pdst, c_e, c_n = _prep_call(
        node_feat, W_es, W_ed, g_repr, W_eu, b_e1.reshape(1, D),
        W_nu, b_n1.reshape(1, D))

    g_all = _gather_full(psrc, pdst, src, dst)

    be2 = b_e2.reshape(1, D)
    e_out, ecol = _edge_call(g_all, edge_feat, W_ef, W_e2, c_e, be2)

    hpart = _scatter_call(e_out, dst, jnp.zeros((N, D), jnp.float32))

    n_out, u_out = _node_call(
        node_feat, hpart, g_repr, ecol, W_nf, W_nh, c_n, W_n2,
        b_n2.reshape(1, D), W_un, W_ue, W_ug, b_u1.reshape(1, D), W_u2,
        b_u2.reshape(1, D))
    return (e_out, n_out, u_out)

# --- scband reference (transcript-rebuilt; emitter-appended) ---
"""Pipeline reference for scband-lstmmrf-20169166422904 (READ-ONLY COPY).

The authoritative reference and input builder live on the scoring server;
editing this copy changes nothing except your own understanding.
"""

import jax, jax.numpy as jnp
import numpy as np

N = 10000
E = 320000
D_NODE = 128
D_EDGE = 16
D_U = 32
HID = 128
D_OUT = 128


def setup_inputs(seed: int = 0):
    key = jax.random.key(seed)
    ks = jax.random.split(key, 16)
    inp = {}
    inp['edge_index'] = jax.random.randint(ks[0], (2, E), 0, N, dtype=jnp.int32)
    inp['edge_feat'] = jax.random.normal(ks[1], (E, D_EDGE), dtype=jnp.float32)
    inp['node_feat'] = jax.random.normal(ks[2], (N, D_NODE), dtype=jnp.float32)
    inp['g_repr'] = jax.random.normal(ks[3], (1, D_U), dtype=jnp.float32)

    def lin(k, fan_in, fan_out):
        s = 1.0 / np.sqrt(fan_in)
        kw, kb = jax.random.split(k)
        W = jax.random.uniform(kw, (fan_in, fan_out), minval=-s, maxval=s, dtype=jnp.float32)
        b = jax.random.uniform(kb, (fan_out,), minval=-s, maxval=s, dtype=jnp.float32)
        return W, b

    inp['W_e1'], inp['b_e1'] = lin(ks[4], D_EDGE + 2 * D_NODE + D_U, HID)
    inp['W_e2'], inp['b_e2'] = lin(ks[5], HID, D_OUT)
    inp['W_n1'], inp['b_n1'] = lin(ks[6], D_NODE + D_OUT + D_U, HID)
    inp['W_n2'], inp['b_n2'] = lin(ks[7], HID, D_OUT)
    inp['W_u1'], inp['b_u1'] = lin(ks[8], 2 * D_OUT + D_U, HID)
    inp['W_u2'], inp['b_u2'] = lin(ks[9], HID, D_OUT)
    return inp


def reference(edge_index, edge_feat, node_feat, g_repr, W_e1, b_e1, W_e2, b_e2, W_n1, b_n1, W_n2, b_n2, W_u1, b_u1, W_u2, b_u2):
    # Faithful JAX port of RFMBlock.forward (DGL graph-net block):
    #   1) apply_edges: edge update uses [edge_feat, src node, dst node, broadcast u]
    #   2) update_all(copy_edge, sum): messages are the UPDATED edge feats, summed at dst
    #      node update uses [node_feat, h, broadcast u]
    #   3) global update uses [sum_nodes, sum_edges, u]
    src = edge_index[0]
    dst = edge_index[1]
    n_edges = edge_feat.shape[0]
    n_nodes = node_feat.shape[0]
    u_e = jnp.broadcast_to(g_repr[0], (n_edges, g_repr.shape[1]))
    e_inp = jnp.concatenate([edge_feat, node_feat[src], node_feat[dst], u_e], axis=-1)
    e_out = jax.nn.relu(e_inp @ W_e1 + b_e1) @ W_e2 + b_e2
    h = jax.ops.segment_sum(e_out, dst, num_segments=n_nodes)
    u_n = jnp.broadcast_to(g_repr[0], (n_nodes, g_repr.shape[1]))
    n_inp = jnp.concatenate([node_feat, h, u_n], axis=-1)
    n_out = jax.nn.relu(n_inp @ W_n1 + b_n1) @ W_n2 + b_n2
    e_comb = jnp.sum(e_out, axis=0, keepdims=True)
    n_comb = jnp.sum(n_out, axis=0, keepdims=True)
    u_inp = jnp.concatenate([n_comb, e_comb, g_repr], axis=-1)
    u_out = jax.nn.relu(u_inp @ W_u1 + b_u1) @ W_u2 + b_u2
    return (e_out, n_out, u_out)

if __name__ == "__main__":
    import jax
    _d = setup_inputs()
    print(jax.jit(kernel)(*tuple(_d.values())))

</pallas_src>

<mosaic_0001>
#map = affine_map<(d0, d1) -> (0, 0)>
#map1 = affine_map<(d0, d1) -> (0)>
#map2 = affine_map<(d0, d1) -> (0, 0, 0)>
module attributes {stable_mosaic.version = 14 : i64} {
  func.func @_scatter_body(%arg0: i32, %arg1: i32, %arg2: memref<320000x128xf32, #tpu.memory_space<hbm>>, %arg3: memref<320000xi32, #tpu.memory_space<hbm>>, %arg4: memref<10000x128xf32, #tpu.memory_space<hbm>>, %arg5: memref<2x10000x128xf32, #tpu.memory_space<hbm>>, %arg6: memref<80x128xf32, #tpu.memory_space<vmem>>, %arg7: memref<80x128xf32, #tpu.memory_space<vmem>>, %arg8: memref<80x128xf32, #tpu.memory_space<vmem>>, %arg9: memref<80x128xf32, #tpu.memory_space<vmem>>, %arg10: memref<80xi32, #tpu.memory_space<vmem>>, %arg11: memref<80xi32, #tpu.memory_space<vmem>>, %arg12: memref<80xi32, #tpu.memory_space<vmem>>, %arg13: memref<80xi32, #tpu.memory_space<vmem>>, %arg14: memref<10000x128xf32, #tpu.memory_space<vmem_shared>>, %arg15: memref<!tpu.dma_semaphore, #tpu.memory_space<semaphore_mem>>, %arg16: memref<!tpu.dma_semaphore, #tpu.memory_space<semaphore_mem>>, %arg17: memref<!tpu.dma_semaphore, #tpu.memory_space<semaphore_mem>>, %arg18: memref<!tpu.dma_semaphore, #tpu.memory_space<semaphore_mem>>, %arg19: memref<!tpu.dma_semaphore, #tpu.memory_space<semaphore_mem>>, %arg20: memref<!tpu.dma_semaphore, #tpu.memory_space<semaphore_mem>>, %arg21: memref<!tpu.dma_semaphore, #tpu.memory_space<semaphore_mem>>, %arg22: memref<!tpu.dma_semaphore, #tpu.memory_space<semaphore_mem>>) attributes {dimension_semantics = [#tpu.dimension_semantics<core_parallel>, #tpu.dimension_semantics<subcore_parallel>], iteration_bounds = array<i64: 2, 16>, scalar_prefetch = 0 : i64, scratch_operands = 17 : i64, tpu.core_type = #tpu.core_type<sc_vector_subcore>, window_params = [{transform_indices = #map}, {transform_indices = #map1}, {transform_indices = #map}, {transform_indices = #map2}]} {
    %mul3A = arith.constant 2 : i32
    %mul3A_0 = arith.muli %arg1, %mul3A : i32
    %add3A = arith.addi %mul3A_0, %arg0 : i32
    %mul3A_1 = arith.constant 10000 : i32
    %mul3A_2 = arith.muli %add3A, %mul3A_1 : i32
    %mul3A_3 = arith.constant 624 : i32
    %mul3A_4 = arith.muli %arg1, %mul3A_3 : i32
    %mul3A_5 = arith.constant 624 : i32
    %mul3A_6 = arith.muli %arg1, %mul3A_5 : i32
    "tpu.region"() ({
      %run_scoped3A = tpu.sem_alloc : memref<!tpu.dma_semaphore, #tpu.memory_space<semaphore_mem>>
      %dma_start3A_220 = arith.constant 0 : i32
      %dma_start3A_221 = tpu.memref_slice %arg14[%mul3A_6, %dma_start3A_220] : memref<10000x128xf32, #tpu.memory_space<vmem_shared>> -> memref<624x128xf32, #tpu.memory_space<vmem_shared>>
      %dma_start3A_222 = arith.constant 0 : i32
      %dma_start3A_223 = tpu.memref_slice %arg4[%mul3A_4, %dma_start3A_222] : memref<10000x128xf32, #tpu.memory_space<hbm>> -> memref<624x128xf32, #tpu.memory_space<hbm>>
      tpu.enqueue_dma source(%dma_start3A_223 : memref<624x128xf32, #tpu.memory_space<hbm>>) target(%dma_start3A_221 : memref<624x128xf32, #tpu.memory_space<vmem_shared>>) target_semaphore(%run_scoped3A : memref<!tpu.dma_semaphore, #tpu.memory_space<semaphore_mem>>)
      %dma_wait3A_224 = arith.constant 0 : i32
      %dma_wait3A_225 = tpu.memref_slice %arg14[%mul3A_6, %dma_wait3A_224] : memref<10000x128xf32, #tpu.memory_space<vmem_shared>> -> memref<624x128xf32, #tpu.memory_space<vmem_shared>>
      %dma_wait3A_226 = arith.constant 0 : i32
      %dma_wait3A_227 = tpu.memref_slice %arg4[%mul3A_4, %dma_wait3A_226] : memref<10000x128xf32, #tpu.memory_space<hbm>> -> memref<624x128xf32, #tpu.memory_space<hbm>>
      tpu.wait_dma2 semaphore(%run_scoped3A : memref<!tpu.dma_semaphore, #tpu.memory_space<semaphore_mem>>) src(%dma_wait3A_227 : memref<624x128xf32, #tpu.memory_space<hbm>>) dst(%dma_wait3A_225 : memref<624x128xf32, #tpu.memory_space<vmem_shared>>)
      tpu.yield
    }) : () -> ()
    %eq3A = arith.constant 0 : i32
    %eq3A_7 = arith.cmpi eq, %arg1, %eq3A : i32
    %convert_element_type3A = arith.extui %eq3A_7 : i1 to i32
    %cond3A = arith.constant 0 : i32
    %cond3A_8 = arith.cmpi ne, %convert_element_type3A, %cond3A : i32
    scf.if %cond3A_8 {
      "tpu.region"() ({
        %run_scoped3A = tpu.sem_alloc : memref<!tpu.dma_semaphore, #tpu.memory_space<semaphore_mem>>
        %dma_start3A_220 = arith.constant 9984 : i32
        %dma_start3A_221 = arith.constant 0 : i32
        %dma_start3A_222 = tpu.memref_slice %arg14[%dma_start3A_220, %dma_start3A_221] : memref<10000x128xf32, #tpu.memory_space<vmem_shared>> -> memref<16x128xf32, #tpu.memory_space<vmem_shared>>
        %dma_start3A_223 = arith.constant 9984 : i32
        %dma_start3A_224 = arith.constant 0 : i32
        %dma_start3A_225 = tpu.memref_slice %arg4[%dma_start3A_223, %dma_start3A_224] : memref<10000x128xf32, #tpu.memory_space<hbm>> -> memref<16x128xf32, #tpu.memory_space<hbm>>
        tpu.enqueue_dma source(%dma_start3A_225 : memref<16x128xf32, #tpu.memory_space<hbm>>) target(%dma_start3A_222 : memref<16x128xf32, #tpu.memory_space<vmem_shared>>) target_semaphore(%run_scoped3A : memref<!tpu.dma_semaphore, #tpu.memory_space<semaphore_mem>>)
        %dma_wait3A_226 = arith.constant 9984 : i32
        %dma_wait3A_227 = arith.constant 0 : i32
        %dma_wait3A_228 = tpu.memref_slice %arg14[%dma_wait3A_226, %dma_wait3A_227] : memref<10000x128xf32, #tpu.memory_space<vmem_shared>> -> memref<16x128xf32, #tpu.memory_space<vmem_shared>>
        %dma_wait3A_229 = arith.constant 9984 : i32
        %dma_wait3A_230 = arith.constant 0 : i32
        %dma_wait3A_231 = tpu.memref_slice %arg4[%dma_wait3A_229, %dma_wait3A_230] : memref<10000x128xf32, #tpu.memory_space<hbm>> -> memref<16x128xf32, #tpu.memory_space<hbm>>
        tpu.wait_dma2 semaphore(%run_scoped3A : memref<!tpu.dma_semaphore, #tpu.memory_space<semaphore_mem>>) src(%dma_wait3A_231 : memref<16x128xf32, #tpu.memory_space<hbm>>) dst(%dma_wait3A_228 : memref<16x128xf32, #tpu.memory_space<vmem_shared>>)
        tpu.yield
      }) : () -> ()
    } else {
    }
    %barrier3A = arith.constant 0 : index
    tpu.barrier barrier_id(%barrier3A)
    %add3A_9 = arith.constant 0 : i32
    %add3A_10 = arith.addi %mul3A_2, %add3A_9 : i32
    %dma_start3A = arith.constant 0 : i32
    %dma_start3A_11 = tpu.memref_slice %arg2[%add3A_10, %dma_start3A] : memref<320000x128xf32, #tpu.memory_space<hbm>> -> memref<80x128xf32, #tpu.memory_space<hbm>>
    %dma_start3A_12 = arith.constant 0 : i32
    %dma_start3A_13 = tpu.memref_slice %arg2[%add3A_10, %dma_start3A_12] : memref<320000x128xf32, #tpu.memory_space<hbm>> -> memref<80x128xf32, #tpu.memory_space<hbm>>
    tpu.enqueue_dma source(%dma_start3A_13 : memref<80x128xf32, #tpu.memory_space<hbm>>) target(%arg6 : memref<80x128xf32, #tpu.memory_space<vmem>>) target_semaphore(%arg15 : memref<!tpu.dma_semaphore, #tpu.memory_space<semaphore_mem>>)
    %add3A_14 = arith.constant 0 : i32
    %add3A_15 = arith.addi %mul3A_2, %add3A_14 : i32
    %dma_start3A_16 = tpu.memref_slice %arg3[%add3A_15] : memref<320000xi32, #tpu.memory_space<hbm>> -> memref<80xi32, #tpu.memory_space<hbm>>
    %dma_start3A_17 = tpu.memref_slice %arg3[%add3A_15] : memref<320000xi32, #tpu.memory_space<hbm>> -> memref<80xi32, #tpu.memory_space<hbm>>
    tpu.enqueue_dma source(%dma_start3A_17 : memref<80xi32, #tpu.memory_space<hbm>>) target(%arg10 : memref<80xi32, #tpu.memory_space<vmem>>) target_semaphore(%arg15 : memref<!tpu.dma_semaphore, #tpu.memory_space<semaphore_mem>>)
    %add3A_18 = arith.constant 80 : i32
    %add3A_19 = arith.addi %mul3A_2, %add3A_18 : i32
    %dma_start3A_20 = arith.constant 0 : i32
    %dma_start3A_21 = tpu.memref_slice %arg2[%add3A_19, %dma_start3A_20] : memref<320000x128xf32, #tpu.memory_space<hbm>> -> memref<80x128xf32, #tpu.memory_space<hbm>>
    %dma_start3A_22 = arith.constant 0 : i32
    %dma_start3A_23 = tpu.memref_slice %arg2[%add3A_19, %dma_start3A_22] : memref<320000x128xf32, #tpu.memory_space<hbm>> -> memref<80x128xf32, #tpu.memory_space<hbm>>
    tpu.enqueue_dma source(%dma_start3A_23 : memref<80x128xf32, #tpu.memory_space<hbm>>) target(%arg7 : memref<80x128xf32, #tpu.memory_space<vmem>>) target_semaphore(%arg16 : memref<!tpu.dma_semaphore, #tpu.memory_space<semaphore_mem>>)
    %add3A_24 = arith.constant 80 : i32
    %add3A_25 = arith.addi %mul3A_2, %add3A_24 : i32
    %dma_start3A_26 = tpu.memref_slice %arg3[%add3A_25] : memref<320000xi32, #tpu.memory_space<hbm>> -> memref<80xi32, #tpu.memory_space<hbm>>
    %dma_start3A_27 = tpu.memref_slice %arg3[%add3A_25] : memref<320000xi32, #tpu.memory_space<hbm>> -> memref<80xi32, #tpu.memory_space<hbm>>
    tpu.enqueue_dma source(%dma_start3A_27 : memref<80xi32, #tpu.memory_space<hbm>>) target(%arg11 : memref<80xi32, #tpu.memory_space<vmem>>) target_semaphore(%arg16 : memref<!tpu.dma_semaphore, #tpu.memory_space<semaphore_mem>>)
    %dma_wait3A = arith.constant 0 : i32
    %dma_wait3A_28 = tpu.memref_slice %arg2[%mul3A_2, %dma_wait3A] : memref<320000x128xf32, #tpu.memory_space<hbm>> -> memref<80x128xf32, #tpu.memory_space<hbm>>
    %dma_wait3A_29 = arith.constant 0 : i32
    %dma_wait3A_30 = tpu.memref_slice %arg2[%mul3A_2, %dma_wait3A_29] : memref<320000x128xf32, #tpu.memory_space<hbm>> -> memref<80x128xf32, #tpu.memory_space<hbm>>
    tpu.wait_dma2 semaphore(%arg15 : memref<!tpu.dma_semaphore, #tpu.memory_space<semaphore_mem>>) src(%dma_wait3A_30 : memref<80x128xf32, #tpu.memory_space<hbm>>) dst(%arg6 : memref<80x128xf32, #tpu.memory_space<vmem>>)
    %dma_wait3A_31 = tpu.memref_slice %arg3[%mul3A_2] : memref<320000xi32, #tpu.memory_space<hbm>> -> memref<80xi32, #tpu.memory_space<hbm>>
    %dma_wait3A_32 = tpu.memref_slice %arg3[%mul3A_2] : memref<320000xi32, #tpu.memory_space<hbm>> -> memref<80xi32, #tpu.memory_space<hbm>>
    tpu.wait_dma2 semaphore(%arg15 : memref<!tpu.dma_semaphore, #tpu.memory_space<semaphore_mem>>) src(%dma_wait3A_32 : memref<80xi32, #tpu.memory_space<hbm>>) dst(%arg10 : memref<80xi32, #tpu.memory_space<vmem>>)
    %dma_start3A_33 = arith.constant 0 : i32
    %dma_start3A_34 = arith.constant 0 : i32
    %dma_start3A_35 = tpu.memref_slice %arg14[%dma_start3A_33, %dma_start3A_34] : memref<10000x128xf32, #tpu.memory_space<vmem_shared>> -> memref<10000x128xf32, #tpu.memory_space<vmem_shared>>
    tpu.enqueue_indirect_dma source(%arg6 : memref<80x128xf32, #tpu.memory_space<vmem>>) target(%dma_start3A_35 : memref<10000x128xf32, #tpu.memory_space<vmem_shared>>) offsets(%arg10 : memref<80xi32, #tpu.memory_space<vmem>>) semaphore(%arg19 : memref<!tpu.dma_semaphore, #tpu.memory_space<semaphore_mem>>) {add = true}
    %add3A_36 = arith.constant 160 : i32
    %add3A_37 = arith.addi %mul3A_2, %add3A_36 : i32
    %dma_start3A_38 = arith.constant 0 : i32
    %dma_start3A_39 = tpu.memref_slice %arg2[%add3A_37, %dma_start3A_38] : memref<320000x128xf32, #tpu.memory_space<hbm>> -> memref<80x128xf32, #tpu.memory_space<hbm>>
    %dma_start3A_40 = arith.constant 0 : i32
    %dma_start3A_41 = tpu.memref_slice %arg2[%add3A_37, %dma_start3A_40] : memref<320000x128xf32, #tpu.memory_space<hbm>> -> memref<80x128xf32, #tpu.memory_space<hbm>>
    tpu.enqueue_dma source(%dma_start3A_41 : memref<80x128xf32, #tpu.memory_space<hbm>>) target(%arg8 : memref<80x128xf32, #tpu.memory_space<vmem>>) target_semaphore(%arg17 : memref<!tpu.dma_semaphore, #tpu.memory_space<semaphore_mem>>)
    %add3A_42 = arith.constant 160 : i32
    %add3A_43 = arith.addi %mul3A_2, %add3A_42 : i32
    %dma_start3A_44 = tpu.memref_slice %arg3[%add3A_43] : memref<320000xi32, #tpu.memory_space<hbm>> -> memref<80xi32, #tpu.memory_space<hbm>>
    %dma_start3A_45 = tpu.memref_slice %arg3[%add3A_43] : memref<320000xi32, #tpu.memory_space<hbm>> -> memref<80xi32, #tpu.memory_space<hbm>>
    tpu.enqueue_dma source(%dma_start3A_45 : memref<80xi32, #tpu.memory_space<hbm>>) target(%arg12 : memref<80xi32, #tpu.memory_space<vmem>>) target_semaphore(%arg17 : memref<!tpu.dma_semaphore, #tpu.memory_space<semaphore_mem>>)
    %dma_wait3A_46 = arith.constant 0 : i32
    %dma_wait3A_47 = tpu.memref_slice %arg2[%mul3A_2, %dma_wait3A_46] : memref<320000x128xf32, #tpu.memory_space<hbm>> -> memref<80x128xf32, #tpu.memory_space<hbm>>
    %dma_wait3A_48 = arith.constant 0 : i32
    %dma_wait3A_49 = tpu.memref_slice %arg2[%mul3A_2, %dma_wait3A_48] : memref<320000x128xf32, #tpu.memory_space<hbm>> -> memref<80x128xf32, #tpu.memory_space<hbm>>
    tpu.wait_dma2 semaphore(%arg16 : memref<!tpu.dma_semaphore, #tpu.memory_space<semaphore_mem>>) src(%dma_wait3A_49 : memref<80x128xf32, #tpu.memory_space<hbm>>) dst(%arg7 : memref<80x128xf32, #tpu.memory_space<vmem>>)
    %dma_wait3A_50 = tpu.memref_slice %arg3[%mul3A_2] : memref<320000xi32, #tpu.memory_space<hbm>> -> memref<80xi32, #tpu.memory_space<hbm>>
    %dma_wait3A_51 = tpu.memref_slice %arg3[%mul3A_2] : memref<320000xi32, #tpu.memory_space<hbm>> -> memref<80xi32, #tpu.memory_space<hbm>>
    tpu.wait_dma2 semaphore(%arg16 : memref<!tpu.dma_semaphore, #tpu.memory_space<semaphore_mem>>) src(%dma_wait3A_51 : memref<80xi32, #tpu.memory_space<hbm>>) dst(%arg11 : memref<80xi32, #tpu.memory_space<vmem>>)
    %dma_start3A_52 = arith.constant 0 : i32
    %dma_start3A_53 = arith.constant 0 : i32
    %dma_start3A_54 = tpu.memref_slice %arg14[%dma_start3A_52, %dma_start3A_53] : memref<10000x128xf32, #tpu.memory_space<vmem_shared>> -> memref<10000x128xf32, #tpu.memory_space<vmem_shared>>
    tpu.enqueue_indirect_dma source(%arg7 : memref<80x128xf32, #tpu.memory_space<vmem>>) target(%dma_start3A_54 : memref<10000x128xf32, #tpu.memory_space<vmem_shared>>) offsets(%arg11 : memref<80xi32, #tpu.memory_space<vmem>>) semaphore(%arg20 : memref<!tpu.dma_semaphore, #tpu.memory_space<semaphore_mem>>) {add = true}
    %add3A_55 = arith.constant 240 : i32
    %add3A_56 = arith.addi %mul3A_2, %add3A_55 : i32
    %dma_start3A_57 = arith.constant 0 : i32
    %dma_start3A_58 = tpu.memref_slice %arg2[%add3A_56, %dma_start3A_57] : memref<320000x128xf32, #tpu.memory_space<hbm>> -> memref<80x128xf32, #tpu.memory_space<hbm>>
    %dma_start3A_59 = arith.constant 0 : i32
    %dma_start3A_60 = tpu.memref_slice %arg2[%add3A_56, %dma_start3A_59] : memref<320000x128xf32, #tpu.memory_space<hbm>> -> memref<80x128xf32, #tpu.memory_space<hbm>>
    tpu.enqueue_dma source(%dma_start3A_60 : memref<80x128xf32, #tpu.memory_space<hbm>>) target(%arg9 : memref<80x128xf32, #tpu.memory_space<vmem>>) target_semaphore(%arg18 : memref<!tpu.dma_semaphore, #tpu.memory_space<semaphore_mem>>)
    %add3A_61 = arith.constant 240 : i32
    %add3A_62 = arith.addi %mul3A_2, %add3A_61 : i32
    %dma_start3A_63 = tpu.memref_slice %arg3[%add3A_62] : memref<320000xi32, #tpu.memory_space<hbm>> -> memref<80xi32, #tpu.memory_space<hbm>>
    %dma_start3A_64 = tpu.memref_slice %arg3[%add3A_62] : memref<320000xi32, #tpu.memory_space<hbm>> -> memref<80xi32, #tpu.memory_space<hbm>>
    tpu.enqueue_dma source(%dma_start3A_64 : memref<80xi32, #tpu.memory_space<hbm>>) target(%arg13 : memref<80xi32, #tpu.memory_space<vmem>>) target_semaphore(%arg18 : memref<!tpu.dma_semaphore, #tpu.memory_space<semaphore_mem>>)
    %dma_wait3A_65 = arith.constant 0 : i32
    %dma_wait3A_66 = tpu.memref_slice %arg2[%mul3A_2, %dma_wait3A_65] : memref<320000x128xf32, #tpu.memory_space<hbm>> -> memref<80x128xf32, #tpu.memory_space<hbm>>
    %dma_wait3A_67 = arith.constant 0 : i32
    %dma_wait3A_68 = tpu.memref_slice %arg2[%mul3A_2, %dma_wait3A_67] : memref<320000x128xf32, #tpu.memory_space<hbm>> -> memref<80x128xf32, #tpu.memory_space<hbm>>
    tpu.wait_dma2 semaphore(%arg17 : memref<!tpu.dma_semaphore, #tpu.memory_space<semaphore_mem>>) src(%dma_wait3A_68 : memref<80x128xf32, #tpu.memory_space<hbm>>) dst(%arg8 : memref<80x128xf32, #tpu.memory_space<vmem>>)
    %dma_wait3A_69 = tpu.memref_slice %arg3[%mul3A_2] : memref<320000xi32, #tpu.memory_space<hbm>> -> memref<80xi32, #tpu.memory_space<hbm>>
    %dma_wait3A_70 = tpu.memref_slice %arg3[%mul3A_2] : memref<320000xi32, #tpu.memory_space<hbm>> -> memref<80xi32, #tpu.memory_space<hbm>>
    tpu.wait_dma2 semaphore(%arg17 : memref<!tpu.dma_semaphore, #tpu.memory_space<semaphore_mem>>) src(%dma_wait3A_70 : memref<80xi32, #tpu.memory_space<hbm>>) dst(%arg12 : memref<80xi32, #tpu.memory_space<vmem>>)
    %dma_start3A_71 = arith.constant 0 : i32
    %dma_start3A_72 = arith.constant 0 : i32
    %dma_start3A_73 = tpu.memref_slice %arg14[%dma_start3A_71, %dma_start3A_72] : memref<10000x128xf32, #tpu.memory_space<vmem_shared>> -> memref<10000x128xf32, #tpu.memory_space<vmem_shared>>
    tpu.enqueue_indirect_dma source(%arg8 : memref<80x128xf32, #tpu.memory_space<vmem>>) target(%dma_start3A_73 : memref<10000x128xf32, #tpu.memory_space<vmem_shared>>) offsets(%arg12 : memref<80xi32, #tpu.memory_space<vmem>>) semaphore(%arg21 : memref<!tpu.dma_semaphore, #tpu.memory_space<semaphore_mem>>) {add = true}
    %dma_wait3A_74 = arith.constant 0 : i32
    %dma_wait3A_75 = arith.constant 0 : i32
    %dma_wait3A_76 = tpu.memref_slice %arg14[%dma_wait3A_74, %dma_wait3A_75] : memref<10000x128xf32, #tpu.memory_space<vmem_shared>> -> memref<10000x128xf32, #tpu.memory_space<vmem_shared>>
    tpu.wait_indirect_dma semaphore(%arg19 : memref<!tpu.dma_semaphore, #tpu.memory_space<semaphore_mem>>) src(%arg6 : memref<80x128xf32, #tpu.memory_space<vmem>>) dst(%dma_wait3A_76 : memref<10000x128xf32, #tpu.memory_space<vmem_shared>>)
    %add3A_77 = arith.constant 320 : i32
    %add3A_78 = arith.addi %mul3A_2, %add3A_77 : i32
    %dma_start3A_79 = arith.constant 0 : i32
    %dma_start3A_80 = tpu.memref_slice %arg2[%add3A_78, %dma_start3A_79] : memref<320000x128xf32, #tpu.memory_space<hbm>> -> memref<80x128xf32, #tpu.memory_space<hbm>>
    %dma_start3A_81 = arith.constant 0 : i32
    %dma_start3A_82 = tpu.memref_slice %arg2[%add3A_78, %dma_start3A_81] : memref<320000x128xf32, #tpu.memory_space<hbm>> -> memref<80x128xf32, #tpu.memory_space<hbm>>
    tpu.enqueue_dma source(%dma_start3A_82 : memref<80x128xf32, #tpu.memory_space<hbm>>) target(%arg6 : memref<80x128xf32, #tpu.memory_space<vmem>>) target_semaphore(%arg15 : memref<!tpu.dma_semaphore, #tpu.memory_space<semaphore_mem>>)
    %add3A_83 = arith.constant 320 : i32
    %add3A_84 = arith.addi %mul3A_2, %add3A_83 : i32
    %dma_start3A_85 = tpu.memref_slice %arg3[%add3A_84] : memref<320000xi32, #tpu.memory_space<hbm>> -> memref<80xi32, #tpu.memory_space<hbm>>
    %dma_start3A_86 = tpu.memref_slice %arg3[%add3A_84] : memref<320000xi32, #tpu.memory_space<hbm>> -> memref<80xi32, #tpu.memory_space<hbm>>
    tpu.enqueue_dma source(%dma_start3A_86 : memref<80xi32, #tpu.memory_space<hbm>>) target(%arg10 : memref<80xi32, #tpu.memory_space<vmem>>) target_semaphore(%arg15 : memref<!tpu.dma_semaphore, #tpu.memory_space<semaphore_mem>>)
    %dma_wait3A_87 = arith.constant 0 : i32
    %dma_wait3A_88 = tpu.memref_slice %arg2[%mul3A_2, %dma_wait3A_87] : memref<320000x128xf32, #tpu.memory_space<hbm>> -> memref<80x128xf32, #tpu.memory_space<hbm>>
    %dma_wait3A_89 = arith.constant 0 : i32
    %dma_wait3A_90 = tpu.memref_slice %arg2[%mul3A_2, %dma_wait3A_89] : memref<320000x128xf32, #tpu.memory_space<hbm>> -> memref<80x128xf32, #tpu.memory_space<hbm>>
    tpu.wait_dma2 semaphore(%arg18 : memref<!tpu.dma_semaphore, #tpu.memory_space<semaphore_mem>>) src(%dma_wait3A_90 : memref<80x128xf32, #tpu.memory_space<hbm>>) dst(%arg9 : memref<80x128xf32, #tpu.memory_space<vmem>>)
    %dma_wait3A_91 = tpu.memref_slice %arg3[%mul3A_2] : memref<320000xi32, #tpu.memory_space<hbm>> -> memref<80xi32, #tpu.memory_space<hbm>>
    %dma_wait3A_92 = tpu.memref_slice %arg3[%mul3A_2] : memref<320000xi32, #tpu.memory_space<hbm>> -> memref<80xi32, #tpu.memory_space<hbm>>
    tpu.wait_dma2 semaphore(%arg18 : memref<!tpu.dma_semaphore, #tpu.memory_space<semaphore_mem>>) src(%dma_wait3A_92 : memref<80xi32, #tpu.memory_space<hbm>>) dst(%arg13 : memref<80xi32, #tpu.memory_space<vmem>>)
    %dma_start3A_93 = arith.constant 0 : i32
    %dma_start3A_94 = arith.constant 0 : i32
    %dma_start3A_95 = tpu.memref_slice %arg14[%dma_start3A_93, %dma_start3A_94] : memref<10000x128xf32, #tpu.memory_space<vmem_shared>> -> memref<10000x128xf32, #tpu.memory_space<vmem_shared>>
    tpu.enqueue_indirect_dma source(%arg9 : memref<80x128xf32, #tpu.memory_space<vmem>>) target(%dma_start3A_95 : memref<10000x128xf32, #tpu.memory_space<vmem_shared>>) offsets(%arg13 : memref<80xi32, #tpu.memory_space<vmem>>) semaphore(%arg22 : memref<!tpu.dma_semaphore, #tpu.memory_space<semaphore_mem>>) {add = true}
    %dma_wait3A_96 = arith.constant 0 : i32
    %dma_wait3A_97 = arith.constant 0 : i32
    %dma_wait3A_98 = tpu.memref_slice %arg14[%dma_wait3A_96, %dma_wait3A_97] : memref<10000x128xf32, #tpu.memory_space<vmem_shared>> -> memref<10000x128xf32, #tpu.memory_space<vmem_shared>>
    tpu.wait_indirect_dma semaphore(%arg20 : memref<!tpu.dma_semaphore, #tpu.memory_space<semaphore_mem>>) src(%arg7 : memref<80x128xf32, #tpu.memory_space<vmem>>) dst(%dma_wait3A_98 : memref<10000x128xf32, #tpu.memory_space<vmem_shared>>)
    %add3A_99 = arith.constant 400 : i32
    %add3A_100 = arith.addi %mul3A_2, %add3A_99 : i32
    %dma_start3A_101 = arith.constant 0 : i32
    %dma_start3A_102 = tpu.memref_slice %arg2[%add3A_100, %dma_start3A_101] : memref<320000x128xf32, #tpu.memory_space<hbm>> -> memref<80x128xf32, #tpu.memory_space<hbm>>
    %dma_start3A_103 = arith.constant 0 : i32
    %dma_start3A_104 = tpu.memref_slice %arg2[%add3A_100, %dma_start3A_103] : memref<320000x128xf32, #tpu.memory_space<hbm>> -> memref<80x128xf32, #tpu.memory_space<hbm>>
    tpu.enqueue_dma source(%dma_start3A_104 : memref<80x128xf32, #tpu.memory_space<hbm>>) target(%arg7 : memref<80x128xf32, #tpu.memory_space<vmem>>) target_semaphore(%arg16 : memref<!tpu.dma_semaphore, #tpu.memory_space<semaphore_mem>>)
    %add3A_105 = arith.constant 400 : i32
    %add3A_106 = arith.addi %mul3A_2, %add3A_105 : i32
    %dma_start3A_107 = tpu.memref_slice %arg3[%add3A_106] : memref<320000xi32, #tpu.memory_space<hbm>> -> memref<80xi32, #tpu.memory_space<hbm>>
    %dma_start3A_108 = tpu.memref_slice %arg3[%add3A_106] : memref<320000xi32, #tpu.memory_space<hbm>> -> memref<80xi32, #tpu.memory_space<hbm>>
    tpu.enqueue_dma source(%dma_start3A_108 : memref<80xi32, #tpu.memory_space<hbm>>) target(%arg11 : memref<80xi32, #tpu.memory_space<vmem>>) target_semaphore(%arg16 : memref<!tpu.dma_semaphore, #tpu.memory_space<semaphore_mem>>)
    %scan3A = arith.constant 0 : i32
    %scan3A_109 = arith.constant 1 : i32
    %scan3A_110 = arith.constant 29 : i32
    %scan3A_111 = arith.addi %scan3A_109, %scan3A_110 : i32
    %scan3A_112 = arith.constant 1 : i32
    scf.for %scan3A_220 = %scan3A_109 to %scan3A_111 step %scan3A_112  : i32 {
      %mul3A_221 = arith.constant 4 : i32
      %mul3A_222 = arith.muli %mul3A_221, %scan3A_220 : i32
      %dma_wait3A_223 = arith.constant 0 : i32
      %dma_wait3A_224 = tpu.memref_slice %arg2[%mul3A_2, %dma_wait3A_223] : memref<320000x128xf32, #tpu.memory_space<hbm>> -> memref<80x128xf32, #tpu.memory_space<hbm>>
      %dma_wait3A_225 = arith.constant 0 : i32
      %dma_wait3A_226 = tpu.memref_slice %arg2[%mul3A_2, %dma_wait3A_225] : memref<320000x128xf32, #tpu.memory_space<hbm>> -> memref<80x128xf32, #tpu.memory_space<hbm>>
      tpu.wait_dma2 semaphore(%arg15 : memref<!tpu.dma_semaphore, #tpu.memory_space<semaphore_mem>>) src(%dma_wait3A_226 : memref<80x128xf32, #tpu.memory_space<hbm>>) dst(%arg6 : memref<80x128xf32, #tpu.memory_space<vmem>>)
      %dma_wait3A_227 = tpu.memref_slice %arg3[%mul3A_2] : memref<320000xi32, #tpu.memory_space<hbm>> -> memref<80xi32, #tpu.memory_space<hbm>>
      %dma_wait3A_228 = tpu.memref_slice %arg3[%mul3A_2] : memref<320000xi32, #tpu.memory_space<hbm>> -> memref<80xi32, #tpu.memory_space<hbm>>
      tpu.wait_dma2 semaphore(%arg15 : memref<!tpu.dma_semaphore, #tpu.memory_space<semaphore_mem>>) src(%dma_wait3A_228 : memref<80xi32, #tpu.memory_space<hbm>>) dst(%arg10 : memref<80xi32, #tpu.memory_space<vmem>>)
      %dma_start3A_229 = arith.constant 0 : i32
      %dma_start3A_230 = arith.constant 0 : i32
      %dma_start3A_231 = tpu.memref_slice %arg14[%dma_start3A_229, %dma_start3A_230] : memref<10000x128xf32, #tpu.memory_space<vmem_shared>> -> memref<10000x128xf32, #tpu.memory_space<vmem_shared>>
      tpu.enqueue_indirect_dma source(%arg6 : memref<80x128xf32, #tpu.memory_space<vmem>>) target(%dma_start3A_231 : memref<10000x128xf32, #tpu.memory_space<vmem_shared>>) offsets(%arg10 : memref<80xi32, #tpu.memory_space<vmem>>) semaphore(%arg19 : memref<!tpu.dma_semaphore, #tpu.memory_space<semaphore_mem>>) {add = true}
      %dma_wait3A_232 = arith.constant 0 : i32
      %dma_wait3A_233 = arith.constant 0 : i32
      %dma_wait3A_234 = tpu.memref_slice %arg14[%dma_wait3A_232, %dma_wait3A_233] : memref<10000x128xf32, #tpu.memory_space<vmem_shared>> -> memref<10000x128xf32, #tpu.memory_space<vmem_shared>>
      tpu.wait_indirect_dma semaphore(%arg21 : memref<!tpu.dma_semaphore, #tpu.memory_space<semaphore_mem>>) src(%arg8 : memref<80x128xf32, #tpu.memory_space<vmem>>) dst(%dma_wait3A_234 : memref<10000x128xf32, #tpu.memory_space<vmem_shared>>)
      %add3A_235 = arith.constant 0 : i32
      %add3A_236 = arith.addi %mul3A_222, %add3A_235 : i32
      %add3A_237 = arith.constant 2 : i32
      %add3A_238 = arith.addi %add3A_236, %add3A_237 : i32
      %mul3A_239 = arith.constant 80 : i32
      %mul3A_240 = arith.muli %add3A_238, %mul3A_239 : i32
      %add3A_241 = arith.addi %mul3A_2, %mul3A_240 : i32
      %dma_start3A_242 = arith.constant 0 : i32
      %dma_start3A_243 = tpu.memref_slice %arg2[%add3A_241, %dma_start3A_242] : memref<320000x128xf32, #tpu.memory_space<hbm>> -> memref<80x128xf32, #tpu.memory_space<hbm>>
      %dma_start3A_244 = arith.constant 0 : i32
      %dma_start3A_245 = tpu.memref_slice %arg2[%add3A_241, %dma_start3A_244] : memref<320000x128xf32, #tpu.memory_space<hbm>> -> memref<80x128xf32, #tpu.memory_space<hbm>>
      tpu.enqueue_dma source(%dma_start3A_245 : memref<80x128xf32, #tpu.memory_space<hbm>>) target(%arg8 : memref<80x128xf32, #tpu.memory_space<vmem>>) target_semaphore(%arg17 : memref<!tpu.dma_semaphore, #tpu.memory_space<semaphore_mem>>)
      %mul3A_246 = arith.constant 80 : i32
      %mul3A_247 = arith.muli %add3A_238, %mul3A_246 : i32
      %add3A_248 = arith.addi %mul3A_2, %mul3A_247 : i32
      %dma_start3A_249 = tpu.memref_slice %arg3[%add3A_248] : memref<320000xi32, #tpu.memory_space<hbm>> -> memref<80xi32, #tpu.memory_space<hbm>>
      %dma_start3A_250 = tpu.memref_slice %arg3[%add3A_248] : memref<320000xi32, #tpu.memory_space<hbm>> -> memref<80xi32, #tpu.memory_space<hbm>>
      tpu.enqueue_dma source(%dma_start3A_250 : memref<80xi32, #tpu.memory_space<hbm>>) target(%arg12 : memref<80xi32, #tpu.memory_space<vmem>>) target_semaphore(%arg17 : memref<!tpu.dma_semaphore, #tpu.memory_space<semaphore_mem>>)
      %dma_wait3A_251 = arith.constant 0 : i32
      %dma_wait3A_252 = tpu.memref_slice %arg2[%mul3A_2, %dma_wait3A_251] : memref<320000x128xf32, #tpu.memory_space<hbm>> -> memref<80x128xf32, #tpu.memory_space<hbm>>
      %dma_wait3A_253 = arith.constant 0 : i32
      %dma_wait3A_254 = tpu.memref_slice %arg2[%mul3A_2, %dma_wait3A_253] : memref<320000x128xf32, #tpu.memory_space<hbm>> -> memref<80x128xf32, #tpu.memory_space<hbm>>
      tpu.wait_dma2 semaphore(%arg16 : memref<!tpu.dma_semaphore, #tpu.memory_space<semaphore_mem>>) src(%dma_wait3A_254 : memref<80x128xf32, #tpu.memory_space<hbm>>) dst(%arg7 : memref<80x128xf32, #tpu.memory_space<vmem>>)
      %dma_wait3A_255 = tpu.memref_slice %arg3[%mul3A_2] : memref<320000xi32, #tpu.memory_space<hbm>> -> memref<80xi32, #tpu.memory_space<hbm>>
      %dma_wait3A_256 = tpu.memref_slice %arg3[%mul3A_2] : memref<320000xi32, #tpu.memory_space<hbm>> -> memref<80xi32, #tpu.memory_space<hbm>>
      tpu.wait_dma2 semaphore(%arg16 : memref<!tpu.dma_semaphore, #tpu.memory_space<semaphore_mem>>) src(%dma_wait3A_256 : memref<80xi32, #tpu.memory_space<hbm>>) dst(%arg11 : memref<80xi32, #tpu.memory_space<vmem>>)
      %dma_start3A_257 = arith.constant 0 : i32
      %dma_start3A_258 = arith.constant 0 : i32
      %dma_start3A_259 = tpu.memref_slice %arg14[%dma_start3A_257, %dma_start3A_258] : memref<10000x128xf32, #tpu.memory_space<vmem_shared>> -> memref<10000x128xf32, #tpu.memory_space<vmem_shared>>
      tpu.enqueue_indirect_dma source(%arg7 : memref<80x128xf32, #tpu.memory_space<vmem>>) target(%dma_start3A_259 : memref<10000x128xf32, #tpu.memory_space<vmem_shared>>) offsets(%arg11 : memref<80xi32, #tpu.memory_space<vmem>>) semaphore(%arg20 : memref<!tpu.dma_semaphore, #tpu.memory_space<semaphore_mem>>) {add = true}
      %dma_wait3A_260 = arith.constant 0 : i32
      %dma_wait3A_261 = arith.constant 0 : i32
      %dma_wait3A_262 = tpu.memref_slice %arg14[%dma_wait3A_260, %dma_wait3A_261] : memref<10000x128xf32, #tpu.memory_space<vmem_shared>> -> memref<10000x128xf32, #tpu.memory_space<vmem_shared>>
      tpu.wait_indirect_dma semaphore(%arg22 : memref<!tpu.dma_semaphore, #tpu.memory_space<semaphore_mem>>) src(%arg9 : memref<80x128xf32, #tpu.memory_space<vmem>>) dst(%dma_wait3A_262 : memref<10000x128xf32, #tpu.memory_space<vmem_shared>>)
      %add3A_263 = arith.constant 1 : i32
      %add3A_264 = arith.addi %mul3A_222, %add3A_263 : i32
      %add3A_265 = arith.constant 2 : i32
      %add3A_266 = arith.addi %add3A_264, %add3A_265 : i32
      %mul3A_267 = arith.constant 80 : i32
      %mul3A_268 = arith.muli %add3A_266, %mul3A_267 : i32
      %add3A_269 = arith.addi %mul3A_2, %mul3A_268 : i32
      %dma_start3A_270 = arith.constant 0 : i32
      %dma_start3A_271 = tpu.memref_slice %arg2[%add3A_269, %dma_start3A_270] : memref<320000x128xf32, #tpu.memory_space<hbm>> -> memref<80x128xf32, #tpu.memory_space<hbm>>
      %dma_start3A_272 = arith.constant 0 : i32
      %dma_start3A_273 = tpu.memref_slice %arg2[%add3A_269, %dma_start3A_272] : memref<320000x128xf32, #tpu.memory_space<hbm>> -> memref<80x128xf32, #tpu.memory_space<hbm>>
      tpu.enqueue_dma source(%dma_start3A_273 : memref<80x128xf32, #tpu.memory_space<hbm>>) target(%arg9 : memref<80x128xf32, #tpu.memory_space<vmem>>) target_semaphore(%arg18 : memref<!tpu.dma_semaphore, #tpu.memory_space<semaphore_mem>>)
      %mul3A_274 = arith.constant 80 : i32
      %mul3A_275 = arith.muli %add3A_266, %mul3A_274 : i32
      %add3A_276 = arith.addi %mul3A_2, %mul3A_275 : i32
      %dma_start3A_277 = tpu.memref_slice %arg3[%add3A_276] : memref<320000xi32, #tpu.memory_space<hbm>> -> memref<80xi32, #tpu.memory_space<hbm>>
      %dma_start3A_278 = tpu.memref_slice %arg3[%add3A_276] : memref<320000xi32, #tpu.memory_space<hbm>> -> memref<80xi32, #tpu.memory_space<hbm>>
      tpu.enqueue_dma source(%dma_start3A_278 : memref<80xi32, #tpu.memory_space<hbm>>) target(%arg13 : memref<80xi32, #tpu.memory_space<vmem>>) target_semaphore(%arg18 : memref<!tpu.dma_semaphore, #tpu.memory_space<semaphore_mem>>)
      %dma_wait3A_279 = arith.constant 0 : i32
      %dma_wait3A_280 = tpu.memref_slice %arg2[%mul3A_2, %dma_wait3A_279] : memref<320000x128xf32, #tpu.memory_space<hbm>> -> memref<80x128xf32, #tpu.memory_space<hbm>>
      %dma_wait3A_281 = arith.constant 0 : i32
      %dma_wait3A_282 = tpu.memref_slice %arg2[%mul3A_2, %dma_wait3A_281] : memref<320000x128xf32, #tpu.memory_space<hbm>> -> memref<80x128xf32, #tpu.memory_space<hbm>>
      tpu.wait_dma2 semaphore(%arg17 : memref<!tpu.dma_semaphore, #tpu.memory_space<semaphore_mem>>) src(%dma_wait3A_282 : memref<80x128xf32, #tpu.memory_space<hbm>>) dst(%arg8 : memref<80x128xf32, #tpu.memory_space<vmem>>)
      %dma_wait3A_283 = tpu.memref_slice %arg3[%mul3A_2] : memref<320000xi32, #tpu.memory_space<hbm>> -> memref<80xi32, #tpu.memory_space<hbm>>
      %dma_wait3A_284 = tpu.memref_slice %arg3[%mul3A_2] : memref<320000xi32, #tpu.memory_space<hbm>> -> memref<80xi32, #tpu.memory_space<hbm>>
      tpu.wait_dma2 semaphore(%arg17 : memref<!tpu.dma_semaphore, #tpu.memory_space<semaphore_mem>>) src(%dma_wait3A_284 : memref<80xi32, #tpu.memory_space<hbm>>) dst(%arg12 : memref<80xi32, #tpu.memory_space<vmem>>)
      %dma_start3A_285 = arith.constant 0 : i32
      %dma_start3A_286 = arith.constant 0 : i32
      %dma_start3A_287 = tpu.memref_slice %arg14[%dma_start3A_285, %dma_start3A_286] : memref<10000x128xf32, #tpu.memory_space<vmem_shared>> -> memref<10000x128xf32, #tpu.memory_space<vmem_shared>>
      tpu.enqueue_indirect_dma source(%arg8 : memref<80x128xf32, #tpu.memory_space<vmem>>) target(%dma_start3A_287 : memref<10000x128xf32, #tpu.memory_space<vmem_shared>>) offsets(%arg12 : memref<80xi32, #tpu.memory_space<vmem>>) semaphore(%arg21 : memref<!tpu.dma_semaphore, #tpu.memory_space<semaphore_mem>>) {add = true}
      %dma_wait3A_288 = arith.constant 0 : i32
      %dma_wait3A_289 = arith.constant 0 : i32
      %dma_wait3A_290 = tpu.memref_slice %arg14[%dma_wait3A_288, %dma_wait3A_289] : memref<10000x128xf32, #tpu.memory_space<vmem_shared>> -> memref<10000x128xf32, #tpu.memory_space<vmem_shared>>
      tpu.wait_indirect_dma semaphore(%arg19 : memref<!tpu.dma_semaphore, #tpu.memory_space<semaphore_mem>>) src(%arg6 : memref<80x128xf32, #tpu.memory_space<vmem>>) dst(%dma_wait3A_290 : memref<10000x128xf32, #tpu.memory_space<vmem_shared>>)
      %add3A_291 = arith.constant 2 : i32
      %add3A_292 = arith.addi %mul3A_222, %add3A_291 : i32
      %add3A_293 = arith.constant 2 : i32
      %add3A_294 = arith.addi %add3A_292, %add3A_293 : i32
      %mul3A_295 = arith.constant 80 : i32
      %mul3A_296 = arith.muli %add3A_294, %mul3A_295 : i32
      %add3A_297 = arith.addi %mul3A_2, %mul3A_296 : i32
      %dma_start3A_298 = arith.constant 0 : i32
      %dma_start3A_299 = tpu.memref_slice %arg2[%add3A_297, %dma_start3A_298] : memref<320000x128xf32, #tpu.memory_space<hbm>> -> memref<80x128xf32, #tpu.memory_space<hbm>>
      %dma_start3A_300 = arith.constant 0 : i32
      %dma_start3A_301 = tpu.memref_slice %arg2[%add3A_297, %dma_start3A_300] : memref<320000x128xf32, #tpu.memory_space<hbm>> -> memref<80x128xf32, #tpu.memory_space<hbm>>
      tpu.enqueue_dma source(%dma_start3A_301 : memref<80x128xf32, #tpu.memory_space<hbm>>) target(%arg6 : memref<80x128xf32, #tpu.memory_space<vmem>>) target_semaphore(%arg15 : memref<!tpu.dma_semaphore, #tpu.memory_space<semaphore_mem>>)
      %mul3A_302 = arith.constant 80 : i32
      %mul3A_303 = arith.muli %add3A_294, %mul3A_302 : i32
      %add3A_304 = arith.addi %mul3A_2, %mul3A_303 : i32
      %dma_start3A_305 = tpu.memref_slice %arg3[%add3A_304] : memref<320000xi32, #tpu.memory_space<hbm>> -> memref<80xi32, #tpu.memory_space<hbm>>
      %dma_start3A_306 = tpu.memref_slice %arg3[%add3A_304] : memref<320000xi32, #tpu.memory_space<hbm>> -> memref<80xi32, #tpu.memory_space<hbm>>
      tpu.enqueue_dma source(%dma_start3A_306 : memref<80xi32, #tpu.memory_space<hbm>>) target(%arg10 : memref<80xi32, #tpu.memory_space<vmem>>) target_semaphore(%arg15 : memref<!tpu.dma_semaphore, #tpu.memory_space<semaphore_mem>>)
      %dma_wait3A_307 = arith.constant 0 : i32
      %dma_wait3A_308 = tpu.memref_slice %arg2[%mul3A_2, %dma_wait3A_307] : memref<320000x128xf32, #tpu.memory_space<hbm>> -> memref<80x128xf32, #tpu.memory_space<hbm>>
      %dma_wait3A_309 = arith.constant 0 : i32
      %dma_wait3A_310 = tpu.memref_slice %arg2[%mul3A_2, %dma_wait3A_309] : memref<320000x128xf32, #tpu.memory_space<hbm>> -> memref<80x128xf32, #tpu.memory_space<hbm>>
      tpu.wait_dma2 semaphore(%arg18 : memref<!tpu.dma_semaphore, #tpu.memory_space<semaphore_mem>>) src(%dma_wait3A_310 : memref<80x128xf32, #tpu.memory_space<hbm>>) dst(%arg9 : memref<80x128xf32, #tpu.memory_space<vmem>>)
      %dma_wait3A_311 = tpu.memref_slice %arg3[%mul3A_2] : memref<320000xi32, #tpu.memory_space<hbm>> -> memref<80xi32, #tpu.memory_space<hbm>>
      %dma_wait3A_312 = tpu.memref_slice %arg3[%mul3A_2] : memref<320000xi32, #tpu.memory_space<hbm>> -> memref<80xi32, #tpu.memory_space<hbm>>
      tpu.wait_dma2 semaphore(%arg18 : memref<!tpu.dma_semaphore, #tpu.memory_space<semaphore_mem>>) src(%dma_wait3A_312 : memref<80xi32, #tpu.memory_space<hbm>>) dst(%arg13 : memref<80xi32, #tpu.memory_space<vmem>>)
      %dma_start3A_313 = arith.constant 0 : i32
      %dma_start3A_314 = arith.constant 0 : i32
      %dma_start3A_315 = tpu.memref_slice %arg14[%dma_start3A_313, %dma_start3A_314] : memref<10000x128xf32, #tpu.memory_space<vmem_shared>> -> memref<10000x128xf32, #tpu.memory_space<vmem_shared>>
      tpu.enqueue_indirect_dma source(%arg9 : memref<80x128xf32, #tpu.memory_space<vmem>>) target(%dma_start3A_315 : memref<10000x128xf32, #tpu.memory_space<vmem_shared>>) offsets(%arg13 : memref<80xi32, #tpu.memory_space<vmem>>) semaphore(%arg22 : memref<!tpu.dma_semaphore, #tpu.memory_space<semaphore_mem>>) {add = true}
      %dma_wait3A_316 = arith.constant 0 : i32
      %dma_wait3A_317 = arith.constant 0 : i32
      %dma_wait3A_318 = tpu.memref_slice %arg14[%dma_wait3A_316, %dma_wait3A_317] : memref<10000x128xf32, #tpu.memory_space<vmem_shared>> -> memref<10000x128xf32, #tpu.memory_space<vmem_shared>>
      tpu.wait_indirect_dma semaphore(%arg20 : memref<!tpu.dma_semaphore, #tpu.memory_space<semaphore_mem>>) src(%arg7 : memref<80x128xf32, #tpu.memory_space<vmem>>) dst(%dma_wait3A_318 : memref<10000x128xf32, #tpu.memory_space<vmem_shared>>)
      %add3A_319 = arith.constant 3 : i32
      %add3A_320 = arith.addi %mul3A_222, %add3A_319 : i32
      %add3A_321 = arith.constant 2 : i32
      %add3A_322 = arith.addi %add3A_320, %add3A_321 : i32
      %mul3A_323 = arith.constant 80 : i32
      %mul3A_324 = arith.muli %add3A_322, %mul3A_323 : i32
      %add3A_325 = arith.addi %mul3A_2, %mul3A_324 : i32
      %dma_start3A_326 = arith.constant 0 : i32
      %dma_start3A_327 = tpu.memref_slice %arg2[%add3A_325, %dma_start3A_326] : memref<320000x128xf32, #tpu.memory_space<hbm>> -> memref<80x128xf32, #tpu.memory_space<hbm>>
      %dma_start3A_328 = arith.constant 0 : i32
      %dma_start3A_329 = tpu.memref_slice %arg2[%add3A_325, %dma_start3A_328] : memref<320000x128xf32, #tpu.memory_space<hbm>> -> memref<80x128xf32, #tpu.memory_space<hbm>>
      tpu.enqueue_dma source(%dma_start3A_329 : memref<80x128xf32, #tpu.memory_space<hbm>>) target(%arg7 : memref<80x128xf32, #tpu.memory_space<vmem>>) target_semaphore(%arg16 : memref<!tpu.dma_semaphore, #tpu.memory_space<semaphore_mem>>)
      %mul3A_330 = arith.constant 80 : i32
      %mul3A_331 = arith.muli %add3A_322, %mul3A_330 : i32
      %add3A_332 = arith.addi %mul3A_2, %mul3A_331 : i32
      %dma_start3A_333 = tpu.memref_slice %arg3[%add3A_332] : memref<320000xi32, #tpu.memory_space<hbm>> -> memref<80xi32, #tpu.memory_space<hbm>>
      %dma_start3A_334 = tpu.memref_slice %arg3[%add3A_332] : memref<320000xi32, #tpu.memory_space<hbm>> -> memref<80xi32, #tpu.memory_space<hbm>>
      tpu.enqueue_dma source(%dma_start3A_334 : memref<80xi32, #tpu.memory_space<hbm>>) target(%arg11 : memref<80xi32, #tpu.memory_space<vmem>>) target_semaphore(%arg16 : memref<!tpu.dma_semaphore, #tpu.memory_space<semaphore_mem>>)
    }
    %scan3A_113 = arith.constant 29 : i32
    %dma_wait3A_114 = arith.constant 0 : i32
    %dma_wait3A_115 = tpu.memref_slice %arg2[%mul3A_2, %dma_wait3A_114] : memref<320000x128xf32, #tpu.memory_space<hbm>> -> memref<80x128xf32, #tpu.memory_space<hbm>>
    %dma_wait3A_116 = arith.constant 0 : i32
    %dma_wait3A_117 = tpu.memref_slice %arg2[%mul3A_2, %dma_wait3A_116] : memref<320000x128xf32, #tpu.memory_space<hbm>> -> memref<80x128xf32, #tpu.memory_space<hbm>>
    tpu.wait_dma2 semaphore(%arg15 : memref<!tpu.dma_semaphore, #tpu.memory_space<semaphore_mem>>) src(%dma_wait3A_117 : memref<80x128xf32, #tpu.memory_space<hbm>>) dst(%arg6 : memref<80x128xf32, #tpu.memory_space<vmem>>)
    %dma_wait3A_118 = tpu.memref_slice %arg3[%mul3A_2] : memref<320000xi32, #tpu.memory_space<hbm>> -> memref<80xi32, #tpu.memory_space<hbm>>
    %dma_wait3A_119 = tpu.memref_slice %arg3[%mul3A_2] : memref<320000xi32, #tpu.memory_space<hbm>> -> memref<80xi32, #tpu.memory_space<hbm>>
    tpu.wait_dma2 semaphore(%arg15 : memref<!tpu.dma_semaphore, #tpu.memory_space<semaphore_mem>>) src(%dma_wait3A_119 : memref<80xi32, #tpu.memory_space<hbm>>) dst(%arg10 : memref<80xi32, #tpu.memory_space<vmem>>)
    %dma_start3A_120 = arith.constant 0 : i32
    %dma_start3A_121 = arith.constant 0 : i32
    %dma_start3A_122 = tpu.memref_slice %arg14[%dma_start3A_120, %dma_start3A_121] : memref<10000x128xf32, #tpu.memory_space<vmem_shared>> -> memref<10000x128xf32, #tpu.memory_space<vmem_shared>>
    tpu.enqueue_indirect_dma source(%arg6 : memref<80x128xf32, #tpu.memory_space<vmem>>) target(%dma_start3A_122 : memref<10000x128xf32, #tpu.memory_space<vmem_shared>>) offsets(%arg10 : memref<80xi32, #tpu.memory_space<vmem>>) semaphore(%arg19 : memref<!tpu.dma_semaphore, #tpu.memory_space<semaphore_mem>>) {add = true}
    %dma_wait3A_123 = arith.constant 0 : i32
    %dma_wait3A_124 = arith.constant 0 : i32
    %dma_wait3A_125 = tpu.memref_slice %arg14[%dma_wait3A_123, %dma_wait3A_124] : memref<10000x128xf32, #tpu.memory_space<vmem_shared>> -> memref<10000x128xf32, #tpu.memory_space<vmem_shared>>
    tpu.wait_indirect_dma semaphore(%arg21 : memref<!tpu.dma_semaphore, #tpu.memory_space<semaphore_mem>>) src(%arg8 : memref<80x128xf32, #tpu.memory_space<vmem>>) dst(%dma_wait3A_125 : memref<10000x128xf32, #tpu.memory_space<vmem_shared>>)
    %add3A_126 = arith.constant 9760 : i32
    %add3A_127 = arith.addi %mul3A_2, %add3A_126 : i32
    %dma_start3A_128 = arith.constant 0 : i32
    %dma_start3A_129 = tpu.memref_slice %arg2[%add3A_127, %dma_start3A_128] : memref<320000x128xf32, #tpu.memory_space<hbm>> -> memref<80x128xf32, #tpu.memory_space<hbm>>
    %dma_start3A_130 = arith.constant 0 : i32
    %dma_start3A_131 = tpu.memref_slice %arg2[%add3A_127, %dma_start3A_130] : memref<320000x128xf32, #tpu.memory_space<hbm>> -> memref<80x128xf32, #tpu.memory_space<hbm>>
    tpu.enqueue_dma source(%dma_start3A_131 : memref<80x128xf32, #tpu.memory_space<hbm>>) target(%arg8 : memref<80x128xf32, #tpu.memory_space<vmem>>) target_semaphore(%arg17 : memref<!tpu.dma_semaphore, #tpu.memory_space<semaphore_mem>>)
    %add3A_132 = arith.constant 9760 : i32
    %add3A_133 = arith.addi %mul3A_2, %add3A_132 : i32
    %dma_start3A_134 = tpu.memref_slice %arg3[%add3A_133] : memref<320000xi32, #tpu.memory_space<hbm>> -> memref<80xi32, #tpu.memory_space<hbm>>
    %dma_start3A_135 = tpu.memref_slice %arg3[%add3A_133] : memref<320000xi32, #tpu.memory_space<hbm>> -> memref<80xi32, #tpu.memory_space<hbm>>
    tpu.enqueue_dma source(%dma_start3A_135 : memref<80xi32, #tpu.memory_space<hbm>>) target(%arg12 : memref<80xi32, #tpu.memory_space<vmem>>) target_semaphore(%arg17 : memref<!tpu.dma_semaphore, #tpu.memory_space<semaphore_mem>>)
    %dma_wait3A_136 = arith.constant 0 : i32
    %dma_wait3A_137 = tpu.memref_slice %arg2[%mul3A_2, %dma_wait3A_136] : memref<320000x128xf32, #tpu.memory_space<hbm>> -> memref<80x128xf32, #tpu.memory_space<hbm>>
    %dma_wait3A_138 = arith.constant 0 : i32
    %dma_wait3A_139 = tpu.memref_slice %arg2[%mul3A_2, %dma_wait3A_138] : memref<320000x128xf32, #tpu.memory_space<hbm>> -> memref<80x128xf32, #tpu.memory_space<hbm>>
    tpu.wait_dma2 semaphore(%arg16 : memref<!tpu.dma_semaphore, #tpu.memory_space<semaphore_mem>>) src(%dma_wait3A_139 : memref<80x128xf32, #tpu.memory_space<hbm>>) dst(%arg7 : memref<80x128xf32, #tpu.memory_space<vmem>>)
    %dma_wait3A_140 = tpu.memref_slice %arg3[%mul3A_2] : memref<320000xi32, #tpu.memory_space<hbm>> -> memref<80xi32, #tpu.memory_space<hbm>>
    %dma_wait3A_141 = tpu.memref_slice %arg3[%mul3A_2] : memref<320000xi32, #tpu.memory_space<hbm>> -> memref<80xi32, #tpu.memory_space<hbm>>
    tpu.wait_dma2 semaphore(%arg16 : memref<!tpu.dma_semaphore, #tpu.memory_space<semaphore_mem>>) src(%dma_wait3A_141 : memref<80xi32, #tpu.memory_space<hbm>>) dst(%arg11 : memref<80xi32, #tpu.memory_space<vmem>>)
    %dma_start3A_142 = arith.constant 0 : i32
    %dma_start3A_143 = arith.constant 0 : i32
    %dma_start3A_144 = tpu.memref_slice %arg14[%dma_start3A_142, %dma_start3A_143] : memref<10000x128xf32, #tpu.memory_space<vmem_shared>> -> memref<10000x128xf32, #tpu.memory_space<vmem_shared>>
    tpu.enqueue_indirect_dma source(%arg7 : memref<80x128xf32, #tpu.memory_space<vmem>>) target(%dma_start3A_144 : memref<10000x128xf32, #tpu.memory_space<vmem_shared>>) offsets(%arg11 : memref<80xi32, #tpu.memory_space<vmem>>) semaphore(%arg20 : memref<!tpu.dma_semaphore, #tpu.memory_space<semaphore_mem>>) {add = true}
    %dma_wait3A_145 = arith.constant 0 : i32
    %dma_wait3A_146 = arith.constant 0 : i32
    %dma_wait3A_147 = tpu.memref_slice %arg14[%dma_wait3A_145, %dma_wait3A_146] : memref<10000x128xf32, #tpu.memory_space<vmem_shared>> -> memref<10000x128xf32, #tpu.memory_space<vmem_shared>>
    tpu.wait_indirect_dma semaphore(%arg22 : memref<!tpu.dma_semaphore, #tpu.memory_space<semaphore_mem>>) src(%arg9 : memref<80x128xf32, #tpu.memory_space<vmem>>) dst(%dma_wait3A_147 : memref<10000x128xf32, #tpu.memory_space<vmem_shared>>)
    %add3A_148 = arith.constant 9840 : i32
    %add3A_149 = arith.addi %mul3A_2, %add3A_148 : i32
    %dma_start3A_150 = arith.constant 0 : i32
    %dma_start3A_151 = tpu.memref_slice %arg2[%add3A_149, %dma_start3A_150] : memref<320000x128xf32, #tpu.memory_space<hbm>> -> memref<80x128xf32, #tpu.memory_space<hbm>>
    %dma_start3A_152 = arith.constant 0 : i32
    %dma_start3A_153 = tpu.memref_slice %arg2[%add3A_149, %dma_start3A_152] : memref<320000x128xf32, #tpu.memory_space<hbm>> -> memref<80x128xf32, #tpu.memory_space<hbm>>
    tpu.enqueue_dma source(%dma_start3A_153 : memref<80x128xf32, #tpu.memory_space<hbm>>) target(%arg9 : memref<80x128xf32, #tpu.memory_space<vmem>>) target_semaphore(%arg18 : memref<!tpu.dma_semaphore, #tpu.memory_space<semaphore_mem>>)
    %add3A_154 = arith.constant 9840 : i32
    %add3A_155 = arith.addi %mul3A_2, %add3A_154 : i32
    %dma_start3A_156 = tpu.memref_slice %arg3[%add3A_155] : memref<320000xi32, #tpu.memory_space<hbm>> -> memref<80xi32, #tpu.memory_space<hbm>>
    %dma_start3A_157 = tpu.memref_slice %arg3[%add3A_155] : memref<320000xi32, #tpu.memory_space<hbm>> -> memref<80xi32, #tpu.memory_space<hbm>>
    tpu.enqueue_dma source(%dma_start3A_157 : memref<80xi32, #tpu.memory_space<hbm>>) target(%arg13 : memref<80xi32, #tpu.memory_space<vmem>>) target_semaphore(%arg18 : memref<!tpu.dma_semaphore, #tpu.memory_space<semaphore_mem>>)
    %dma_wait3A_158 = arith.constant 0 : i32
    %dma_wait3A_159 = tpu.memref_slice %arg2[%mul3A_2, %dma_wait3A_158] : memref<320000x128xf32, #tpu.memory_space<hbm>> -> memref<80x128xf32, #tpu.memory_space<hbm>>
    %dma_wait3A_160 = arith.constant 0 : i32
    %dma_wait3A_161 = tpu.memref_slice %arg2[%mul3A_2, %dma_wait3A_160] : memref<320000x128xf32, #tpu.memory_space<hbm>> -> memref<80x128xf32, #tpu.memory_space<hbm>>
    tpu.wait_dma2 semaphore(%arg17 : memref<!tpu.dma_semaphore, #tpu.memory_space<semaphore_mem>>) src(%dma_wait3A_161 : memref<80x128xf32, #tpu.memory_space<hbm>>) dst(%arg8 : memref<80x128xf32, #tpu.memory_space<vmem>>)
    %dma_wait3A_162 = tpu.memref_slice %arg3[%mul3A_2] : memref<320000xi32, #tpu.memory_space<hbm>> -> memref<80xi32, #tpu.memory_space<hbm>>
    %dma_wait3A_163 = tpu.memref_slice %arg3[%mul3A_2] : memref<320000xi32, #tpu.memory_space<hbm>> -> memref<80xi32, #tpu.memory_space<hbm>>
    tpu.wait_dma2 semaphore(%arg17 : memref<!tpu.dma_semaphore, #tpu.memory_space<semaphore_mem>>) src(%dma_wait3A_163 : memref<80xi32, #tpu.memory_space<hbm>>) dst(%arg12 : memref<80xi32, #tpu.memory_space<vmem>>)
    %dma_start3A_164 = arith.constant 0 : i32
    %dma_start3A_165 = arith.constant 0 : i32
    %dma_start3A_166 = tpu.memref_slice %arg14[%dma_start3A_164, %dma_start3A_165] : memref<10000x128xf32, #tpu.memory_space<vmem_shared>> -> memref<10000x128xf32, #tpu.memory_space<vmem_shared>>
    tpu.enqueue_indirect_dma source(%arg8 : memref<80x128xf32, #tpu.memory_space<vmem>>) target(%dma_start3A_166 : memref<10000x128xf32, #tpu.memory_space<vmem_shared>>) offsets(%arg12 : memref<80xi32, #tpu.memory_space<vmem>>) semaphore(%arg21 : memref<!tpu.dma_semaphore, #tpu.memory_space<semaphore_mem>>) {add = true}
    %dma_wait3A_167 = arith.constant 0 : i32
    %dma_wait3A_168 = arith.constant 0 : i32
    %dma_wait3A_169 = tpu.memref_slice %arg14[%dma_wait3A_167, %dma_wait3A_168] : memref<10000x128xf32, #tpu.memory_space<vmem_shared>> -> memref<10000x128xf32, #tpu.memory_space<vmem_shared>>
    tpu.wait_indirect_dma semaphore(%arg19 : memref<!tpu.dma_semaphore, #tpu.memory_space<semaphore_mem>>) src(%arg6 : memref<80x128xf32, #tpu.memory_space<vmem>>) dst(%dma_wait3A_169 : memref<10000x128xf32, #tpu.memory_space<vmem_shared>>)
    %add3A_170 = arith.constant 9920 : i32
    %add3A_171 = arith.addi %mul3A_2, %add3A_170 : i32
    %dma_start3A_172 = arith.constant 0 : i32
    %dma_start3A_173 = tpu.memref_slice %arg2[%add3A_171, %dma_start3A_172] : memref<320000x128xf32, #tpu.memory_space<hbm>> -> memref<80x128xf32, #tpu.memory_space<hbm>>
    %dma_start3A_174 = arith.constant 0 : i32
    %dma_start3A_175 = tpu.memref_slice %arg2[%add3A_171, %dma_start3A_174] : memref<320000x128xf32, #tpu.memory_space<hbm>> -> memref<80x128xf32, #tpu.memory_space<hbm>>
    tpu.enqueue_dma source(%dma_start3A_175 : memref<80x128xf32, #tpu.memory_space<hbm>>) target(%arg6 : memref<80x128xf32, #tpu.memory_space<vmem>>) target_semaphore(%arg15 : memref<!tpu.dma_semaphore, #tpu.memory_space<semaphore_mem>>)
    %add3A_176 = arith.constant 9920 : i32
    %add3A_177 = arith.addi %mul3A_2, %add3A_176 : i32
    %dma_start3A_178 = tpu.memref_slice %arg3[%add3A_177] : memref<320000xi32, #tpu.memory_space<hbm>> -> memref<80xi32, #tpu.memory_space<hbm>>
    %dma_start3A_179 = tpu.memref_slice %arg3[%add3A_177] : memref<320000xi32, #tpu.memory_space<hbm>> -> memref<80xi32, #tpu.memory_space<hbm>>
    tpu.enqueue_dma source(%dma_start3A_179 : memref<80xi32, #tpu.memory_space<hbm>>) target(%arg10 : memref<80xi32, #tpu.memory_space<vmem>>) target_semaphore(%arg15 : memref<!tpu.dma_semaphore, #tpu.memory_space<semaphore_mem>>)
    %dma_wait3A_180 = arith.constant 0 : i32
    %dma_wait3A_181 = tpu.memref_slice %arg2[%mul3A_2, %dma_wait3A_180] : memref<320000x128xf32, #tpu.memory_space<hbm>> -> memref<80x128xf32, #tpu.memory_space<hbm>>
    %dma_wait3A_182 = arith.constant 0 : i32
    %dma_wait3A_183 = tpu.memref_slice %arg2[%mul3A_2, %dma_wait3A_182] : memref<320000x128xf32, #tpu.memory_space<hbm>> -> memref<80x128xf32, #tpu.memory_space<hbm>>
    tpu.wait_dma2 semaphore(%arg18 : memref<!tpu.dma_semaphore, #tpu.memory_space<semaphore_mem>>) src(%dma_wait3A_183 : memref<80x128xf32, #tpu.memory_space<hbm>>) dst(%arg9 : memref<80x128xf32, #tpu.memory_space<vmem>>)
    %dma_wait3A_184 = tpu.memref_slice %arg3[%mul3A_2] : memref<320000xi32, #tpu.memory_space<hbm>> -> memref<80xi32, #tpu.memory_space<hbm>>
    %dma_wait3A_185 = tpu.memref_slice %arg3[%mul3A_2] : memref<320000xi32, #tpu.memory_space<hbm>> -> memref<80xi32, #tpu.memory_space<hbm>>
    tpu.wait_dma2 semaphore(%arg18 : memref<!tpu.dma_semaphore, #tpu.memory_space<semaphore_mem>>) src(%dma_wait3A_185 : memref<80xi32, #tpu.memory_space<hbm>>) dst(%arg13 : memref<80xi32, #tpu.memory_space<vmem>>)
    %dma_start3A_186 = arith.constant 0 : i32
    %dma_start3A_187 = arith.constant 0 : i32
    %dma_start3A_188 = tpu.memref_slice %arg14[%dma_start3A_186, %dma_start3A_187] : memref<10000x128xf32, #tpu.memory_space<vmem_shared>> -> memref<10000x128xf32, #tpu.memory_space<vmem_shared>>
    tpu.enqueue_indirect_dma source(%arg9 : memref<80x128xf32, #tpu.memory_space<vmem>>) target(%dma_start3A_188 : memref<10000x128xf32, #tpu.memory_space<vmem_shared>>) offsets(%arg13 : memref<80xi32, #tpu.memory_space<vmem>>) semaphore(%arg22 : memref<!tpu.dma_semaphore, #tpu.memory_space<semaphore_mem>>) {add = true}
    %dma_wait3A_189 = arith.constant 0 : i32
    %dma_wait3A_190 = tpu.memref_slice %arg2[%mul3A_2, %dma_wait3A_189] : memref<320000x128xf32, #tpu.memory_space<hbm>> -> memref<80x128xf32, #tpu.memory_space<hbm>>
    %dma_wait3A_191 = arith.constant 0 : i32
    %dma_wait3A_192 = tpu.memref_slice %arg2[%mul3A_2, %dma_wait3A_191] : memref<320000x128xf32, #tpu.memory_space<hbm>> -> memref<80x128xf32, #tpu.memory_space<hbm>>
    tpu.wait_dma2 semaphore(%arg15 : memref<!tpu.dma_semaphore, #tpu.memory_space<semaphore_mem>>) src(%dma_wait3A_192 : memref<80x128xf32, #tpu.memory_space<hbm>>) dst(%arg6 : memref<80x128xf32, #tpu.memory_space<vmem>>)
    %dma_wait3A_193 = tpu.memref_slice %arg3[%mul3A_2] : memref<320000xi32, #tpu.memory_space<hbm>> -> memref<80xi32, #tpu.memory_space<hbm>>
    %dma_wait3A_194 = tpu.memref_slice %arg3[%mul3A_2] : memref<320000xi32, #tpu.memory_space<hbm>> -> memref<80xi32, #tpu.memory_space<hbm>>
    tpu.wait_dma2 semaphore(%arg15 : memref<!tpu.dma_semaphore, #tpu.memory_space<semaphore_mem>>) src(%dma_wait3A_194 : memref<80xi32, #tpu.memory_space<hbm>>) dst(%arg10 : memref<80xi32, #tpu.memory_space<vmem>>)
    %dma_start3A_195 = arith.constant 0 : i32
    %dma_start3A_196 = arith.constant 0 : i32
    %dma_start3A_197 = tpu.memref_slice %arg14[%dma_start3A_195, %dma_start3A_196] : memref<10000x128xf32, #tpu.memory_space<vmem_shared>> -> memref<10000x128xf32, #tpu.memory_space<vmem_shared>>
    tpu.enqueue_indirect_dma source(%arg6 : memref<80x128xf32, #tpu.memory_space<vmem>>) target(%dma_start3A_197 : memref<10000x128xf32, #tpu.memory_space<vmem_shared>>) offsets(%arg10 : memref<80xi32, #tpu.memory_space<vmem>>) semaphore(%arg19 : memref<!tpu.dma_semaphore, #tpu.memory_space<semaphore_mem>>) {add = true}
    %dma_wait3A_198 = arith.constant 0 : i32
    %dma_wait3A_199 = arith.constant 0 : i32
    %dma_wait3A_200 = tpu.memref_slice %arg14[%dma_wait3A_198, %dma_wait3A_199] : memref<10000x128xf32, #tpu.memory_space<vmem_shared>> -> memref<10000x128xf32, #tpu.memory_space<vmem_shared>>
    tpu.wait_indirect_dma semaphore(%arg19 : memref<!tpu.dma_semaphore, #tpu.memory_space<semaphore_mem>>) src(%arg6 : memref<80x128xf32, #tpu.memory_space<vmem>>) dst(%dma_wait3A_200 : memref<10000x128xf32, #tpu.memory_space<vmem_shared>>)
    %dma_wait3A_201 = arith.constant 0 : i32
    %dma_wait3A_202 = arith.constant 0 : i32
    %dma_wait3A_203 = tpu.memref_slice %arg14[%dma_wait3A_201, %dma_wait3A_202] : memref<10000x128xf32, #tpu.memory_space<vmem_shared>> -> memref<10000x128xf32, #tpu.memory_space<vmem_shared>>
    tpu.wait_indirect_dma semaphore(%arg20 : memref<!tpu.dma_semaphore, #tpu.memory_space<semaphore_mem>>) src(%arg7 : memref<80x128xf32, #tpu.memory_space<vmem>>) dst(%dma_wait3A_203 : memref<10000x128xf32, #tpu.memory_space<vmem_shared>>)
    %dma_wait3A_204 = arith.constant 0 : i32
    %dma_wait3A_205 = arith.constant 0 : i32
    %dma_wait3A_206 = tpu.memref_slice %arg14[%dma_wait3A_204, %dma_wait3A_205] : memref<10000x128xf32, #tpu.memory_space<vmem_shared>> -> memref<10000x128xf32, #tpu.memory_space<vmem_shared>>
    tpu.wait_indirect_dma semaphore(%arg21 : memref<!tpu.dma_semaphore, #tpu.memory_space<semaphore_mem>>) src(%arg8 : memref<80x128xf32, #tpu.memory_space<vmem>>) dst(%dma_wait3A_206 : memref<10000x128xf32, #tpu.memory_space<vmem_shared>>)
    %dma_wait3A_207 = arith.constant 0 : i32
    %dma_wait3A_208 = arith.constant 0 : i32
    %dma_wait3A_209 = tpu.memref_slice %arg14[%dma_wait3A_207, %dma_wait3A_208] : memref<10000x128xf32, #tpu.memory_space<vmem_shared>> -> memref<10000x128xf32, #tpu.memory_space<vmem_shared>>
    tpu.wait_indirect_dma semaphore(%arg22 : memref<!tpu.dma_semaphore, #tpu.memory_space<semaphore_mem>>) src(%arg9 : memref<80x128xf32, #tpu.memory_space<vmem>>) dst(%dma_wait3A_209 : memref<10000x128xf32, #tpu.memory_space<vmem_shared>>)
    %barrier3A_210 = arith.constant 0 : index
    tpu.barrier barrier_id(%barrier3A_210)
    %mul3A_211 = arith.constant 624 : i32
    %mul3A_212 = arith.muli %arg1, %mul3A_211 : i32
    %mul3A_213 = arith.constant 624 : i32
    %mul3A_214 = arith.muli %arg1, %mul3A_213 : i32
    "tpu.region"() ({
      %run_scoped3A = tpu.sem_alloc : memref<!tpu.dma_semaphore, #tpu.memory_space<semaphore_mem>>
      %dma_start3A_220 = arith.constant 0 : i32
      %dma_start3A_221 = tpu.memref_slice %arg5[%arg0, %mul3A_214, %dma_start3A_220] : memref<2x10000x128xf32, #tpu.memory_space<hbm>> -> memref<1x624x128xf32, #tpu.memory_space<hbm>>
      %dma_start3A_222 = tpu.memref_squeeze %dma_start3A_221 : memref<1x624x128xf32, #tpu.memory_space<hbm>> -> memref<624x128xf32, #tpu.memory_space<hbm>>
      %dma_start3A_223 = arith.constant 0 : i32
      %dma_start3A_224 = tpu.memref_slice %arg14[%mul3A_212, %dma_start3A_223] : memref<10000x128xf32, #tpu.memory_space<vmem_shared>> -> memref<624x128xf32, #tpu.memory_space<vmem_shared>>
      tpu.enqueue_dma source(%dma_start3A_224 : memref<624x128xf32, #tpu.memory_space<vmem_shared>>) target(%dma_start3A_222 : memref<624x128xf32, #tpu.memory_space<hbm>>) target_semaphore(%run_scoped3A : memref<!tpu.dma_semaphore, #tpu.memory_space<semaphore_mem>>)
      %dma_wait3A_225 = arith.constant 0 : i32
      %dma_wait3A_226 = tpu.memref_slice %arg5[%arg0, %mul3A_214, %dma_wait3A_225] : memref<2x10000x128xf32, #tpu.memory_space<hbm>> -> memref<1x624x128xf32, #tpu.memory_space<hbm>>
      %dma_wait3A_227 = tpu.memref_squeeze %dma_wait3A_226 : memref<1x624x128xf32, #tpu.memory_space<hbm>> -> memref<624x128xf32, #tpu.memory_space<hbm>>
      %dma_wait3A_228 = arith.constant 0 : i32
      %dma_wait3A_229 = tpu.memref_slice %arg14[%mul3A_212, %dma_wait3A_228] : memref<10000x128xf32, #tpu.memory_space<vmem_shared>> -> memref<624x128xf32, #tpu.memory_space<vmem_shared>>
      tpu.wait_dma2 semaphore(%run_scoped3A : memref<!tpu.dma_semaphore, #tpu.memory_space<semaphore_mem>>) src(%dma_wait3A_229 : memref<624x128xf32, #tpu.memory_space<vmem_shared>>) dst(%dma_wait3A_227 : memref<624x128xf32, #tpu.memory_space<hbm>>)
      tpu.yield
    }) : () -> ()
    %eq3A_215 = arith.constant 0 : i32
    %eq3A_216 = arith.cmpi eq, %arg1, %eq3A_215 : i32
    %convert_element_type3A_217 = arith.extui %eq3A_216 : i1 to i32
    %cond3A_218 = arith.constant 0 : i32
    %cond3A_219 = arith.cmpi ne, %convert_element_type3A_217, %cond3A_218 : i32
    scf.if %cond3A_219 {
      "tpu.region"() ({
        %run_scoped3A = tpu.sem_alloc : memref<!tpu.dma_semaphore, #tpu.memory_space<semaphore_mem>>
        %dma_start3A_220 = arith.constant 9984 : i32
        %dma_start3A_221 = arith.constant 0 : i32
        %dma_start3A_222 = tpu.memref_slice %arg5[%arg0, %dma_start3A_220, %dma_start3A_221] : memref<2x10000x128xf32, #tpu.memory_space<hbm>> -> memref<1x16x128xf32, #tpu.memory_space<hbm>>
        %dma_start3A_223 = tpu.memref_squeeze %dma_start3A_222 : memref<1x16x128xf32, #tpu.memory_space<hbm>> -> memref<16x128xf32, #tpu.memory_space<hbm>>
        %dma_start3A_224 = arith.constant 9984 : i32
        %dma_start3A_225 = arith.constant 0 : i32
        %dma_start3A_226 = tpu.memref_slice %arg14[%dma_start3A_224, %dma_start3A_225] : memref<10000x128xf32, #tpu.memory_space<vmem_shared>> -> memref<16x128xf32, #tpu.memory_space<vmem_shared>>
        tpu.enqueue_dma source(%dma_start3A_226 : memref<16x128xf32, #tpu.memory_space<vmem_shared>>) target(%dma_start3A_223 : memref<16x128xf32, #tpu.memory_space<hbm>>) target_semaphore(%run_scoped3A : memref<!tpu.dma_semaphore, #tpu.memory_space<semaphore_mem>>)
        %dma_wait3A_227 = arith.constant 9984 : i32
        %dma_wait3A_228 = arith.constant 0 : i32
        %dma_wait3A_229 = tpu.memref_slice %arg5[%arg0, %dma_wait3A_227, %dma_wait3A_228] : memref<2x10000x128xf32, #tpu.memory_space<hbm>> -> memref<1x16x128xf32, #tpu.memory_space<hbm>>
        %dma_wait3A_230 = tpu.memref_squeeze %dma_wait3A_229 : memref<1x16x128xf32, #tpu.memory_space<hbm>> -> memref<16x128xf32, #tpu.memory_space<hbm>>
        %dma_wait3A_231 = arith.constant 9984 : i32
        %dma_wait3A_232 = arith.constant 0 : i32
        %dma_wait3A_233 = tpu.memref_slice %arg14[%dma_wait3A_231, %dma_wait3A_232] : memref<10000x128xf32, #tpu.memory_space<vmem_shared>> -> memref<16x128xf32, #tpu.memory_space<vmem_shared>>
        tpu.wait_dma2 semaphore(%run_scoped3A : memref<!tpu.dma_semaphore, #tpu.memory_space<semaphore_mem>>) src(%dma_wait3A_233 : memref<16x128xf32, #tpu.memory_space<vmem_shared>>) dst(%dma_wait3A_230 : memref<16x128xf32, #tpu.memory_space<hbm>>)
        tpu.yield
      }) : () -> ()
    } else {
    }
    return
  }
}

#map = affine_map<(d0, d1) -> (0, 0)>
#map1 = affine_map<(d0, d1) -> (0)>
module attributes {stable_mosaic.version = 14 : i64} {
  func.func @body(%arg0: i32, %arg1: i32, %arg2: memref<10000x128xf32, #tpu.memory_space<hbm>>, %arg3: memref<10000x128xf32, #tpu.memory_space<hbm>>, %arg4: memref<320000xi32, #tpu.memory_space<hbm>>, %arg5: memref<320000xi32, #tpu.memory_space<hbm>>, %arg6: memref<320000x128xf32, #tpu.memory_space<hbm>>, %arg7: memref<10000xi32, #tpu.memory_space<vmem>>, %arg8: memref<10000xi32, #tpu.memory_space<vmem>>, %arg9: memref<2x80x128xf32, #tpu.memory_space<vmem>>, %arg10: memref<2x80x128xf32, #tpu.memory_space<vmem>>, %arg11: memref<2x80x128xf32, #tpu.memory_space<vmem>>, %arg12: memref<2x80x128xf32, #tpu.memory_space<vmem>>, %arg13: memref<!tpu.dma_semaphore, #tpu.memory_space<semaphore_mem>>, %arg14: memref<!tpu.dma_semaphore, #tpu.memory_space<semaphore_mem>>, %arg15: memref<!tpu.dma_semaphore, #tpu.memory_space<semaphore_mem>>, %arg16: memref<!tpu.dma_semaphore, #tpu.memory_space<semaphore_mem>>, %arg17: memref<!tpu.dma_semaphore, #tpu.memory_space<semaphore_mem>>, %arg18: memref<!tpu.dma_semaphore, #tpu.memory_space<semaphore_mem>>, %arg19: memref<!tpu.dma_semaphore, #tpu.memory_space<semaphore_mem>>, %arg20: memref<!tpu.dma_semaphore, #tpu.memory_space<semaphore_mem>>) attributes {dimension_semantics = [#tpu.dimension_semantics<core_parallel>, #tpu.dimension_semantics<subcore_parallel>], iteration_bounds = array<i64: 2, 16>, scalar_prefetch = 0 : i64, scratch_operands = 14 : i64, tpu.core_type = #tpu.core_type<sc_vector_subcore>, window_params = [{transform_indices = #map}, {transform_indices = #map}, {transform_indices = #map1}, {transform_indices = #map1}, {transform_indices = #map}]} {
    %mul3A = arith.constant 2 : i32
    %mul3A_0 = arith.muli %arg1, %mul3A : i32
    %add3A = arith.addi %mul3A_0, %arg0 : i32
    %mul3A_1 = arith.constant 10000 : i32
    %mul3A_2 = arith.muli %add3A, %mul3A_1 : i32
    "tpu.region"() ({
      %run_scoped3A_446 = tpu.sem_alloc : memref<!tpu.dma_semaphore, #tpu.memory_space<semaphore_mem>>
      %dma_start3A_447 = tpu.memref_slice %arg4[%mul3A_2] : memref<320000xi32, #tpu.memory_space<hbm>> -> memref<10000xi32, #tpu.memory_space<hbm>>
      %dma_start3A_448 = tpu.memref_slice %arg4[%mul3A_2] : memref<320000xi32, #tpu.memory_space<hbm>> -> memref<10000xi32, #tpu.memory_space<hbm>>
      tpu.enqueue_dma source(%dma_start3A_448 : memref<10000xi32, #tpu.memory_space<hbm>>) target(%arg7 : memref<10000xi32, #tpu.memory_space<vmem>>) target_semaphore(%run_scoped3A_446 : memref<!tpu.dma_semaphore, #tpu.memory_space<semaphore_mem>>)
      %dma_wait3A_449 = tpu.memref_slice %arg4[%mul3A_2] : memref<320000xi32, #tpu.memory_space<hbm>> -> memref<10000xi32, #tpu.memory_space<hbm>>
      %dma_wait3A_450 = tpu.memref_slice %arg4[%mul3A_2] : memref<320000xi32, #tpu.memory_space<hbm>> -> memref<10000xi32, #tpu.memory_space<hbm>>
      tpu.wait_dma2 semaphore(%run_scoped3A_446 : memref<!tpu.dma_semaphore, #tpu.memory_space<semaphore_mem>>) src(%dma_wait3A_450 : memref<10000xi32, #tpu.memory_space<hbm>>) dst(%arg7 : memref<10000xi32, #tpu.memory_space<vmem>>)
      tpu.yield
    }) : () -> ()
    "tpu.region"() ({
      %run_scoped3A_446 = tpu.sem_alloc : memref<!tpu.dma_semaphore, #tpu.memory_space<semaphore_mem>>
      %dma_start3A_447 = tpu.memref_slice %arg5[%mul3A_2] : memref<320000xi32, #tpu.memory_space<hbm>> -> memref<10000xi32, #tpu.memory_space<hbm>>
      %dma_start3A_448 = tpu.memref_slice %arg5[%mul3A_2] : memref<320000xi32, #tpu.memory_space<hbm>> -> memref<10000xi32, #tpu.memory_space<hbm>>
      tpu.enqueue_dma source(%dma_start3A_448 : memref<10000xi32, #tpu.memory_space<hbm>>) target(%arg8 : memref<10000xi32, #tpu.memory_space<vmem>>) target_semaphore(%run_scoped3A_446 : memref<!tpu.dma_semaphore, #tpu.memory_space<semaphore_mem>>)
      %dma_wait3A_449 = tpu.memref_slice %arg5[%mul3A_2] : memref<320000xi32, #tpu.memory_space<hbm>> -> memref<10000xi32, #tpu.memory_space<hbm>>
      %dma_wait3A_450 = tpu.memref_slice %arg5[%mul3A_2] : memref<320000xi32, #tpu.memory_space<hbm>> -> memref<10000xi32, #tpu.memory_space<hbm>>
      tpu.wait_dma2 semaphore(%run_scoped3A_446 : memref<!tpu.dma_semaphore, #tpu.memory_space<semaphore_mem>>) src(%dma_wait3A_450 : memref<10000xi32, #tpu.memory_space<hbm>>) dst(%arg8 : memref<10000xi32, #tpu.memory_space<vmem>>)
      tpu.yield
    }) : () -> ()
    %dma_start3A = arith.constant 0 : i32
    %dma_start3A_3 = arith.constant 0 : i32
    %dma_start3A_4 = arith.constant 0 : i32
    %dma_start3A_5 = tpu.memref_slice %arg9[%dma_start3A, %dma_start3A_3, %dma_start3A_4] : memref<2x80x128xf32, #tpu.memory_space<vmem>> -> memref<1x80x128xf32, #tpu.memory_space<vmem>>
    %dma_start3A_6 = tpu.memref_squeeze %dma_start3A_5 : memref<1x80x128xf32, #tpu.memory_space<vmem>> -> memref<80x128xf32, #tpu.memory_space<vmem>>
    %dma_start3A_7 = arith.constant 0 : i32
    %dma_start3A_8 = tpu.memref_slice %arg7[%dma_start3A_7] : memref<10000xi32, #tpu.memory_space<vmem>> -> memref<80xi32, #tpu.memory_space<vmem>>
    %dma_start3A_9 = arith.constant 0 : i32
    %dma_start3A_10 = arith.constant 0 : i32
    %dma_start3A_11 = tpu.memref_slice %arg2[%dma_start3A_9, %dma_start3A_10] : memref<10000x128xf32, #tpu.memory_space<hbm>> -> memref<10000x128xf32, #tpu.memory_space<hbm>>
    tpu.enqueue_indirect_dma source(%dma_start3A_11 : memref<10000x128xf32, #tpu.memory_space<hbm>>) target(%dma_start3A_6 : memref<80x128xf32, #tpu.memory_space<vmem>>) offsets(%dma_start3A_8 : memref<80xi32, #tpu.memory_space<vmem>>) semaphore(%arg13 : memref<!tpu.dma_semaphore, #tpu.memory_space<semaphore_mem>>)
    %dma_start3A_12 = arith.constant 1 : i32
    %dma_start3A_13 = arith.constant 0 : i32
    %dma_start3A_14 = arith.constant 0 : i32
    %dma_start3A_15 = tpu.memref_slice %arg9[%dma_start3A_12, %dma_start3A_13, %dma_start3A_14] : memref<2x80x128xf32, #tpu.memory_space<vmem>> -> memref<1x80x128xf32, #tpu.memory_space<vmem>>
    %dma_start3A_16 = tpu.memref_squeeze %dma_start3A_15 : memref<1x80x128xf32, #tpu.memory_space<vmem>> -> memref<80x128xf32, #tpu.memory_space<vmem>>
    %dma_start3A_17 = arith.constant 0 : i32
    %dma_start3A_18 = tpu.memref_slice %arg8[%dma_start3A_17] : memref<10000xi32, #tpu.memory_space<vmem>> -> memref<80xi32, #tpu.memory_space<vmem>>
    %dma_start3A_19 = arith.constant 0 : i32
    %dma_start3A_20 = arith.constant 0 : i32
    %dma_start3A_21 = tpu.memref_slice %arg3[%dma_start3A_19, %dma_start3A_20] : memref<10000x128xf32, #tpu.memory_space<hbm>> -> memref<10000x128xf32, #tpu.memory_space<hbm>>
    tpu.enqueue_indirect_dma source(%dma_start3A_21 : memref<10000x128xf32, #tpu.memory_space<hbm>>) target(%dma_start3A_16 : memref<80x128xf32, #tpu.memory_space<vmem>>) offsets(%dma_start3A_18 : memref<80xi32, #tpu.memory_space<vmem>>) semaphore(%arg13 : memref<!tpu.dma_semaphore, #tpu.memory_space<semaphore_mem>>)
    %dma_start3A_22 = arith.constant 0 : i32
    %dma_start3A_23 = arith.constant 0 : i32
    %dma_start3A_24 = arith.constant 0 : i32
    %dma_start3A_25 = tpu.memref_slice %arg10[%dma_start3A_22, %dma_start3A_23, %dma_start3A_24] : memref<2x80x128xf32, #tpu.memory_space<vmem>> -> memref<1x80x128xf32, #tpu.memory_space<vmem>>
    %dma_start3A_26 = tpu.memref_squeeze %dma_start3A_25 : memref<1x80x128xf32, #tpu.memory_space<vmem>> -> memref<80x128xf32, #tpu.memory_space<vmem>>
    %dma_start3A_27 = arith.constant 80 : i32
    %dma_start3A_28 = tpu.memref_slice %arg7[%dma_start3A_27] : memref<10000xi32, #tpu.memory_space<vmem>> -> memref<80xi32, #tpu.memory_space<vmem>>
    %dma_start3A_29 = arith.constant 0 : i32
    %dma_start3A_30 = arith.constant 0 : i32
    %dma_start3A_31 = tpu.memref_slice %arg2[%dma_start3A_29, %dma_start3A_30] : memref<10000x128xf32, #tpu.memory_space<hbm>> -> memref<10000x128xf32, #tpu.memory_space<hbm>>
    tpu.enqueue_indirect_dma source(%dma_start3A_31 : memref<10000x128xf32, #tpu.memory_space<hbm>>) target(%dma_start3A_26 : memref<80x128xf32, #tpu.memory_space<vmem>>) offsets(%dma_start3A_28 : memref<80xi32, #tpu.memory_space<vmem>>) semaphore(%arg14 : memref<!tpu.dma_semaphore, #tpu.memory_space<semaphore_mem>>)
    %dma_start3A_32 = arith.constant 1 : i32
    %dma_start3A_33 = arith.constant 0 : i32
    %dma_start3A_34 = arith.constant 0 : i32
    %dma_start3A_35 = tpu.memref_slice %arg10[%dma_start3A_32, %dma_start3A_33, %dma_start3A_34] : memref<2x80x128xf32, #tpu.memory_space<vmem>> -> memref<1x80x128xf32, #tpu.memory_space<vmem>>
    %dma_start3A_36 = tpu.memref_squeeze %dma_start3A_35 : memref<1x80x128xf32, #tpu.memory_space<vmem>> -> memref<80x128xf32, #tpu.memory_space<vmem>>
    %dma_start3A_37 = arith.constant 80 : i32
    %dma_start3A_38 = tpu.memref_slice %arg8[%dma_start3A_37] : memref<10000xi32, #tpu.memory_space<vmem>> -> memref<80xi32, #tpu.memory_space<vmem>>
    %dma_start3A_39 = arith.constant 0 : i32
    %dma_start3A_40 = arith.constant 0 : i32
    %dma_start3A_41 = tpu.memref_slice %arg3[%dma_start3A_39, %dma_start3A_40] : memref<10000x128xf32, #tpu.memory_space<hbm>> -> memref<10000x128xf32, #tpu.memory_space<hbm>>
    tpu.enqueue_indirect_dma source(%dma_start3A_41 : memref<10000x128xf32, #tpu.memory_space<hbm>>) target(%dma_start3A_36 : memref<80x128xf32, #tpu.memory_space<vmem>>) offsets(%dma_start3A_38 : memref<80xi32, #tpu.memory_space<vmem>>) semaphore(%arg14 : memref<!tpu.dma_semaphore, #tpu.memory_space<semaphore_mem>>)
    %dma_wait3A = arith.constant 0 : i32
    %dma_wait3A_42 = arith.constant 0 : i32
    %dma_wait3A_43 = arith.constant 0 : i32
    %dma_wait3A_44 = tpu.memref_slice %arg9[%dma_wait3A, %dma_wait3A_42, %dma_wait3A_43] : memref<2x80x128xf32, #tpu.memory_space<vmem>> -> memref<1x80x128xf32, #tpu.memory_space<vmem>>
    %dma_wait3A_45 = tpu.memref_squeeze %dma_wait3A_44 : memref<1x80x128xf32, #tpu.memory_space<vmem>> -> memref<80x128xf32, #tpu.memory_space<vmem>>
    %dma_wait3A_46 = arith.constant 0 : i32
    %dma_wait3A_47 = tpu.memref_slice %arg7[%dma_wait3A_46] : memref<10000xi32, #tpu.memory_space<vmem>> -> memref<80xi32, #tpu.memory_space<vmem>>
    %dma_wait3A_48 = arith.constant 0 : i32
    %dma_wait3A_49 = arith.constant 0 : i32
    %dma_wait3A_50 = tpu.memref_slice %arg2[%dma_wait3A_48, %dma_wait3A_49] : memref<10000x128xf32, #tpu.memory_space<hbm>> -> memref<10000x128xf32, #tpu.memory_space<hbm>>
    tpu.wait_indirect_dma semaphore(%arg13 : memref<!tpu.dma_semaphore, #tpu.memory_space<semaphore_mem>>) src(%dma_wait3A_50 : memref<10000x128xf32, #tpu.memory_space<hbm>>) dst(%dma_wait3A_45 : memref<80x128xf32, #tpu.memory_space<vmem>>)
    %dma_wait3A_51 = arith.constant 1 : i32
    %dma_wait3A_52 = arith.constant 0 : i32
    %dma_wait3A_53 = arith.constant 0 : i32
    %dma_wait3A_54 = tpu.memref_slice %arg9[%dma_wait3A_51, %dma_wait3A_52, %dma_wait3A_53] : memref<2x80x128xf32, #tpu.memory_space<vmem>> -> memref<1x80x128xf32, #tpu.memory_space<vmem>>
    %dma_wait3A_55 = tpu.memref_squeeze %dma_wait3A_54 : memref<1x80x128xf32, #tpu.memory_space<vmem>> -> memref<80x128xf32, #tpu.memory_space<vmem>>
    %dma_wait3A_56 = arith.constant 0 : i32
    %dma_wait3A_57 = tpu.memref_slice %arg8[%dma_wait3A_56] : memref<10000xi32, #tpu.memory_space<vmem>> -> memref<80xi32, #tpu.memory_space<vmem>>
    %dma_wait3A_58 = arith.constant 0 : i32
    %dma_wait3A_59 = arith.constant 0 : i32
    %dma_wait3A_60 = tpu.memref_slice %arg3[%dma_wait3A_58, %dma_wait3A_59] : memref<10000x128xf32, #tpu.memory_space<hbm>> -> memref<10000x128xf32, #tpu.memory_space<hbm>>
    tpu.wait_indirect_dma semaphore(%arg13 : memref<!tpu.dma_semaphore, #tpu.memory_space<semaphore_mem>>) src(%dma_wait3A_60 : memref<10000x128xf32, #tpu.memory_space<hbm>>) dst(%dma_wait3A_55 : memref<80x128xf32, #tpu.memory_space<vmem>>)
    %scan3A = arith.constant 0 : i32
    %scan3A_61 = arith.constant 0 : i32
    %scan3A_62 = arith.constant 80 : i32
    %scan3A_63 = arith.addi %scan3A_61, %scan3A_62 : i32
    %scan3A_64 = arith.constant 1 : i32
    scf.for %scan3A_446 = %scan3A_61 to %scan3A_63 step %scan3A_64  : i32 {
      %get3A = arith.constant 0 : i32
      %get3A_447 = arith.index_cast %get3A : i32 to index
      %get3A_448 = arith.index_cast %scan3A_446 : i32 to index
      %get3A_449 = arith.constant 0 : index
      %get3A_450 = tpu.vector_load %arg9[%get3A_447, %get3A_448, %get3A_449] {strides = array<i32>} : memref<2x80x128xf32, #tpu.memory_space<vmem>>, vector<1x1x16xf32>,
      %get3A_451 = vector.shape_cast %get3A_450 : vector<1x1x16xf32> to vector<16xf32>
      %get3A_452 = arith.constant 1 : i32
      %get3A_453 = arith.index_cast %get3A_452 : i32 to index
      %get3A_454 = arith.index_cast %scan3A_446 : i32 to index
      %get3A_455 = arith.constant 0 : index
      %get3A_456 = tpu.vector_load %arg9[%get3A_453, %get3A_454, %get3A_455] {strides = array<i32>} : memref<2x80x128xf32, #tpu.memory_space<vmem>>, vector<1x1x16xf32>,
      %get3A_457 = vector.shape_cast %get3A_456 : vector<1x1x16xf32> to vector<16xf32>
      %add3A_458 = arith.addf %get3A_451, %get3A_457 : vector<16xf32>
      %swap3A = arith.constant 0 : i32
      %swap3A_459 = arith.index_cast %swap3A : i32 to index
      %swap3A_460 = arith.index_cast %scan3A_446 : i32 to index
      %swap3A_461 = arith.constant 0 : index
      %swap3A_462 = tpu.vector_load %arg9[%swap3A_459, %swap3A_460, %swap3A_461] {strides = array<i32>} : memref<2x80x128xf32, #tpu.memory_space<vmem>>, vector<1x1x16xf32>,
      %swap3A_463 = vector.shape_cast %swap3A_462 : vector<1x1x16xf32> to vector<16xf32>
      %swap3A_464 = vector.shape_cast %add3A_458 : vector<16xf32> to vector<1x1x16xf32>
      tpu.vector_store %arg9[%swap3A_459, %swap3A_460, %swap3A_461], %swap3A_464 {strides = array<i32>} : memref<2x80x128xf32, #tpu.memory_space<vmem>>, vector<1x1x16xf32>,
      %get3A_465 = arith.constant 0 : i32
      %get3A_466 = arith.index_cast %get3A_465 : i32 to index
      %get3A_467 = arith.index_cast %scan3A_446 : i32 to index
      %get3A_468 = arith.constant 16 : index
      %get3A_469 = tpu.vector_load %arg9[%get3A_466, %get3A_467, %get3A_468] {strides = array<i32>} : memref<2x80x128xf32, #tpu.memory_space<vmem>>, vector<1x1x16xf32>,
      %get3A_470 = vector.shape_cast %get3A_469 : vector<1x1x16xf32> to vector<16xf32>
      %get3A_471 = arith.constant 1 : i32
      %get3A_472 = arith.index_cast %get3A_471 : i32 to index
      %get3A_473 = arith.index_cast %scan3A_446 : i32 to index
      %get3A_474 = arith.constant 16 : index
      %get3A_475 = tpu.vector_load %arg9[%get3A_472, %get3A_473, %get3A_474] {strides = array<i32>} : memref<2x80x128xf32, #tpu.memory_space<vmem>>, vector<1x1x16xf32>,
      %get3A_476 = vector.shape_cast %get3A_475 : vector<1x1x16xf32> to vector<16xf32>
      %add3A_477 = arith.addf %get3A_470, %get3A_476 : vector<16xf32>
      %swap3A_478 = arith.constant 0 : i32
      %swap3A_479 = arith.index_cast %swap3A_478 : i32 to index
      %swap3A_480 = arith.index_cast %scan3A_446 : i32 to index
      %swap3A_481 = arith.constant 16 : index
      %swap3A_482 = tpu.vector_load %arg9[%swap3A_479, %swap3A_480, %swap3A_481] {strides = array<i32>} : memref<2x80x128xf32, #tpu.memory_space<vmem>>, vector<1x1x16xf32>,
      %swap3A_483 = vector.shape_cast %swap3A_482 : vector<1x1x16xf32> to vector<16xf32>
      %swap3A_484 = vector.shape_cast %add3A_477 : vector<16xf32> to vector<1x1x16xf32>
      tpu.vector_store %arg9[%swap3A_479, %swap3A_480, %swap3A_481], %swap3A_484 {strides = array<i32>} : memref<2x80x128xf32, #tpu.memory_space<vmem>>, vector<1x1x16xf32>,
      %get3A_485 = arith.constant 0 : i32
      %get3A_486 = arith.index_cast %get3A_485 : i32 to index
      %get3A_487 = arith.index_cast %scan3A_446 : i32 to index
      %get3A_488 = arith.constant 32 : index
      %get3A_489 = tpu.vector_load %arg9[%get3A_486, %get3A_487, %get3A_488] {strides = array<i32>} : memref<2x80x128xf32, #tpu.memory_space<vmem>>, vector<1x1x16xf32>,
      %get3A_490 = vector.shape_cast %get3A_489 : vector<1x1x16xf32> to vector<16xf32>
      %get3A_491 = arith.constant 1 : i32
      %get3A_492 = arith.index_cast %get3A_491 : i32 to index
      %get3A_493 = arith.index_cast %scan3A_446 : i32 to index
      %get3A_494 = arith.constant 32 : index
      %get3A_495 = tpu.vector_load %arg9[%get3A_492, %get3A_493, %get3A_494] {strides = array<i32>} : memref<2x80x128xf32, #tpu.memory_space<vmem>>, vector<1x1x16xf32>,
      %get3A_496 = vector.shape_cast %get3A_495 : vector<1x1x16xf32> to vector<16xf32>
      %add3A_497 = arith.addf %get3A_490, %get3A_496 : vector<16xf32>
      %swap3A_498 = arith.constant 0 : i32
      %swap3A_499 = arith.index_cast %swap3A_498 : i32 to index
      %swap3A_500 = arith.index_cast %scan3A_446 : i32 to index
      %swap3A_501 = arith.constant 32 : index
      %swap3A_502 = tpu.vector_load %arg9[%swap3A_499, %swap3A_500, %swap3A_501] {strides = array<i32>} : memref<2x80x128xf32, #tpu.memory_space<vmem>>, vector<1x1x16xf32>,
      %swap3A_503 = vector.shape_cast %swap3A_502 : vector<1x1x16xf32> to vector<16xf32>
      %swap3A_504 = vector.shape_cast %add3A_497 : vector<16xf32> to vector<1x1x16xf32>
      tpu.vector_store %arg9[%swap3A_499, %swap3A_500, %swap3A_501], %swap3A_504 {strides = array<i32>} : memref<2x80x128xf32, #tpu.memory_space<vmem>>, vector<1x1x16xf32>,
      %get3A_505 = arith.constant 0 : i32
      %get3A_506 = arith.index_cast %get3A_505 : i32 to index
      %get3A_507 = arith.index_cast %scan3A_446 : i32 to index
      %get3A_508 = arith.constant 48 : index
      %get3A_509 = tpu.vector_load %arg9[%get3A_506, %get3A_507, %get3A_508] {strides = array<i32>} : memref<2x80x128xf32, #tpu.memory_space<vmem>>, vector<1x1x16xf32>,
      %get3A_510 = vector.shape_cast %get3A_509 : vector<1x1x16xf32> to vector<16xf32>
      %get3A_511 = arith.constant 1 : i32
      %get3A_512 = arith.index_cast %get3A_511 : i32 to index
      %get3A_513 = arith.index_cast %scan3A_446 : i32 to index
      %get3A_514 = arith.constant 48 : index
      %get3A_515 = tpu.vector_load %arg9[%get3A_512, %get3A_513, %get3A_514] {strides = array<i32>} : memref<2x80x128xf32, #tpu.memory_space<vmem>>, vector<1x1x16xf32>,
      %get3A_516 = vector.shape_cast %get3A_515 : vector<1x1x16xf32> to vector<16xf32>
      %add3A_517 = arith.addf %get3A_510, %get3A_516 : vector<16xf32>
      %swap3A_518 = arith.constant 0 : i32
      %swap3A_519 = arith.index_cast %swap3A_518 : i32 to index
      %swap3A_520 = arith.index_cast %scan3A_446 : i32 to index
      %swap3A_521 = arith.constant 48 : index
      %swap3A_522 = tpu.vector_load %arg9[%swap3A_519, %swap3A_520, %swap3A_521] {strides = array<i32>} : memref<2x80x128xf32, #tpu.memory_space<vmem>>, vector<1x1x16xf32>,
      %swap3A_523 = vector.shape_cast %swap3A_522 : vector<1x1x16xf32> to vector<16xf32>
      %swap3A_524 = vector.shape_cast %add3A_517 : vector<16xf32> to vector<1x1x16xf32>
      tpu.vector_store %arg9[%swap3A_519, %swap3A_520, %swap3A_521], %swap3A_524 {strides = array<i32>} : memref<2x80x128xf32, #tpu.memory_space<vmem>>, vector<1x1x16xf32>,
      %get3A_525 = arith.constant 0 : i32
      %get3A_526 = arith.index_cast %get3A_525 : i32 to index
      %get3A_527 = arith.index_cast %scan3A_446 : i32 to index
      %get3A_528 = arith.constant 64 : index
      %get3A_529 = tpu.vector_load %arg9[%get3A_526, %get3A_527, %get3A_528] {strides = array<i32>} : memref<2x80x128xf32, #tpu.memory_space<vmem>>, vector<1x1x16xf32>,
      %get3A_530 = vector.shape_cast %get3A_529 : vector<1x1x16xf32> to vector<16xf32>
      %get3A_531 = arith.constant 1 : i32
      %get3A_532 = arith.index_cast %get3A_531 : i32 to index
      %get3A_533 = arith.index_cast %scan3A_446 : i32 to index
      %get3A_534 = arith.constant 64 : index
      %get3A_535 = tpu.vector_load %arg9[%get3A_532, %get3A_533, %get3A_534] {strides = array<i32>} : memref<2x80x128xf32, #tpu.memory_space<vmem>>, vector<1x1x16xf32>,
      %get3A_536 = vector.shape_cast %get3A_535 : vector<1x1x16xf32> to vector<16xf32>
      %add3A_537 = arith.addf %get3A_530, %get3A_536 : vector<16xf32>
      %swap3A_538 = arith.constant 0 : i32
      %swap3A_539 = arith.index_cast %swap3A_538 : i32 to index
      %swap3A_540 = arith.index_cast %scan3A_446 : i32 to index
      %swap3A_541 = arith.constant 64 : index
      %swap3A_542 = tpu.vector_load %arg9[%swap3A_539, %swap3A_540, %swap3A_541] {strides = array<i32>} : memref<2x80x128xf32, #tpu.memory_space<vmem>>, vector<1x1x16xf32>,
      %swap3A_543 = vector.shape_cast %swap3A_542 : vector<1x1x16xf32> to vector<16xf32>
      %swap3A_544 = vector.shape_cast %add3A_537 : vector<16xf32> to vector<1x1x16xf32>
      tpu.vector_store %arg9[%swap3A_539, %swap3A_540, %swap3A_541], %swap3A_544 {strides = array<i32>} : memref<2x80x128xf32, #tpu.memory_space<vmem>>, vector<1x1x16xf32>,
      %get3A_545 = arith.constant 0 : i32
      %get3A_546 = arith.index_cast %get3A_545 : i32 to index
      %get3A_547 = arith.index_cast %scan3A_446 : i32 to index
      %get3A_548 = arith.constant 80 : index
      %get3A_549 = tpu.vector_load %arg9[%get3A_546, %get3A_547, %get3A_548] {strides = array<i32>} : memref<2x80x128xf32, #tpu.memory_space<vmem>>, vector<1x1x16xf32>,
      %get3A_550 = vector.shape_cast %get3A_549 : vector<1x1x16xf32> to vector<16xf32>
      %get3A_551 = arith.constant 1 : i32
      %get3A_552 = arith.index_cast %get3A_551 : i32 to index
      %get3A_553 = arith.index_cast %scan3A_446 : i32 to index
      %get3A_554 = arith.constant 80 : index
      %get3A_555 = tpu.vector_load %arg9[%get3A_552, %get3A_553, %get3A_554] {strides = array<i32>} : memref<2x80x128xf32, #tpu.memory_space<vmem>>, vector<1x1x16xf32>,
      %get3A_556 = vector.shape_cast %get3A_555 : vector<1x1x16xf32> to vector<16xf32>
      %add3A_557 = arith.addf %get3A_550, %get3A_556 : vector<16xf32>
      %swap3A_558 = arith.constant 0 : i32
      %swap3A_559 = arith.index_cast %swap3A_558 : i32 to index
      %swap3A_560 = arith.index_cast %scan3A_446 : i32 to index
      %swap3A_561 = arith.constant 80 : index
      %swap3A_562 = tpu.vector_load %arg9[%swap3A_559, %swap3A_560, %swap3A_561] {strides = array<i32>} : memref<2x80x128xf32, #tpu.memory_space<vmem>>, vector<1x1x16xf32>,
      %swap3A_563 = vector.shape_cast %swap3A_562 : vector<1x1x16xf32> to vector<16xf32>
      %swap3A_564 = vector.shape_cast %add3A_557 : vector<16xf32> to vector<1x1x16xf32>
      tpu.vector_store %arg9[%swap3A_559, %swap3A_560, %swap3A_561], %swap3A_564 {strides = array<i32>} : memref<2x80x128xf32, #tpu.memory_space<vmem>>, vector<1x1x16xf32>,
      %get3A_565 = arith.constant 0 : i32
      %get3A_566 = arith.index_cast %get3A_565 : i32 to index
      %get3A_567 = arith.index_cast %scan3A_446 : i32 to index
      %get3A_568 = arith.constant 96 : index
      %get3A_569 = tpu.vector_load %arg9[%get3A_566, %get3A_567, %get3A_568] {strides = array<i32>} : memref<2x80x128xf32, #tpu.memory_space<vmem>>, vector<1x1x16xf32>,
      %get3A_570 = vector.shape_cast %get3A_569 : vector<1x1x16xf32> to vector<16xf32>
      %get3A_571 = arith.constant 1 : i32
      %get3A_572 = arith.index_cast %get3A_571 : i32 to index
      %get3A_573 = arith.index_cast %scan3A_446 : i32 to index
      %get3A_574 = arith.constant 96 : index
      %get3A_575 = tpu.vector_load %arg9[%get3A_572, %get3A_573, %get3A_574] {strides = array<i32>} : memref<2x80x128xf32, #tpu.memory_space<vmem>>, vector<1x1x16xf32>,
      %get3A_576 = vector.shape_cast %get3A_575 : vector<1x1x16xf32> to vector<16xf32>
      %add3A_577 = arith.addf %get3A_570, %get3A_576 : vector<16xf32>
      %swap3A_578 = arith.constant 0 : i32
      %swap3A_579 = arith.index_cast %swap3A_578 : i32 to index
      %swap3A_580 = arith.index_cast %scan3A_446 : i32 to index
      %swap3A_581 = arith.constant 96 : index
      %swap3A_582 = tpu.vector_load %arg9[%swap3A_579, %swap3A_580, %swap3A_581] {strides = array<i32>} : memref<2x80x128xf32, #tpu.memory_space<vmem>>, vector<1x1x16xf32>,
      %swap3A_583 = vector.shape_cast %swap3A_582 : vector<1x1x16xf32> to vector<16xf32>
      %swap3A_584 = vector.shape_cast %add3A_577 : vector<16xf32> to vector<1x1x16xf32>
      tpu.vector_store %arg9[%swap3A_579, %swap3A_580, %swap3A_581], %swap3A_584 {strides = array<i32>} : memref<2x80x128xf32, #tpu.memory_space<vmem>>, vector<1x1x16xf32>,
      %get3A_585 = arith.constant 0 : i32
      %get3A_586 = arith.index_cast %get3A_585 : i32 to index
      %get3A_587 = arith.index_cast %scan3A_446 : i32 to index
      %get3A_588 = arith.constant 112 : index
      %get3A_589 = tpu.vector_load %arg9[%get3A_586, %get3A_587, %get3A_588] {strides = array<i32>} : memref<2x80x128xf32, #tpu.memory_space<vmem>>, vector<1x1x16xf32>,
      %get3A_590 = vector.shape_cast %get3A_589 : vector<1x1x16xf32> to vector<16xf32>
      %get3A_591 = arith.constant 1 : i32
      %get3A_592 = arith.index_cast %get3A_591 : i32 to index
      %get3A_593 = arith.index_cast %scan3A_446 : i32 to index
      %get3A_594 = arith.constant 112 : index
      %get3A_595 = tpu.vector_load %arg9[%get3A_592, %get3A_593, %get3A_594] {strides = array<i32>} : memref<2x80x128xf32, #tpu.memory_space<vmem>>, vector<1x1x16xf32>,
      %get3A_596 = vector.shape_cast %get3A_595 : vector<1x1x16xf32> to vector<16xf32>
      %add3A_597 = arith.addf %get3A_590, %get3A_596 : vector<16xf32>
      %swap3A_598 = arith.constant 0 : i32
      %swap3A_599 = arith.index_cast %swap3A_598 : i32 to index
      %swap3A_600 = arith.index_cast %scan3A_446 : i32 to index
      %swap3A_601 = arith.constant 112 : index
      %swap3A_602 = tpu.vector_load %arg9[%swap3A_599, %swap3A_600, %swap3A_601] {strides = array<i32>} : memref<2x80x128xf32, #tpu.memory_space<vmem>>, vector<1x1x16xf32>,
      %swap3A_603 = vector.shape_cast %swap3A_602 : vector<1x1x16xf32> to vector<16xf32>
      %swap3A_604 = vector.shape_cast %add3A_597 : vector<16xf32> to vector<1x1x16xf32>
      tpu.vector_store %arg9[%swap3A_599, %swap3A_600, %swap3A_601], %swap3A_604 {strides = array<i32>} : memref<2x80x128xf32, #tpu.memory_space<vmem>>, vector<1x1x16xf32>,
    }
    %scan3A_65 = arith.constant 80 : i32
    %add3A_66 = arith.constant 0 : i32
    %add3A_67 = arith.addi %mul3A_2, %add3A_66 : i32
    %run_scoped3A = arith.constant 0 : i32
    "tpu.region"() ({
      %run_scoped3A_446 = tpu.sem_alloc : memref<!tpu.dma_semaphore, #tpu.memory_space<semaphore_mem>>
      %dma_start3A_447 = arith.constant 0 : i32
      %dma_start3A_448 = arith.constant 0 : i32
      %dma_start3A_449 = tpu.memref_slice %arg9[%run_scoped3A, %dma_start3A_447, %dma_start3A_448] : memref<2x80x128xf32, #tpu.memory_space<vmem>> -> memref<1x80x128xf32, #tpu.memory_space<vmem>>
      %dma_start3A_450 = tpu.memref_squeeze %dma_start3A_449 : memref<1x80x128xf32, #tpu.memory_space<vmem>> -> memref<80x128xf32, #tpu.memory_space<vmem>>
      %dma_start3A_451 = arith.constant 0 : i32
      %dma_start3A_452 = tpu.memref_slice %arg6[%add3A_67, %dma_start3A_451] : memref<320000x128xf32, #tpu.memory_space<hbm>> -> memref<80x128xf32, #tpu.memory_space<hbm>>
      %dma_start3A_453 = arith.constant 0 : i32
      %dma_start3A_454 = tpu.memref_slice %arg6[%add3A_67, %dma_start3A_453] : memref<320000x128xf32, #tpu.memory_space<hbm>> -> memref<80x128xf32, #tpu.memory_space<hbm>>
      %dma_start3A_455 = arith.constant 0 : i32
      %dma_start3A_456 = arith.constant 0 : i32
      %dma_start3A_457 = tpu.memref_slice %arg9[%run_scoped3A, %dma_start3A_455, %dma_start3A_456] : memref<2x80x128xf32, #tpu.memory_space<vmem>> -> memref<1x80x128xf32, #tpu.memory_space<vmem>>
      %dma_start3A_458 = tpu.memref_squeeze %dma_start3A_457 : memref<1x80x128xf32, #tpu.memory_space<vmem>> -> memref<80x128xf32, #tpu.memory_space<vmem>>
      tpu.enqueue_dma source(%dma_start3A_458 : memref<80x128xf32, #tpu.memory_space<vmem>>) target(%dma_start3A_454 : memref<80x128xf32, #tpu.memory_space<hbm>>) target_semaphore(%run_scoped3A_446 : memref<!tpu.dma_semaphore, #tpu.memory_space<semaphore_mem>>)
      %dma_wait3A_459 = arith.constant 0 : i32
      %dma_wait3A_460 = arith.constant 0 : i32
      %dma_wait3A_461 = tpu.memref_slice %arg9[%run_scoped3A, %dma_wait3A_459, %dma_wait3A_460] : memref<2x80x128xf32, #tpu.memory_space<vmem>> -> memref<1x80x128xf32, #tpu.memory_space<vmem>>
      %dma_wait3A_462 = tpu.memref_squeeze %dma_wait3A_461 : memref<1x80x128xf32, #tpu.memory_space<vmem>> -> memref<80x128xf32, #tpu.memory_space<vmem>>
      %dma_wait3A_463 = arith.constant 0 : i32
      %dma_wait3A_464 = tpu.memref_slice %arg6[%add3A_67, %dma_wait3A_463] : memref<320000x128xf32, #tpu.memory_space<hbm>> -> memref<80x128xf32, #tpu.memory_space<hbm>>
      %dma_wait3A_465 = arith.constant 0 : i32
      %dma_wait3A_466 = tpu.memref_slice %arg6[%add3A_67, %dma_wait3A_465] : memref<320000x128xf32, #tpu.memory_space<hbm>> -> memref<80x128xf32, #tpu.memory_space<hbm>>
      %dma_wait3A_467 = arith.constant 0 : i32
      %dma_wait3A_468 = arith.constant 0 : i32
      %dma_wait3A_469 = tpu.memref_slice %arg9[%run_scoped3A, %dma_wait3A_467, %dma_wait3A_468] : memref<2x80x128xf32, #tpu.memory_space<vmem>> -> memref<1x80x128xf32, #tpu.memory_space<vmem>>
      %dma_wait3A_470 = tpu.memref_squeeze %dma_wait3A_469 : memref<1x80x128xf32, #tpu.memory_space<vmem>> -> memref<80x128xf32, #tpu.memory_space<vmem>>
      tpu.wait_dma2 semaphore(%run_scoped3A_446 : memref<!tpu.dma_semaphore, #tpu.memory_space<semaphore_mem>>) src(%dma_wait3A_470 : memref<80x128xf32, #tpu.memory_space<vmem>>) dst(%dma_wait3A_466 : memref<80x128xf32, #tpu.memory_space<hbm>>)
      tpu.yield
    }) : () -> ()
    %dma_start3A_68 = arith.constant 0 : i32
    %dma_start3A_69 = arith.constant 0 : i32
    %dma_start3A_70 = arith.constant 0 : i32
    %dma_start3A_71 = tpu.memref_slice %arg11[%dma_start3A_68, %dma_start3A_69, %dma_start3A_70] : memref<2x80x128xf32, #tpu.memory_space<vmem>> -> memref<1x80x128xf32, #tpu.memory_space<vmem>>
    %dma_start3A_72 = tpu.memref_squeeze %dma_start3A_71 : memref<1x80x128xf32, #tpu.memory_space<vmem>> -> memref<80x128xf32, #tpu.memory_space<vmem>>
    %dma_start3A_73 = arith.constant 160 : i32
    %dma_start3A_74 = tpu.memref_slice %arg7[%dma_start3A_73] : memref<10000xi32, #tpu.memory_space<vmem>> -> memref<80xi32, #tpu.memory_space<vmem>>
    %dma_start3A_75 = arith.constant 0 : i32
    %dma_start3A_76 = arith.constant 0 : i32
    %dma_start3A_77 = tpu.memref_slice %arg2[%dma_start3A_75, %dma_start3A_76] : memref<10000x128xf32, #tpu.memory_space<hbm>> -> memref<10000x128xf32, #tpu.memory_space<hbm>>
    tpu.enqueue_indirect_dma source(%dma_start3A_77 : memref<10000x128xf32, #tpu.memory_space<hbm>>) target(%dma_start3A_72 : memref<80x128xf32, #tpu.memory_space<vmem>>) offsets(%dma_start3A_74 : memref<80xi32, #tpu.memory_space<vmem>>) semaphore(%arg15 : memref<!tpu.dma_semaphore, #tpu.memory_space<semaphore_mem>>)
    %dma_start3A_78 = arith.constant 1 : i32
    %dma_start3A_79 = arith.constant 0 : i32
    %dma_start3A_80 = arith.constant 0 : i32
    %dma_start3A_81 = tpu.memref_slice %arg11[%dma_start3A_78, %dma_start3A_79, %dma_start3A_80] : memref<2x80x128xf32, #tpu.memory_space<vmem>> -> memref<1x80x128xf32, #tpu.memory_space<vmem>>
    %dma_start3A_82 = tpu.memref_squeeze %dma_start3A_81 : memref<1x80x128xf32, #tpu.memory_space<vmem>> -> memref<80x128xf32, #tpu.memory_space<vmem>>
    %dma_start3A_83 = arith.constant 160 : i32
    %dma_start3A_84 = tpu.memref_slice %arg8[%dma_start3A_83] : memref<10000xi32, #tpu.memory_space<vmem>> -> memref<80xi32, #tpu.memory_space<vmem>>
    %dma_start3A_85 = arith.constant 0 : i32
    %dma_start3A_86 = arith.constant 0 : i32
    %dma_start3A_87 = tpu.memref_slice %arg3[%dma_start3A_85, %dma_start3A_86] : memref<10000x128xf32, #tpu.memory_space<hbm>> -> memref<10000x128xf32, #tpu.memory_space<hbm>>
    tpu.enqueue_indirect_dma source(%dma_start3A_87 : memref<10000x128xf32, #tpu.memory_space<hbm>>) target(%dma_start3A_82 : memref<80x128xf32, #tpu.memory_space<vmem>>) offsets(%dma_start3A_84 : memref<80xi32, #tpu.memory_space<vmem>>) semaphore(%arg15 : memref<!tpu.dma_semaphore, #tpu.memory_space<semaphore_mem>>)
    %dma_wait3A_88 = arith.constant 0 : i32
    %dma_wait3A_89 = arith.constant 0 : i32
    %dma_wait3A_90 = arith.constant 0 : i32
    %dma_wait3A_91 = tpu.memref_slice %arg10[%dma_wait3A_88, %dma_wait3A_89, %dma_wait3A_90] : memref<2x80x128xf32, #tpu.memory_space<vmem>> -> memref<1x80x128xf32, #tpu.memory_space<vmem>>
    %dma_wait3A_92 = tpu.memref_squeeze %dma_wait3A_91 : memref<1x80x128xf32, #tpu.memory_space<vmem>> -> memref<80x128xf32, #tpu.memory_space<vmem>>
    %dma_wait3A_93 = arith.constant 0 : i32
    %dma_wait3A_94 = tpu.memref_slice %arg7[%dma_wait3A_93] : memref<10000xi32, #tpu.memory_space<vmem>> -> memref<80xi32, #tpu.memory_space<vmem>>
    %dma_wait3A_95 = arith.constant 0 : i32
    %dma_wait3A_96 = arith.constant 0 : i32
    %dma_wait3A_97 = tpu.memref_slice %arg2[%dma_wait3A_95, %dma_wait3A_96] : memref<10000x128xf32, #tpu.memory_space<hbm>> -> memref<10000x128xf32, #tpu.memory_space<hbm>>
    tpu.wait_indirect_dma semaphore(%arg14 : memref<!tpu.dma_semaphore, #tpu.memory_space<semaphore_mem>>) src(%dma_wait3A_97 : memref<10000x128xf32, #tpu.memory_space<hbm>>) dst(%dma_wait3A_92 : memref<80x128xf32, #tpu.memory_space<vmem>>)
    %dma_wait3A_98 = arith.constant 1 : i32
    %dma_wait3A_99 = arith.constant 0 : i32
    %dma_wait3A_100 = arith.constant 0 : i32
    %dma_wait3A_101 = tpu.memref_slice %arg10[%dma_wait3A_98, %dma_wait3A_99, %dma_wait3A_100] : memref<2x80x128xf32, #tpu.memory_space<vmem>> -> memref<1x80x128xf32, #tpu.memory_space<vmem>>
    %dma_wait3A_102 = tpu.memref_squeeze %dma_wait3A_101 : memref<1x80x128xf32, #tpu.memory_space<vmem>> -> memref<80x128xf32, #tpu.memory_space<vmem>>
    %dma_wait3A_103 = arith.constant 0 : i32
    %dma_wait3A_104 = tpu.memref_slice %arg8[%dma_wait3A_103] : memref<10000xi32, #tpu.memory_space<vmem>> -> memref<80xi32, #tpu.memory_space<vmem>>
    %dma_wait3A_105 = arith.constant 0 : i32
    %dma_wait3A_106 = arith.constant 0 : i32
    %dma_wait3A_107 = tpu.memref_slice %arg3[%dma_wait3A_105, %dma_wait3A_106] : memref<10000x128xf32, #tpu.memory_space<hbm>> -> memref<10000x128xf32, #tpu.memory_space<hbm>>
    tpu.wait_indirect_dma semaphore(%arg14 : memref<!tpu.dma_semaphore, #tpu.memory_space<semaphore_mem>>) src(%dma_wait3A_107 : memref<10000x128xf32, #tpu.memory_space<hbm>>) dst(%dma_wait3A_102 : memref<80x128xf32, #tpu.memory_space<vmem>>)
    %scan3A_108 = arith.constant 0 : i32
    %scan3A_109 = arith.constant 0 : i32
    %scan3A_110 = arith.constant 80 : i32
    %scan3A_111 = arith.addi %scan3A_109, %scan3A_110 : i32
    %scan3A_112 = arith.constant 1 : i32
    scf.for %scan3A_446 = %scan3A_109 to %scan3A_111 step %scan3A_112  : i32 {
      %get3A = arith.constant 0 : i32
      %get3A_447 = arith.index_cast %get3A : i32 to index
      %get3A_448 = arith.index_cast %scan3A_446 : i32 to index
      %get3A_449 = arith.constant 0 : index
      %get3A_450 = tpu.vector_load %arg10[%get3A_447, %get3A_448, %get3A_449] {strides = array<i32>} : memref<2x80x128xf32, #tpu.memory_space<vmem>>, vector<1x1x16xf32>,
      %get3A_451 = vector.shape_cast %get3A_450 : vector<1x1x16xf32> to vector<16xf32>
      %get3A_452 = arith.constant 1 : i32
      %get3A_453 = arith.index_cast %get3A_452 : i32 to index
      %get3A_454 = arith.index_cast %scan3A_446 : i32 to index
      %get3A_455 = arith.constant 0 : index
      %get3A_456 = tpu.vector_load %arg10[%get3A_453, %get3A_454, %get3A_455] {strides = array<i32>} : memref<2x80x128xf32, #tpu.memory_space<vmem>>, vector<1x1x16xf32>,
      %get3A_457 = vector.shape_cast %get3A_456 : vector<1x1x16xf32> to vector<16xf32>
      %add3A_458 = arith.addf %get3A_451, %get3A_457 : vector<16xf32>
      %swap3A = arith.constant 0 : i32
      %swap3A_459 = arith.index_cast %swap3A : i32 to index
      %swap3A_460 = arith.index_cast %scan3A_446 : i32 to index
      %swap3A_461 = arith.constant 0 : index
      %swap3A_462 = tpu.vector_load %arg10[%swap3A_459, %swap3A_460, %swap3A_461] {strides = array<i32>} : memref<2x80x128xf32, #tpu.memory_space<vmem>>, vector<1x1x16xf32>,
      %swap3A_463 = vector.shape_cast %swap3A_462 : vector<1x1x16xf32> to vector<16xf32>
      %swap3A_464 = vector.shape_cast %add3A_458 : vector<16xf32> to vector<1x1x16xf32>
      tpu.vector_store %arg10[%swap3A_459, %swap3A_460, %swap3A_461], %swap3A_464 {strides = array<i32>} : memref<2x80x128xf32, #tpu.memory_space<vmem>>, vector<1x1x16xf32>,
      %get3A_465 = arith.constant 0 : i32
      %get3A_466 = arith.index_cast %get3A_465 : i32 to index
      %get3A_467 = arith.index_cast %scan3A_446 : i32 to index
      %get3A_468 = arith.constant 16 : index
      %get3A_469 = tpu.vector_load %arg10[%get3A_466, %get3A_467, %get3A_468] {strides = array<i32>} : memref<2x80x128xf32, #tpu.memory_space<vmem>>, vector<1x1x16xf32>,
      %get3A_470 = vector.shape_cast %get3A_469 : vector<1x1x16xf32> to vector<16xf32>
      %get3A_471 = arith.constant 1 : i32
      %get3A_472 = arith.index_cast %get3A_471 : i32 to index
      %get3A_473 = arith.index_cast %scan3A_446 : i32 to index
      %get3A_474 = arith.constant 16 : index
      %get3A_475 = tpu.vector_load %arg10[%get3A_472, %get3A_473, %get3A_474] {strides = array<i32>} : memref<2x80x128xf32, #tpu.memory_space<vmem>>, vector<1x1x16xf32>,
      %get3A_476 = vector.shape_cast %get3A_475 : vector<1x1x16xf32> to vector<16xf32>
      %add3A_477 = arith.addf %get3A_470, %get3A_476 : vector<16xf32>
      %swap3A_478 = arith.constant 0 : i32
      %swap3A_479 = arith.index_cast %swap3A_478 : i32 to index
      %swap3A_480 = arith.index_cast %scan3A_446 : i32 to index
      %swap3A_481 = arith.constant 16 : index
      %swap3A_482 = tpu.vector_load %arg10[%swap3A_479, %swap3A_480, %swap3A_481] {strides = array<i32>} : memref<2x80x128xf32, #tpu.memory_space<vmem>>, vector<1x1x16xf32>,
      %swap3A_483 = vector.shape_cast %swap3A_482 : vector<1x1x16xf32> to vector<16xf32>
      %swap3A_484 = vector.shape_cast %add3A_477 : vector<16xf32> to vector<1x1x16xf32>
      tpu.vector_store %arg10[%swap3A_479, %swap3A_480, %swap3A_481], %swap3A_484 {strides = array<i32>} : memref<2x80x128xf32, #tpu.memory_space<vmem>>, vector<1x1x16xf32>,
      %get3A_485 = arith.constant 0 : i32
      %get3A_486 = arith.index_cast %get3A_485 : i32 to index
      %get3A_487 = arith.index_cast %scan3A_446 : i32 to index
      %get3A_488 = arith.constant 32 : index
      %get3A_489 = tpu.vector_load %arg10[%get3A_486, %get3A_487, %get3A_488] {strides = array<i32>} : memref<2x80x128xf32, #tpu.memory_space<vmem>>, vector<1x1x16xf32>,
      %get3A_490 = vector.shape_cast %get3A_489 : vector<1x1x16xf32> to vector<16xf32>
      %get3A_491 = arith.constant 1 : i32
      %get3A_492 = arith.index_cast %get3A_491 : i32 to index
      %get3A_493 = arith.index_cast %scan3A_446 : i32 to index
      %get3A_494 = arith.constant 32 : index
      %get3A_495 = tpu.vector_load %arg10[%get3A_492, %get3A_493, %get3A_494] {strides = array<i32>} : memref<2x80x128xf32, #tpu.memory_space<vmem>>, vector<1x1x16xf32>,
      %get3A_496 = vector.shape_cast %get3A_495 : vector<1x1x16xf32> to vector<16xf32>
      %add3A_497 = arith.addf %get3A_490, %get3A_496 : vector<16xf32>
      %swap3A_498 = arith.constant 0 : i32
      %swap3A_499 = arith.index_cast %swap3A_498 : i32 to index
      %swap3A_500 = arith.index_cast %scan3A_446 : i32 to index
      %swap3A_501 = arith.constant 32 : index
      %swap3A_502 = tpu.vector_load %arg10[%swap3A_499, %swap3A_500, %swap3A_501] {strides = array<i32>} : memref<2x80x128xf32, #tpu.memory_space<vmem>>, vector<1x1x16xf32>,
      %swap3A_503 = vector.shape_cast %swap3A_502 : vector<1x1x16xf32> to vector<16xf32>
      %swap3A_504 = vector.shape_cast %add3A_497 : vector<16xf32> to vector<1x1x16xf32>
      tpu.vector_store %arg10[%swap3A_499, %swap3A_500, %swap3A_501], %swap3A_504 {strides = array<i32>} : memref<2x80x128xf32, #tpu.memory_space<vmem>>, vector<1x1x16xf32>,
      %get3A_505 = arith.constant 0 : i32
      %get3A_506 = arith.index_cast %get3A_505 : i32 to index
      %get3A_507 = arith.index_cast %scan3A_446 : i32 to index
      %get3A_508 = arith.constant 48 : index
      %get3A_509 = tpu.vector_load %arg10[%get3A_506, %get3A_507, %get3A_508] {strides = array<i32>} : memref<2x80x128xf32, #tpu.memory_space<vmem>>, vector<1x1x16xf32>,
      %get3A_510 = vector.shape_cast %get3A_509 : vector<1x1x16xf32> to vector<16xf32>
      %get3A_511 = arith.constant 1 : i32
      %get3A_512 = arith.index_cast %get3A_511 : i32 to index
      %get3A_513 = arith.index_cast %scan3A_446 : i32 to index
      %get3A_514 = arith.constant 48 : index
      %get3A_515 = tpu.vector_load %arg10[%get3A_512, %get3A_513, %get3A_514] {strides = array<i32>} : memref<2x80x128xf32, #tpu.memory_space<vmem>>, vector<1x1x16xf32>,
      %get3A_516 = vector.shape_cast %get3A_515 : vector<1x1x16xf32> to vector<16xf32>
      %add3A_517 = arith.addf %get3A_510, %get3A_516 : vector<16xf32>
      %swap3A_518 = arith.constant 0 : i32
      %swap3A_519 = arith.index_cast %swap3A_518 : i32 to index
      %swap3A_520 = arith.index_cast %scan3A_446 : i32 to index
      %swap3A_521 = arith.constant 48 : index
      %swap3A_522 = tpu.vector_load %arg10[%swap3A_519, %swap3A_520, %swap3A_521] {strides = array<i32>} : memref<2x80x128xf32, #tpu.memory_space<vmem>>, vector<1x1x16xf32>,
      %swap3A_523 = vector.shape_cast %swap3A_522 : vector<1x1x16xf32> to vector<16xf32>
      %swap3A_524 = vector.shape_cast %add3A_517 : vector<16xf32> to vector<1x1x16xf32>
      tpu.vector_store %arg10[%swap3A_519, %swap3A_520, %swap3A_521], %swap3A_524 {strides = array<i32>} : memref<2x80x128xf32, #tpu.memory_space<vmem>>, vector<1x1x16xf32>,
      %get3A_525 = arith.constant 0 : i32
      %get3A_526 = arith.index_cast %get3A_525 : i32 to index
      %get3A_527 = arith.index_cast %scan3A_446 : i32 to index
      %get3A_528 = arith.constant 64 : index
      %get3A_529 = tpu.vector_load %arg10[%get3A_526, %get3A_527, %get3A_528] {strides = array<i32>} : memref<2x80x128xf32, #tpu.memory_space<vmem>>, vector<1x1x16xf32>,
      %get3A_530 = vector.shape_cast %get3A_529 : vector<1x1x16xf32> to vector<16xf32>
      %get3A_531 = arith.constant 1 : i32
      %get3A_532 = arith.index_cast %get3A_531 : i32 to index
      %get3A_533 = arith.index_cast %scan3A_446 : i32 to index
      %get3A_534 = arith.constant 64 : index
      %get3A_535 = tpu.vector_load %arg10[%get3A_532, %get3A_533, %get3A_534] {strides = array<i32>} : memref<2x80x128xf32, #tpu.memory_space<vmem>>, vector<1x1x16xf32>,
      %get3A_536 = vector.shape_cast %get3A_535 : vector<1x1x16xf32> to vector<16xf32>
      %add3A_537 = arith.addf %get3A_530, %get3A_536 : vector<16xf32>
      %swap3A_538 = arith.constant 0 : i32
      %swap3A_539 = arith.index_cast %swap3A_538 : i32 to index
      %swap3A_540 = arith.index_cast %scan3A_446 : i32 to index
      %swap3A_541 = arith.constant 64 : index
      %swap3A_542 = tpu.vector_load %arg10[%swap3A_539, %swap3A_540, %swap3A_541] {strides = array<i32>} : memref<2x80x128xf32, #tpu.memory_space<vmem>>, vector<1x1x16xf32>,
      %swap3A_543 = vector.shape_cast %swap3A_542 : vector<1x1x16xf32> to vector<16xf32>
      %swap3A_544 = vector.shape_cast %add3A_537 : vector<16xf32> to vector<1x1x16xf32>
      tpu.vector_store %arg10[%swap3A_539, %swap3A_540, %swap3A_541], %swap3A_544 {strides = array<i32>} : memref<2x80x128xf32, #tpu.memory_space<vmem>>, vector<1x1x16xf32>,
      %get3A_545 = arith.constant 0 : i32
      %get3A_546 = arith.index_cast %get3A_545 : i32 to index
      %get3A_547 = arith.index_cast %scan3A_446 : i32 to index
      %get3A_548 = arith.constant 80 : index
      %get3A_549 = tpu.vector_load %arg10[%get3A_546, %get3A_547, %get3A_548] {strides = array<i32>} : memref<2x80x128xf32, #tpu.memory_space<vmem>>, vector<1x1x16xf32>,
      %get3A_550 = vector.shape_cast %get3A_549 : vector<1x1x16xf32> to vector<16xf32>
      %get3A_551 = arith.constant 1 : i32
      %get3A_552 = arith.index_cast %get3A_551 : i32 to index
      %get3A_553 = arith.index_cast %scan3A_446 : i32 to index
      %get3A_554 = arith.constant 80 : index
      %get3A_555 = tpu.vector_load %arg10[%get3A_552, %get3A_553, %get3A_554] {strides = array<i32>} : memref<2x80x128xf32, #tpu.memory_space<vmem>>, vector<1x1x16xf32>,
      %get3A_556 = vector.shape_cast %get3A_555 : vector<1x1x16xf32> to vector<16xf32>
      %add3A_557 = arith.addf %get3A_550, %get3A_556 : vector<16xf32>
      %swap3A_558 = arith.constant 0 : i32
      %swap3A_559 = arith.index_cast %swap3A_558 : i32 to index
      %swap3A_560 = arith.index_cast %scan3A_446 : i32 to index
      %swap3A_561 = arith.constant 80 : index
      %swap3A_562 = tpu.vector_load %arg10[%swap3A_559, %swap3A_560, %swap3A_561] {strides = array<i32>} : memref<2x80x128xf32, #tpu.memory_space<vmem>>, vector<1x1x16xf32>,
      %swap3A_563 = vector.shape_cast %swap3A_562 : vector<1x1x16xf32> to vector<16xf32>
      %swap3A_564 = vector.shape_cast %add3A_557 : vector<16xf32> to vector<1x1x16xf32>
      tpu.vector_store %arg10[%swap3A_559, %swap3A_560, %swap3A_561], %swap3A_564 {strides = array<i32>} : memref<2x80x128xf32, #tpu.memory_space<vmem>>, vector<1x1x16xf32>,
      %get3A_565 = arith.constant 0 : i32
      %get3A_566 = arith.index_cast %get3A_565 : i32 to index
      %get3A_567 = arith.index_cast %scan3A_446 : i32 to index
      %get3A_568 = arith.constant 96 : index
      %get3A_569 = tpu.vector_load %arg10[%get3A_566, %get3A_567, %get3A_568] {strides = array<i32>} : memref<2x80x128xf32, #tpu.memory_space<vmem>>, vector<1x1x16xf32>,
      %get3A_570 = vector.shape_cast %get3A_569 : vector<1x1x16xf32> to vector<16xf32>
      %get3A_571 = arith.constant 1 : i32
      %get3A_572 = arith.index_cast %get3A_571 : i32 to index
      %get3A_573 = arith.index_cast %scan3A_446 : i32 to index
      %get3A_574 = arith.constant 96 : index
      %get3A_575 = tpu.vector_load %arg10[%get3A_572, %get3A_573, %get3A_574] {strides = array<i32>} : memref<2x80x128xf32, #tpu.memory_space<vmem>>, vector<1x1x16xf32>,
      %get3A_576 = vector.shape_cast %get3A_575 : vector<1x1x16xf32> to vector<16xf32>
      %add3A_577 = arith.addf %get3A_570, %get3A_576 : vector<16xf32>
      %swap3A_578 = arith.constant 0 : i32
      %swap3A_579 = arith.index_cast %swap3A_578 : i32 to index
      %swap3A_580 = arith.index_cast %scan3A_446 : i32 to index
      %swap3A_581 = arith.constant 96 : index
      %swap3A_582 = tpu.vector_load %arg10[%swap3A_579, %swap3A_580, %swap3A_581] {strides = array<i32>} : memref<2x80x128xf32, #tpu.memory_space<vmem>>, vector<1x1x16xf32>,
      %swap3A_583 = vector.shape_cast %swap3A_582 : vector<1x1x16xf32> to vector<16xf32>
      %swap3A_584 = vector.shape_cast %add3A_577 : vector<16xf32> to vector<1x1x16xf32>
      tpu.vector_store %arg10[%swap3A_579, %swap3A_580, %swap3A_581], %swap3A_584 {strides = array<i32>} : memref<2x80x128xf32, #tpu.memory_space<vmem>>, vector<1x1x16xf32>,
      %get3A_585 = arith.constant 0 : i32
      %get3A_586 = arith.index_cast %get3A_585 : i32 to index
      %get3A_587 = arith.index_cast %scan3A_446 : i32 to index
      %get3A_588 = arith.constant 112 : index
      %get3A_589 = tpu.vector_load %arg10[%get3A_586, %get3A_587, %get3A_588] {strides = array<i32>} : memref<2x80x128xf32, #tpu.memory_space<vmem>>, vector<1x1x16xf32>,
      %get3A_590 = vector.shape_cast %get3A_589 : vector<1x1x16xf32> to vector<16xf32>
      %get3A_591 = arith.constant 1 : i32
      %get3A_592 = arith.index_cast %get3A_591 : i32 to index
      %get3A_593 = arith.index_cast %scan3A_446 : i32 to index
      %get3A_594 = arith.constant 112 : index
      %get3A_595 = tpu.vector_load %arg10[%get3A_592, %get3A_593, %get3A_594] {strides = array<i32>} : memref<2x80x128xf32, #tpu.memory_space<vmem>>, vector<1x1x16xf32>,
      %get3A_596 = vector.shape_cast %get3A_595 : vector<1x1x16xf32> to vector<16xf32>
      %add3A_597 = arith.addf %get3A_590, %get3A_596 : vector<16xf32>
      %swap3A_598 = arith.constant 0 : i32
      %swap3A_599 = arith.index_cast %swap3A_598 : i32 to index
      %swap3A_600 = arith.index_cast %scan3A_446 : i32 to index
      %swap3A_601 = arith.constant 112 : index
      %swap3A_602 = tpu.vector_load %arg10[%swap3A_599, %swap3A_600, %swap3A_601] {strides = array<i32>} : memref<2x80x128xf32, #tpu.memory_space<vmem>>, vector<1x1x16xf32>,
      %swap3A_603 = vector.shape_cast %swap3A_602 : vector<1x1x16xf32> to vector<16xf32>
      %swap3A_604 = vector.shape_cast %add3A_597 : vector<16xf32> to vector<1x1x16xf32>
      tpu.vector_store %arg10[%swap3A_599, %swap3A_600, %swap3A_601], %swap3A_604 {strides = array<i32>} : memref<2x80x128xf32, #tpu.memory_space<vmem>>, vector<1x1x16xf32>,
    }
    %scan3A_113 = arith.constant 80 : i32
    %add3A_114 = arith.constant 80 : i32
    %add3A_115 = arith.addi %mul3A_2, %add3A_114 : i32
    %run_scoped3A_116 = arith.constant 0 : i32
    "tpu.region"() ({
      %run_scoped3A_446 = tpu.sem_alloc : memref<!tpu.dma_semaphore, #tpu.memory_space<semaphore_mem>>
      %dma_start3A_447 = arith.constant 0 : i32
      %dma_start3A_448 = arith.constant 0 : i32
      %dma_start3A_449 = tpu.memref_slice %arg10[%run_scoped3A_116, %dma_start3A_447, %dma_start3A_448] : memref<2x80x128xf32, #tpu.memory_space<vmem>> -> memref<1x80x128xf32, #tpu.memory_space<vmem>>
      %dma_start3A_450 = tpu.memref_squeeze %dma_start3A_449 : memref<1x80x128xf32, #tpu.memory_space<vmem>> -> memref<80x128xf32, #tpu.memory_space<vmem>>
      %dma_start3A_451 = arith.constant 0 : i32
      %dma_start3A_452 = tpu.memref_slice %arg6[%add3A_115, %dma_start3A_451] : memref<320000x128xf32, #tpu.memory_space<hbm>> -> memref<80x128xf32, #tpu.memory_space<hbm>>
      %dma_start3A_453 = arith.constant 0 : i32
      %dma_start3A_454 = tpu.memref_slice %arg6[%add3A_115, %dma_start3A_453] : memref<320000x128xf32, #tpu.memory_space<hbm>> -> memref<80x128xf32, #tpu.memory_space<hbm>>
      %dma_start3A_455 = arith.constant 0 : i32
      %dma_start3A_456 = arith.constant 0 : i32
      %dma_start3A_457 = tpu.memref_slice %arg10[%run_scoped3A_116, %dma_start3A_455, %dma_start3A_456] : memref<2x80x128xf32, #tpu.memory_space<vmem>> -> memref<1x80x128xf32, #tpu.memory_space<vmem>>
      %dma_start3A_458 = tpu.memref_squeeze %dma_start3A_457 : memref<1x80x128xf32, #tpu.memory_space<vmem>> -> memref<80x128xf32, #tpu.memory_space<vmem>>
      tpu.enqueue_dma source(%dma_start3A_458 : memref<80x128xf32, #tpu.memory_space<vmem>>) target(%dma_start3A_454 : memref<80x128xf32, #tpu.memory_space<hbm>>) target_semaphore(%run_scoped3A_446 : memref<!tpu.dma_semaphore, #tpu.memory_space<semaphore_mem>>)
      %dma_wait3A_459 = arith.constant 0 : i32
      %dma_wait3A_460 = arith.constant 0 : i32
      %dma_wait3A_461 = tpu.memref_slice %arg10[%run_scoped3A_116, %dma_wait3A_459, %dma_wait3A_460] : memref<2x80x128xf32, #tpu.memory_space<vmem>> -> memref<1x80x128xf32, #tpu.memory_space<vmem>>
      %dma_wait3A_462 = tpu.memref_squeeze %dma_wait3A_461 : memref<1x80x128xf32, #tpu.memory_space<vmem>> -> memref<80x128xf32, #tpu.memory_space<vmem>>
      %dma_wait3A_463 = arith.constant 0 : i32
      %dma_wait3A_464 = tpu.memref_slice %arg6[%add3A_115, %dma_wait3A_463] : memref<320000x128xf32, #tpu.memory_space<hbm>> -> memref<80x128xf32, #tpu.memory_space<hbm>>
      %dma_wait3A_465 = arith.constant 0 : i32
      %dma_wait3A_466 = tpu.memref_slice %arg6[%add3A_115, %dma_wait3A_465] : memref<320000x128xf32, #tpu.memory_space<hbm>> -> memref<80x128xf32, #tpu.memory_space<hbm>>
      %dma_wait3A_467 = arith.constant 0 : i32
      %dma_wait3A_468 = arith.constant 0 : i32
      %dma_wait3A_469 = tpu.memref_slice %arg10[%run_scoped3A_116, %dma_wait3A_467, %dma_wait3A_468] : memref<2x80x128xf32, #tpu.memory_space<vmem>> -> memref<1x80x128xf32, #tpu.memory_space<vmem>>
      %dma_wait3A_470 = tpu.memref_squeeze %dma_wait3A_469 : memref<1x80x128xf32, #tpu.memory_space<vmem>> -> memref<80x128xf32, #tpu.memory_space<vmem>>
      tpu.wait_dma2 semaphore(%run_scoped3A_446 : memref<!tpu.dma_semaphore, #tpu.memory_space<semaphore_mem>>) src(%dma_wait3A_470 : memref<80x128xf32, #tpu.memory_space<vmem>>) dst(%dma_wait3A_466 : memref<80x128xf32, #tpu.memory_space<hbm>>)
      tpu.yield
    }) : () -> ()
    %dma_start3A_117 = arith.constant 0 : i32
    %dma_start3A_118 = arith.constant 0 : i32
    %dma_start3A_119 = arith.constant 0 : i32
    %dma_start3A_120 = tpu.memref_slice %arg12[%dma_start3A_117, %dma_start3A_118, %dma_start3A_119] : memref<2x80x128xf32, #tpu.memory_space<vmem>> -> memref<1x80x128xf32, #tpu.memory_space<vmem>>
    %dma_start3A_121 = tpu.memref_squeeze %dma_start3A_120 : memref<1x80x128xf32, #tpu.memory_space<vmem>> -> memref<80x128xf32, #tpu.memory_space<vmem>>
    %dma_start3A_122 = arith.constant 240 : i32
    %dma_start3A_123 = tpu.memref_slice %arg7[%dma_start3A_122] : memref<10000xi32, #tpu.memory_space<vmem>> -> memref<80xi32, #tpu.memory_space<vmem>>
    %dma_start3A_124 = arith.constant 0 : i32
    %dma_start3A_125 = arith.constant 0 : i32
    %dma_start3A_126 = tpu.memref_slice %arg2[%dma_start3A_124, %dma_start3A_125] : memref<10000x128xf32, #tpu.memory_space<hbm>> -> memref<10000x128xf32, #tpu.memory_space<hbm>>
    tpu.enqueue_indirect_dma source(%dma_start3A_126 : memref<10000x128xf32, #tpu.memory_space<hbm>>) target(%dma_start3A_121 : memref<80x128xf32, #tpu.memory_space<vmem>>) offsets(%dma_start3A_123 : memref<80xi32, #tpu.memory_space<vmem>>) semaphore(%arg16 : memref<!tpu.dma_semaphore, #tpu.memory_space<semaphore_mem>>)
    %dma_start3A_127 = arith.constant 1 : i32
    %dma_start3A_128 = arith.constant 0 : i32
    %dma_start3A_129 = arith.constant 0 : i32
    %dma_start3A_130 = tpu.memref_slice %arg12[%dma_start3A_127, %dma_start3A_128, %dma_start3A_129] : memref<2x80x128xf32, #tpu.memory_space<vmem>> -> memref<1x80x128xf32, #tpu.memory_space<vmem>>
    %dma_start3A_131 = tpu.memref_squeeze %dma_start3A_130 : memref<1x80x128xf32, #tpu.memory_space<vmem>> -> memref<80x128xf32, #tpu.memory_space<vmem>>
    %dma_start3A_132 = arith.constant 240 : i32
    %dma_start3A_133 = tpu.memref_slice %arg8[%dma_start3A_132] : memref<10000xi32, #tpu.memory_space<vmem>> -> memref<80xi32, #tpu.memory_space<vmem>>
    %dma_start3A_134 = arith.constant 0 : i32
    %dma_start3A_135 = arith.constant 0 : i32
    %dma_start3A_136 = tpu.memref_slice %arg3[%dma_start3A_134, %dma_start3A_135] : memref<10000x128xf32, #tpu.memory_space<hbm>> -> memref<10000x128xf32, #tpu.memory_space<hbm>>
    tpu.enqueue_indirect_dma source(%dma_start3A_136 : memref<10000x128xf32, #tpu.memory_space<hbm>>) target(%dma_start3A_131 : memref<80x128xf32, #tpu.memory_space<vmem>>) offsets(%dma_start3A_133 : memref<80xi32, #tpu.memory_space<vmem>>) semaphore(%arg16 : memref<!tpu.dma_semaphore, #tpu.memory_space<semaphore_mem>>)
    %dma_wait3A_137 = arith.constant 0 : i32
    %dma_wait3A_138 = arith.constant 0 : i32
    %dma_wait3A_139 = arith.constant 0 : i32
    %dma_wait3A_140 = tpu.memref_slice %arg11[%dma_wait3A_137, %dma_wait3A_138, %dma_wait3A_139] : memref<2x80x128xf32, #tpu.memory_space<vmem>> -> memref<1x80x128xf32, #tpu.memory_space<vmem>>
    %dma_wait3A_141 = tpu.memref_squeeze %dma_wait3A_140 : memref<1x80x128xf32, #tpu.memory_space<vmem>> -> memref<80x128xf32, #tpu.memory_space<vmem>>
    %dma_wait3A_142 = arith.constant 0 : i32
    %dma_wait3A_143 = tpu.memref_slice %arg7[%dma_wait3A_142] : memref<10000xi32, #tpu.memory_space<vmem>> -> memref<80xi32, #tpu.memory_space<vmem>>
    %dma_wait3A_144 = arith.constant 0 : i32
    %dma_wait3A_145 = arith.constant 0 : i32
    %dma_wait3A_146 = tpu.memref_slice %arg2[%dma_wait3A_144, %dma_wait3A_145] : memref<10000x128xf32, #tpu.memory_space<hbm>> -> memref<10000x128xf32, #tpu.memory_space<hbm>>
    tpu.wait_indirect_dma semaphore(%arg15 : memref<!tpu.dma_semaphore, #tpu.memory_space<semaphore_mem>>) src(%dma_wait3A_146 : memref<10000x128xf32, #tpu.memory_space<hbm>>) dst(%dma_wait3A_141 : memref<80x128xf32, #tpu.memory_space<vmem>>)
    %dma_wait3A_147 = arith.constant 1 : i32
    %dma_wait3A_148 = arith.constant 0 : i32
    %dma_wait3A_149 = arith.constant 0 : i32
    %dma_wait3A_150 = tpu.memref_slice %arg11[%dma_wait3A_147, %dma_wait3A_148, %dma_wait3A_149] : memref<2x80x128xf32, #tpu.memory_space<vmem>> -> memref<1x80x128xf32, #tpu.memory_space<vmem>>
    %dma_wait3A_151 = tpu.memref_squeeze %dma_wait3A_150 : memref<1x80x128xf32, #tpu.memory_space<vmem>> -> memref<80x128xf32, #tpu.memory_space<vmem>>
    %dma_wait3A_152 = arith.constant 0 : i32
    %dma_wait3A_153 = tpu.memref_slice %arg8[%dma_wait3A_152] : memref<10000xi32, #tpu.memory_space<vmem>> -> memref<80xi32, #tpu.memory_space<vmem>>
    %dma_wait3A_154 = arith.constant 0 : i32
    %dma_wait3A_155 = arith.constant 0 : i32
    %dma_wait3A_156 = tpu.memref_slice %arg3[%dma_wait3A_154, %dma_wait3A_155] : memref<10000x128xf32, #tpu.memory_space<hbm>> -> memref<10000x128xf32, #tpu.memory_space<hbm>>
    tpu.wait_indirect_dma semaphore(%arg15 : memref<!tpu.dma_semaphore, #tpu.memory_space<semaphore_mem>>) src(%dma_wait3A_156 : memref<10000x128xf32, #tpu.memory_space<hbm>>) dst(%dma_wait3A_151 : memref<80x128xf32, #tpu.memory_space<vmem>>)
    %scan3A_157 = arith.constant 0 : i32
    %scan3A_158 = arith.constant 0 : i32
    %scan3A_159 = arith.constant 80 : i32
    %scan3A_160 = arith.addi %scan3A_158, %scan3A_159 : i32
    %scan3A_161 = arith.constant 1 : i32
    scf.for %scan3A_446 = %scan3A_158 to %scan3A_160 step %scan3A_161  : i32 {
      %get3A = arith.constant 0 : i32
      %get3A_447 = arith.index_cast %get3A : i32 to index
      %get3A_448 = arith.index_cast %scan3A_446 : i32 to index
      %get3A_449 = arith.constant 0 : index
      %get3A_450 = tpu.vector_load %arg11[%get3A_447, %get3A_448, %get3A_449] {strides = array<i32>} : memref<2x80x128xf32, #tpu.memory_space<vmem>>, vector<1x1x16xf32>,
      %get3A_451 = vector.shape_cast %get3A_450 : vector<1x1x16xf32> to vector<16xf32>
      %get3A_452 = arith.constant 1 : i32
      %get3A_453 = arith.index_cast %get3A_452 : i32 to index
      %get3A_454 = arith.index_cast %scan3A_446 : i32 to index
      %get3A_455 = arith.constant 0 : index
      %get3A_456 = tpu.vector_load %arg11[%get3A_453, %get3A_454, %get3A_455] {strides = array<i32>} : memref<2x80x128xf32, #tpu.memory_space<vmem>>, vector<1x1x16xf32>,
      %get3A_457 = vector.shape_cast %get3A_456 : vector<1x1x16xf32> to vector<16xf32>
      %add3A_458 = arith.addf %get3A_451, %get3A_457 : vector<16xf32>
      %swap3A = arith.constant 0 : i32
      %swap3A_459 = arith.index_cast %swap3A : i32 to index
      %swap3A_460 = arith.index_cast %scan3A_446 : i32 to index
      %swap3A_461 = arith.constant 0 : index
      %swap3A_462 = tpu.vector_load %arg11[%swap3A_459, %swap3A_460, %swap3A_461] {strides = array<i32>} : memref<2x80x128xf32, #tpu.memory_space<vmem>>, vector<1x1x16xf32>,
      %swap3A_463 = vector.shape_cast %swap3A_462 : vector<1x1x16xf32> to vector<16xf32>
      %swap3A_464 = vector.shape_cast %add3A_458 : vector<16xf32> to vector<1x1x16xf32>
      tpu.vector_store %arg11[%swap3A_459, %swap3A_460, %swap3A_461], %swap3A_464 {strides = array<i32>} : memref<2x80x128xf32, #tpu.memory_space<vmem>>, vector<1x1x16xf32>,
      %get3A_465 = arith.constant 0 : i32
      %get3A_466 = arith.index_cast %get3A_465 : i32 to index
      %get3A_467 = arith.index_cast %scan3A_446 : i32 to index
      %get3A_468 = arith.constant 16 : index
      %get3A_469 = tpu.vector_load %arg11[%get3A_466, %get3A_467, %get3A_468] {strides = array<i32>} : memref<2x80x128xf32, #tpu.memory_space<vmem>>, vector<1x1x16xf32>,
      %get3A_470 = vector.shape_cast %get3A_469 : vector<1x1x16xf32> to vector<16xf32>
      %get3A_471 = arith.constant 1 : i32
      %get3A_472 = arith.index_cast %get3A_471 : i32 to index
      %get3A_473 = arith.index_cast %scan3A_446 : i32 to index
      %get3A_474 = arith.constant 16 : index
      %get3A_475 = tpu.vector_load %arg11[%get3A_472, %get3A_473, %get3A_474] {strides = array<i32>} : memref<2x80x128xf32, #tpu.memory_space<vmem>>, vector<1x1x16xf32>,
      %get3A_476 = vector.shape_cast %get3A_475 : vector<1x1x16xf32> to vector<16xf32>
      %add3A_477 = arith.addf %get3A_470, %get3A_476 : vector<16xf32>
      %swap3A_478 = arith.constant 0 : i32
      %swap3A_479 = arith.index_cast %swap3A_478 : i32 to index
      %swap3A_480 = arith.index_cast %scan3A_446 : i32 to index
      %swap3A_481 = arith.constant 16 : index
      %swap3A_482 = tpu.vector_load %arg11[%swap3A_479, %swap3A_480, %swap3A_481] {strides = array<i32>} : memref<2x80x128xf32, #tpu.memory_space<vmem>>, vector<1x1x16xf32>,
      %swap3A_483 = vector.shape_cast %swap3A_482 : vector<1x1x16xf32> to vector<16xf32>
      %swap3A_484 = vector.shape_cast %add3A_477 : vector<16xf32> to vector<1x1x16xf32>
      tpu.vector_store %arg11[%swap3A_479, %swap3A_480, %swap3A_481], %swap3A_484 {strides = array<i32>} : memref<2x80x128xf32, #tpu.memory_space<vmem>>, vector<1x1x16xf32>,
      %get3A_485 = arith.constant 0 : i32
      %get3A_486 = arith.index_cast %get3A_485 : i32 to index
      %get3A_487 = arith.index_cast %scan3A_446 : i32 to index
      %get3A_488 = arith.constant 32 : index
      %get3A_489 = tpu.vector_load %arg11[%get3A_486, %get3A_487, %get3A_488] {strides = array<i32>} : memref<2x80x128xf32, #tpu.memory_space<vmem>>, vector<1x1x16xf32>,
      %get3A_490 = vector.shape_cast %get3A_489 : vector<1x1x16xf32> to vector<16xf32>
      %get3A_491 = arith.constant 1 : i32
      %get3A_492 = arith.index_cast %get3A_491 : i32 to index
      %get3A_493 = arith.index_cast %scan3A_446 : i32 to index
      %get3A_494 = arith.constant 32 : index
      %get3A_495 = tpu.vector_load %arg11[%get3A_492, %get3A_493, %get3A_494] {strides = array<i32>} : memref<2x80x128xf32, #tpu.memory_space<vmem>>, vector<1x1x16xf32>,
      %get3A_496 = vector.shape_cast %get3A_495 : vector<1x1x16xf32> to vector<16xf32>
      %add3A_497 = arith.addf %get3A_490, %get3A_496 : vector<16xf32>
      %swap3A_498 = arith.constant 0 : i32
      %swap3A_499 = arith.index_cast %swap3A_498 : i32 to index
      %swap3A_500 = arith.index_cast %scan3A_446 : i32 to index
      %swap3A_501 = arith.constant 32 : index
      %swap3A_502 = tpu.vector_load %arg11[%swap3A_499, %swap3A_500, %swap3A_501] {strides = array<i32>} : memref<2x80x128xf32, #tpu.memory_space<vmem>>, vector<1x1x16xf32>,
      %swap3A_503 = vector.shape_cast %swap3A_502 : vector<1x1x16xf32> to vector<16xf32>
      %swap3A_504 = vector.shape_cast %add3A_497 : vector<16xf32> to vector<1x1x16xf32>
      tpu.vector_store %arg11[%swap3A_499, %swap3A_500, %swap3A_501], %swap3A_504 {strides = array<i32>} : memref<2x80x128xf32, #tpu.memory_space<vmem>>, vector<1x1x16xf32>,
      %get3A_505 = arith.constant 0 : i32
      %get3A_506 = arith.index_cast %get3A_505 : i32 to index
      %get3A_507 = arith.index_cast %scan3A_446 : i32 to index
      %get3A_508 = arith.constant 48 : index
      %get3A_509 = tpu.vector_load %arg11[%get3A_506, %get3A_507, %get3A_508] {strides = array<i32>} : memref<2x80x128xf32, #tpu.memory_space<vmem>>, vector<1x1x16xf32>,
      %get3A_510 = vector.shape_cast %get3A_509 : vector<1x1x16xf32> to vector<16xf32>
      %get3A_511 = arith.constant 1 : i32
      %get3A_512 = arith.index_cast %get3A_511 : i32 to index
      %get3A_513 = arith.index_cast %scan3A_446 : i32 to index
      %get3A_514 = arith.constant 48 : index
      %get3A_515 = tpu.vector_load %arg11[%get3A_512, %get3A_513, %get3A_514] {strides = array<i32>} : memref<2x80x128xf32, #tpu.memory_space<vmem>>, vector<1x1x16xf32>,
      %get3A_516 = vector.shape_cast %get3A_515 : vector<1x1x16xf32> to vector<16xf32>
      %add3A_517 = arith.addf %get3A_510, %get3A_516 : vector<16xf32>
      %swap3A_518 = arith.constant 0 : i32
      %swap3A_519 = arith.index_cast %swap3A_518 : i32 to index
      %swap3A_520 = arith.index_cast %scan3A_446 : i32 to index
      %swap3A_521 = arith.constant 48 : index
      %swap3A_522 = tpu.vector_load %arg11[%swap3A_519, %swap3A_520, %swap3A_521] {strides = array<i32>} : memref<2x80x128xf32, #tpu.memory_space<vmem>>, vector<1x1x16xf32>,
      %swap3A_523 = vector.shape_cast %swap3A_522 : vector<1x1x16xf32> to vector<16xf32>
      %swap3A_524 = vector.shape_cast %add3A_517 : vector<16xf32> to vector<1x1x16xf32>
      tpu.vector_store %arg11[%swap3A_519, %swap3A_520, %swap3A_521], %swap3A_524 {strides = array<i32>} : memref<2x80x128xf32, #tpu.memory_space<vmem>>, vector<1x1x16xf32>,
      %get3A_525 = arith.constant 0 : i32
      %get3A_526 = arith.index_cast %get3A_525 : i32 to index
      %get3A_527 = arith.index_cast %scan3A_446 : i32 to index
      %get3A_528 = arith.constant 64 : index
      %get3A_529 = tpu.vector_load %arg11[%get3A_526, %get3A_527, %get3A_528] {strides = array<i32>} : memref<2x80x128xf32, #tpu.memory_space<vmem>>, vector<1x1x16xf32>,
      %get3A_530 = vector.shape_cast %get3A_529 : vector<1x1x16xf32> to vector<16xf32>
      %get3A_531 = arith.constant 1 : i32
      %get3A_532 = arith.index_cast %get3A_531 : i32 to index
      %get3A_533 = arith.index_cast %scan3A_446 : i32 to index
      %get3A_534 = arith.constant 64 : index
      %get3A_535 = tpu.vector_load %arg11[%get3A_532, %get3A_533, %get3A_534] {strides = array<i32>} : memref<2x80x128xf32, #tpu.memory_space<vmem>>, vector<1x1x16xf32>,
      %get3A_536 = vector.shape_cast %get3A_535 : vector<1x1x16xf32> to vector<16xf32>
      %add3A_537 = arith.addf %get3A_530, %get3A_536 : vector<16xf32>
      %swap3A_538 = arith.constant 0 : i32
      %swap3A_539 = arith.index_cast %swap3A_538 : i32 to index
      %swap3A_540 = arith.index_cast %scan3A_446 : i32 to index
      %swap3A_541 = arith.constant 64 : index
      %swap3A_542 = tpu.vector_load %arg11[%swap3A_539, %swap3A_540, %swap3A_541] {strides = array<i32>} : memref<2x80x128xf32, #tpu.memory_space<vmem>>, vector<1x1x16xf32>,
      %swap3A_543 = vector.shape_cast %swap3A_542 : vector<1x1x16xf32> to vector<16xf32>
      %swap3A_544 = vector.shape_cast %add3A_537 : vector<16xf32> to vector<1x1x16xf32>
      tpu.vector_store %arg11[%swap3A_539, %swap3A_540, %swap3A_541], %swap3A_544 {strides = array<i32>} : memref<2x80x128xf32, #tpu.memory_space<vmem>>, vector<1x1x16xf32>,
      %get3A_545 = arith.constant 0 : i32
      %get3A_546 = arith.index_cast %get3A_545 : i32 to index
      %get3A_547 = arith.index_cast %scan3A_446 : i32 to index
      %get3A_548 = arith.constant 80 : index
      %get3A_549 = tpu.vector_load %arg11[%get3A_546, %get3A_547, %get3A_548] {strides = array<i32>} : memref<2x80x128xf32, #tpu.memory_space<vmem>>, vector<1x1x16xf32>,
      %get3A_550 = vector.shape_cast %get3A_549 : vector<1x1x16xf32> to vector<16xf32>
      %get3A_551 = arith.constant 1 : i32
      %get3A_552 = arith.index_cast %get3A_551 : i32 to index
      %get3A_553 = arith.index_cast %scan3A_446 : i32 to index
      %get3A_554 = arith.constant 80 : index
      %get3A_555 = tpu.vector_load %arg11[%get3A_552, %get3A_553, %get3A_554] {strides = array<i32>} : memref<2x80x128xf32, #tpu.memory_space<vmem>>, vector<1x1x16xf32>,
      %get3A_556 = vector.shape_cast %get3A_555 : vector<1x1x16xf32> to vector<16xf32>
      %add3A_557 = arith.addf %get3A_550, %get3A_556 : vector<16xf32>
      %swap3A_558 = arith.constant 0 : i32
      %swap3A_559 = arith.index_cast %swap3A_558 : i32 to index
      %swap3A_560 = arith.index_cast %scan3A_446 : i32 to index
      %swap3A_561 = arith.constant 80 : index
      %swap3A_562 = tpu.vector_load %arg11[%swap3A_559, %swap3A_560, %swap3A_561] {strides = array<i32>} : memref<2x80x128xf32, #tpu.memory_space<vmem>>, vector<1x1x16xf32>,
      %swap3A_563 = vector.shape_cast %swap3A_562 : vector<1x1x16xf32> to vector<16xf32>
      %swap3A_564 = vector.shape_cast %add3A_557 : vector<16xf32> to vector<1x1x16xf32>
      tpu.vector_store %arg11[%swap3A_559, %swap3A_560, %swap3A_561], %swap3A_564 {strides = array<i32>} : memref<2x80x128xf32, #tpu.memory_space<vmem>>, vector<1x1x16xf32>,
      %get3A_565 = arith.constant 0 : i32
      %get3A_566 = arith.index_cast %get3A_565 : i32 to index
      %get3A_567 = arith.index_cast %scan3A_446 : i32 to index
      %get3A_568 = arith.constant 96 : index
      %get3A_569 = tpu.vector_load %arg11[%get3A_566, %get3A_567, %get3A_568] {strides = array<i32>} : memref<2x80x128xf32, #tpu.memory_space<vmem>>, vector<1x1x16xf32>,
      %get3A_570 = vector.shape_cast %get3A_569 : vector<1x1x16xf32> to vector<16xf32>
      %get3A_571 = arith.constant 1 : i32
      %get3A_572 = arith.index_cast %get3A_571 : i32 to index
      %get3A_573 = arith.index_cast %scan3A_446 : i32 to index
      %get3A_574 = arith.constant 96 : index
      %get3A_575 = tpu.vector_load %arg11[%get3A_572, %get3A_573, %get3A_574] {strides = array<i32>} : memref<2x80x128xf32, #tpu.memory_space<vmem>>, vector<1x1x16xf32>,
      %get3A_576 = vector.shape_cast %get3A_575 : vector<1x1x16xf32> to vector<16xf32>
      %add3A_577 = arith.addf %get3A_570, %get3A_576 : vector<16xf32>
      %swap3A_578 = arith.constant 0 : i32
      %swap3A_579 = arith.index_cast %swap3A_578 : i32 to index
      %swap3A_580 = arith.index_cast %scan3A_446 : i32 to index
      %swap3A_581 = arith.constant 96 : index
      %swap3A_582 = tpu.vector_load %arg11[%swap3A_579, %swap3A_580, %swap3A_581] {strides = array<i32>} : memref<2x80x128xf32, #tpu.memory_space<vmem>>, vector<1x1x16xf32>,
      %swap3A_583 = vector.shape_cast %swap3A_582 : vector<1x1x16xf32> to vector<16xf32>
      %swap3A_584 = vector.shape_cast %add3A_577 : vector<16xf32> to vector<1x1x16xf32>
      tpu.vector_store %arg11[%swap3A_579, %swap3A_580, %swap3A_581], %swap3A_584 {strides = array<i32>} : memref<2x80x128xf32, #tpu.memory_space<vmem>>, vector<1x1x16xf32>,
      %get3A_585 = arith.constant 0 : i32
      %get3A_586 = arith.index_cast %get3A_585 : i32 to index
      %get3A_587 = arith.index_cast %scan3A_446 : i32 to index
      %get3A_588 = arith.constant 112 : index
      %get3A_589 = tpu.vector_load %arg11[%get3A_586, %get3A_587, %get3A_588] {strides = array<i32>} : memref<2x80x128xf32, #tpu.memory_space<vmem>>, vector<1x1x16xf32>,
      %get3A_590 = vector.shape_cast %get3A_589 : vector<1x1x16xf32> to vector<16xf32>
      %get3A_591 = arith.constant 1 : i32
      %get3A_592 = arith.index_cast %get3A_591 : i32 to index
      %get3A_593 = arith.index_cast %scan3A_446 : i32 to index
      %get3A_594 = arith.constant 112 : index
      %get3A_595 = tpu.vector_load %arg11[%get3A_592, %get3A_593, %get3A_594] {strides = array<i32>} : memref<2x80x128xf32, #tpu.memory_space<vmem>>, vector<1x1x16xf32>,
      %get3A_596 = vector.shape_cast %get3A_595 : vector<1x1x16xf32> to vector<16xf32>
      %add3A_597 = arith.addf %get3A_590, %get3A_596 : vector<16xf32>
      %swap3A_598 = arith.constant 0 : i32
      %swap3A_599 = arith.index_cast %swap3A_598 : i32 to index
      %swap3A_600 = arith.index_cast %scan3A_446 : i32 to index
      %swap3A_601 = arith.constant 112 : index
      %swap3A_602 = tpu.vector_load %arg11[%swap3A_599, %swap3A_600, %swap3A_601] {strides = array<i32>} : memref<2x80x128xf32, #tpu.memory_space<vmem>>, vector<1x1x16xf32>,
      %swap3A_603 = vector.shape_cast %swap3A_602 : vector<1x1x16xf32> to vector<16xf32>
      %swap3A_604 = vector.shape_cast %add3A_597 : vector<16xf32> to vector<1x1x16xf32>
      tpu.vector_store %arg11[%swap3A_599, %swap3A_600, %swap3A_601], %swap3A_604 {strides = array<i32>} : memref<2x80x128xf32, #tpu.memory_space<vmem>>, vector<1x1x16xf32>,
    }
    %scan3A_162 = arith.constant 80 : i32
    %add3A_163 = arith.constant 160 : i32
    %add3A_164 = arith.addi %mul3A_2, %add3A_163 : i32
    %run_scoped3A_165 = arith.constant 0 : i32
    "tpu.region"() ({
      %run_scoped3A_446 = tpu.sem_alloc : memref<!tpu.dma_semaphore, #tpu.memory_space<semaphore_mem>>
      %dma_start3A_447 = arith.constant 0 : i32
      %dma_start3A_448 = arith.constant 0 : i32
      %dma_start3A_449 = tpu.memref_slice %arg11[%run_scoped3A_165, %dma_start3A_447, %dma_start3A_448] : memref<2x80x128xf32, #tpu.memory_space<vmem>> -> memref<1x80x128xf32, #tpu.memory_space<vmem>>
      %dma_start3A_450 = tpu.memref_squeeze %dma_start3A_449 : memref<1x80x128xf32, #tpu.memory_space<vmem>> -> memref<80x128xf32, #tpu.memory_space<vmem>>
      %dma_start3A_451 = arith.constant 0 : i32
      %dma_start3A_452 = tpu.memref_slice %arg6[%add3A_164, %dma_start3A_451] : memref<320000x128xf32, #tpu.memory_space<hbm>> -> memref<80x128xf32, #tpu.memory_space<hbm>>
      %dma_start3A_453 = arith.constant 0 : i32
      %dma_start3A_454 = tpu.memref_slice %arg6[%add3A_164, %dma_start3A_453] : memref<320000x128xf32, #tpu.memory_space<hbm>> -> memref<80x128xf32, #tpu.memory_space<hbm>>
      %dma_start3A_455 = arith.constant 0 : i32
      %dma_start3A_456 = arith.constant 0 : i32
      %dma_start3A_457 = tpu.memref_slice %arg11[%run_scoped3A_165, %dma_start3A_455, %dma_start3A_456] : memref<2x80x128xf32, #tpu.memory_space<vmem>> -> memref<1x80x128xf32, #tpu.memory_space<vmem>>
      %dma_start3A_458 = tpu.memref_squeeze %dma_start3A_457 : memref<1x80x128xf32, #tpu.memory_space<vmem>> -> memref<80x128xf32, #tpu.memory_space<vmem>>
      tpu.enqueue_dma source(%dma_start3A_458 : memref<80x128xf32, #tpu.memory_space<vmem>>) target(%dma_start3A_454 : memref<80x128xf32, #tpu.memory_space<hbm>>) target_semaphore(%run_scoped3A_446 : memref<!tpu.dma_semaphore, #tpu.memory_space<semaphore_mem>>)
      %dma_wait3A_459 = arith.constant 0 : i32
      %dma_wait3A_460 = arith.constant 0 : i32
      %dma_wait3A_461 = tpu.memref_slice %arg11[%run_scoped3A_165, %dma_wait3A_459, %dma_wait3A_460] : memref<2x80x128xf32, #tpu.memory_space<vmem>> -> memref<1x80x128xf32, #tpu.memory_space<vmem>>
      %dma_wait3A_462 = tpu.memref_squeeze %dma_wait3A_461 : memref<1x80x128xf32, #tpu.memory_space<vmem>> -> memref<80x128xf32, #tpu.memory_space<vmem>>
      %dma_wait3A_463 = arith.constant 0 : i32
      %dma_wait3A_464 = tpu.memref_slice %arg6[%add3A_164, %dma_wait3A_463] : memref<320000x128xf32, #tpu.memory_space<hbm>> -> memref<80x128xf32, #tpu.memory_space<hbm>>
      %dma_wait3A_465 = arith.constant 0 : i32
      %dma_wait3A_466 = tpu.memref_slice %arg6[%add3A_164, %dma_wait3A_465] : memref<320000x128xf32, #tpu.memory_space<hbm>> -> memref<80x128xf32, #tpu.memory_space<hbm>>
      %dma_wait3A_467 = arith.constant 0 : i32
      %dma_wait3A_468 = arith.constant 0 : i32
      %dma_wait3A_469 = tpu.memref_slice %arg11[%run_scoped3A_165, %dma_wait3A_467, %dma_wait3A_468] : memref<2x80x128xf32, #tpu.memory_space<vmem>> -> memref<1x80x128xf32, #tpu.memory_space<vmem>>
      %dma_wait3A_470 = tpu.memref_squeeze %dma_wait3A_469 : memref<1x80x128xf32, #tpu.memory_space<vmem>> -> memref<80x128xf32, #tpu.memory_space<vmem>>
      tpu.wait_dma2 semaphore(%run_scoped3A_446 : memref<!tpu.dma_semaphore, #tpu.memory_space<semaphore_mem>>) src(%dma_wait3A_470 : memref<80x128xf32, #tpu.memory_space<vmem>>) dst(%dma_wait3A_466 : memref<80x128xf32, #tpu.memory_space<hbm>>)
      tpu.yield
    }) : () -> ()
    %dma_start3A_166 = arith.constant 0 : i32
    %dma_start3A_167 = arith.constant 0 : i32
    %dma_start3A_168 = arith.constant 0 : i32
    %dma_start3A_169 = tpu.memref_slice %arg9[%dma_start3A_166, %dma_start3A_167, %dma_start3A_168] : memref<2x80x128xf32, #tpu.memory_space<vmem>> -> memref<1x80x128xf32, #tpu.memory_space<vmem>>
    %dma_start3A_170 = tpu.memref_squeeze %dma_start3A_169 : memref<1x80x128xf32, #tpu.memory_space<vmem>> -> memref<80x128xf32, #tpu.memory_space<vmem>>
    %dma_start3A_171 = arith.constant 320 : i32
    %dma_start3A_172 = tpu.memref_slice %arg7[%dma_start3A_171] : memref<10000xi32, #tpu.memory_space<vmem>> -> memref<80xi32, #tpu.memory_space<vmem>>
    %dma_start3A_173 = arith.constant 0 : i32
    %dma_start3A_174 = arith.constant 0 : i32
    %dma_start3A_175 = tpu.memref_slice %arg2[%dma_start3A_173, %dma_start3A_174] : memref<10000x128xf32, #tpu.memory_space<hbm>> -> memref<10000x128xf32, #tpu.memory_space<hbm>>
    tpu.enqueue_indirect_dma source(%dma_start3A_175 : memref<10000x128xf32, #tpu.memory_space<hbm>>) target(%dma_start3A_170 : memref<80x128xf32, #tpu.memory_space<vmem>>) offsets(%dma_start3A_172 : memref<80xi32, #tpu.memory_space<vmem>>) semaphore(%arg13 : memref<!tpu.dma_semaphore, #tpu.memory_space<semaphore_mem>>)
    %dma_start3A_176 = arith.constant 1 : i32
    %dma_start3A_177 = arith.constant 0 : i32
    %dma_start3A_178 = arith.constant 0 : i32
    %dma_start3A_179 = tpu.memref_slice %arg9[%dma_start3A_176, %dma_start3A_177, %dma_start3A_178] : memref<2x80x128xf32, #tpu.memory_space<vmem>> -> memref<1x80x128xf32, #tpu.memory_space<vmem>>
    %dma_start3A_180 = tpu.memref_squeeze %dma_start3A_179 : memref<1x80x128xf32, #tpu.memory_space<vmem>> -> memref<80x128xf32, #tpu.memory_space<vmem>>
    %dma_start3A_181 = arith.constant 320 : i32
    %dma_start3A_182 = tpu.memref_slice %arg8[%dma_start3A_181] : memref<10000xi32, #tpu.memory_space<vmem>> -> memref<80xi32, #tpu.memory_space<vmem>>
    %dma_start3A_183 = arith.constant 0 : i32
    %dma_start3A_184 = arith.constant 0 : i32
    %dma_start3A_185 = tpu.memref_slice %arg3[%dma_start3A_183, %dma_start3A_184] : memref<10000x128xf32, #tpu.memory_space<hbm>> -> memref<10000x128xf32, #tpu.memory_space<hbm>>
    tpu.enqueue_indirect_dma source(%dma_start3A_185 : memref<10000x128xf32, #tpu.memory_space<hbm>>) target(%dma_start3A_180 : memref<80x128xf32, #tpu.memory_space<vmem>>) offsets(%dma_start3A_182 : memref<80xi32, #tpu.memory_space<vmem>>) semaphore(%arg13 : memref<!tpu.dma_semaphore, #tpu.memory_space<semaphore_mem>>)
    %dma_wait3A_186 = arith.constant 0 : i32
    %dma_wait3A_187 = arith.constant 0 : i32
    %dma_wait3A_188 = arith.constant 0 : i32
    %dma_wait3A_189 = tpu.memref_slice %arg12[%dma_wait3A_186, %dma_wait3A_187, %dma_wait3A_188] : memref<2x80x128xf32, #tpu.memory_space<vmem>> -> memref<1x80x128xf32, #tpu.memory_space<vmem>>
    %dma_wait3A_190 = tpu.memref_squeeze %dma_wait3A_189 : memref<1x80x128xf32, #tpu.memory_space<vmem>> -> memref<80x128xf32, #tpu.memory_space<vmem>>
    %dma_wait3A_191 = arith.constant 0 : i32
    %dma_wait3A_192 = tpu.memref_slice %arg7[%dma_wait3A_191] : memref<10000xi32, #tpu.memory_space<vmem>> -> memref<80xi32, #tpu.memory_space<vmem>>
    %dma_wait3A_193 = arith.constant 0 : i32
    %dma_wait3A_194 = arith.constant 0 : i32
    %dma_wait3A_195 = tpu.memref_slice %arg2[%dma_wait3A_193, %dma_wait3A_194] : memref<10000x128xf32, #tpu.memory_space<hbm>> -> memref<10000x128xf32, #tpu.memory_space<hbm>>
    tpu.wait_indirect_dma semaphore(%arg16 : memref<!tpu.dma_semaphore, #tpu.memory_space<semaphore_mem>>) src(%dma_wait3A_195 : memref<10000x128xf32, #tpu.memory_space<hbm>>) dst(%dma_wait3A_190 : memref<80x128xf32, #tpu.memory_space<vmem>>)
    %dma_wait3A_196 = arith.constant 1 : i32
    %dma_wait3A_197 = arith.constant 0 : i32
    %dma_wait3A_198 = arith.constant 0 : i32
    %dma_wait3A_199 = tpu.memref_slice %arg12[%dma_wait3A_196, %dma_wait3A_197, %dma_wait3A_198] : memref<2x80x128xf32, #tpu.memory_space<vmem>> -> memref<1x80x128xf32, #tpu.memory_space<vmem>>
    %dma_wait3A_200 = tpu.memref_squeeze %dma_wait3A_199 : memref<1x80x128xf32, #tpu.memory_space<vmem>> -> memref<80x128xf32, #tpu.memory_space<vmem>>
    %dma_wait3A_201 = arith.constant 0 : i32
    %dma_wait3A_202 = tpu.memref_slice %arg8[%dma_wait3A_201] : memref<10000xi32, #tpu.memory_space<vmem>> -> memref<80xi32, #tpu.memory_space<vmem>>
    %dma_wait3A_203 = arith.constant 0 : i32
    %dma_wait3A_204 = arith.constant 0 : i32
    %dma_wait3A_205 = tpu.memref_slice %arg3[%dma_wait3A_203, %dma_wait3A_204] : memref<10000x128xf32, #tpu.memory_space<hbm>> -> memref<10000x128xf32, #tpu.memory_space<hbm>>
    tpu.wait_indirect_dma semaphore(%arg16 : memref<!tpu.dma_semaphore, #tpu.memory_space<semaphore_mem>>) src(%dma_wait3A_205 : memref<10000x128xf32, #tpu.memory_space<hbm>>) dst(%dma_wait3A_200 : memref<80x128xf32, #tpu.memory_space<vmem>>)
    %scan3A_206 = arith.constant 0 : i32
    %scan3A_207 = arith.constant 0 : i32
    %scan3A_208 = arith.constant 80 : i32
    %scan3A_209 = arith.addi %scan3A_207, %scan3A_208 : i32
    %scan3A_210 = arith.constant 1 : i32
    scf.for %scan3A_446 = %scan3A_207 to %scan3A_209 step %scan3A_210  : i32 {
      %get3A = arith.constant 0 : i32
      %get3A_447 = arith.index_cast %get3A : i32 to index
      %get3A_448 = arith.index_cast %scan3A_446 : i32 to index
      %get3A_449 = arith.constant 0 : index
      %get3A_450 = tpu.vector_load %arg12[%get3A_447, %get3A_448, %get3A_449] {strides = array<i32>} : memref<2x80x128xf32, #tpu.memory_space<vmem>>, vector<1x1x16xf32>,
      %get3A_451 = vector.shape_cast %get3A_450 : vector<1x1x16xf32> to vector<16xf32>
      %get3A_452 = arith.constant 1 : i32
      %get3A_453 = arith.index_cast %get3A_452 : i32 to index
      %get3A_454 = arith.index_cast %scan3A_446 : i32 to index
      %get3A_455 = arith.constant 0 : index
      %get3A_456 = tpu.vector_load %arg12[%get3A_453, %get3A_454, %get3A_455] {strides = array<i32>} : memref<2x80x128xf32, #tpu.memory_space<vmem>>, vector<1x1x16xf32>,
      %get3A_457 = vector.shape_cast %get3A_456 : vector<1x1x16xf32> to vector<16xf32>
      %add3A_458 = arith.addf %get3A_451, %get3A_457 : vector<16xf32>
      %swap3A = arith.constant 0 : i32
      %swap3A_459 = arith.index_cast %swap3A : i32 to index
      %swap3A_460 = arith.index_cast %scan3A_446 : i32 to index
      %swap3A_461 = arith.constant 0 : index
      %swap3A_462 = tpu.vector_load %arg12[%swap3A_459, %swap3A_460, %swap3A_461] {strides = array<i32>} : memref<2x80x128xf32, #tpu.memory_space<vmem>>, vector<1x1x16xf32>,
      %swap3A_463 = vector.shape_cast %swap3A_462 : vector<1x1x16xf32> to vector<16xf32>
      %swap3A_464 = vector.shape_cast %add3A_458 : vector<16xf32> to vector<1x1x16xf32>
      tpu.vector_store %arg12[%swap3A_459, %swap3A_460, %swap3A_461], %swap3A_464 {strides = array<i32>} : memref<2x80x128xf32, #tpu.memory_space<vmem>>, vector<1x1x16xf32>,
      %get3A_465 = arith.constant 0 : i32
      %get3A_466 = arith.index_cast %get3A_465 : i32 to index
      %get3A_467 = arith.index_cast %scan3A_446 : i32 to index
      %get3A_468 = arith.constant 16 : index
      %get3A_469 = tpu.vector_load %arg12[%get3A_466, %get3A_467, %get3A_468] {strides = array<i32>} : memref<2x80x128xf32, #tpu.memory_space<vmem>>, vector<1x1x16xf32>,
      %get3A_470 = vector.shape_cast %get3A_469 : vector<1x1x16xf32> to vector<16xf32>
      %get3A_471 = arith.constant 1 : i32
      %get3A_472 = arith.index_cast %get3A_471 : i32 to index
      %get3A_473 = arith.index_cast %scan3A_446 : i32 to index
      %get3A_474 = arith.constant 16 : index
      %get3A_475 = tpu.vector_load %arg12[%get3A_472, %get3A_473, %get3A_474] {strides = array<i32>} : memref<2x80x128xf32, #tpu.memory_space<vmem>>, vector<1x1x16xf32>,
      %get3A_476 = vector.shape_cast %get3A_475 : vector<1x1x16xf32> to vector<16xf32>
      %add3A_477 = arith.addf %get3A_470, %get3A_476 : vector<16xf32>
      %swap3A_478 = arith.constant 0 : i32
      %swap3A_479 = arith.index_cast %swap3A_478 : i32 to index
      %swap3A_480 = arith.index_cast %scan3A_446 : i32 to index
      %swap3A_481 = arith.constant 16 : index
      %swap3A_482 = tpu.vector_load %arg12[%swap3A_479, %swap3A_480, %swap3A_481] {strides = array<i32>} : memref<2x80x128xf32, #tpu.memory_space<vmem>>, vector<1x1x16xf32>,
      %swap3A_483 = vector.shape_cast %swap3A_482 : vector<1x1x16xf32> to vector<16xf32>
      %swap3A_484 = vector.shape_cast %add3A_477 : vector<16xf32> to vector<1x1x16xf32>
      tpu.vector_store %arg12[%swap3A_479, %swap3A_480, %swap3A_481], %swap3A_484 {strides = array<i32>} : memref<2x80x128xf32, #tpu.memory_space<vmem>>, vector<1x1x16xf32>,
      %get3A_485 = arith.constant 0 : i32
      %get3A_486 = arith.index_cast %get3A_485 : i32 to index
      %get3A_487 = arith.index_cast %scan3A_446 : i32 to index
      %get3A_488 = arith.constant 32 : index
      %get3A_489 = tpu.vector_load %arg12[%get3A_486, %get3A_487, %get3A_488] {strides = array<i32>} : memref<2x80x128xf32, #tpu.memory_space<vmem>>, vector<1x1x16xf32>,
      %get3A_490 = vector.shape_cast %get3A_489 : vector<1x1x16xf32> to vector<16xf32>
      %get3A_491 = arith.constant 1 : i32
      %get3A_492 = arith.index_cast %get3A_491 : i32 to index
      %get3A_493 = arith.index_cast %scan3A_446 : i32 to index
      %get3A_494 = arith.constant 32 : index
      %get3A_495 = tpu.vector_load %arg12[%get3A_492, %get3A_493, %get3A_494] {strides = array<i32>} : memref<2x80x128xf32, #tpu.memory_space<vmem>>, vector<1x1x16xf32>,
      %get3A_496 = vector.shape_cast %get3A_495 : vector<1x1x16xf32> to vector<16xf32>
      %add3A_497 = arith.addf %get3A_490, %get3A_496 : vector<16xf32>
      %swap3A_498 = arith.constant 0 : i32
      %swap3A_499 = arith.index_cast %swap3A_498 : i32 to index
      %swap3A_500 = arith.index_cast %scan3A_446 : i32 to index
      %swap3A_501 = arith.constant 32 : index
      %swap3A_502 = tpu.vector_load %arg12[%swap3A_499, %swap3A_500, %swap3A_501] {strides = array<i32>} : memref<2x80x128xf32, #tpu.memory_space<vmem>>, vector<1x1x16xf32>,
      %swap3A_503 = vector.shape_cast %swap3A_502 : vector<1x1x16xf32> to vector<16xf32>
      %swap3A_504 = vector.shape_cast %add3A_497 : vector<16xf32> to vector<1x1x16xf32>
      tpu.vector_store %arg12[%swap3A_499, %swap3A_500, %swap3A_501], %swap3A_504 {strides = array<i32>} : memref<2x80x128xf32, #tpu.memory_space<vmem>>, vector<1x1x16xf32>,
      %get3A_505 = arith.constant 0 : i32
      %get3A_506 = arith.index_cast %get3A_505 : i32 to index
      %get3A_507 = arith.index_cast %scan3A_446 : i32 to index
      %get3A_508 = arith.constant 48 : index
      %get3A_509 = tpu.vector_load %arg12[%get3A_506, %get3A_507, %get3A_508] {strides = array<i32>} : memref<2x80x128xf32, #tpu.memory_space<vmem>>, vector<1x1x16xf32>,
      %get3A_510 = vector.shape_cast %get3A_509 : vector<1x1x16xf32> to vector<16xf32>
      %get3A_511 = arith.constant 1 : i32
      %get3A_512 = arith.index_cast %get3A_511 : i32 to index
      %get3A_513 = arith.index_cast %scan3A_446 : i32 to index
      %get3A_514 = arith.constant 48 : index
      %get3A_515 = tpu.vector_load %arg12[%get3A_512, %get3A_513, %get3A_514] {strides = array<i32>} : memref<2x80x128xf32, #tpu.memory_space<vmem>>, vector<1x1x16xf32>,
      %get3A_516 = vector.shape_cast %get3A_515 : vector<1x1x16xf32> to vector<16xf32>
      %add3A_517 = arith.addf %get3A_510, %get3A_516 : vector<16xf32>
      %swap3A_518 = arith.constant 0 : i32
      %swap3A_519 = arith.index_cast %swap3A_518 : i32 to index
      %swap3A_520 = arith.index_cast %scan3A_446 : i32 to index
      %swap3A_521 = arith.constant 48 : index
      %swap3A_522 = tpu.vector_load %arg12[%swap3A_519, %swap3A_520, %swap3A_521] {strides = array<i32>} : memref<2x80x128xf32, #tpu.memory_space<vmem>>, vector<1x1x16xf32>,
      %swap3A_523 = vector.shape_cast %swap3A_522 : vector<1x1x16xf32> to vector<16xf32>
      %swap3A_524 = vector.shape_cast %add3A_517 : vector<16xf32> to vector<1x1x16xf32>
      tpu.vector_store %arg12[%swap3A_519, %swap3A_520, %swap3A_521], %swap3A_524 {strides = array<i32>} : memref<2x80x128xf32, #tpu.memory_space<vmem>>, vector<1x1x16xf32>,
      %get3A_525 = arith.constant 0 : i32
      %get3A_526 = arith.index_cast %get3A_525 : i32 to index
      %get3A_527 = arith.index_cast %scan3A_446 : i32 to index
      %get3A_528 = arith.constant 64 : index
      %get3A_529 = tpu.vector_load %arg12[%get3A_526, %get3A_527, %get3A_528] {strides = array<i32>} : memref<2x80x128xf32, #tpu.memory_space<vmem>>, vector<1x1x16xf32>,
      %get3A_530 = vector.shape_cast %get3A_529 : vector<1x1x16xf32> to vector<16xf32>
      %get3A_531 = arith.constant 1 : i32
      %get3A_532 = arith.index_cast %get3A_531 : i32 to index
      %get3A_533 = arith.index_cast %scan3A_446 : i32 to index
      %get3A_534 = arith.constant 64 : index
      %get3A_535 = tpu.vector_load %arg12[%get3A_532, %get3A_533, %get3A_534] {strides = array<i32>} : memref<2x80x128xf32, #tpu.memory_space<vmem>>, vector<1x1x16xf32>,
      %get3A_536 = vector.shape_cast %get3A_535 : vector<1x1x16xf32> to vector<16xf32>
      %add3A_537 = arith.addf %get3A_530, %get3A_536 : vector<16xf32>
      %swap3A_538 = arith.constant 0 : i32
      %swap3A_539 = arith.index_cast %swap3A_538 : i32 to index
      %swap3A_540 = arith.index_cast %scan3A_446 : i32 to index
      %swap3A_541 = arith.constant 64 : index
      %swap3A_542 = tpu.vector_load %arg12[%swap3A_539, %swap3A_540, %swap3A_541] {strides = array<i32>} : memref<2x80x128xf32, #tpu.memory_space<vmem>>, vector<1x1x16xf32>,
      %swap3A_543 = vector.shape_cast %swap3A_542 : vector<1x1x16xf32> to vector<16xf32>
      %swap3A_544 = vector.shape_cast %add3A_537 : vector<16xf32> to vector<1x1x16xf32>
      tpu.vector_store %arg12[%swap3A_539, %swap3A_540, %swap3A_541], %swap3A_544 {strides = array<i32>} : memref<2x80x128xf32, #tpu.memory_space<vmem>>, vector<1x1x16xf32>,
      %get3A_545 = arith.constant 0 : i32
      %get3A_546 = arith.index_cast %get3A_545 : i32 to index
      %get3A_547 = arith.index_cast %scan3A_446 : i32 to index
      %get3A_548 = arith.constant 80 : index
      %get3A_549 = tpu.vector_load %arg12[%get3A_546, %get3A_547, %get3A_548] {strides = array<i32>} : memref<2x80x128xf32, #tpu.memory_space<vmem>>, vector<1x1x16xf32>,
      %get3A_550 = vector.shape_cast %get3A_549 : vector<1x1x16xf32> to vector<16xf32>
      %get3A_551 = arith.constant 1 : i32
      %get3A_552 = arith.index_cast %get3A_551 : i32 to index
      %get3A_553 = arith.index_cast %scan3A_446 : i32 to index
      %get3A_554 = arith.constant 80 : index
      %get3A_555 = tpu.vector_load %arg12[%get3A_552, %get3A_553, %get3A_554] {strides = array<i32>} : memref<2x80x128xf32, #tpu.memory_space<vmem>>, vector<1x1x16xf32>,
      %get3A_556 = vector.shape_cast %get3A_555 : vector<1x1x16xf32> to vector<16xf32>
      %add3A_557 = arith.addf %get3A_550, %get3A_556 : vector<16xf32>
      %swap3A_558 = arith.constant 0 : i32
      %swap3A_559 = arith.index_cast %swap3A_558 : i32 to index
      %swap3A_560 = arith.index_cast %scan3A_446 : i32 to index
      %swap3A_561 = arith.constant 80 : index
      %swap3A_562 = tpu.vector_load %arg12[%swap3A_559, %swap3A_560, %swap3A_561] {strides = array<i32>} : memref<2x80x128xf32, #tpu.memory_space<vmem>>, vector<1x1x16xf32>,
      %swap3A_563 = vector.shape_cast %swap3A_562 : vector<1x1x16xf32> to vector<16xf32>
      %swap3A_564 = vector.shape_cast %add3A_557 : vector<16xf32> to vector<1x1x16xf32>
      tpu.vector_store %arg12[%swap3A_559, %swap3A_560, %swap3A_561], %swap3A_564 {strides = array<i32>} : memref<2x80x128xf32, #tpu.memory_space<vmem>>, vector<1x1x16xf32>,
      %get3A_565 = arith.constant 0 : i32
      %get3A_566 = arith.index_cast %get3A_565 : i32 to index
      %get3A_567 = arith.index_cast %scan3A_446 : i32 to index
      %get3A_568 = arith.constant 96 : index
      %get3A_569 = tpu.vector_load %arg12[%get3A_566, %get3A_567, %get3A_568] {strides = array<i32>} : memref<2x80x128xf32, #tpu.memory_space<vmem>>, vector<1x1x16xf32>,
      %get3A_570 = vector.shape_cast %get3A_569 : vector<1x1x16xf32> to vector<16xf32>
      %get3A_571 = arith.constant 1 : i32
      %get3A_572 = arith.index_cast %get3A_571 : i32 to index
      %get3A_573 = arith.index_cast %scan3A_446 : i32 to index
      %get3A_574 = arith.constant 96 : index
      %get3A_575 = tpu.vector_load %arg12[%get3A_572, %get3A_573, %get3A_574] {strides = array<i32>} : memref<2x80x128xf32, #tpu.memory_space<vmem>>, vector<1x1x16xf32>,
      %get3A_576 = vector.shape_cast %get3A_575 : vector<1x1x16xf32> to vector<16xf32>
      %add3A_577 = arith.addf %get3A_570, %get3A_576 : vector<16xf32>
      %swap3A_578 = arith.constant 0 : i32
      %swap3A_579 = arith.index_cast %swap3A_578 : i32 to index
      %swap3A_580 = arith.index_cast %scan3A_446 : i32 to index
      %swap3A_581 = arith.constant 96 : index
      %swap3A_582 = tpu.vector_load %arg12[%swap3A_579, %swap3A_580, %swap3A_581] {strides = array<i32>} : memref<2x80x128xf32, #tpu.memory_space<vmem>>, vector<1x1x16xf32>,
      %swap3A_583 = vector.shape_cast %swap3A_582 : vector<1x1x16xf32> to vector<16xf32>
      %swap3A_584 = vector.shape_cast %add3A_577 : vector<16xf32> to vector<1x1x16xf32>
      tpu.vector_store %arg12[%swap3A_579, %swap3A_580, %swap3A_581], %swap3A_584 {strides = array<i32>} : memref<2x80x128xf32, #tpu.memory_space<vmem>>, vector<1x1x16xf32>,
      %get3A_585 = arith.constant 0 : i32
      %get3A_586 = arith.index_cast %get3A_585 : i32 to index
      %get3A_587 = arith.index_cast %scan3A_446 : i32 to index
      %get3A_588 = arith.constant 112 : index
      %get3A_589 = tpu.vector_load %arg12[%get3A_586, %get3A_587, %get3A_588] {strides = array<i32>} : memref<2x80x128xf32, #tpu.memory_space<vmem>>, vector<1x1x16xf32>,
      %get3A_590 = vector.shape_cast %get3A_589 : vector<1x1x16xf32> to vector<16xf32>
      %get3A_591 = arith.constant 1 : i32
      %get3A_592 = arith.index_cast %get3A_591 : i32 to index
      %get3A_593 = arith.index_cast %scan3A_446 : i32 to index
      %get3A_594 = arith.constant 112 : index
      %get3A_595 = tpu.vector_load %arg12[%get3A_592, %get3A_593, %get3A_594] {strides = array<i32>} : memref<2x80x128xf32, #tpu.memory_space<vmem>>, vector<1x1x16xf32>,
      %get3A_596 = vector.shape_cast %get3A_595 : vector<1x1x16xf32> to vector<16xf32>
      %add3A_597 = arith.addf %get3A_590, %get3A_596 : vector<16xf32>
      %swap3A_598 = arith.constant 0 : i32
      %swap3A_599 = arith.index_cast %swap3A_598 : i32 to index
      %swap3A_600 = arith.index_cast %scan3A_446 : i32 to index
      %swap3A_601 = arith.constant 112 : index
      %swap3A_602 = tpu.vector_load %arg12[%swap3A_599, %swap3A_600, %swap3A_601] {strides = array<i32>} : memref<2x80x128xf32, #tpu.memory_space<vmem>>, vector<1x1x16xf32>,
      %swap3A_603 = vector.shape_cast %swap3A_602 : vector<1x1x16xf32> to vector<16xf32>
      %swap3A_604 = vector.shape_cast %add3A_597 : vector<16xf32> to vector<1x1x16xf32>
      tpu.vector_store %arg12[%swap3A_599, %swap3A_600, %swap3A_601], %swap3A_604 {strides = array<i32>} : memref<2x80x128xf32, #tpu.memory_space<vmem>>, vector<1x1x16xf32>,
    }
    %scan3A_211 = arith.constant 80 : i32
    %add3A_212 = arith.constant 240 : i32
    %add3A_213 = arith.addi %mul3A_2, %add3A_212 : i32
    %run_scoped3A_214 = arith.constant 0 : i32
    "tpu.region"() ({
      %run_scoped3A_446 = tpu.sem_alloc : memref<!tpu.dma_semaphore, #tpu.memory_space<semaphore_mem>>
      %dma_start3A_447 = arith.constant 0 : i32
      %dma_start3A_448 = arith.constant 0 : i32
      %dma_start3A_449 = tpu.memref_slice %arg12[%run_scoped3A_214, %dma_start3A_447, %dma_start3A_448] : memref<2x80x128xf32, #tpu.memory_space<vmem>> -> memref<1x80x128xf32, #tpu.memory_space<vmem>>
      %dma_start3A_450 = tpu.memref_squeeze %dma_start3A_449 : memref<1x80x128xf32, #tpu.memory_space<vmem>> -> memref<80x128xf32, #tpu.memory_space<vmem>>
      %dma_start3A_451 = arith.constant 0 : i32
      %dma_start3A_452 = tpu.memref_slice %arg6[%add3A_213, %dma_start3A_451] : memref<320000x128xf32, #tpu.memory_space<hbm>> -> memref<80x128xf32, #tpu.memory_space<hbm>>
      %dma_start3A_453 = arith.constant 0 : i32
      %dma_start3A_454 = tpu.memref_slice %arg6[%add3A_213, %dma_start3A_453] : memref<320000x128xf32, #tpu.memory_space<hbm>> -> memref<80x128xf32, #tpu.memory_space<hbm>>
      %dma_start3A_455 = arith.constant 0 : i32
      %dma_start3A_456 = arith.constant 0 : i32
      %dma_start3A_457 = tpu.memref_slice %arg12[%run_scoped3A_214, %dma_start3A_455, %dma_start3A_456] : memref<2x80x128xf32, #tpu.memory_space<vmem>> -> memref<1x80x128xf32, #tpu.memory_space<vmem>>
      %dma_start3A_458 = tpu.memref_squeeze %dma_start3A_457 : memref<1x80x128xf32, #tpu.memory_space<vmem>> -> memref<80x128xf32, #tpu.memory_space<vmem>>
      tpu.enqueue_dma source(%dma_start3A_458 : memref<80x128xf32, #tpu.memory_space<vmem>>) target(%dma_start3A_454 : memref<80x128xf32, #tpu.memory_space<hbm>>) target_semaphore(%run_scoped3A_446 : memref<!tpu.dma_semaphore, #tpu.memory_space<semaphore_mem>>)
      %dma_wait3A_459 = arith.constant 0 : i32
      %dma_wait3A_460 = arith.constant 0 : i32
      %dma_wait3A_461 = tpu.memref_slice %arg12[%run_scoped3A_214, %dma_wait3A_459, %dma_wait3A_460] : memref<2x80x128xf32, #tpu.memory_space<vmem>> -> memref<1x80x128xf32, #tpu.memory_space<vmem>>
      %dma_wait3A_462 = tpu.memref_squeeze %dma_wait3A_461 : memref<1x80x128xf32, #tpu.memory_space<vmem>> -> memref<80x128xf32, #tpu.memory_space<vmem>>
      %dma_wait3A_463 = arith.constant 0 : i32
      %dma_wait3A_464 = tpu.memref_slice %arg6[%add3A_213, %dma_wait3A_463] : memref<320000x128xf32, #tpu.memory_space<hbm>> -> memref<80x128xf32, #tpu.memory_space<hbm>>
      %dma_wait3A_465 = arith.constant 0 : i32
      %dma_wait3A_466 = tpu.memref_slice %arg6[%add3A_213, %dma_wait3A_465] : memref<320000x128xf32, #tpu.memory_space<hbm>> -> memref<80x128xf32, #tpu.memory_space<hbm>>
      %dma_wait3A_467 = arith.constant 0 : i32
      %dma_wait3A_468 = arith.constant 0 : i32
      %dma_wait3A_469 = tpu.memref_slice %arg12[%run_scoped3A_214, %dma_wait3A_467, %dma_wait3A_468] : memref<2x80x128xf32, #tpu.memory_space<vmem>> -> memref<1x80x128xf32, #tpu.memory_space<vmem>>
      %dma_wait3A_470 = tpu.memref_squeeze %dma_wait3A_469 : memref<1x80x128xf32, #tpu.memory_space<vmem>> -> memref<80x128xf32, #tpu.memory_space<vmem>>
      tpu.wait_dma2 semaphore(%run_scoped3A_446 : memref<!tpu.dma_semaphore, #tpu.memory_space<semaphore_mem>>) src(%dma_wait3A_470 : memref<80x128xf32, #tpu.memory_space<vmem>>) dst(%dma_wait3A_466 : memref<80x128xf32, #tpu.memory_space<hbm>>)
      tpu.yield
    }) : () -> ()
    %dma_start3A_215 = arith.constant 0 : i32
    %dma_start3A_216 = arith.constant 0 : i32
    %dma_start3A_217 = arith.constant 0 : i32
    %dma_start3A_218 = tpu.memref_slice %arg10[%dma_start3A_215, %dma_start3A_216, %dma_start3A_217] : memref<2x80x128xf32, #tpu.memory_space<vmem>> -> memref<1x80x128xf32, #tpu.memory_space<vmem>>
    %dma_start3A_219 = tpu.memref_squeeze %dma_start3A_218 : memref<1x80x128xf32, #tpu.memory_space<vmem>> -> memref<80x128xf32, #tpu.memory_space<vmem>>
    %dma_start3A_220 = arith.constant 400 : i32
    %dma_start3A_221 = tpu.memref_slice %arg7[%dma_start3A_220] : memref<10000xi32, #tpu.memory_space<vmem>> -> memref<80xi32, #tpu.memory_space<vmem>>
    %dma_start3A_222 = arith.constant 0 : i32
    %dma_start3A_223 = arith.constant 0 : i32
    %dma_start3A_224 = tpu.memref_slice %arg2[%dma_start3A_222, %dma_start3A_223] : memref<10000x128xf32, #tpu.memory_space<hbm>> -> memref<10000x128xf32, #tpu.memory_space<hbm>>
    tpu.enqueue_indirect_dma source(%dma_start3A_224 : memref<10000x128xf32, #tpu.memory_space<hbm>>) target(%dma_start3A_219 : memref<80x128xf32, #tpu.memory_space<vmem>>) offsets(%dma_start3A_221 : memref<80xi32, #tpu.memory_space<vmem>>) semaphore(%arg14 : memref<!tpu.dma_semaphore, #tpu.memory_space<semaphore_mem>>)
    %dma_start3A_225 = arith.constant 1 : i32
    %dma_start3A_226 = arith.constant 0 : i32
    %dma_start3A_227 = arith.constant 0 : i32
    %dma_start3A_228 = tpu.memref_slice %arg10[%dma_start3A_225, %dma_start3A_226, %dma_start3A_227] : memref<2x80x128xf32, #tpu.memory_space<vmem>> -> memref<1x80x128xf32, #tpu.memory_space<vmem>>
    %dma_start3A_229 = tpu.memref_squeeze %dma_start3A_228 : memref<1x80x128xf32, #tpu.memory_space<vmem>> -> memref<80x128xf32, #tpu.memory_space<vmem>>
    %dma_start3A_230 = arith.constant 400 : i32
    %dma_start3A_231 = tpu.memref_slice %arg8[%dma_start3A_230] : memref<10000xi32, #tpu.memory_space<vmem>> -> memref<80xi32, #tpu.memory_space<vmem>>
    %dma_start3A_232 = arith.constant 0 : i32
    %dma_start3A_233 = arith.constant 0 : i32
    %dma_start3A_234 = tpu.memref_slice %arg3[%dma_start3A_232, %dma_start3A_233] : memref<10000x128xf32, #tpu.memory_space<hbm>> -> memref<10000x128xf32, #tpu.memory_space<hbm>>
    tpu.enqueue_indirect_dma source(%dma_start3A_234 : memref<10000x128xf32, #tpu.memory_space<hbm>>) target(%dma_start3A_229 : memref<80x128xf32, #tpu.memory_space<vmem>>) offsets(%dma_start3A_231 : memref<80xi32, #tpu.memory_space<vmem>>) semaphore(%arg14 : memref<!tpu.dma_semaphore, #tpu.memory_space<semaphore_mem>>)
    %scan3A_235 = arith.constant 0 : i32
    %scan3A_236 = arith.constant 1 : i32
    %scan3A_237 = arith.constant 29 : i32
    %scan3A_238 = arith.addi %scan3A_236, %scan3A_237 : i32
    %scan3A_239 = arith.constant 1 : i32
    scf.for %scan3A_446 = %scan3A_236 to %scan3A_238 step %scan3A_239  : i32 {
      %mul3A_447 = arith.constant 4 : i32
      %mul3A_448 = arith.muli %mul3A_447, %scan3A_446 : i32
      %dma_wait3A_449 = arith.constant 0 : i32
      %dma_wait3A_450 = arith.constant 0 : i32
      %dma_wait3A_451 = arith.constant 0 : i32
      %dma_wait3A_452 = tpu.memref_slice %arg9[%dma_wait3A_449, %dma_wait3A_450, %dma_wait3A_451] : memref<2x80x128xf32, #tpu.memory_space<vmem>> -> memref<1x80x128xf32, #tpu.memory_space<vmem>>
      %dma_wait3A_453 = tpu.memref_squeeze %dma_wait3A_452 : memref<1x80x128xf32, #tpu.memory_space<vmem>> -> memref<80x128xf32, #tpu.memory_space<vmem>>
      %dma_wait3A_454 = arith.constant 0 : i32
      %dma_wait3A_455 = tpu.memref_slice %arg7[%dma_wait3A_454] : memref<10000xi32, #tpu.memory_space<vmem>> -> memref<80xi32, #tpu.memory_space<vmem>>
      %dma_wait3A_456 = arith.constant 0 : i32
      %dma_wait3A_457 = arith.constant 0 : i32
      %dma_wait3A_458 = tpu.memref_slice %arg2[%dma_wait3A_456, %dma_wait3A_457] : memref<10000x128xf32, #tpu.memory_space<hbm>> -> memref<10000x128xf32, #tpu.memory_space<hbm>>
      tpu.wait_indirect_dma semaphore(%arg13 : memref<!tpu.dma_semaphore, #tpu.memory_space<semaphore_mem>>) src(%dma_wait3A_458 : memref<10000x128xf32, #tpu.memory_space<hbm>>) dst(%dma_wait3A_453 : memref<80x128xf32, #tpu.memory_space<vmem>>)
      %dma_wait3A_459 = arith.constant 1 : i32
      %dma_wait3A_460 = arith.constant 0 : i32
      %dma_wait3A_461 = arith.constant 0 : i32
      %dma_wait3A_462 = tpu.memref_slice %arg9[%dma_wait3A_459, %dma_wait3A_460, %dma_wait3A_461] : memref<2x80x128xf32, #tpu.memory_space<vmem>> -> memref<1x80x128xf32, #tpu.memory_space<vmem>>
      %dma_wait3A_463 = tpu.memref_squeeze %dma_wait3A_462 : memref<1x80x128xf32, #tpu.memory_space<vmem>> -> memref<80x128xf32, #tpu.memory_space<vmem>>
      %dma_wait3A_464 = arith.constant 0 : i32
      %dma_wait3A_465 = tpu.memref_slice %arg8[%dma_wait3A_464] : memref<10000xi32, #tpu.memory_space<vmem>> -> memref<80xi32, #tpu.memory_space<vmem>>
      %dma_wait3A_466 = arith.constant 0 : i32
      %dma_wait3A_467 = arith.constant 0 : i32
      %dma_wait3A_468 = tpu.memref_slice %arg3[%dma_wait3A_466, %dma_wait3A_467] : memref<10000x128xf32, #tpu.memory_space<hbm>> -> memref<10000x128xf32, #tpu.memory_space<hbm>>
      tpu.wait_indirect_dma semaphore(%arg13 : memref<!tpu.dma_semaphore, #tpu.memory_space<semaphore_mem>>) src(%dma_wait3A_468 : memref<10000x128xf32, #tpu.memory_space<hbm>>) dst(%dma_wait3A_463 : memref<80x128xf32, #tpu.memory_space<vmem>>)
      %scan3A_469 = arith.constant 0 : i32
      %scan3A_470 = arith.constant 0 : i32
      %scan3A_471 = arith.constant 80 : i32
      %scan3A_472 = arith.addi %scan3A_470, %scan3A_471 : i32
      %scan3A_473 = arith.constant 1 : i32
      scf.for %scan3A_681 = %scan3A_470 to %scan3A_472 step %scan3A_473  : i32 {
        %get3A = arith.constant 0 : i32
        %get3A_682 = arith.index_cast %get3A : i32 to index
        %get3A_683 = arith.index_cast %scan3A_681 : i32 to index
        %get3A_684 = arith.constant 0 : index
        %get3A_685 = tpu.vector_load %arg9[%get3A_682, %get3A_683, %get3A_684] {strides = array<i32>} : memref<2x80x128xf32, #tpu.memory_space<vmem>>, vector<1x1x16xf32>,
        %get3A_686 = vector.shape_cast %get3A_685 : vector<1x1x16xf32> to vector<16xf32>
        %get3A_687 = arith.constant 1 : i32
        %get3A_688 = arith.index_cast %get3A_687 : i32 to index
        %get3A_689 = arith.index_cast %scan3A_681 : i32 to index
        %get3A_690 = arith.constant 0 : index
        %get3A_691 = tpu.vector_load %arg9[%get3A_688, %get3A_689, %get3A_690] {strides = array<i32>} : memref<2x80x128xf32, #tpu.memory_space<vmem>>, vector<1x1x16xf32>,
        %get3A_692 = vector.shape_cast %get3A_691 : vector<1x1x16xf32> to vector<16xf32>
        %add3A_693 = arith.addf %get3A_686, %get3A_692 : vector<16xf32>
        %swap3A = arith.constant 0 : i32
        %swap3A_694 = arith.index_cast %swap3A : i32 to index
        %swap3A_695 = arith.index_cast %scan3A_681 : i32 to index
        %swap3A_696 = arith.constant 0 : index
        %swap3A_697 = tpu.vector_load %arg9[%swap3A_694, %swap3A_695, %swap3A_696] {strides = array<i32>} : memref<2x80x128xf32, #tpu.memory_space<vmem>>, vector<1x1x16xf32>,
        %swap3A_698 = vector.shape_cast %swap3A_697 : vector<1x1x16xf32> to vector<16xf32>
        %swap3A_699 = vector.shape_cast %add3A_693 : vector<16xf32> to vector<1x1x16xf32>
        tpu.vector_store %arg9[%swap3A_694, %swap3A_695, %swap3A_696], %swap3A_699 {strides = array<i32>} : memref<2x80x128xf32, #tpu.memory_space<vmem>>, vector<1x1x16xf32>,
        %get3A_700 = arith.constant 0 : i32
        %get3A_701 = arith.index_cast %get3A_700 : i32 to index
        %get3A_702 = arith.index_cast %scan3A_681 : i32 to index
        %get3A_703 = arith.constant 16 : index
        %get3A_704 = tpu.vector_load %arg9[%get3A_701, %get3A_702, %get3A_703] {strides = array<i32>} : memref<2x80x128xf32, #tpu.memory_space<vmem>>, vector<1x1x16xf32>,
        %get3A_705 = vector.shape_cast %get3A_704 : vector<1x1x16xf32> to vector<16xf32>
        %get3A_706 = arith.constant 1 : i32
        %get3A_707 = arith.index_cast %get3A_706 : i32 to index
        %get3A_708 = arith.index_cast %scan3A_681 : i32 to index
        %get3A_709 = arith.constant 16 : index
        %get3A_710 = tpu.vector_load %arg9[%get3A_707, %get3A_708, %get3A_709] {strides = array<i32>} : memref<2x80x128xf32, #tpu.memory_space<vmem>>, vector<1x1x16xf32>,
        %get3A_711 = vector.shape_cast %get3A_710 : vector<1x1x16xf32> to vector<16xf32>
        %add3A_712 = arith.addf %get3A_705, %get3A_711 : vector<16xf32>
        %swap3A_713 = arith.constant 0 : i32
        %swap3A_714 = arith.index_cast %swap3A_713 : i32 to index
        %swap3A_715 = arith.index_cast %scan3A_681 : i32 to index
        %swap3A_716 = arith.constant 16 : index
        %swap3A_717 = tpu.vector_load %arg9[%swap3A_714, %swap3A_715, %swap3A_716] {strides = array<i32>} : memref<2x80x128xf32, #tpu.memory_space<vmem>>, vector<1x1x16xf32>,
        %swap3A_718 = vector.shape_cast %swap3A_717 : vector<1x1x16xf32> to vector<16xf32>
        %swap3A_719 = vector.shape_cast %add3A_712 : vector<16xf32> to vector<1x1x16xf32>
        tpu.vector_store %arg9[%swap3A_714, %swap3A_715, %swap3A_716], %swap3A_719 {strides = array<i32>} : memref<2x80x128xf32, #tpu.memory_space<vmem>>, vector<1x1x16xf32>,
        %get3A_720 = arith.constant 0 : i32
        %get3A_721 = arith.index_cast %get3A_720 : i32 to index
        %get3A_722 = arith.index_cast %scan3A_681 : i32 to index
        %get3A_723 = arith.constant 32 : index
        %get3A_724 = tpu.vector_load %arg9[%get3A_721, %get3A_722, %get3A_723] {strides = array<i32>} : memref<2x80x128xf32, #tpu.memory_space<vmem>>, vector<1x1x16xf32>,
        %get3A_725 = vector.shape_cast %get3A_724 : vector<1x1x16xf32> to vector<16xf32>
        %get3A_726 = arith.constant 1 : i32
        %get3A_727 = arith.index_cast %get3A_726 : i32 to index
        %get3A_728 = arith.index_cast %scan3A_681 : i32 to index
        %get3A_729 = arith.constant 32 : index
        %get3A_730 = tpu.vector_load %arg9[%get3A_727, %get3A_728, %get3A_729] {strides = array<i32>} : memref<2x80x128xf32, #tpu.memory_space<vmem>>, vector<1x1x16xf32>,
        %get3A_731 = vector.shape_cast %get3A_730 : vector<1x1x16xf32> to vector<16xf32>
        %add3A_732 = arith.addf %get3A_725, %get3A_731 : vector<16xf32>
        %swap3A_733 = arith.constant 0 : i32
        %swap3A_734 = arith.index_cast %swap3A_733 : i32 to index
        %swap3A_735 = arith.index_cast %scan3A_681 : i32 to index
        %swap3A_736 = arith.constant 32 : index
        %swap3A_737 = tpu.vector_load %arg9[%swap3A_734, %swap3A_735, %swap3A_736] {strides = array<i32>} : memref<2x80x128xf32, #tpu.memory_space<vmem>>, vector<1x1x16xf32>,
        %swap3A_738 = vector.shape_cast %swap3A_737 : vector<1x1x16xf32> to vector<16xf32>
        %swap3A_739 = vector.shape_cast %add3A_732 : vector<16xf32> to vector<1x1x16xf32>
        tpu.vector_store %arg9[%swap3A_734, %swap3A_735, %swap3A_736], %swap3A_739 {strides = array<i32>} : memref<2x80x128xf32, #tpu.memory_space<vmem>>, vector<1x1x16xf32>,
        %get3A_740 = arith.constant 0 : i32
        %get3A_741 = arith.index_cast %get3A_740 : i32 to index
        %get3A_742 = arith.index_cast %scan3A_681 : i32 to index
        %get3A_743 = arith.constant 48 : index
        %get3A_744 = tpu.vector_load %arg9[%get3A_741, %get3A_742, %get3A_743] {strides = array<i32>} : memref<2x80x128xf32, #tpu.memory_space<vmem>>, vector<1x1x16xf32>,
        %get3A_745 = vector.shape_cast %get3A_744 : vector<1x1x16xf32> to vector<16xf32>
        %get3A_746 = arith.constant 1 : i32
        %get3A_747 = arith.index_cast %get3A_746 : i32 to index
        %get3A_748 = arith.index_cast %scan3A_681 : i32 to index
        %get3A_749 = arith.constant 48 : index
        %get3A_750 = tpu.vector_load %arg9[%get3A_747, %get3A_748, %get3A_749] {strides = array<i32>} : memref<2x80x128xf32, #tpu.memory_space<vmem>>, vector<1x1x16xf32>,
        %get3A_751 = vector.shape_cast %get3A_750 : vector<1x1x16xf32> to vector<16xf32>
        %add3A_752 = arith.addf %get3A_745, %get3A_751 : vector<16xf32>
        %swap3A_753 = arith.constant 0 : i32
        %swap3A_754 = arith.index_cast %swap3A_753 : i32 to index
        %swap3A_755 = arith.index_cast %scan3A_681 : i32 to index
        %swap3A_756 = arith.constant 48 : index
        %swap3A_757 = tpu.vector_load %arg9[%swap3A_754, %swap3A_755, %swap3A_756] {strides = array<i32>} : memref<2x80x128xf32, #tpu.memory_space<vmem>>, vector<1x1x16xf32>,
        %swap3A_758 = vector.shape_cast %swap3A_757 : vector<1x1x16xf32> to vector<16xf32>
        %swap3A_759 = vector.shape_cast %add3A_752 : vector<16xf32> to vector<1x1x16xf32>
        tpu.vector_store %arg9[%swap3A_754, %swap3A_755, %swap3A_756], %swap3A_759 {strides = array<i32>} : memref<2x80x128xf32, #tpu.memory_space<vmem>>, vector<1x1x16xf32>,
        %get3A_760 = arith.constant 0 : i32
        %get3A_761 = arith.index_cast %get3A_760 : i32 to index
        %get3A_762 = arith.index_cast %scan3A_681 : i32 to index
        %get3A_763 = arith.constant 64 : index
        %get3A_764 = tpu.vector_load %arg9[%get3A_761, %get3A_762, %get3A_763] {strides = array<i32>} : memref<2x80x128xf32, #tpu.memory_space<vmem>>, vector<1x1x16xf32>,
        %get3A_765 = vector.shape_cast %get3A_764 : vector<1x1x16xf32> to vector<16xf32>
        %get3A_766 = arith.constant 1 : i32
        %get3A_767 = arith.index_cast %get3A_766 : i32 to index
        %get3A_768 = arith.index_cast %scan3A_681 : i32 to index
        %get3A_769 = arith.constant 64 : index
        %get3A_770 = tpu.vector_load %arg9[%get3A_767, %get3A_768, %get3A_769] {strides = array<i32>} : memref<2x80x128xf32, #tpu.memory_space<vmem>>, vector<1x1x16xf32>,
        %get3A_771 = vector.shape_cast %get3A_770 : vector<1x1x16xf32> to vector<16xf32>
        %add3A_772 = arith.addf %get3A_765, %get3A_771 : vector<16xf32>
        %swap3A_773 = arith.constant 0 : i32
        %swap3A_774 = arith.index_cast %swap3A_773 : i32 to index
        %swap3A_775 = arith.index_cast %scan3A_681 : i32 to index
        %swap3A_776 = arith.constant 64 : index
        %swap3A_777 = tpu.vector_load %arg9[%swap3A_774, %swap3A_775, %swap3A_776] {strides = array<i32>} : memref<2x80x128xf32, #tpu.memory_space<vmem>>, vector<1x1x16xf32>,
        %swap3A_778 = vector.shape_cast %swap3A_777 : vector<1x1x16xf32> to vector<16xf32>
        %swap3A_779 = vector.shape_cast %add3A_772 : vector<16xf32> to vector<1x1x16xf32>
        tpu.vector_store %arg9[%swap3A_774, %swap3A_775, %swap3A_776], %swap3A_779 {strides = array<i32>} : memref<2x80x128xf32, #tpu.memory_space<vmem>>, vector<1x1x16xf32>,
        %get3A_780 = arith.constant 0 : i32
        %get3A_781 = arith.index_cast %get3A_780 : i32 to index
        %get3A_782 = arith.index_cast %scan3A_681 : i32 to index
        %get3A_783 = arith.constant 80 : index
        %get3A_784 = tpu.vector_load %arg9[%get3A_781, %get3A_782, %get3A_783] {strides = array<i32>} : memref<2x80x128xf32, #tpu.memory_space<vmem>>, vector<1x1x16xf32>,
        %get3A_785 = vector.shape_cast %get3A_784 : vector<1x1x16xf32> to vector<16xf32>
        %get3A_786 = arith.constant 1 : i32
        %get3A_787 = arith.index_cast %get3A_786 : i32 to index
        %get3A_788 = arith.index_cast %scan3A_681 : i32 to index
        %get3A_789 = arith.constant 80 : index
        %get3A_790 = tpu.vector_load %arg9[%get3A_787, %get3A_788, %get3A_789] {strides = array<i32>} : memref<2x80x128xf32, #tpu.memory_space<vmem>>, vector<1x1x16xf32>,
        %get3A_791 = vector.shape_cast %get3A_790 : vector<1x1x16xf32> to vector<16xf32>
        %add3A_792 = arith.addf %get3A_785, %get3A_791 : vector<16xf32>
        %swap3A_793 = arith.constant 0 : i32
        %swap3A_794 = arith.index_cast %swap3A_793 : i32 to index
        %swap3A_795 = arith.index_cast %scan3A_681 : i32 to index
        %swap3A_796 = arith.constant 80 : index
        %swap3A_797 = tpu.vector_load %arg9[%swap3A_794, %swap3A_795, %swap3A_796] {strides = array<i32>} : memref<2x80x128xf32, #tpu.memory_space<vmem>>, vector<1x1x16xf32>,
        %swap3A_798 = vector.shape_cast %swap3A_797 : vector<1x1x16xf32> to vector<16xf32>
        %swap3A_799 = vector.shape_cast %add3A_792 : vector<16xf32> to vector<1x1x16xf32>
        tpu.vector_store %arg9[%swap3A_794, %swap3A_795, %swap3A_796], %swap3A_799 {strides = array<i32>} : memref<2x80x128xf32, #tpu.memory_space<vmem>>, vector<1x1x16xf32>,
        %get3A_800 = arith.constant 0 : i32
        %get3A_801 = arith.index_cast %get3A_800 : i32 to index
        %get3A_802 = arith.index_cast %scan3A_681 : i32 to index
        %get3A_803 = arith.constant 96 : index
        %get3A_804 = tpu.vector_load %arg9[%get3A_801, %get3A_802, %get3A_803] {strides = array<i32>} : memref<2x80x128xf32, #tpu.memory_space<vmem>>, vector<1x1x16xf32>,
        %get3A_805 = vector.shape_cast %get3A_804 : vector<1x1x16xf32> to vector<16xf32>
        %get3A_806 = arith.constant 1 : i32
        %get3A_807 = arith.index_cast %get3A_806 : i32 to index
        %get3A_808 = arith.index_cast %scan3A_681 : i32 to index
        %get3A_809 = arith.constant 96 : index
        %get3A_810 = tpu.vector_load %arg9[%get3A_807, %get3A_808, %get3A_809] {strides = array<i32>} : memref<2x80x128xf32, #tpu.memory_space<vmem>>, vector<1x1x16xf32>,
        %get3A_811 = vector.shape_cast %get3A_810 : vector<1x1x16xf32> to vector<16xf32>
        %add3A_812 = arith.addf %get3A_805, %get3A_811 : vector<16xf32>
        %swap3A_813 = arith.constant 0 : i32
        %swap3A_814 = arith.index_cast %swap3A_813 : i32 to index
        %swap3A_815 = arith.index_cast %scan3A_681 : i32 to index
        %swap3A_816 = arith.constant 96 : index
        %swap3A_817 = tpu.vector_load %arg9[%swap3A_814, %swap3A_815, %swap3A_816] {strides = array<i32>} : memref<2x80x128xf32, #tpu.memory_space<vmem>>, vector<1x1x16xf32>,
        %swap3A_818 = vector.shape_cast %swap3A_817 : vector<1x1x16xf32> to vector<16xf32>
        %swap3A_819 = vector.shape_cast %add3A_812 : vector<16xf32> to vector<1x1x16xf32>
        tpu.vector_store %arg9[%swap3A_814, %swap3A_815, %swap3A_816], %swap3A_819 {strides = array<i32>} : memref<2x80x128xf32, #tpu.memory_space<vmem>>, vector<1x1x16xf32>,
        %get3A_820 = arith.constant 0 : i32
        %get3A_821 = arith.index_cast %get3A_820 : i32 to index
        %get3A_822 = arith.index_cast %scan3A_681 : i32 to index
        %get3A_823 = arith.constant 112 : index
        %get3A_824 = tpu.vector_load %arg9[%get3A_821, %get3A_822, %get3A_823] {strides = array<i32>} : memref<2x80x128xf32, #tpu.memory_space<vmem>>, vector<1x1x16xf32>,
        %get3A_825 = vector.shape_cast %get3A_824 : vector<1x1x16xf32> to vector<16xf32>
        %get3A_826 = arith.constant 1 : i32
        %get3A_827 = arith.index_cast %get3A_826 : i32 to index
        %get3A_828 = arith.index_cast %scan3A_681 : i32 to index
        %get3A_829 = arith.constant 112 : index
        %get3A_830 = tpu.vector_load %arg9[%get3A_827, %get3A_828, %get3A_829] {strides = array<i32>} : memref<2x80x128xf32, #tpu.memory_space<vmem>>, vector<1x1x16xf32>,
        %get3A_831 = vector.shape_cast %get3A_830 : vector<1x1x16xf32> to vector<16xf32>
        %add3A_832 = arith.addf %get3A_825, %get3A_831 : vector<16xf32>
        %swap3A_833 = arith.constant 0 : i32
        %swap3A_834 = arith.index_cast %swap3A_833 : i32 to index
        %swap3A_835 = arith.index_cast %scan3A_681 : i32 to index
        %swap3A_836 = arith.constant 112 : index
        %swap3A_837 = tpu.vector_load %arg9[%swap3A_834, %swap3A_835, %swap3A_836] {strides = array<i32>} : memref<2x80x128xf32, #tpu.memory_space<vmem>>, vector<1x1x16xf32>,
        %swap3A_838 = vector.shape_cast %swap3A_837 : vector<1x1x16xf32> to vector<16xf32>
        %swap3A_839 = vector.shape_cast %add3A_832 : vector<16xf32> to vector<1x1x16xf32>
        tpu.vector_store %arg9[%swap3A_834, %swap3A_835, %swap3A_836], %swap3A_839 {strides = array<i32>} : memref<2x80x128xf32, #tpu.memory_space<vmem>>, vector<1x1x16xf32>,
      }
      %scan3A_474 = arith.constant 80 : i32
      %add3A_475 = arith.constant 0 : i32
      %add3A_476 = arith.addi %mul3A_448, %add3A_475 : i32
      %mul3A_477 = arith.constant 80 : i32
      %mul3A_478 = arith.muli %add3A_476, %mul3A_477 : i32
      %add3A_479 = arith.addi %mul3A_2, %mul3A_478 : i32
      %run_scoped3A_480 = arith.constant 0 : i32
      "tpu.region"() ({
        %run_scoped3A_681 = tpu.sem_alloc : memref<!tpu.dma_semaphore, #tpu.memory_space<semaphore_mem>>
        %dma_start3A_682 = arith.constant 0 : i32
        %dma_start3A_683 = arith.constant 0 : i32
        %dma_start3A_684 = tpu.memref_slice %arg9[%run_scoped3A_480, %dma_start3A_682, %dma_start3A_683] : memref<2x80x128xf32, #tpu.memory_space<vmem>> -> memref<1x80x128xf32, #tpu.memory_space<vmem>>
        %dma_start3A_685 = tpu.memref_squeeze %dma_start3A_684 : memref<1x80x128xf32, #tpu.memory_space<vmem>> -> memref<80x128xf32, #tpu.memory_space<vmem>>
        %dma_start3A_686 = arith.constant 0 : i32
        %dma_start3A_687 = tpu.memref_slice %arg6[%add3A_479, %dma_start3A_686] : memref<320000x128xf32, #tpu.memory_space<hbm>> -> memref<80x128xf32, #tpu.memory_space<hbm>>
        %dma_start3A_688 = arith.constant 0 : i32
        %dma_start3A_689 = tpu.memref_slice %arg6[%add3A_479, %dma_start3A_688] : memref<320000x128xf32, #tpu.memory_space<hbm>> -> memref<80x128xf32, #tpu.memory_space<hbm>>
        %dma_start3A_690 = arith.constant 0 : i32
        %dma_start3A_691 = arith.constant 0 : i32
        %dma_start3A_692 = tpu.memref_slice %arg9[%run_scoped3A_480, %dma_start3A_690, %dma_start3A_691] : memref<2x80x128xf32, #tpu.memory_space<vmem>> -> memref<1x80x128xf32, #tpu.memory_space<vmem>>
        %dma_start3A_693 = tpu.memref_squeeze %dma_start3A_692 : memref<1x80x128xf32, #tpu.memory_space<vmem>> -> memref<80x128xf32, #tpu.memory_space<vmem>>
        tpu.enqueue_dma source(%dma_start3A_693 : memref<80x128xf32, #tpu.memory_space<vmem>>) target(%dma_start3A_689 : memref<80x128xf32, #tpu.memory_space<hbm>>) target_semaphore(%run_scoped3A_681 : memref<!tpu.dma_semaphore, #tpu.memory_space<semaphore_mem>>)
        %dma_wait3A_694 = arith.constant 0 : i32
        %dma_wait3A_695 = arith.constant 0 : i32
        %dma_wait3A_696 = tpu.memref_slice %arg9[%run_scoped3A_480, %dma_wait3A_694, %dma_wait3A_695] : memref<2x80x128xf32, #tpu.memory_space<vmem>> -> memref<1x80x128xf32, #tpu.memory_space<vmem>>
        %dma_wait3A_697 = tpu.memref_squeeze %dma_wait3A_696 : memref<1x80x128xf32, #tpu.memory_space<vmem>> -> memref<80x128xf32, #tpu.memory_space<vmem>>
        %dma_wait3A_698 = arith.constant 0 : i32
        %dma_wait3A_699 = tpu.memref_slice %arg6[%add3A_479, %dma_wait3A_698] : memref<320000x128xf32, #tpu.memory_space<hbm>> -> memref<80x128xf32, #tpu.memory_space<hbm>>
        %dma_wait3A_700 = arith.constant 0 : i32
        %dma_wait3A_701 = tpu.memref_slice %arg6[%add3A_479, %dma_wait3A_700] : memref<320000x128xf32, #tpu.memory_space<hbm>> -> memref<80x128xf32, #tpu.memory_space<hbm>>
        %dma_wait3A_702 = arith.constant 0 : i32
        %dma_wait3A_703 = arith.constant 0 : i32
        %dma_wait3A_704 = tpu.memref_slice %arg9[%run_scoped3A_480, %dma_wait3A_702, %dma_wait3A_703] : memref<2x80x128xf32, #tpu.memory_space<vmem>> -> memref<1x80x128xf32, #tpu.memory_space<vmem>>
        %dma_wait3A_705 = tpu.memref_squeeze %dma_wait3A_704 : memref<1x80x128xf32, #tpu.memory_space<vmem>> -> memref<80x128xf32, #tpu.memory_space<vmem>>
        tpu.wait_dma2 semaphore(%run_scoped3A_681 : memref<!tpu.dma_semaphore, #tpu.memory_space<semaphore_mem>>) src(%dma_wait3A_705 : memref<80x128xf32, #tpu.memory_space<vmem>>) dst(%dma_wait3A_701 : memref<80x128xf32, #tpu.memory_space<hbm>>)
        tpu.yield
      }) : () -> ()
      %add3A_481 = arith.constant 0 : i32
      %add3A_482 = arith.addi %mul3A_448, %add3A_481 : i32
      %add3A_483 = arith.constant 2 : i32
      %add3A_484 = arith.addi %add3A_482, %add3A_483 : i32
      %mul3A_485 = arith.constant 80 : i32
      %mul3A_486 = arith.muli %add3A_484, %mul3A_485 : i32
      %dma_start3A_487 = arith.constant 0 : i32
      %dma_start3A_488 = arith.constant 0 : i32
      %dma_start3A_489 = arith.constant 0 : i32
      %dma_start3A_490 = tpu.memref_slice %arg11[%dma_start3A_487, %dma_start3A_488, %dma_start3A_489] : memref<2x80x128xf32, #tpu.memory_space<vmem>> -> memref<1x80x128xf32, #tpu.memory_space<vmem>>
      %dma_start3A_491 = tpu.memref_squeeze %dma_start3A_490 : memref<1x80x128xf32, #tpu.memory_space<vmem>> -> memref<80x128xf32, #tpu.memory_space<vmem>>
      %dma_start3A_492 = tpu.memref_slice %arg7[%mul3A_486] : memref<10000xi32, #tpu.memory_space<vmem>> -> memref<80xi32, #tpu.memory_space<vmem>>
      %dma_start3A_493 = arith.constant 0 : i32
      %dma_start3A_494 = arith.constant 0 : i32
      %dma_start3A_495 = tpu.memref_slice %arg2[%dma_start3A_493, %dma_start3A_494] : memref<10000x128xf32, #tpu.memory_space<hbm>> -> memref<10000x128xf32, #tpu.memory_space<hbm>>
      tpu.enqueue_indirect_dma source(%dma_start3A_495 : memref<10000x128xf32, #tpu.memory_space<hbm>>) target(%dma_start3A_491 : memref<80x128xf32, #tpu.memory_space<vmem>>) offsets(%dma_start3A_492 : memref<80xi32, #tpu.memory_space<vmem>>) semaphore(%arg15 : memref<!tpu.dma_semaphore, #tpu.memory_space<semaphore_mem>>)
      %mul3A_496 = arith.constant 80 : i32
      %mul3A_497 = arith.muli %add3A_484, %mul3A_496 : i32
      %dma_start3A_498 = arith.constant 1 : i32
      %dma_start3A_499 = arith.constant 0 : i32
      %dma_start3A_500 = arith.constant 0 : i32
      %dma_start3A_501 = tpu.memref_slice %arg11[%dma_start3A_498, %dma_start3A_499, %dma_start3A_500] : memref<2x80x128xf32, #tpu.memory_space<vmem>> -> memref<1x80x128xf32, #tpu.memory_space<vmem>>
      %dma_start3A_502 = tpu.memref_squeeze %dma_start3A_501 : memref<1x80x128xf32, #tpu.memory_space<vmem>> -> memref<80x128xf32, #tpu.memory_space<vmem>>
      %dma_start3A_503 = tpu.memref_slice %arg8[%mul3A_497] : memref<10000xi32, #tpu.memory_space<vmem>> -> memref<80xi32, #tpu.memory_space<vmem>>
      %dma_start3A_504 = arith.constant 0 : i32
      %dma_start3A_505 = arith.constant 0 : i32
      %dma_start3A_506 = tpu.memref_slice %arg3[%dma_start3A_504, %dma_start3A_505] : memref<10000x128xf32, #tpu.memory_space<hbm>> -> memref<10000x128xf32, #tpu.memory_space<hbm>>
      tpu.enqueue_indirect_dma source(%dma_start3A_506 : memref<10000x128xf32, #tpu.memory_space<hbm>>) target(%dma_start3A_502 : memref<80x128xf32, #tpu.memory_space<vmem>>) offsets(%dma_start3A_503 : memref<80xi32, #tpu.memory_space<vmem>>) semaphore(%arg15 : memref<!tpu.dma_semaphore, #tpu.memory_space<semaphore_mem>>)
      %dma_wait3A_507 = arith.constant 0 : i32
      %dma_wait3A_508 = arith.constant 0 : i32
      %dma_wait3A_509 = arith.constant 0 : i32
      %dma_wait3A_510 = tpu.memref_slice %arg10[%dma_wait3A_507, %dma_wait3A_508, %dma_wait3A_509] : memref<2x80x128xf32, #tpu.memory_space<vmem>> -> memref<1x80x128xf32, #tpu.memory_space<vmem>>
      %dma_wait3A_511 = tpu.memref_squeeze %dma_wait3A_510 : memref<1x80x128xf32, #tpu.memory_space<vmem>> -> memref<80x128xf32, #tpu.memory_space<vmem>>
      %dma_wait3A_512 = arith.constant 0 : i32
      %dma_wait3A_513 = tpu.memref_slice %arg7[%dma_wait3A_512] : memref<10000xi32, #tpu.memory_space<vmem>> -> memref<80xi32, #tpu.memory_space<vmem>>
      %dma_wait3A_514 = arith.constant 0 : i32
      %dma_wait3A_515 = arith.constant 0 : i32
      %dma_wait3A_516 = tpu.memref_slice %arg2[%dma_wait3A_514, %dma_wait3A_515] : memref<10000x128xf32, #tpu.memory_space<hbm>> -> memref<10000x128xf32, #tpu.memory_space<hbm>>
      tpu.wait_indirect_dma semaphore(%arg14 : memref<!tpu.dma_semaphore, #tpu.memory_space<semaphore_mem>>) src(%dma_wait3A_516 : memref<10000x128xf32, #tpu.memory_space<hbm>>) dst(%dma_wait3A_511 : memref<80x128xf32, #tpu.memory_space<vmem>>)
      %dma_wait3A_517 = arith.constant 1 : i32
      %dma_wait3A_518 = arith.constant 0 : i32
      %dma_wait3A_519 = arith.constant 0 : i32
      %dma_wait3A_520 = tpu.memref_slice %arg10[%dma_wait3A_517, %dma_wait3A_518, %dma_wait3A_519] : memref<2x80x128xf32, #tpu.memory_space<vmem>> -> memref<1x80x128xf32, #tpu.memory_space<vmem>>
      %dma_wait3A_521 = tpu.memref_squeeze %dma_wait3A_520 : memref<1x80x128xf32, #tpu.memory_space<vmem>> -> memref<80x128xf32, #tpu.memory_space<vmem>>
      %dma_wait3A_522 = arith.constant 0 : i32
      %dma_wait3A_523 = tpu.memref_slice %arg8[%dma_wait3A_522] : memref<10000xi32, #tpu.memory_space<vmem>> -> memref<80xi32, #tpu.memory_space<vmem>>
      %dma_wait3A_524 = arith.constant 0 : i32
      %dma_wait3A_525 = arith.constant 0 : i32
      %dma_wait3A_526 = tpu.memref_slice %arg3[%dma_wait3A_524, %dma_wait3A_525] : memref<10000x128xf32, #tpu.memory_space<hbm>> -> memref<10000x128xf32, #tpu.memory_space<hbm>>
      tpu.wait_indirect_dma semaphore(%arg14 : memref<!tpu.dma_semaphore, #tpu.memory_space<semaphore_mem>>) src(%dma_wait3A_526 : memref<10000x128xf32, #tpu.memory_space<hbm>>) dst(%dma_wait3A_521 : memref<80x128xf32, #tpu.memory_space<vmem>>)
      %scan3A_527 = arith.constant 0 : i32
      %scan3A_528 = arith.constant 0 : i32
      %scan3A_529 = arith.constant 80 : i32
      %scan3A_530 = arith.addi %scan3A_528, %scan3A_529 : i32
      %scan3A_531 = arith.constant 1 : i32
      scf.for %scan3A_681 = %scan3A_528 to %scan3A_530 step %scan3A_531  : i32 {
        %get3A = arith.constant 0 : i32
        %get3A_682 = arith.index_cast %get3A : i32 to index
        %get3A_683 = arith.index_cast %scan3A_681 : i32 to index
        %get3A_684 = arith.constant 0 : index
        %get3A_685 = tpu.vector_load %arg10[%get3A_682, %get3A_683, %get3A_684] {strides = array<i32>} : memref<2x80x128xf32, #tpu.memory_space<vmem>>, vector<1x1x16xf32>,
        %get3A_686 = vector.shape_cast %get3A_685 : vector<1x1x16xf32> to vector<16xf32>
        %get3A_687 = arith.constant 1 : i32
        %get3A_688 = arith.index_cast %get3A_687 : i32 to index
        %get3A_689 = arith.index_cast %scan3A_681 : i32 to index
        %get3A_690 = arith.constant 0 : index
        %get3A_691 = tpu.vector_load %arg10[%get3A_688, %get3A_689, %get3A_690] {strides = array<i32>} : memref<2x80x128xf32, #tpu.memory_space<vmem>>, vector<1x1x16xf32>,
        %get3A_692 = vector.shape_cast %get3A_691 : vector<1x1x16xf32> to vector<16xf32>
        %add3A_693 = arith.addf %get3A_686, %get3A_692 : vector<16xf32>
        %swap3A = arith.constant 0 : i32
        %swap3A_694 = arith.index_cast %swap3A : i32 to index
        %swap3A_695 = arith.index_cast %scan3A_681 : i32 to index
        %swap3A_696 = arith.constant 0 : index
        %swap3A_697 = tpu.vector_load %arg10[%swap3A_694, %swap3A_695, %swap3A_696] {strides = array<i32>} : memref<2x80x128xf32, #tpu.memory_space<vmem>>, vector<1x1x16xf32>,
        %swap3A_698 = vector.shape_cast %swap3A_697 : vector<1x1x16xf32> to vector<16xf32>
        %swap3A_699 = vector.shape_cast %add3A_693 : vector<16xf32> to vector<1x1x16xf32>
        tpu.vector_store %arg10[%swap3A_694, %swap3A_695, %swap3A_696], %swap3A_699 {strides = array<i32>} : memref<2x80x128xf32, #tpu.memory_space<vmem>>, vector<1x1x16xf32>,
        %get3A_700 = arith.constant 0 : i32
        %get3A_701 = arith.index_cast %get3A_700 : i32 to index
        %get3A_702 = arith.index_cast %scan3A_681 : i32 to index
        %get3A_703 = arith.constant 16 : index
        %get3A_704 = tpu.vector_load %arg10[%get3A_701, %get3A_702, %get3A_703] {strides = array<i32>} : memref<2x80x128xf32, #tpu.memory_space<vmem>>, vector<1x1x16xf32>,
        %get3A_705 = vector.shape_cast %get3A_704 : vector<1x1x16xf32> to vector<16xf32>
        %get3A_706 = arith.constant 1 : i32
        %get3A_707 = arith.index_cast %get3A_706 : i32 to index
        %get3A_708 = arith.index_cast %scan3A_681 : i32 to index
        %get3A_709 = arith.constant 16 : index
        %get3A_710 = tpu.vector_load %arg10[%get3A_707, %get3A_708, %get3A_709] {strides = array<i32>} : memref<2x80x128xf32, #tpu.memory_space<vmem>>, vector<1x1x16xf32>,
        %get3A_711 = vector.shape_cast %get3A_710 : vector<1x1x16xf32> to vector<16xf32>
        %add3A_712 = arith.addf %get3A_705, %get3A_711 : vector<16xf32>
        %swap3A_713 = arith.constant 0 : i32
        %swap3A_714 = arith.index_cast %swap3A_713 : i32 to index
        %swap3A_715 = arith.index_cast %scan3A_681 : i32 to index
        %swap3A_716 = arith.constant 16 : index
        %swap3A_717 = tpu.vector_load %arg10[%swap3A_714, %swap3A_715, %swap3A_716] {strides = array<i32>} : memref<2x80x128xf32, #tpu.memory_space<vmem>>, vector<1x1x16xf32>,
        %swap3A_718 = vector.shape_cast %swap3A_717 : vector<1x1x16xf32> to vector<16xf32>
        %swap3A_719 = vector.shape_cast %add3A_712 : vector<16xf32> to vector<1x1x16xf32>
        tpu.vector_store %arg10[%swap3A_714, %swap3A_715, %swap3A_716], %swap3A_719 {strides = array<i32>} : memref<2x80x128xf32, #tpu.memory_space<vmem>>, vector<1x1x16xf32>,
        %get3A_720 = arith.constant 0 : i32
        %get3A_721 = arith.index_cast %get3A_720 : i32 to index
        %get3A_722 = arith.index_cast %scan3A_681 : i32 to index
        %get3A_723 = arith.constant 32 : index
        %get3A_724 = tpu.vector_load %arg10[%get3A_721, %get3A_722, %get3A_723] {strides = array<i32>} : memref<2x80x128xf32, #tpu.memory_space<vmem>>, vector<1x1x16xf32>,
        %get3A_725 = vector.shape_cast %get3A_724 : vector<1x1x16xf32> to vector<16xf32>
        %get3A_726 = arith.constant 1 : i32
        %get3A_727 = arith.index_cast %get3A_726 : i32 to index
        %get3A_728 = arith.index_cast %scan3A_681 : i32 to index
        %get3A_729 = arith.constant 32 : index
        %get3A_730 = tpu.vector_load %arg10[%get3A_727, %get3A_728, %get3A_729] {strides = array<i32>} : memref<2x80x128xf32, #tpu.memory_space<vmem>>, vector<1x1x16xf32>,
        %get3A_731 = vector.shape_cast %get3A_730 : vector<1x1x16xf32> to vector<16xf32>
        %add3A_732 = arith.addf %get3A_725, %get3A_731 : vector<16xf32>
        %swap3A_733 = arith.constant 0 : i32
        %swap3A_734 = arith.index_cast %swap3A_733 : i32 to index
        %swap3A_735 = arith.index_cast %scan3A_681 : i32 to index
        %swap3A_736 = arith.constant 32 : index
        %swap3A_737 = tpu.vector_load %arg10[%swap3A_734, %swap3A_735, %swap3A_736] {strides = array<i32>} : memref<2x80x128xf32, #tpu.memory_space<vmem>>, vector<1x1x16xf32>,
        %swap3A_738 = vector.shape_cast %swap3A_737 : vector<1x1x16xf32> to vector<16xf32>
        %swap3A_739 = vector.shape_cast %add3A_732 : vector<16xf32> to vector<1x1x16xf32>
        tpu.vector_store %arg10[%swap3A_734, %swap3A_735, %swap3A_736], %swap3A_739 {strides = array<i32>} : memref<2x80x128xf32, #tpu.memory_space<vmem>>, vector<1x1x16xf32>,
        %get3A_740 = arith.constant 0 : i32
        %get3A_741 = arith.index_cast %get3A_740 : i32 to index
        %get3A_742 = arith.index_cast %scan3A_681 : i32 to index
        %get3A_743 = arith.constant 48 : index
        %get3A_744 = tpu.vector_load %arg10[%get3A_741, %get3A_742, %get3A_743] {strides = array<i32>} : memref<2x80x128xf32, #tpu.memory_space<vmem>>, vector<1x1x16xf32>,
        %get3A_745 = vector.shape_cast %get3A_744 : vector<1x1x16xf32> to vector<16xf32>
        %get3A_746 = arith.constant 1 : i32
        %get3A_747 = arith.index_cast %get3A_746 : i32 to index
        %get3A_748 = arith.index_cast %scan3A_681 : i32 to index
        %get3A_749 = arith.constant 48 : index
        %get3A_750 = tpu.vector_load %arg10[%get3A_747, %get3A_748, %get3A_749] {strides = array<i32>} : memref<2x80x128xf32, #tpu.memory_space<vmem>>, vector<1x1x16xf32>,
        %get3A_751 = vector.shape_cast %get3A_750 : vector<1x1x16xf32> to vector<16xf32>
        %add3A_752 = arith.addf %get3A_745, %get3A_751 : vector<16xf32>
        %swap3A_753 = arith.constant 0 : i32
        %swap3A_754 = arith.index_cast %swap3A_753 : i32 to index
        %swap3A_755 = arith.index_cast %scan3A_681 : i32 to index
        %swap3A_756 = arith.constant 48 : index
        %swap3A_757 = tpu.vector_load %arg10[%swap3A_754, %swap3A_755, %swap3A_756] {strides = array<i32>} : memref<2x80x128xf32, #tpu.memory_space<vmem>>, vector<1x1x16xf32>,
        %swap3A_758 = vector.shape_cast %swap3A_757 : vector<1x1x16xf32> to vector<16xf32>
        %swap3A_759 = vector.shape_cast %add3A_752 : vector<16xf32> to vector<1x1x16xf32>
        tpu.vector_store %arg10[%swap3A_754, %swap3A_755, %swap3A_756], %swap3A_759 {strides = array<i32>} : memref<2x80x128xf32, #tpu.memory_space<vmem>>, vector<1x1x16xf32>,
        %get3A_760 = arith.constant 0 : i32
        %get3A_761 = arith.index_cast %get3A_760 : i32 to index
        %get3A_762 = arith.index_cast %scan3A_681 : i32 to index
        %get3A_763 = arith.constant 64 : index
        %get3A_764 = tpu.vector_load %arg10[%get3A_761, %get3A_762, %get3A_763] {strides = array<i32>} : memref<2x80x128xf32, #tpu.memory_space<vmem>>, vector<1x1x16xf32>,
        %get3A_765 = vector.shape_cast %get3A_764 : vector<1x1x16xf32> to vector<16xf32>
        %get3A_766 = arith.constant 1 : i32
        %get3A_767 = arith.index_cast %get3A_766 : i32 to index
        %get3A_768 = arith.index_cast %scan3A_681 : i32 to index
        %get3A_769 = arith.constant 64 : index
        %get3A_770 = tpu.vector_load %arg10[%get3A_767, %get3A_768, %get3A_769] {strides = array<i32>} : memref<2x80x128xf32, #tpu.memory_space<vmem>>, vector<1x1x16xf32>,
        %get3A_771 = vector.shape_cast %get3A_770 : vector<1x1x16xf32> to vector<16xf32>
        %add3A_772 = arith.addf %get3A_765, %get3A_771 : vector<16xf32>
        %swap3A_773 = arith.constant 0 : i32
        %swap3A_774 = arith.index_cast %swap3A_773 : i32 to index
        %swap3A_775 = arith.index_cast %scan3A_681 : i32 to index
        %swap3A_776 = arith.constant 64 : index
        %swap3A_777 = tpu.vector_load %arg10[%swap3A_774, %swap3A_775, %swap3A_776] {strides = array<i32>} : memref<2x80x128xf32, #tpu.memory_space<vmem>>, vector<1x1x16xf32>,
        %swap3A_778 = vector.shape_cast %swap3A_777 : vector<1x1x16xf32> to vector<16xf32>
        %swap3A_779 = vector.shape_cast %add3A_772 : vector<16xf32> to vector<1x1x16xf32>
        tpu.vector_store %arg10[%swap3A_774, %swap3A_775, %swap3A_776], %swap3A_779 {strides = array<i32>} : memref<2x80x128xf32, #tpu.memory_space<vmem>>, vector<1x1x16xf32>,
        %get3A_780 = arith.constant 0 : i32
        %get3A_781 = arith.index_cast %get3A_780 : i32 to index
        %get3A_782 = arith.index_cast %scan3A_681 : i32 to index
        %get3A_783 = arith.constant 80 : index
        %get3A_784 = tpu.vector_load %arg10[%get3A_781, %get3A_782, %get3A_783] {strides = array<i32>} : memref<2x80x128xf32, #tpu.memory_space<vmem>>, vector<1x1x16xf32>,
        %get3A_785 = vector.shape_cast %get3A_784 : vector<1x1x16xf32> to vector<16xf32>
        %get3A_786 = arith.constant 1 : i32
        %get3A_787 = arith.index_cast %get3A_786 : i32 to index
        %get3A_788 = arith.index_cast %scan3A_681 : i32 to index
        %get3A_789 = arith.constant 80 : index
        %get3A_790 = tpu.vector_load %arg10[%get3A_787, %get3A_788, %get3A_789] {strides = array<i32>} : memref<2x80x128xf32, #tpu.memory_space<vmem>>, vector<1x1x16xf32>,
        %get3A_791 = vector.shape_cast %get3A_790 : vector<1x1x16xf32> to vector<16xf32>
        %add3A_792 = arith.addf %get3A_785, %get3A_791 : vector<16xf32>
        %swap3A_793 = arith.constant 0 : i32
        %swap3A_794 = arith.index_cast %swap3A_793 : i32 to index
        %swap3A_795 = arith.index_cast %scan3A_681 : i32 to index
        %swap3A_796 = arith.constant 80 : index
        %swap3A_797 = tpu.vector_load %arg10[%swap3A_794, %swap3A_795, %swap3A_796] {strides = array<i32>} : memref<2x80x128xf32, #tpu.memory_space<vmem>>, vector<1x1x16xf32>,
        %swap3A_798 = vector.shape_cast %swap3A_797 : vector<1x1x16xf32> to vector<16xf32>
        %swap3A_799 = vector.shape_cast %add3A_792 : vector<16xf32> to vector<1x1x16xf32>
        tpu.vector_store %arg10[%swap3A_794, %swap3A_795, %swap3A_796], %swap3A_799 {strides = array<i32>} : memref<2x80x128xf32, #tpu.memory_space<vmem>>, vector<1x1x16xf32>,
        %get3A_800 = arith.constant 0 : i32
        %get3A_801 = arith.index_cast %get3A_800 : i32 to index
        %get3A_802 = arith.index_cast %scan3A_681 : i32 to index
        %get3A_803 = arith.constant 96 : index
        %get3A_804 = tpu.vector_load %arg10[%get3A_801, %get3A_802, %get3A_803] {strides = array<i32>} : memref<2x80x128xf32, #tpu.memory_space<vmem>>, vector<1x1x16xf32>,
        %get3A_805 = vector.shape_cast %get3A_804 : vector<1x1x16xf32> to vector<16xf32>
        %get3A_806 = arith.constant 1 : i32
        %get3A_807 = arith.index_cast %get3A_806 : i32 to index
        %get3A_808 = arith.index_cast %scan3A_681 : i32 to index
        %get3A_809 = arith.constant 96 : index
        %get3A_810 = tpu.vector_load %arg10[%get3A_807, %get3A_808, %get3A_809] {strides = array<i32>} : memref<2x80x128xf32, #tpu.memory_space<vmem>>, vector<1x1x16xf32>,
        %get3A_811 = vector.shape_cast %get3A_810 : vector<1x1x16xf32> to vector<16xf32>
        %add3A_812 = arith.addf %get3A_805, %get3A_811 : vector<16xf32>
        %swap3A_813 = arith.constant 0 : i32
        %swap3A_814 = arith.index_cast %swap3A_813 : i32 to index
        %swap3A_815 = arith.index_cast %scan3A_681 : i32 to index
        %swap3A_816 = arith.constant 96 : index
        %swap3A_817 = tpu.vector_load %arg10[%swap3A_814, %swap3A_815, %swap3A_816] {strides = array<i32>} : memref<2x80x128xf32, #tpu.memory_space<vmem>>, vector<1x1x16xf32>,
        %swap3A_818 = vector.shape_cast %swap3A_817 : vector<1x1x16xf32> to vector<16xf32>
        %swap3A_819 = vector.shape_cast %add3A_812 : vector<16xf32> to vector<1x1x16xf32>
        tpu.vector_store %arg10[%swap3A_814, %swap3A_815, %swap3A_816], %swap3A_819 {strides = array<i32>} : memref<2x80x128xf32, #tpu.memory_space<vmem>>, vector<1x1x16xf32>,
        %get3A_820 = arith.constant 0 : i32
        %get3A_821 = arith.index_cast %get3A_820 : i32 to index
        %get3A_822 = arith.index_cast %scan3A_681 : i32 to index
        %get3A_823 = arith.constant 112 : index
        %get3A_824 = tpu.vector_load %arg10[%get3A_821, %get3A_822, %get3A_823] {strides = array<i32>} : memref<2x80x128xf32, #tpu.memory_space<vmem>>, vector<1x1x16xf32>,
        %get3A_825 = vector.shape_cast %get3A_824 : vector<1x1x16xf32> to vector<16xf32>
        %get3A_826 = arith.constant 1 : i32
        %get3A_827 = arith.index_cast %get3A_826 : i32 to index
        %get3A_828 = arith.index_cast %scan3A_681 : i32 to index
        %get3A_829 = arith.constant 112 : index
        %get3A_830 = tpu.vector_load %arg10[%get3A_827, %get3A_828, %get3A_829] {strides = array<i32>} : memref<2x80x128xf32, #tpu.memory_space<vmem>>, vector<1x1x16xf32>,
        %get3A_831 = vector.shape_cast %get3A_830 : vector<1x1x16xf32> to vector<16xf32>
        %add3A_832 = arith.addf %get3A_825, %get3A_831 : vector<16xf32>
        %swap3A_833 = arith.constant 0 : i32
        %swap3A_834 = arith.index_cast %swap3A_833 : i32 to index
        %swap3A_835 = arith.index_cast %scan3A_681 : i32 to index
        %swap3A_836 = arith.constant 112 : index
        %swap3A_837 = tpu.vector_load %arg10[%swap3A_834, %swap3A_835, %swap3A_836] {strides = array<i32>} : memref<2x80x128xf32, #tpu.memory_space<vmem>>, vector<1x1x16xf32>,
        %swap3A_838 = vector.shape_cast %swap3A_837 : vector<1x1x16xf32> to vector<16xf32>
        %swap3A_839 = vector.shape_cast %add3A_832 : vector<16xf32> to vector<1x1x16xf32>
        tpu.vector_store %arg10[%swap3A_834, %swap3A_835, %swap3A_836], %swap3A_839 {strides = array<i32>} : memref<2x80x128xf32, #tpu.memory_space<vmem>>, vector<1x1x16xf32>,
      }
      %scan3A_532 = arith.constant 80 : i32
      %add3A_533 = arith.constant 1 : i32
      %add3A_534 = arith.addi %mul3A_448, %add3A_533 : i32
      %mul3A_535 = arith.constant 80 : i32
      %mul3A_536 = arith.muli %add3A_534, %mul3A_535 : i32
      %add3A_537 = arith.addi %mul3A_2, %mul3A_536 : i32
      %run_scoped3A_538 = arith.constant 0 : i32
      "tpu.region"() ({
        %run_scoped3A_681 = tpu.sem_alloc : memref<!tpu.dma_semaphore, #tpu.memory_space<semaphore_mem>>
        %dma_start3A_682 = arith.constant 0 : i32
        %dma_start3A_683 = arith.constant 0 : i32
        %dma_start3A_684 = tpu.memref_slice %arg10[%run_scoped3A_538, %dma_start3A_682, %dma_start3A_683] : memref<2x80x128xf32, #tpu.memory_space<vmem>> -> memref<1x80x128xf32, #tpu.memory_space<vmem>>
        %dma_start3A_685 = tpu.memref_squeeze %dma_start3A_684 : memref<1x80x128xf32, #tpu.memory_space<vmem>> -> memref<80x128xf32, #tpu.memory_space<vmem>>
        %dma_start3A_686 = arith.constant 0 : i32
        %dma_start3A_687 = tpu.memref_slice %arg6[%add3A_537, %dma_start3A_686] : memref<320000x128xf32, #tpu.memory_space<hbm>> -> memref<80x128xf32, #tpu.memory_space<hbm>>
        %dma_start3A_688 = arith.constant 0 : i32
        %dma_start3A_689 = tpu.memref_slice %arg6[%add3A_537, %dma_start3A_688] : memref<320000x128xf32, #tpu.memory_space<hbm>> -> memref<80x128xf32, #tpu.memory_space<hbm>>
        %dma_start3A_690 = arith.constant 0 : i32
        %dma_start3A_691 = arith.constant 0 : i32
        %dma_start3A_692 = tpu.memref_slice %arg10[%run_scoped3A_538, %dma_start3A_690, %dma_start3A_691] : memref<2x80x128xf32, #tpu.memory_space<vmem>> -> memref<1x80x128xf32, #tpu.memory_space<vmem>>
        %dma_start3A_693 = tpu.memref_squeeze %dma_start3A_692 : memref<1x80x128xf32, #tpu.memory_space<vmem>> -> memref<80x128xf32, #tpu.memory_space<vmem>>
        tpu.enqueue_dma source(%dma_start3A_693 : memref<80x128xf32, #tpu.memory_space<vmem>>) target(%dma_start3A_689 : memref<80x128xf32, #tpu.memory_space<hbm>>) target_semaphore(%run_scoped3A_681 : memref<!tpu.dma_semaphore, #tpu.memory_space<semaphore_mem>>)
        %dma_wait3A_694 = arith.constant 0 : i32
        %dma_wait3A_695 = arith.constant 0 : i32
        %dma_wait3A_696 = tpu.memref_slice %arg10[%run_scoped3A_538, %dma_wait3A_694, %dma_wait3A_695] : memref<2x80x128xf32, #tpu.memory_space<vmem>> -> memref<1x80x128xf32, #tpu.memory_space<vmem>>
        %dma_wait3A_697 = tpu.memref_squeeze %dma_wait3A_696 : memref<1x80x128xf32, #tpu.memory_space<vmem>> -> memref<80x128xf32, #tpu.memory_space<vmem>>
        %dma_wait3A_698 = arith.constant 0 : i32
        %dma_wait3A_699 = tpu.memref_slice %arg6[%add3A_537, %dma_wait3A_698] : memref<320000x128xf32, #tpu.memory_space<hbm>> -> memref<80x128xf32, #tpu.memory_space<hbm>>
        %dma_wait3A_700 = arith.constant 0 : i32
        %dma_wait3A_701 = tpu.memref_slice %arg6[%add3A_537, %dma_wait3A_700] : memref<320000x128xf32, #tpu.memory_space<hbm>> -> memref<80x128xf32, #tpu.memory_space<hbm>>
        %dma_wait3A_702 = arith.constant 0 : i32
        %dma_wait3A_703 = arith.constant 0 : i32
        %dma_wait3A_704 = tpu.memref_slice %arg10[%run_scoped3A_538, %dma_wait3A_702, %dma_wait3A_703] : memref<2x80x128xf32, #tpu.memory_space<vmem>> -> memref<1x80x128xf32, #tpu.memory_space<vmem>>
        %dma_wait3A_705 = tpu.memref_squeeze %dma_wait3A_704 : memref<1x80x128xf32, #tpu.memory_space<vmem>> -> memref<80x128xf32, #tpu.memory_space<vmem>>
        tpu.wait_dma2 semaphore(%run_scoped3A_681 : memref<!tpu.dma_semaphore, #tpu.memory_space<semaphore_mem>>) src(%dma_wait3A_705 : memref<80x128xf32, #tpu.memory_space<vmem>>) dst(%dma_wait3A_701 : memref<80x128xf32, #tpu.memory_space<hbm>>)
        tpu.yield
      }) : () -> ()
      %add3A_539 = arith.constant 1 : i32
      %add3A_540 = arith.addi %mul3A_448, %add3A_539 : i32
      %add3A_541 = arith.constant 2 : i32
      %add3A_542 = arith.addi %add3A_540, %add3A_541 : i32
      %mul3A_543 = arith.constant 80 : i32
      %mul3A_544 = arith.muli %add3A_542, %mul3A_543 : i32
      %dma_start3A_545 = arith.constant 0 : i32
      %dma_start3A_546 = arith.constant 0 : i32
      %dma_start3A_547 = arith.constant 0 : i32
      %dma_start3A_548 = tpu.memref_slice %arg12[%dma_start3A_545, %dma_start3A_546, %dma_start3A_547] : memref<2x80x128xf32, #tpu.memory_space<vmem>> -> memref<1x80x128xf32, #tpu.memory_space<vmem>>
      %dma_start3A_549 = tpu.memref_squeeze %dma_start3A_548 : memref<1x80x128xf32, #tpu.memory_space<vmem>> -> memref<80x128xf32, #tpu.memory_space<vmem>>
      %dma_start3A_550 = tpu.memref_slice %arg7[%mul3A_544] : memref<10000xi32, #tpu.memory_space<vmem>> -> memref<80xi32, #tpu.memory_space<vmem>>
      %dma_start3A_551 = arith.constant 0 : i32
      %dma_start3A_552 = arith.constant 0 : i32
      %dma_start3A_553 = tpu.memref_slice %arg2[%dma_start3A_551, %dma_start3A_552] : memref<10000x128xf32, #tpu.memory_space<hbm>> -> memref<10000x128xf32, #tpu.memory_space<hbm>>
      tpu.enqueue_indirect_dma source(%dma_start3A_553 : memref<10000x128xf32, #tpu.memory_space<hbm>>) target(%dma_start3A_549 : memref<80x128xf32, #tpu.memory_space<vmem>>) offsets(%dma_start3A_550 : memref<80xi32, #tpu.memory_space<vmem>>) semaphore(%arg16 : memref<!tpu.dma_semaphore, #tpu.memory_space<semaphore_mem>>)
      %mul3A_554 = arith.constant 80 : i32
      %mul3A_555 = arith.muli %add3A_542, %mul3A_554 : i32
      %dma_start3A_556 = arith.constant 1 : i32
      %dma_start3A_557 = arith.constant 0 : i32
      %dma_start3A_558 = arith.constant 0 : i32
      %dma_start3A_559 = tpu.memref_slice %arg12[%dma_start3A_556, %dma_start3A_557, %dma_start3A_558] : memref<2x80x128xf32, #tpu.memory_space<vmem>> -> memref<1x80x128xf32, #tpu.memory_space<vmem>>
      %dma_start3A_560 = tpu.memref_squeeze %dma_start3A_559 : memref<1x80x128xf32, #tpu.memory_space<vmem>> -> memref<80x128xf32, #tpu.memory_space<vmem>>
      %dma_start3A_561 = tpu.memref_slice %arg8[%mul3A_555] : memref<10000xi32, #tpu.memory_space<vmem>> -> memref<80xi32, #tpu.memory_space<vmem>>
      %dma_start3A_562 = arith.constant 0 : i32
      %dma_start3A_563 = arith.constant 0 : i32
      %dma_start3A_564 = tpu.memref_slice %arg3[%dma_start3A_562, %dma_start3A_563] : memref<10000x128xf32, #tpu.memory_space<hbm>> -> memref<10000x128xf32, #tpu.memory_space<hbm>>
      tpu.enqueue_indirect_dma source(%dma_start3A_564 : memref<10000x128xf32, #tpu.memory_space<hbm>>) target(%dma_start3A_560 : memref<80x128xf32, #tpu.memory_space<vmem>>) offsets(%dma_start3A_561 : memref<80xi32, #tpu.memory_space<vmem>>) semaphore(%arg16 : memref<!tpu.dma_semaphore, #tpu.memory_space<semaphore_mem>>)
      %dma_wait3A_565 = arith.constant 0 : i32
      %dma_wait3A_566 = arith.constant 0 : i32
      %dma_wait3A_567 = arith.constant 0 : i32
      %dma_wait3A_568 = tpu.memref_slice %arg11[%dma_wait3A_565, %dma_wait3A_566, %dma_wait3A_567] : memref<2x80x128xf32, #tpu.memory_space<vmem>> -> memref<1x80x128xf32, #tpu.memory_space<vmem>>
      %dma_wait3A_569 = tpu.memref_squeeze %dma_wait3A_568 : memref<1x80x128xf32, #tpu.memory_space<vmem>> -> memref<80x128xf32, #tpu.memory_space<vmem>>
      %dma_wait3A_570 = arith.constant 0 : i32
      %dma_wait3A_571 = tpu.memref_slice %arg7[%dma_wait3A_570] : memref<10000xi32, #tpu.memory_space<vmem>> -> memref<80xi32, #tpu.memory_space<vmem>>
      %dma_wait3A_572 = arith.constant 0 : i32
      %dma_wait3A_573 = arith.constant 0 : i32
      %dma_wait3A_574 = tpu.memref_slice %arg2[%dma_wait3A_572, %dma_wait3A_573] : memref<10000x128xf32, #tpu.memory_space<hbm>> -> memref<10000x128xf32, #tpu.memory_space<hbm>>
      tpu.wait_indirect_dma semaphore(%arg15 : memref<!tpu.dma_semaphore, #tpu.memory_space<semaphore_mem>>) src(%dma_wait3A_574 : memref<10000x128xf32, #tpu.memory_space<hbm>>) dst(%dma_wait3A_569 : memref<80x128xf32, #tpu.memory_space<vmem>>)
      %dma_wait3A_575 = arith.constant 1 : i32
      %dma_wait3A_576 = arith.constant 0 : i32
      %dma_wait3A_577 = arith.constant 0 : i32
      %dma_wait3A_578 = tpu.memref_slice %arg11[%dma_wait3A_575, %dma_wait3A_576, %dma_wait3A_577] : memref<2x80x128xf32, #tpu.memory_space<vmem>> -> memref<1x80x128xf32, #tpu.memory_space<vmem>>
      %dma_wait3A_579 = tpu.memref_squeeze %dma_wait3A_578 : memref<1x80x128xf32, #tpu.memory_space<vmem>> -> memref<80x128xf32, #tpu.memory_space<vmem>>
      %dma_wait3A_580 = arith.constant 0 : i32
      %dma_wait3A_581 = tpu.memref_slice %arg8[%dma_wait3A_580] : memref<10000xi32, #tpu.memory_space<vmem>> -> memref<80xi32, #tpu.memory_space<vmem>>
      %dma_wait3A_582 = arith.constant 0 : i32
      %dma_wait3A_583 = arith.constant 0 : i32
      %dma_wait3A_584 = tpu.memref_slice %arg3[%dma_wait3A_582, %dma_wait3A_583] : memref<10000x128xf32, #tpu.memory_space<hbm>> -> memref<10000x128xf32, #tpu.memory_space<hbm>>
      tpu.wait_indirect_dma semaphore(%arg15 : memref<!tpu.dma_semaphore, #tpu.memory_space<semaphore_mem>>) src(%dma_wait3A_584 : memref<10000x128xf32, #tpu.memory_space<hbm>>) dst(%dma_wait3A_579 : memref<80x128xf32, #tpu.memory_space<vmem>>)
      %scan3A_585 = arith.constant 0 : i32
      %scan3A_586 = arith.constant 0 : i32
      %scan3A_587 = arith.constant 80 : i32
      %scan3A_588 = arith.addi %scan3A_586, %scan3A_587 : i32
      %scan3A_589 = arith.constant 1 : i32
      scf.for %scan3A_681 = %scan3A_586 to %scan3A_588 step %scan3A_589  : i32 {
        %get3A = arith.constant 0 : i32
        %get3A_682 = arith.index_cast %get3A : i32 to index
        %get3A_683 = arith.index_cast %scan3A_681 : i32 to index
        %get3A_684 = arith.constant 0 : index
        %get3A_685 = tpu.vector_load %arg11[%get3A_682, %get3A_683, %get3A_684] {strides = array<i32>} : memref<2x80x128xf32, #tpu.memory_space<vmem>>, vector<1x1x16xf32>,
        %get3A_686 = vector.shape_cast %get3A_685 : vector<1x1x16xf32> to vector<16xf32>
        %get3A_687 = arith.constant 1 : i32
        %get3A_688 = arith.index_cast %get3A_687 : i32 to index
        %get3A_689 = arith.index_cast %scan3A_681 : i32 to index
        %get3A_690 = arith.constant 0 : index
        %get3A_691 = tpu.vector_load %arg11[%get3A_688, %get3A_689, %get3A_690] {strides = array<i32>} : memref<2x80x128xf32, #tpu.memory_space<vmem>>, vector<1x1x16xf32>,
        %get3A_692 = vector.shape_cast %get3A_691 : vector<1x1x16xf32> to vector<16xf32>
        %add3A_693 = arith.addf %get3A_686, %get3A_692 : vector<16xf32>
        %swap3A = arith.constant 0 : i32
        %swap3A_694 = arith.index_cast %swap3A : i32 to index
        %swap3A_695 = arith.index_cast %scan3A_681 : i32 to index
        %swap3A_696 = arith.constant 0 : index
        %swap3A_697 = tpu.vector_load %arg11[%swap3A_694, %swap3A_695, %swap3A_696] {strides = array<i32>} : memref<2x80x128xf32, #tpu.memory_space<vmem>>, vector<1x1x16xf32>,
        %swap3A_698 = vector.shape_cast %swap3A_697 : vector<1x1x16xf32> to vector<16xf32>
        %swap3A_699 = vector.shape_cast %add3A_693 : vector<16xf32> to vector<1x1x16xf32>
        tpu.vector_store %arg11[%swap3A_694, %swap3A_695, %swap3A_696], %swap3A_699 {strides = array<i32>} : memref<2x80x128xf32, #tpu.memory_space<vmem>>, vector<1x1x16xf32>,
        %get3A_700 = arith.constant 0 : i32
        %get3A_701 = arith.index_cast %get3A_700 : i32 to index
        %get3A_702 = arith.index_cast %scan3A_681 : i32 to index
        %get3A_703 = arith.constant 16 : index
        %get3A_704 = tpu.vector_load %arg11[%get3A_701, %get3A_702, %get3A_703] {strides = array<i32>} : memref<2x80x128xf32, #tpu.memory_space<vmem>>, vector<1x1x16xf32>,
        %get3A_705 = vector.shape_cast %get3A_704 : vector<1x1x16xf32> to vector<16xf32>
        %get3A_706 = arith.constant 1 : i32
        %get3A_707 = arith.index_cast %get3A_706 : i32 to index
        %get3A_708 = arith.index_cast %scan3A_681 : i32 to index
        %get3A_709 = arith.constant 16 : index
        %get3A_710 = tpu.vector_load %arg11[%get3A_707, %get3A_708, %get3A_709] {strides = array<i32>} : memref<2x80x128xf32, #tpu.memory_space<vmem>>, vector<1x1x16xf32>,
        %get3A_711 = vector.shape_cast %get3A_710 : vector<1x1x16xf32> to vector<16xf32>
        %add3A_712 = arith.addf %get3A_705, %get3A_711 : vector<16xf32>
        %swap3A_713 = arith.constant 0 : i32
        %swap3A_714 = arith.index_cast %swap3A_713 : i32 to index
        %swap3A_715 = arith.index_cast %scan3A_681 : i32 to index
        %swap3A_716 = arith.constant 16 : index
        %swap3A_717 = tpu.vector_load %arg11[%swap3A_714, %swap3A_715, %swap3A_716] {strides = array<i32>} : memref<2x80x128xf32, #tpu.memory_space<vmem>>, vector<1x1x16xf32>,
        %swap3A_718 = vector.shape_cast %swap3A_717 : vector<1x1x16xf32> to vector<16xf32>
        %swap3A_719 = vector.shape_cast %add3A_712 : vector<16xf32> to vector<1x1x16xf32>
        tpu.vector_store %arg11[%swap3A_714, %swap3A_715, %swap3A_716], %swap3A_719 {strides = array<i32>} : memref<2x80x128xf32, #tpu.memory_space<vmem>>, vector<1x1x16xf32>,
        %get3A_720 = arith.constant 0 : i32
        %get3A_721 = arith.index_cast %get3A_720 : i32 to index
        %get3A_722 = arith.index_cast %scan3A_681 : i32 to index
        %get3A_723 = arith.constant 32 : index
        %get3A_724 = tpu.vector_load %arg11[%get3A_721, %get3A_722, %get3A_723] {strides = array<i32>} : memref<2x80x128xf32, #tpu.memory_space<vmem>>, vector<1x1x16xf32>,
        %get3A_725 = vector.shape_cast %get3A_724 : vector<1x1x16xf32> to vector<16xf32>
        %get3A_726 = arith.constant 1 : i32
        %get3A_727 = arith.index_cast %get3A_726 : i32 to index
        %get3A_728 = arith.index_cast %scan3A_681 : i32 to index
        %get3A_729 = arith.constant 32 : index
        %get3A_730 = tpu.vector_load %arg11[%get3A_727, %get3A_728, %get3A_729] {strides = array<i32>} : memref<2x80x128xf32, #tpu.memory_space<vmem>>, vector<1x1x16xf32>,
        %get3A_731 = vector.shape_cast %get3A_730 : vector<1x1x16xf32> to vector<16xf32>
        %add3A_732 = arith.addf %get3A_725, %get3A_731 : vector<16xf32>
        %swap3A_733 = arith.constant 0 : i32
        %swap3A_734 = arith.index_cast %swap3A_733 : i32 to index
        %swap3A_735 = arith.index_cast %scan3A_681 : i32 to index
        %swap3A_736 = arith.constant 32 : index
        %swap3A_737 = tpu.vector_load %arg11[%swap3A_734, %swap3A_735, %swap3A_736] {strides = array<i32>} : memref<2x80x128xf32, #tpu.memory_space<vmem>>, vector<1x1x16xf32>,
        %swap3A_738 = vector.shape_cast %swap3A_737 : vector<1x1x16xf32> to vector<16xf32>
        %swap3A_739 = vector.shape_cast %add3A_732 : vector<16xf32> to vector<1x1x16xf32>
        tpu.vector_store %arg11[%swap3A_734, %swap3A_735, %swap3A_736], %swap3A_739 {strides = array<i32>} : memref<2x80x128xf32, #tpu.memory_space<vmem>>, vector<1x1x16xf32>,
        %get3A_740 = arith.constant 0 : i32
        %get3A_741 = arith.index_cast %get3A_740 : i32 to index
        %get3A_742 = arith.index_cast %scan3A_681 : i32 to index
        %get3A_743 = arith.constant 48 : index
        %get3A_744 = tpu.vector_load %arg11[%get3A_741, %get3A_742, %get3A_743] {strides = array<i32>} : memref<2x80x128xf32, #tpu.memory_space<vmem>>, vector<1x1x16xf32>,
        %get3A_745 = vector.shape_cast %get3A_744 : vector<1x1x16xf32> to vector<16xf32>
        %get3A_746 = arith.constant 1 : i32
        %get3A_747 = arith.index_cast %get3A_746 : i32 to index
        %get3A_748 = arith.index_cast %scan3A_681 : i32 to index
        %get3A_749 = arith.constant 48 : index
        %get3A_750 = tpu.vector_load %arg11[%get3A_747, %get3A_748, %get3A_749] {strides = array<i32>} : memref<2x80x128xf32, #tpu.memory_space<vmem>>, vector<1x1x16xf32>,
        %get3A_751 = vector.shape_cast %get3A_750 : vector<1x1x16xf32> to vector<16xf32>
        %add3A_752 = arith.addf %get3A_745, %get3A_751 : vector<16xf32>
        %swap3A_753 = arith.constant 0 : i32
        %swap3A_754 = arith.index_cast %swap3A_753 : i32 to index
        %swap3A_755 = arith.index_cast %scan3A_681 : i32 to index
        %swap3A_756 = arith.constant 48 : index
        %swap3A_757 = tpu.vector_load %arg11[%swap3A_754, %swap3A_755, %swap3A_756] {strides = array<i32>} : memref<2x80x128xf32, #tpu.memory_space<vmem>>, vector<1x1x16xf32>,
        %swap3A_758 = vector.shape_cast %swap3A_757 : vector<1x1x16xf32> to vector<16xf32>
        %swap3A_759 = vector.shape_cast %add3A_752 : vector<16xf32> to vector<1x1x16xf32>
        tpu.vector_store %arg11[%swap3A_754, %swap3A_755, %swap3A_756], %swap3A_759 {strides = array<i32>} : memref<2x80x128xf32, #tpu.memory_space<vmem>>, vector<1x1x16xf32>,
        %get3A_760 = arith.constant 0 : i32
        %get3A_761 = arith.index_cast %get3A_760 : i32 to index
        %get3A_762 = arith.index_cast %scan3A_681 : i32 to index
        %get3A_763 = arith.constant 64 : index
        %get3A_764 = tpu.vector_load %arg11[%get3A_761, %get3A_762, %get3A_763] {strides = array<i32>} : memref<2x80x128xf32, #tpu.memory_space<vmem>>, vector<1x1x16xf32>,
        %get3A_765 = vector.shape_cast %get3A_764 : vector<1x1x16xf32> to vector<16xf32>
        %get3A_766 = arith.constant 1 : i32
        %get3A_767 = arith.index_cast %get3A_766 : i32 to index
        %get3A_768 = arith.index_cast %scan3A_681 : i32 to index
        %get3A_769 = arith.constant 64 : index
        %get3A_770 = tpu.vector_load %arg11[%get3A_767, %get3A_768, %get3A_769] {strides = array<i32>} : memref<2x80x128xf32, #tpu.memory_space<vmem>>, vector<1x1x16xf32>,
        %get3A_771 = vector.shape_cast %get3A_770 : vector<1x1x16xf32> to vector<16xf32>
        %add3A_772 = arith.addf %get3A_765, %get3A_771 : vector<16xf32>
        %swap3A_773 = arith.constant 0 : i32
        %swap3A_774 = arith.index_cast %swap3A_773 : i32 to index
        %swap3A_775 = arith.index_cast %scan3A_681 : i32 to index
        %swap3A_776 = arith.constant 64 : index
        %swap3A_777 = tpu.vector_load %arg11[%swap3A_774, %swap3A_775, %swap3A_776] {strides = array<i32>} : memref<2x80x128xf32, #tpu.memory_space<vmem>>, vector<1x1x16xf32>,
        %swap3A_778 = vector.shape_cast %swap3A_777 : vector<1x1x16xf32> to vector<16xf32>
        %swap3A_779 = vector.shape_cast %add3A_772 : vector<16xf32> to vector<1x1x16xf32>
        tpu.vector_store %arg11[%swap3A_774, %swap3A_775, %swap3A_776], %swap3A_779 {strides = array<i32>} : memref<2x80x128xf32, #tpu.memory_space<vmem>>, vector<1x1x16xf32>,
        %get3A_780 = arith.constant 0 : i32
        %get3A_781 = arith.index_cast %get3A_780 : i32 to index
        %get3A_782 = arith.index_cast %scan3A_681 : i32 to index
        %get3A_783 = arith.constant 80 : index
        %get3A_784 = tpu.vector_load %arg11[%get3A_781, %get3A_782, %get3A_783] {strides = array<i32>} : memref<2x80x128xf32, #tpu.memory_space<vmem>>, vector<1x1x16xf32>,
        %get3A_785 = vector.shape_cast %get3A_784 : vector<1x1x16xf32> to vector<16xf32>
        %get3A_786 = arith.constant 1 : i32
        %get3A_787 = arith.index_cast %get3A_786 : i32 to index
        %get3A_788 = arith.index_cast %scan3A_681 : i32 to index
        %get3A_789 = arith.constant 80 : index
        %get3A_790 = tpu.vector_load %arg11[%get3A_787, %get3A_788, %get3A_789] {strides = array<i32>} : memref<2x80x128xf32, #tpu.memory_space<vmem>>, vector<1x1x16xf32>,
        %get3A_791 = vector.shape_cast %get3A_790 : vector<1x1x16xf32> to vector<16xf32>
        %add3A_792 = arith.addf %get3A_785, %get3A_791 : vector<16xf32>
        %swap3A_793 = arith.constant 0 : i32
        %swap3A_794 = arith.index_cast %swap3A_793 : i32 to index
        %swap3A_795 = arith.index_cast %scan3A_681 : i32 to index
        %swap3A_796 = arith.constant 80 : index
        %swap3A_797 = tpu.vector_load %arg11[%swap3A_794, %swap3A_795, %swap3A_796] {strides = array<i32>} : memref<2x80x128xf32, #tpu.memory_space<vmem>>, vector<1x1x16xf32>,
        %swap3A_798 = vector.shape_cast %swap3A_797 : vector<1x1x16xf32> to vector<16xf32>
        %swap3A_799 = vector.shape_cast %add3A_792 : vector<16xf32> to vector<1x1x16xf32>
        tpu.vector_store %arg11[%swap3A_794, %swap3A_795, %swap3A_796], %swap3A_799 {strides = array<i32>} : memref<2x80x128xf32, #tpu.memory_space<vmem>>, vector<1x1x16xf32>,
        %get3A_800 = arith.constant 0 : i32
        %get3A_801 = arith.index_cast %get3A_800 : i32 to index
        %get3A_802 = arith.index_cast %scan3A_681 : i32 to index
        %get3A_803 = arith.constant 96 : index
        %get3A_804 = tpu.vector_load %arg11[%get3A_801, %get3A_802, %get3A_803] {strides = array<i32>} : memref<2x80x128xf32, #tpu.memory_space<vmem>>, vector<1x1x16xf32>,
        %get3A_805 = vector.shape_cast %get3A_804 : vector<1x1x16xf32> to vector<16xf32>
        %get3A_806 = arith.constant 1 : i32
        %get3A_807 = arith.index_cast %get3A_806 : i32 to index
        %get3A_808 = arith.index_cast %scan3A_681 : i32 to index
        %get3A_809 = arith.constant 96 : index
        %get3A_810 = tpu.vector_load %arg11[%get3A_807, %get3A_808, %get3A_809] {strides = array<i32>} : memref<2x80x128xf32, #tpu.memory_space<vmem>>, vector<1x1x16xf32>,
        %get3A_811 = vector.shape_cast %get3A_810 : vector<1x1x16xf32> to vector<16xf32>
        %add3A_812 = arith.addf %get3A_805, %get3A_811 : vector<16xf32>
        %swap3A_813 = arith.constant 0 : i32
        %swap3A_814 = arith.index_cast %swap3A_813 : i32 to index
        %swap3A_815 = arith.index_cast %scan3A_681 : i32 to index
        %swap3A_816 = arith.constant 96 : index
        %swap3A_817 = tpu.vector_load %arg11[%swap3A_814, %swap3A_815, %swap3A_816] {strides = array<i32>} : memref<2x80x128xf32, #tpu.memory_space<vmem>>, vector<1x1x16xf32>,
        %swap3A_818 = vector.shape_cast %swap3A_817 : vector<1x1x16xf32> to vector<16xf32>
        %swap3A_819 = vector.shape_cast %add3A_812 : vector<16xf32> to vector<1x1x16xf32>
        tpu.vector_store %arg11[%swap3A_814, %swap3A_815, %swap3A_816], %swap3A_819 {strides = array<i32>} : memref<2x80x128xf32, #tpu.memory_space<vmem>>, vector<1x1x16xf32>,
        %get3A_820 = arith.constant 0 : i32
        %get3A_821 = arith.index_cast %get3A_820 : i32 to index
        %get3A_822 = arith.index_cast %scan3A_681 : i32 to index
        %get3A_823 = arith.constant 112 : index
        %get3A_824 = tpu.vector_load %arg11[%get3A_821, %get3A_822, %get3A_823] {strides = array<i32>} : memref<2x80x128xf32, #tpu.memory_space<vmem>>, vector<1x1x16xf32>,
        %get3A_825 = vector.shape_cast %get3A_824 : vector<1x1x16xf32> to vector<16xf32>
        %get3A_826 = arith.constant 1 : i32
        %get3A_827 = arith.index_cast %get3A_826 : i32 to index
        %get3A_828 = arith.index_cast %scan3A_681 : i32 to index
        %get3A_829 = arith.constant 112 : index
        %get3A_830 = tpu.vector_load %arg11[%get3A_827, %get3A_828, %get3A_829] {strides = array<i32>} : memref<2x80x128xf32, #tpu.memory_space<vmem>>, vector<1x1x16xf32>,
        %get3A_831 = vector.shape_cast %get3A_830 : vector<1x1x16xf32> to vector<16xf32>
        %add3A_832 = arith.addf %get3A_825, %get3A_831 : vector<16xf32>
        %swap3A_833 = arith.constant 0 : i32
        %swap3A_834 = arith.index_cast %swap3A_833 : i32 to index
        %swap3A_835 = arith.index_cast %scan3A_681 : i32 to index
        %swap3A_836 = arith.constant 112 : index
        %swap3A_837 = tpu.vector_load %arg11[%swap3A_834, %swap3A_835, %swap3A_836] {strides = array<i32>} : memref<2x80x128xf32, #tpu.memory_space<vmem>>, vector<1x1x16xf32>,
        %swap3A_838 = vector.shape_cast %swap3A_837 : vector<1x1x16xf32> to vector<16xf32>
        %swap3A_839 = vector.shape_cast %add3A_832 : vector<16xf32> to vector<1x1x16xf32>
        tpu.vector_store %arg11[%swap3A_834, %swap3A_835, %swap3A_836], %swap3A_839 {strides = array<i32>} : memref<2x80x128xf32, #tpu.memory_space<vmem>>, vector<1x1x16xf32>,
      }
      %scan3A_590 = arith.constant 80 : i32
      %add3A_591 = arith.constant 2 : i32
      %add3A_592 = arith.addi %mul3A_448, %add3A_591 : i32
      %mul3A_593 = arith.constant 80 : i32
      %mul3A_594 = arith.muli %add3A_592, %mul3A_593 : i32
      %add3A_595 = arith.addi %mul3A_2, %mul3A_594 : i32
      %run_scoped3A_596 = arith.constant 0 : i32
      "tpu.region"() ({
        %run_scoped3A_681 = tpu.sem_alloc : memref<!tpu.dma_semaphore, #tpu.memory_space<semaphore_mem>>
        %dma_start3A_682 = arith.constant 0 : i32
        %dma_start3A_683 = arith.constant 0 : i32
        %dma_start3A_684 = tpu.memref_slice %arg11[%run_scoped3A_596, %dma_start3A_682, %dma_start3A_683] : memref<2x80x128xf32, #tpu.memory_space<vmem>> -> memref<1x80x128xf32, #tpu.memory_space<vmem>>
        %dma_start3A_685 = tpu.memref_squeeze %dma_start3A_684 : memref<1x80x128xf32, #tpu.memory_space<vmem>> -> memref<80x128xf32, #tpu.memory_space<vmem>>
        %dma_start3A_686 = arith.constant 0 : i32
        %dma_start3A_687 = tpu.memref_slice %arg6[%add3A_595, %dma_start3A_686] : memref<320000x128xf32, #tpu.memory_space<hbm>> -> memref<80x128xf32, #tpu.memory_space<hbm>>
        %dma_start3A_688 = arith.constant 0 : i32
        %dma_start3A_689 = tpu.memref_slice %arg6[%add3A_595, %dma_start3A_688] : memref<320000x128xf32, #tpu.memory_space<hbm>> -> memref<80x128xf32, #tpu.memory_space<hbm>>
        %dma_start3A_690 = arith.constant 0 : i32
        %dma_start3A_691 = arith.constant 0 : i32
        %dma_start3A_692 = tpu.memref_slice %arg11[%run_scoped3A_596, %dma_start3A_690, %dma_start3A_691] : memref<2x80x128xf32, #tpu.memory_space<vmem>> -> memref<1x80x128xf32, #tpu.memory_space<vmem>>
        %dma_start3A_693 = tpu.memref_squeeze %dma_start3A_692 : memref<1x80x128xf32, #tpu.memory_space<vmem>> -> memref<80x128xf32, #tpu.memory_space<vmem>>
        tpu.enqueue_dma source(%dma_start3A_693 : memref<80x128xf32, #tpu.memory_space<vmem>>) target(%dma_start3A_689 : memref<80x128xf32, #tpu.memory_space<hbm>>) target_semaphore(%run_scoped3A_681 : memref<!tpu.dma_semaphore, #tpu.memory_space<semaphore_mem>>)
        %dma_wait3A_694 = arith.constant 0 : i32
        %dma_wait3A_695 = arith.constant 0 : i32
        %dma_wait3A_696 = tpu.memref_slice %arg11[%run_scoped3A_596, %dma_wait3A_694, %dma_wait3A_695] : memref<2x80x128xf32, #tpu.memory_space<vmem>> -> memref<1x80x128xf32, #tpu.memory_space<vmem>>
        %dma_wait3A_697 = tpu.memref_squeeze %dma_wait3A_696 : memref<1x80x128xf32, #tpu.memory_space<vmem>> -> memref<80x128xf32, #tpu.memory_space<vmem>>
        %dma_wait3A_698 = arith.constant 0 : i32
        %dma_wait3A_699 = tpu.memref_slice %arg6[%add3A_595, %dma_wait3A_698] : memref<320000x128xf32, #tpu.memory_space<hbm>> -> memref<80x128xf32, #tpu.memory_space<hbm>>
        %dma_wait3A_700 = arith.constant 0 : i32
        %dma_wait3A_701 = tpu.memref_slice %arg6[%add3A_595, %dma_wait3A_700] : memref<320000x128xf32, #tpu.memory_space<hbm>> -> memref<80x128xf32, #tpu.memory_space<hbm>>
        %dma_wait3A_702 = arith.constant 0 : i32
        %dma_wait3A_703 = arith.constant 0 : i32
        %dma_wait3A_704 = tpu.memref_slice %arg11[%run_scoped3A_596, %dma_wait3A_702, %dma_wait3A_703] : memref<2x80x128xf32, #tpu.memory_space<vmem>> -> memref<1x80x128xf32, #tpu.memory_space<vmem>>
        %dma_wait3A_705 = tpu.memref_squeeze %dma_wait3A_704 : memref<1x80x128xf32, #tpu.memory_space<vmem>> -> memref<80x128xf32, #tpu.memory_space<vmem>>
        tpu.wait_dma2 semaphore(%run_scoped3A_681 : memref<!tpu.dma_semaphore, #tpu.memory_space<semaphore_mem>>) src(%dma_wait3A_705 : memref<80x128xf32, #tpu.memory_space<vmem>>) dst(%dma_wait3A_701 : memref<80x128xf32, #tpu.memory_space<hbm>>)
        tpu.yield
      }) : () -> ()
      %add3A_597 = arith.constant 2 : i32
      %add3A_598 = arith.addi %mul3A_448, %add3A_597 : i32
      %add3A_599 = arith.constant 2 : i32
      %add3A_600 = arith.addi %add3A_598, %add3A_599 : i32
      %mul3A_601 = arith.constant 80 : i32
      %mul3A_602 = arith.muli %add3A_600, %mul3A_601 : i32
      %dma_start3A_603 = arith.constant 0 : i32
      %dma_start3A_604 = arith.constant 0 : i32
      %dma_start3A_605 = arith.constant 0 : i32
      %dma_start3A_606 = tpu.memref_slice %arg9[%dma_start3A_603, %dma_start3A_604, %dma_start3A_605] : memref<2x80x128xf32, #tpu.memory_space<vmem>> -> memref<1x80x128xf32, #tpu.memory_space<vmem>>
      %dma_start3A_607 = tpu.memref_squeeze %dma_start3A_606 : memref<1x80x128xf32, #tpu.memory_space<vmem>> -> memref<80x128xf32, #tpu.memory_space<vmem>>
      %dma_start3A_608 = tpu.memref_slice %arg7[%mul3A_602] : memref<10000xi32, #tpu.memory_space<vmem>> -> memref<80xi32, #tpu.memory_space<vmem>>
      %dma_start3A_609 = arith.constant 0 : i32
      %dma_start3A_610 = arith.constant 0 : i32
      %dma_start3A_611 = tpu.memref_slice %arg2[%dma_start3A_609, %dma_start3A_610] : memref<10000x128xf32, #tpu.memory_space<hbm>> -> memref<10000x128xf32, #tpu.memory_space<hbm>>
      tpu.enqueue_indirect_dma source(%dma_start3A_611 : memref<10000x128xf32, #tpu.memory_space<hbm>>) target(%dma_start3A_607 : memref<80x128xf32, #tpu.memory_space<vmem>>) offsets(%dma_start3A_608 : memref<80xi32, #tpu.memory_space<vmem>>) semaphore(%arg13 : memref<!tpu.dma_semaphore, #tpu.memory_space<semaphore_mem>>)
      %mul3A_612 = arith.constant 80 : i32
      %mul3A_613 = arith.muli %add3A_600, %mul3A_612 : i32
      %dma_start3A_614 = arith.constant 1 : i32
      %dma_start3A_615 = arith.constant 0 : i32
      %dma_start3A_616 = arith.constant 0 : i32
      %dma_start3A_617 = tpu.memref_slice %arg9[%dma_start3A_614, %dma_start3A_615, %dma_start3A_616] : memref<2x80x128xf32, #tpu.memory_space<vmem>> -> memref<1x80x128xf32, #tpu.memory_space<vmem>>
      %dma_start3A_618 = tpu.memref_squeeze %dma_start3A_617 : memref<1x80x128xf32, #tpu.memory_space<vmem>> -> memref<80x128xf32, #tpu.memory_space<vmem>>
      %dma_start3A_619 = tpu.memref_slice %arg8[%mul3A_613] : memref<10000xi32, #tpu.memory_space<vmem>> -> memref<80xi32, #tpu.memory_space<vmem>>
      %dma_start3A_620 = arith.constant 0 : i32
      %dma_start3A_621 = arith.constant 0 : i32
      %dma_start3A_622 = tpu.memref_slice %arg3[%dma_start3A_620, %dma_start3A_621] : memref<10000x128xf32, #tpu.memory_space<hbm>> -> memref<10000x128xf32, #tpu.memory_space<hbm>>
      tpu.enqueue_indirect_dma source(%dma_start3A_622 : memref<10000x128xf32, #tpu.memory_space<hbm>>) target(%dma_start3A_618 : memref<80x128xf32, #tpu.memory_space<vmem>>) offsets(%dma_start3A_619 : memref<80xi32, #tpu.memory_space<vmem>>) semaphore(%arg13 : memref<!tpu.dma_semaphore, #tpu.memory_space<semaphore_mem>>)
      %dma_wait3A_623 = arith.constant 0 : i32
      %dma_wait3A_624 = arith.constant 0 : i32
      %dma_wait3A_625 = arith.constant 0 : i32
      %dma_wait3A_626 = tpu.memref_slice %arg12[%dma_wait3A_623, %dma_wait3A_624, %dma_wait3A_625] : memref<2x80x128xf32, #tpu.memory_space<vmem>> -> memref<1x80x128xf32, #tpu.memory_space<vmem>>
      %dma_wait3A_627 = tpu.memref_squeeze %dma_wait3A_626 : memref<1x80x128xf32, #tpu.memory_space<vmem>> -> memref<80x128xf32, #tpu.memory_space<vmem>>
      %dma_wait3A_628 = arith.constant 0 : i32
      %dma_wait3A_629 = tpu.memref_slice %arg7[%dma_wait3A_628] : memref<10000xi32, #tpu.memory_space<vmem>> -> memref<80xi32, #tpu.memory_space<vmem>>
      %dma_wait3A_630 = arith.constant 0 : i32
      %dma_wait3A_631 = arith.constant 0 : i32
      %dma_wait3A_632 = tpu.memref_slice %arg2[%dma_wait3A_630, %dma_wait3A_631] : memref<10000x128xf32, #tpu.memory_space<hbm>> -> memref<10000x128xf32, #tpu.memory_space<hbm>>
      tpu.wait_indirect_dma semaphore(%arg16 : memref<!tpu.dma_semaphore, #tpu.memory_space<semaphore_mem>>) src(%dma_wait3A_632 : memref<10000x128xf32, #tpu.memory_space<hbm>>) dst(%dma_wait3A_627 : memref<80x128xf32, #tpu.memory_space<vmem>>)
      %dma_wait3A_633 = arith.constant 1 : i32
      %dma_wait3A_634 = arith.constant 0 : i32
      %dma_wait3A_635 = arith.constant 0 : i32
      %dma_wait3A_636 = tpu.memref_slice %arg12[%dma_wait3A_633, %dma_wait3A_634, %dma_wait3A_635] : memref<2x80x128xf32, #tpu.memory_space<vmem>> -> memref<1x80x128xf32, #tpu.memory_space<vmem>>
      %dma_wait3A_637 = tpu.memref_squeeze %dma_wait3A_636 : memref<1x80x128xf32, #tpu.memory_space<vmem>> -> memref<80x128xf32, #tpu.memory_space<vmem>>
      %dma_wait3A_638 = arith.constant 0 : i32
      %dma_wait3A_639 = tpu.memref_slice %arg8[%dma_wait3A_638] : memref<10000xi32, #tpu.memory_space<vmem>> -> memref<80xi32, #tpu.memory_space<vmem>>
      %dma_wait3A_640 = arith.constant 0 : i32
      %dma_wait3A_641 = arith.constant 0 : i32
      %dma_wait3A_642 = tpu.memref_slice %arg3[%dma_wait3A_640, %dma_wait3A_641] : memref<10000x128xf32, #tpu.memory_space<hbm>> -> memref<10000x128xf32, #tpu.memory_space<hbm>>
      tpu.wait_indirect_dma semaphore(%arg16 : memref<!tpu.dma_semaphore, #tpu.memory_space<semaphore_mem>>) src(%dma_wait3A_642 : memref<10000x128xf32, #tpu.memory_space<hbm>>) dst(%dma_wait3A_637 : memref<80x128xf32, #tpu.memory_space<vmem>>)
      %scan3A_643 = arith.constant 0 : i32
      %scan3A_644 = arith.constant 0 : i32
      %scan3A_645 = arith.constant 80 : i32
      %scan3A_646 = arith.addi %scan3A_644, %scan3A_645 : i32
      %scan3A_647 = arith.constant 1 : i32
      scf.for %scan3A_681 = %scan3A_644 to %scan3A_646 step %scan3A_647  : i32 {
        %get3A = arith.constant 0 : i32
        %get3A_682 = arith.index_cast %get3A : i32 to index
        %get3A_683 = arith.index_cast %scan3A_681 : i32 to index
        %get3A_684 = arith.constant 0 : index
        %get3A_685 = tpu.vector_load %arg12[%get3A_682, %get3A_683, %get3A_684] {strides = array<i32>} : memref<2x80x128xf32, #tpu.memory_space<vmem>>, vector<1x1x16xf32>,
        %get3A_686 = vector.shape_cast %get3A_685 : vector<1x1x16xf32> to vector<16xf32>
        %get3A_687 = arith.constant 1 : i32
        %get3A_688 = arith.index_cast %get3A_687 : i32 to index
        %get3A_689 = arith.index_cast %scan3A_681 : i32 to index
        %get3A_690 = arith.constant 0 : index
        %get3A_691 = tpu.vector_load %arg12[%get3A_688, %get3A_689, %get3A_690] {strides = array<i32>} : memref<2x80x128xf32, #tpu.memory_space<vmem>>, vector<1x1x16xf32>,
        %get3A_692 = vector.shape_cast %get3A_691 : vector<1x1x16xf32> to vector<16xf32>
        %add3A_693 = arith.addf %get3A_686, %get3A_692 : vector<16xf32>
        %swap3A = arith.constant 0 : i32
        %swap3A_694 = arith.index_cast %swap3A : i32 to index
        %swap3A_695 = arith.index_cast %scan3A_681 : i32 to index
        %swap3A_696 = arith.constant 0 : index
        %swap3A_697 = tpu.vector_load %arg12[%swap3A_694, %swap3A_695, %swap3A_696] {strides = array<i32>} : memref<2x80x128xf32, #tpu.memory_space<vmem>>, vector<1x1x16xf32>,
        %swap3A_698 = vector.shape_cast %swap3A_697 : vector<1x1x16xf32> to vector<16xf32>
        %swap3A_699 = vector.shape_cast %add3A_693 : vector<16xf32> to vector<1x1x16xf32>
        tpu.vector_store %arg12[%swap3A_694, %swap3A_695, %swap3A_696], %swap3A_699 {strides = array<i32>} : memref<2x80x128xf32, #tpu.memory_space<vmem>>, vector<1x1x16xf32>,
        %get3A_700 = arith.constant 0 : i32
        %get3A_701 = arith.index_cast %get3A_700 : i32 to index
        %get3A_702 = arith.index_cast %scan3A_681 : i32 to index
        %get3A_703 = arith.constant 16 : index
        %get3A_704 = tpu.vector_load %arg12[%get3A_701, %get3A_702, %get3A_703] {strides = array<i32>} : memref<2x80x128xf32, #tpu.memory_space<vmem>>, vector<1x1x16xf32>,
        %get3A_705 = vector.shape_cast %get3A_704 : vector<1x1x16xf32> to vector<16xf32>
        %get3A_706 = arith.constant 1 : i32
        %get3A_707 = arith.index_cast %get3A_706 : i32 to index
        %get3A_708 = arith.index_cast %scan3A_681 : i32 to index
        %get3A_709 = arith.constant 16 : index
        %get3A_710 = tpu.vector_load %arg12[%get3A_707, %get3A_708, %get3A_709] {strides = array<i32>} : memref<2x80x128xf32, #tpu.memory_space<vmem>>, vector<1x1x16xf32>,
        %get3A_711 = vector.shape_cast %get3A_710 : vector<1x1x16xf32> to vector<16xf32>
        %add3A_712 = arith.addf %get3A_705, %get3A_711 : vector<16xf32>
        %swap3A_713 = arith.constant 0 : i32
        %swap3A_714 = arith.index_cast %swap3A_713 : i32 to index
        %swap3A_715 = arith.index_cast %scan3A_681 : i32 to index
        %swap3A_716 = arith.constant 16 : index
        %swap3A_717 = tpu.vector_load %arg12[%swap3A_714, %swap3A_715, %swap3A_716] {strides = array<i32>} : memref<2x80x128xf32, #tpu.memory_space<vmem>>, vector<1x1x16xf32>,
        %swap3A_718 = vector.shape_cast %swap3A_717 : vector<1x1x16xf32> to vector<16xf32>
        %swap3A_719 = vector.shape_cast %add3A_712 : vector<16xf32> to vector<1x1x16xf32>
        tpu.vector_store %arg12[%swap3A_714, %swap3A_715, %swap3A_716], %swap3A_719 {strides = array<i32>} : memref<2x80x128xf32, #tpu.memory_space<vmem>>, vector<1x1x16xf32>,
        %get3A_720 = arith.constant 0 : i32
        %get3A_721 = arith.index_cast %get3A_720 : i32 to index
        %get3A_722 = arith.index_cast %scan3A_681 : i32 to index
        %get3A_723 = arith.constant 32 : index
        %get3A_724 = tpu.vector_load %arg12[%get3A_721, %get3A_722, %get3A_723] {strides = array<i32>} : memref<2x80x128xf32, #tpu.memory_space<vmem>>, vector<1x1x16xf32>,
        %get3A_725 = vector.shape_cast %get3A_724 : vector<1x1x16xf32> to vector<16xf32>
        %get3A_726 = arith.constant 1 : i32
        %get3A_727 = arith.index_cast %get3A_726 : i32 to index
        %get3A_728 = arith.index_cast %scan3A_681 : i32 to index
        %get3A_729 = arith.constant 32 : index
        %get3A_730 = tpu.vector_load %arg12[%get3A_727, %get3A_728, %get3A_729] {strides = array<i32>} : memref<2x80x128xf32, #tpu.memory_space<vmem>>, vector<1x1x16xf32>,
        %get3A_731 = vector.shape_cast %get3A_730 : vector<1x1x16xf32> to vector<16xf32>
        %add3A_732 = arith.addf %get3A_725, %get3A_731 : vector<16xf32>
        %swap3A_733 = arith.constant 0 : i32
        %swap3A_734 = arith.index_cast %swap3A_733 : i32 to index
        %swap3A_735 = arith.index_cast %scan3A_681 : i32 to index
        %swap3A_736 = arith.constant 32 : index
        %swap3A_737 = tpu.vector_load %arg12[%swap3A_734, %swap3A_735, %swap3A_736] {strides = array<i32>} : memref<2x80x128xf32, #tpu.memory_space<vmem>>, vector<1x1x16xf32>,
        %swap3A_738 = vector.shape_cast %swap3A_737 : vector<1x1x16xf32> to vector<16xf32>
        %swap3A_739 = vector.shape_cast %add3A_732 : vector<16xf32> to vector<1x1x16xf32>
        tpu.vector_store %arg12[%swap3A_734, %swap3A_735, %swap3A_736], %swap3A_739 {strides = array<i32>} : memref<2x80x128xf32, #tpu.memory_space<vmem>>, vector<1x1x16xf32>,
        %get3A_740 = arith.constant 0 : i32
        %get3A_741 = arith.index_cast %get3A_740 : i32 to index
        %get3A_742 = arith.index_cast %scan3A_681 : i32 to index
        %get3A_743 = arith.constant 48 : index
        %get3A_744 = tpu.vector_load %arg12[%get3A_741, %get3A_742, %get3A_743] {strides = array<i32>} : memref<2x80x128xf32, #tpu.memory_space<vmem>>, vector<1x1x16xf32>,
        %get3A_745 = vector.shape_cast %get3A_744 : vector<1x1x16xf32> to vector<16xf32>
        %get3A_746 = arith.constant 1 : i32
        %get3A_747 = arith.index_cast %get3A_746 : i32 to index
        %get3A_748 = arith.index_cast %scan3A_681 : i32 to index
        %get3A_749 = arith.constant 48 : index
        %get3A_750 = tpu.vector_load %arg12[%get3A_747, %get3A_748, %get3A_749] {strides = array<i32>} : memref<2x80x128xf32, #tpu.memory_space<vmem>>, vector<1x1x16xf32>,
        %get3A_751 = vector.shape_cast %get3A_750 : vector<1x1x16xf32> to vector<16xf32>
        %add3A_752 = arith.addf %get3A_745, %get3A_751 : vector<16xf32>
        %swap3A_753 = arith.constant 0 : i32
        %swap3A_754 = arith.index_cast %swap3A_753 : i32 to index
        %swap3A_755 = arith.index_cast %scan3A_681 : i32 to index
        %swap3A_756 = arith.constant 48 : index
        %swap3A_757 = tpu.vector_load %arg12[%swap3A_754, %swap3A_755, %swap3A_756] {strides = array<i32>} : memref<2x80x128xf32, #tpu.memory_space<vmem>>, vector<1x1x16xf32>,
        %swap3A_758 = vector.shape_cast %swap3A_757 : vector<1x1x16xf32> to vector<16xf32>
        %swap3A_759 = vector.shape_cast %add3A_752 : vector<16xf32> to vector<1x1x16xf32>
        tpu.vector_store %arg12[%swap3A_754, %swap3A_755, %swap3A_756], %swap3A_759 {strides = array<i32>} : memref<2x80x128xf32, #tpu.memory_space<vmem>>, vector<1x1x16xf32>,
        %get3A_760 = arith.constant 0 : i32
        %get3A_761 = arith.index_cast %get3A_760 : i32 to index
        %get3A_762 = arith.index_cast %scan3A_681 : i32 to index
        %get3A_763 = arith.constant 64 : index
        %get3A_764 = tpu.vector_load %arg12[%get3A_761, %get3A_762, %get3A_763] {strides = array<i32>} : memref<2x80x128xf32, #tpu.memory_space<vmem>>, vector<1x1x16xf32>,
        %get3A_765 = vector.shape_cast %get3A_764 : vector<1x1x16xf32> to vector<16xf32>
        %get3A_766 = arith.constant 1 : i32
        %get3A_767 = arith.index_cast %get3A_766 : i32 to index
        %get3A_768 = arith.index_cast %scan3A_681 : i32 to index
        %get3A_769 = arith.constant 64 : index
        %get3A_770 = tpu.vector_load %arg12[%get3A_767, %get3A_768, %get3A_769] {strides = array<i32>} : memref<2x80x128xf32, #tpu.memory_space<vmem>>, vector<1x1x16xf32>,
        %get3A_771 = vector.shape_cast %get3A_770 : vector<1x1x16xf32> to vector<16xf32>
        %add3A_772 = arith.addf %get3A_765, %get3A_771 : vector<16xf32>
        %swap3A_773 = arith.constant 0 : i32
        %swap3A_774 = arith.index_cast %swap3A_773 : i32 to index
        %swap3A_775 = arith.index_cast %scan3A_681 : i32 to index
        %swap3A_776 = arith.constant 64 : index
        %swap3A_777 = tpu.vector_load %arg12[%swap3A_774, %swap3A_775, %swap3A_776] {strides = array<i32>} : memref<2x80x128xf32, #tpu.memory_space<vmem>>, vector<1x1x16xf32>,
        %swap3A_778 = vector.shape_cast %swap3A_777 : vector<1x1x16xf32> to vector<16xf32>
        %swap3A_779 = vector.shape_cast %add3A_772 : vector<16xf32> to vector<1x1x16xf32>
        tpu.vector_store %arg12[%swap3A_774, %swap3A_775, %swap3A_776], %swap3A_779 {strides = array<i32>} : memref<2x80x128xf32, #tpu.memory_space<vmem>>, vector<1x1x16xf32>,
        %get3A_780 = arith.constant 0 : i32
        %get3A_781 = arith.index_cast %get3A_780 : i32 to index
        %get3A_782 = arith.index_cast %scan3A_681 : i32 to index
        %get3A_783 = arith.constant 80 : index
        %get3A_784 = tpu.vector_load %arg12[%get3A_781, %get3A_782, %get3A_783] {strides = array<i32>} : memref<2x80x128xf32, #tpu.memory_space<vmem>>, vector<1x1x16xf32>,
        %get3A_785 = vector.shape_cast %get3A_784 : vector<1x1x16xf32> to vector<16xf32>
        %get3A_786 = arith.constant 1 : i32
        %get3A_787 = arith.index_cast %get3A_786 : i32 to index
        %get3A_788 = arith.index_cast %scan3A_681 : i32 to index
        %get3A_789 = arith.constant 80 : index
        %get3A_790 = tpu.vector_load %arg12[%get3A_787, %get3A_788, %get3A_789] {strides = array<i32>} : memref<2x80x128xf32, #tpu.memory_space<vmem>>, vector<1x1x16xf32>,
        %get3A_791 = vector.shape_cast %get3A_790 : vector<1x1x16xf32> to vector<16xf32>
        %add3A_792 = arith.addf %get3A_785, %get3A_791 : vector<16xf32>
        %swap3A_793 = arith.constant 0 : i32
        %swap3A_794 = arith.index_cast %swap3A_793 : i32 to index
        %swap3A_795 = arith.index_cast %scan3A_681 : i32 to index
        %swap3A_796 = arith.constant 80 : index
        %swap3A_797 = tpu.vector_load %arg12[%swap3A_794, %swap3A_795, %swap3A_796] {strides = array<i32>} : memref<2x80x128xf32, #tpu.memory_space<vmem>>, vector<1x1x16xf32>,
        %swap3A_798 = vector.shape_cast %swap3A_797 : vector<1x1x16xf32> to vector<16xf32>
        %swap3A_799 = vector.shape_cast %add3A_792 : vector<16xf32> to vector<1x1x16xf32>
        tpu.vector_store %arg12[%swap3A_794, %swap3A_795, %swap3A_796], %swap3A_799 {strides = array<i32>} : memref<2x80x128xf32, #tpu.memory_space<vmem>>, vector<1x1x16xf32>,
        %get3A_800 = arith.constant 0 : i32
        %get3A_801 = arith.index_cast %get3A_800 : i32 to index
        %get3A_802 = arith.index_cast %scan3A_681 : i32 to index
        %get3A_803 = arith.constant 96 : index
        %get3A_804 = tpu.vector_load %arg12[%get3A_801, %get3A_802, %get3A_803] {strides = array<i32>} : memref<2x80x128xf32, #tpu.memory_space<vmem>>, vector<1x1x16xf32>,
        %get3A_805 = vector.shape_cast %get3A_804 : vector<1x1x16xf32> to vector<16xf32>
        %get3A_806 = arith.constant 1 : i32
        %get3A_807 = arith.index_cast %get3A_806 : i32 to index
        %get3A_808 = arith.index_cast %scan3A_681 : i32 to index
        %get3A_809 = arith.constant 96 : index
        %get3A_810 = tpu.vector_load %arg12[%get3A_807, %get3A_808, %get3A_809] {strides = array<i32>} : memref<2x80x128xf32, #tpu.memory_space<vmem>>, vector<1x1x16xf32>,
        %get3A_811 = vector.shape_cast %get3A_810 : vector<1x1x16xf32> to vector<16xf32>
        %add3A_812 = arith.addf %get3A_805, %get3A_811 : vector<16xf32>
        %swap3A_813 = arith.constant 0 : i32
        %swap3A_814 = arith.index_cast %swap3A_813 : i32 to index
        %swap3A_815 = arith.index_cast %scan3A_681 : i32 to index
        %swap3A_816 = arith.constant 96 : index
        %swap3A_817 = tpu.vector_load %arg12[%swap3A_814, %swap3A_815, %swap3A_816] {strides = array<i32>} : memref<2x80x128xf32, #tpu.memory_space<vmem>>, vector<1x1x16xf32>,
        %swap3A_818 = vector.shape_cast %swap3A_817 : vector<1x1x16xf32> to vector<16xf32>
        %swap3A_819 = vector.shape_cast %add3A_812 : vector<16xf32> to vector<1x1x16xf32>
        tpu.vector_store %arg12[%swap3A_814, %swap3A_815, %swap3A_816], %swap3A_819 {strides = array<i32>} : memref<2x80x128xf32, #tpu.memory_space<vmem>>, vector<1x1x16xf32>,
        %get3A_820 = arith.constant 0 : i32
        %get3A_821 = arith.index_cast %get3A_820 : i32 to index
        %get3A_822 = arith.index_cast %scan3A_681 : i32 to index
        %get3A_823 = arith.constant 112 : index
        %get3A_824 = tpu.vector_load %arg12[%get3A_821, %get3A_822, %get3A_823] {strides = array<i32>} : memref<2x80x128xf32, #tpu.memory_space<vmem>>, vector<1x1x16xf32>,
        %get3A_825 = vector.shape_cast %get3A_824 : vector<1x1x16xf32> to vector<16xf32>
        %get3A_826 = arith.constant 1 : i32
        %get3A_827 = arith.index_cast %get3A_826 : i32 to index
        %get3A_828 = arith.index_cast %scan3A_681 : i32 to index
        %get3A_829 = arith.constant 112 : index
        %get3A_830 = tpu.vector_load %arg12[%get3A_827, %get3A_828, %get3A_829] {strides = array<i32>} : memref<2x80x128xf32, #tpu.memory_space<vmem>>, vector<1x1x16xf32>,
        %get3A_831 = vector.shape_cast %get3A_830 : vector<1x1x16xf32> to vector<16xf32>
        %add3A_832 = arith.addf %get3A_825, %get3A_831 : vector<16xf32>
        %swap3A_833 = arith.constant 0 : i32
        %swap3A_834 = arith.index_cast %swap3A_833 : i32 to index
        %swap3A_835 = arith.index_cast %scan3A_681 : i32 to index
        %swap3A_836 = arith.constant 112 : index
        %swap3A_837 = tpu.vector_load %arg12[%swap3A_834, %swap3A_835, %swap3A_836] {strides = array<i32>} : memref<2x80x128xf32, #tpu.memory_space<vmem>>, vector<1x1x16xf32>,
        %swap3A_838 = vector.shape_cast %swap3A_837 : vector<1x1x16xf32> to vector<16xf32>
        %swap3A_839 = vector.shape_cast %add3A_832 : vector<16xf32> to vector<1x1x16xf32>
        tpu.vector_store %arg12[%swap3A_834, %swap3A_835, %swap3A_836], %swap3A_839 {strides = array<i32>} : memref<2x80x128xf32, #tpu.memory_space<vmem>>, vector<1x1x16xf32>,
      }
      %scan3A_648 = arith.constant 80 : i32
      %add3A_649 = arith.constant 3 : i32
      %add3A_650 = arith.addi %mul3A_448, %add3A_649 : i32
      %mul3A_651 = arith.constant 80 : i32
      %mul3A_652 = arith.muli %add3A_650, %mul3A_651 : i32
      %add3A_653 = arith.addi %mul3A_2, %mul3A_652 : i32
      %run_scoped3A_654 = arith.constant 0 : i32
      "tpu.region"() ({
        %run_scoped3A_681 = tpu.sem_alloc : memref<!tpu.dma_semaphore, #tpu.memory_space<semaphore_mem>>
        %dma_start3A_682 = arith.constant 0 : i32
        %dma_start3A_683 = arith.constant 0 : i32
        %dma_start3A_684 = tpu.memref_slice %arg12[%run_scoped3A_654, %dma_start3A_682, %dma_start3A_683] : memref<2x80x128xf32, #tpu.memory_space<vmem>> -> memref<1x80x128xf32, #tpu.memory_space<vmem>>
        %dma_start3A_685 = tpu.memref_squeeze %dma_start3A_684 : memref<1x80x128xf32, #tpu.memory_space<vmem>> -> memref<80x128xf32, #tpu.memory_space<vmem>>
        %dma_start3A_686 = arith.constant 0 : i32
        %dma_start3A_687 = tpu.memref_slice %arg6[%add3A_653, %dma_start3A_686] : memref<320000x128xf32, #tpu.memory_space<hbm>> -> memref<80x128xf32, #tpu.memory_space<hbm>>
        %dma_start3A_688 = arith.constant 0 : i32
        %dma_start3A_689 = tpu.memref_slice %arg6[%add3A_653, %dma_start3A_688] : memref<320000x128xf32, #tpu.memory_space<hbm>> -> memref<80x128xf32, #tpu.memory_space<hbm>>
        %dma_start3A_690 = arith.constant 0 : i32
        %dma_start3A_691 = arith.constant 0 : i32
        %dma_start3A_692 = tpu.memref_slice %arg12[%run_scoped3A_654, %dma_start3A_690, %dma_start3A_691] : memref<2x80x128xf32, #tpu.memory_space<vmem>> -> memref<1x80x128xf32, #tpu.memory_space<vmem>>
        %dma_start3A_693 = tpu.memref_squeeze %dma_start3A_692 : memref<1x80x128xf32, #tpu.memory_space<vmem>> -> memref<80x128xf32, #tpu.memory_space<vmem>>
        tpu.enqueue_dma source(%dma_start3A_693 : memref<80x128xf32, #tpu.memory_space<vmem>>) target(%dma_start3A_689 : memref<80x128xf32, #tpu.memory_space<hbm>>) target_semaphore(%run_scoped3A_681 : memref<!tpu.dma_semaphore, #tpu.memory_space<semaphore_mem>>)
        %dma_wait3A_694 = arith.constant 0 : i32
        %dma_wait3A_695 = arith.constant 0 : i32
        %dma_wait3A_696 = tpu.memref_slice %arg12[%run_scoped3A_654, %dma_wait3A_694, %dma_wait3A_695] : memref<2x80x128xf32, #tpu.memory_space<vmem>> -> memref<1x80x128xf32, #tpu.memory_space<vmem>>
        %dma_wait3A_697 = tpu.memref_squeeze %dma_wait3A_696 : memref<1x80x128xf32, #tpu.memory_space<vmem>> -> memref<80x128xf32, #tpu.memory_space<vmem>>
        %dma_wait3A_698 = arith.constant 0 : i32
        %dma_wait3A_699 = tpu.memref_slice %arg6[%add3A_653, %dma_wait3A_698] : memref<320000x128xf32, #tpu.memory_space<hbm>> -> memref<80x128xf32, #tpu.memory_space<hbm>>
        %dma_wait3A_700 = arith.constant 0 : i32
        %dma_wait3A_701 = tpu.memref_slice %arg6[%add3A_653, %dma_wait3A_700] : memref<320000x128xf32, #tpu.memory_space<hbm>> -> memref<80x128xf32, #tpu.memory_space<hbm>>
        %dma_wait3A_702 = arith.constant 0 : i32
        %dma_wait3A_703 = arith.constant 0 : i32
        %dma_wait3A_704 = tpu.memref_slice %arg12[%run_scoped3A_654, %dma_wait3A_702, %dma_wait3A_703] : memref<2x80x128xf32, #tpu.memory_space<vmem>> -> memref<1x80x128xf32, #tpu.memory_space<vmem>>
        %dma_wait3A_705 = tpu.memref_squeeze %dma_wait3A_704 : memref<1x80x128xf32, #tpu.memory_space<vmem>> -> memref<80x128xf32, #tpu.memory_space<vmem>>
        tpu.wait_dma2 semaphore(%run_scoped3A_681 : memref<!tpu.dma_semaphore, #tpu.memory_space<semaphore_mem>>) src(%dma_wait3A_705 : memref<80x128xf32, #tpu.memory_space<vmem>>) dst(%dma_wait3A_701 : memref<80x128xf32, #tpu.memory_space<hbm>>)
        tpu.yield
      }) : () -> ()
      %add3A_655 = arith.constant 3 : i32
      %add3A_656 = arith.addi %mul3A_448, %add3A_655 : i32
      %add3A_657 = arith.constant 2 : i32
      %add3A_658 = arith.addi %add3A_656, %add3A_657 : i32
      %mul3A_659 = arith.constant 80 : i32
      %mul3A_660 = arith.muli %add3A_658, %mul3A_659 : i32
      %dma_start3A_661 = arith.constant 0 : i32
      %dma_start3A_662 = arith.constant 0 : i32
      %dma_start3A_663 = arith.constant 0 : i32
      %dma_start3A_664 = tpu.memref_slice %arg10[%dma_start3A_661, %dma_start3A_662, %dma_start3A_663] : memref<2x80x128xf32, #tpu.memory_space<vmem>> -> memref<1x80x128xf32, #tpu.memory_space<vmem>>
      %dma_start3A_665 = tpu.memref_squeeze %dma_start3A_664 : memref<1x80x128xf32, #tpu.memory_space<vmem>> -> memref<80x128xf32, #tpu.memory_space<vmem>>
      %dma_start3A_666 = tpu.memref_slice %arg7[%mul3A_660] : memref<10000xi32, #tpu.memory_space<vmem>> -> memref<80xi32, #tpu.memory_space<vmem>>
      %dma_start3A_667 = arith.constant 0 : i32
      %dma_start3A_668 = arith.constant 0 : i32
      %dma_start3A_669 = tpu.memref_slice %arg2[%dma_start3A_667, %dma_start3A_668] : memref<10000x128xf32, #tpu.memory_space<hbm>> -> memref<10000x128xf32, #tpu.memory_space<hbm>>
      tpu.enqueue_indirect_dma source(%dma_start3A_669 : memref<10000x128xf32, #tpu.memory_space<hbm>>) target(%dma_start3A_665 : memref<80x128xf32, #tpu.memory_space<vmem>>) offsets(%dma_start3A_666 : memref<80xi32, #tpu.memory_space<vmem>>) semaphore(%arg14 : memref<!tpu.dma_semaphore, #tpu.memory_space<semaphore_mem>>)
      %mul3A_670 = arith.constant 80 : i32
      %mul3A_671 = arith.muli %add3A_658, %mul3A_670 : i32
      %dma_start3A_672 = arith.constant 1 : i32
      %dma_start3A_673 = arith.constant 0 : i32
      %dma_start3A_674 = arith.constant 0 : i32
      %dma_start3A_675 = tpu.memref_slice %arg10[%dma_start3A_672, %dma_start3A_673, %dma_start3A_674] : memref<2x80x128xf32, #tpu.memory_space<vmem>> -> memref<1x80x128xf32, #tpu.memory_space<vmem>>
      %dma_start3A_676 = tpu.memref_squeeze %dma_start3A_675 : memref<1x80x128xf32, #tpu.memory_space<vmem>> -> memref<80x128xf32, #tpu.memory_space<vmem>>
      %dma_start3A_677 = tpu.memref_slice %arg8[%mul3A_671] : memref<10000xi32, #tpu.memory_space<vmem>> -> memref<80xi32, #tpu.memory_space<vmem>>
      %dma_start3A_678 = arith.constant 0 : i32
      %dma_start3A_679 = arith.constant 0 : i32
      %dma_start3A_680 = tpu.memref_slice %arg3[%dma_start3A_678, %dma_start3A_679] : memref<10000x128xf32, #tpu.memory_space<hbm>> -> memref<10000x128xf32, #tpu.memory_space<hbm>>
      tpu.enqueue_indirect_dma source(%dma_start3A_680 : memref<10000x128xf32, #tpu.memory_space<hbm>>) target(%dma_start3A_676 : memref<80x128xf32, #tpu.memory_space<vmem>>) offsets(%dma_start3A_677 : memref<80xi32, #tpu.memory_space<vmem>>) semaphore(%arg14 : memref<!tpu.dma_semaphore, #tpu.memory_space<semaphore_mem>>)
    }
    %scan3A_240 = arith.constant 29 : i32
    %dma_wait3A_241 = arith.constant 0 : i32
    %dma_wait3A_242 = arith.constant 0 : i32
    %dma_wait3A_243 = arith.constant 0 : i32
    %dma_wait3A_244 = tpu.memref_slice %arg9[%dma_wait3A_241, %dma_wait3A_242, %dma_wait3A_243] : memref<2x80x128xf32, #tpu.memory_space<vmem>> -> memref<1x80x128xf32, #tpu.memory_space<vmem>>
    %dma_wait3A_245 = tpu.memref_squeeze %dma_wait3A_244 : memref<1x80x128xf32, #tpu.memory_space<vmem>> -> memref<80x128xf32, #tpu.memory_space<vmem>>
    %dma_wait3A_246 = arith.constant 0 : i32
    %dma_wait3A_247 = tpu.memref_slice %arg7[%dma_wait3A_246] : memref<10000xi32, #tpu.memory_space<vmem>> -> memref<80xi32, #tpu.memory_space<vmem>>
    %dma_wait3A_248 = arith.constant 0 : i32
    %dma_wait3A_249 = arith.constant 0 : i32
    %dma_wait3A_250 = tpu.memref_slice %arg2[%dma_wait3A_248, %dma_wait3A_249] : memref<10000x128xf32, #tpu.memory_space<hbm>> -> memref<10000x128xf32, #tpu.memory_space<hbm>>
    tpu.wait_indirect_dma semaphore(%arg13 : memref<!tpu.dma_semaphore, #tpu.memory_space<semaphore_mem>>) src(%dma_wait3A_250 : memref<10000x128xf32, #tpu.memory_space<hbm>>) dst(%dma_wait3A_245 : memref<80x128xf32, #tpu.memory_space<vmem>>)
    %dma_wait3A_251 = arith.constant 1 : i32
    %dma_wait3A_252 = arith.constant 0 : i32
    %dma_wait3A_253 = arith.constant 0 : i32
    %dma_wait3A_254 = tpu.memref_slice %arg9[%dma_wait3A_251, %dma_wait3A_252, %dma_wait3A_253] : memref<2x80x128xf32, #tpu.memory_space<vmem>> -> memref<1x80x128xf32, #tpu.memory_space<vmem>>
    %dma_wait3A_255 = tpu.memref_squeeze %dma_wait3A_254 : memref<1x80x128xf32, #tpu.memory_space<vmem>> -> memref<80x128xf32, #tpu.memory_space<vmem>>
    %dma_wait3A_256 = arith.constant 0 : i32
    %dma_wait3A_257 = tpu.memref_slice %arg8[%dma_wait3A_256] : memref<10000xi32, #tpu.memory_space<vmem>> -> memref<80xi32, #tpu.memory_space<vmem>>
    %dma_wait3A_258 = arith.constant 0 : i32
    %dma_wait3A_259 = arith.constant 0 : i32
    %dma_wait3A_260 = tpu.memref_slice %arg3[%dma_wait3A_258, %dma_wait3A_259] : memref<10000x128xf32, #tpu.memory_space<hbm>> -> memref<10000x128xf32, #tpu.memory_space<hbm>>
    tpu.wait_indirect_dma semaphore(%arg13 : memref<!tpu.dma_semaphore, #tpu.memory_space<semaphore_mem>>) src(%dma_wait3A_260 : memref<10000x128xf32, #tpu.memory_space<hbm>>) dst(%dma_wait3A_255 : memref<80x128xf32, #tpu.memory_space<vmem>>)
    %scan3A_261 = arith.constant 0 : i32
    %scan3A_262 = arith.constant 0 : i32
    %scan3A_263 = arith.constant 80 : i32
    %scan3A_264 = arith.addi %scan3A_262, %scan3A_263 : i32
    %scan3A_265 = arith.constant 1 : i32
    scf.for %scan3A_446 = %scan3A_262 to %scan3A_264 step %scan3A_265  : i32 {
      %get3A = arith.constant 0 : i32
      %get3A_447 = arith.index_cast %get3A : i32 to index
      %get3A_448 = arith.index_cast %scan3A_446 : i32 to index
      %get3A_449 = arith.constant 0 : index
      %get3A_450 = tpu.vector_load %arg9[%get3A_447, %get3A_448, %get3A_449] {strides = array<i32>} : memref<2x80x128xf32, #tpu.memory_space<vmem>>, vector<1x1x16xf32>,
      %get3A_451 = vector.shape_cast %get3A_450 : vector<1x1x16xf32> to vector<16xf32>
      %get3A_452 = arith.constant 1 : i32
      %get3A_453 = arith.index_cast %get3A_452 : i32 to index
      %get3A_454 = arith.index_cast %scan3A_446 : i32 to index
      %get3A_455 = arith.constant 0 : index
      %get3A_456 = tpu.vector_load %arg9[%get3A_453, %get3A_454, %get3A_455] {strides = array<i32>} : memref<2x80x128xf32, #tpu.memory_space<vmem>>, vector<1x1x16xf32>,
      %get3A_457 = vector.shape_cast %get3A_456 : vector<1x1x16xf32> to vector<16xf32>
      %add3A_458 = arith.addf %get3A_451, %get3A_457 : vector<16xf32>
      %swap3A = arith.constant 0 : i32
      %swap3A_459 = arith.index_cast %swap3A : i32 to index
      %swap3A_460 = arith.index_cast %scan3A_446 : i32 to index
      %swap3A_461 = arith.constant 0 : index
      %swap3A_462 = tpu.vector_load %arg9[%swap3A_459, %swap3A_460, %swap3A_461] {strides = array<i32>} : memref<2x80x128xf32, #tpu.memory_space<vmem>>, vector<1x1x16xf32>,
      %swap3A_463 = vector.shape_cast %swap3A_462 : vector<1x1x16xf32> to vector<16xf32>
      %swap3A_464 = vector.shape_cast %add3A_458 : vector<16xf32> to vector<1x1x16xf32>
      tpu.vector_store %arg9[%swap3A_459, %swap3A_460, %swap3A_461], %swap3A_464 {strides = array<i32>} : memref<2x80x128xf32, #tpu.memory_space<vmem>>, vector<1x1x16xf32>,
      %get3A_465 = arith.constant 0 : i32
      %get3A_466 = arith.index_cast %get3A_465 : i32 to index
      %get3A_467 = arith.index_cast %scan3A_446 : i32 to index
      %get3A_468 = arith.constant 16 : index
      %get3A_469 = tpu.vector_load %arg9[%get3A_466, %get3A_467, %get3A_468] {strides = array<i32>} : memref<2x80x128xf32, #tpu.memory_space<vmem>>, vector<1x1x16xf32>,
      %get3A_470 = vector.shape_cast %get3A_469 : vector<1x1x16xf32> to vector<16xf32>
      %get3A_471 = arith.constant 1 : i32
      %get3A_472 = arith.index_cast %get3A_471 : i32 to index
      %get3A_473 = arith.index_cast %scan3A_446 : i32 to index
      %get3A_474 = arith.constant 16 : index
      %get3A_475 = tpu.vector_load %arg9[%get3A_472, %get3A_473, %get3A_474] {strides = array<i32>} : memref<2x80x128xf32, #tpu.memory_space<vmem>>, vector<1x1x16xf32>,
      %get3A_476 = vector.shape_cast %get3A_475 : vector<1x1x16xf32> to vector<16xf32>
      %add3A_477 = arith.addf %get3A_470, %get3A_476 : vector<16xf32>
      %swap3A_478 = arith.constant 0 : i32
      %swap3A_479 = arith.index_cast %swap3A_478 : i32 to index
      %swap3A_480 = arith.index_cast %scan3A_446 : i32 to index
      %swap3A_481 = arith.constant 16 : index
      %swap3A_482 = tpu.vector_load %arg9[%swap3A_479, %swap3A_480, %swap3A_481] {strides = array<i32>} : memref<2x80x128xf32, #tpu.memory_space<vmem>>, vector<1x1x16xf32>,
      %swap3A_483 = vector.shape_cast %swap3A_482 : vector<1x1x16xf32> to vector<16xf32>
      %swap3A_484 = vector.shape_cast %add3A_477 : vector<16xf32> to vector<1x1x16xf32>
      tpu.vector_store %arg9[%swap3A_479, %swap3A_480, %swap3A_481], %swap3A_484 {strides = array<i32>} : memref<2x80x128xf32, #tpu.memory_space<vmem>>, vector<1x1x16xf32>,
      %get3A_485 = arith.constant 0 : i32
      %get3A_486 = arith.index_cast %get3A_485 : i32 to index
      %get3A_487 = arith.index_cast %scan3A_446 : i32 to index
      %get3A_488 = arith.constant 32 : index
      %get3A_489 = tpu.vector_load %arg9[%get3A_486, %get3A_487, %get3A_488] {strides = array<i32>} : memref<2x80x128xf32, #tpu.memory_space<vmem>>, vector<1x1x16xf32>,
      %get3A_490 = vector.shape_cast %get3A_489 : vector<1x1x16xf32> to vector<16xf32>
      %get3A_491 = arith.constant 1 : i32
      %get3A_492 = arith.index_cast %get3A_491 : i32 to index
      %get3A_493 = arith.index_cast %scan3A_446 : i32 to index
      %get3A_494 = arith.constant 32 : index
      %get3A_495 = tpu.vector_load %arg9[%get3A_492, %get3A_493, %get3A_494] {strides = array<i32>} : memref<2x80x128xf32, #tpu.memory_space<vmem>>, vector<1x1x16xf32>,
      %get3A_496 = vector.shape_cast %get3A_495 : vector<1x1x16xf32> to vector<16xf32>
      %add3A_497 = arith.addf %get3A_490, %get3A_496 : vector<16xf32>
      %swap3A_498 = arith.constant 0 : i32
      %swap3A_499 = arith.index_cast %swap3A_498 : i32 to index
      %swap3A_500 = arith.index_cast %scan3A_446 : i32 to index
      %swap3A_501 = arith.constant 32 : index
      %swap3A_502 = tpu.vector_load %arg9[%swap3A_499, %swap3A_500, %swap3A_501] {strides = array<i32>} : memref<2x80x128xf32, #tpu.memory_space<vmem>>, vector<1x1x16xf32>,
      %swap3A_503 = vector.shape_cast %swap3A_502 : vector<1x1x16xf32> to vector<16xf32>
      %swap3A_504 = vector.shape_cast %add3A_497 : vector<16xf32> to vector<1x1x16xf32>
      tpu.vector_store %arg9[%swap3A_499, %swap3A_500, %swap3A_501], %swap3A_504 {strides = array<i32>} : memref<2x80x128xf32, #tpu.memory_space<vmem>>, vector<1x1x16xf32>,
      %get3A_505 = arith.constant 0 : i32
      %get3A_506 = arith.index_cast %get3A_505 : i32 to index
      %get3A_507 = arith.index_cast %scan3A_446 : i32 to index
      %get3A_508 = arith.constant 48 : index
      %get3A_509 = tpu.vector_load %arg9[%get3A_506, %get3A_507, %get3A_508] {strides = array<i32>} : memref<2x80x128xf32, #tpu.memory_space<vmem>>, vector<1x1x16xf32>,
      %get3A_510 = vector.shape_cast %get3A_509 : vector<1x1x16xf32> to vector<16xf32>
      %get3A_511 = arith.constant 1 : i32
      %get3A_512 = arith.index_cast %get3A_511 : i32 to index
      %get3A_513 = arith.index_cast %scan3A_446 : i32 to index
      %get3A_514 = arith.constant 48 : index
      %get3A_515 = tpu.vector_load %arg9[%get3A_512, %get3A_513, %get3A_514] {strides = array<i32>} : memref<2x80x128xf32, #tpu.memory_space<vmem>>, vector<1x1x16xf32>,
      %get3A_516 = vector.shape_cast %get3A_515 : vector<1x1x16xf32> to vector<16xf32>
      %add3A_517 = arith.addf %get3A_510, %get3A_516 : vector<16xf32>
      %swap3A_518 = arith.constant 0 : i32
      %swap3A_519 = arith.index_cast %swap3A_518 : i32 to index
      %swap3A_520 = arith.index_cast %scan3A_446 : i32 to index
      %swap3A_521 = arith.constant 48 : index
      %swap3A_522 = tpu.vector_load %arg9[%swap3A_519, %swap3A_520, %swap3A_521] {strides = array<i32>} : memref<2x80x128xf32, #tpu.memory_space<vmem>>, vector<1x1x16xf32>,
      %swap3A_523 = vector.shape_cast %swap3A_522 : vector<1x1x16xf32> to vector<16xf32>
      %swap3A_524 = vector.shape_cast %add3A_517 : vector<16xf32> to vector<1x1x16xf32>
      tpu.vector_store %arg9[%swap3A_519, %swap3A_520, %swap3A_521], %swap3A_524 {strides = array<i32>} : memref<2x80x128xf32, #tpu.memory_space<vmem>>, vector<1x1x16xf32>,
      %get3A_525 = arith.constant 0 : i32
      %get3A_526 = arith.index_cast %get3A_525 : i32 to index
      %get3A_527 = arith.index_cast %scan3A_446 : i32 to index
      %get3A_528 = arith.constant 64 : index
      %get3A_529 = tpu.vector_load %arg9[%get3A_526, %get3A_527, %get3A_528] {strides = array<i32>} : memref<2x80x128xf32, #tpu.memory_space<vmem>>, vector<1x1x16xf32>,
      %get3A_530 = vector.shape_cast %get3A_529 : vector<1x1x16xf32> to vector<16xf32>
      %get3A_531 = arith.constant 1 : i32
      %get3A_532 = arith.index_cast %get3A_531 : i32 to index
      %get3A_533 = arith.index_cast %scan3A_446 : i32 to index
      %get3A_534 = arith.constant 64 : index
      %get3A_535 = tpu.vector_load %arg9[%get3A_532, %get3A_533, %get3A_534] {strides = array<i32>} : memref<2x80x128xf32, #tpu.memory_space<vmem>>, vector<1x1x16xf32>,
      %get3A_536 = vector.shape_cast %get3A_535 : vector<1x1x16xf32> to vector<16xf32>
      %add3A_537 = arith.addf %get3A_530, %get3A_536 : vector<16xf32>
      %swap3A_538 = arith.constant 0 : i32
      %swap3A_539 = arith.index_cast %swap3A_538 : i32 to index
      %swap3A_540 = arith.index_cast %scan3A_446 : i32 to index
      %swap3A_541 = arith.constant 64 : index
      %swap3A_542 = tpu.vector_load %arg9[%swap3A_539, %swap3A_540, %swap3A_541] {strides = array<i32>} : memref<2x80x128xf32, #tpu.memory_space<vmem>>, vector<1x1x16xf32>,
      %swap3A_543 = vector.shape_cast %swap3A_542 : vector<1x1x16xf32> to vector<16xf32>
      %swap3A_544 = vector.shape_cast %add3A_537 : vector<16xf32> to vector<1x1x16xf32>
      tpu.vector_store %arg9[%swap3A_539, %swap3A_540, %swap3A_541], %swap3A_544 {strides = array<i32>} : memref<2x80x128xf32, #tpu.memory_space<vmem>>, vector<1x1x16xf32>,
      %get3A_545 = arith.constant 0 : i32
      %get3A_546 = arith.index_cast %get3A_545 : i32 to index
      %get3A_547 = arith.index_cast %scan3A_446 : i32 to index
      %get3A_548 = arith.constant 80 : index
      %get3A_549 = tpu.vector_load %arg9[%get3A_546, %get3A_547, %get3A_548] {strides = array<i32>} : memref<2x80x128xf32, #tpu.memory_space<vmem>>, vector<1x1x16xf32>,
      %get3A_550 = vector.shape_cast %get3A_549 : vector<1x1x16xf32> to vector<16xf32>
      %get3A_551 = arith.constant 1 : i32
      %get3A_552 = arith.index_cast %get3A_551 : i32 to index
      %get3A_553 = arith.index_cast %scan3A_446 : i32 to index
      %get3A_554 = arith.constant 80 : index
      %get3A_555 = tpu.vector_load %arg9[%get3A_552, %get3A_553, %get3A_554] {strides = array<i32>} : memref<2x80x128xf32, #tpu.memory_space<vmem>>, vector<1x1x16xf32>,
      %get3A_556 = vector.shape_cast %get3A_555 : vector<1x1x16xf32> to vector<16xf32>
      %add3A_557 = arith.addf %get3A_550, %get3A_556 : vector<16xf32>
      %swap3A_558 = arith.constant 0 : i32
      %swap3A_559 = arith.index_cast %swap3A_558 : i32 to index
      %swap3A_560 = arith.index_cast %scan3A_446 : i32 to index
      %swap3A_561 = arith.constant 80 : index
      %swap3A_562 = tpu.vector_load %arg9[%swap3A_559, %swap3A_560, %swap3A_561] {strides = array<i32>} : memref<2x80x128xf32, #tpu.memory_space<vmem>>, vector<1x1x16xf32>,
      %swap3A_563 = vector.shape_cast %swap3A_562 : vector<1x1x16xf32> to vector<16xf32>
      %swap3A_564 = vector.shape_cast %add3A_557 : vector<16xf32> to vector<1x1x16xf32>
      tpu.vector_store %arg9[%swap3A_559, %swap3A_560, %swap3A_561], %swap3A_564 {strides = array<i32>} : memref<2x80x128xf32, #tpu.memory_space<vmem>>, vector<1x1x16xf32>,
      %get3A_565 = arith.constant 0 : i32
      %get3A_566 = arith.index_cast %get3A_565 : i32 to index
      %get3A_567 = arith.index_cast %scan3A_446 : i32 to index
      %get3A_568 = arith.constant 96 : index
      %get3A_569 = tpu.vector_load %arg9[%get3A_566, %get3A_567, %get3A_568] {strides = array<i32>} : memref<2x80x128xf32, #tpu.memory_space<vmem>>, vector<1x1x16xf32>,
      %get3A_570 = vector.shape_cast %get3A_569 : vector<1x1x16xf32> to vector<16xf32>
      %get3A_571 = arith.constant 1 : i32
      %get3A_572 = arith.index_cast %get3A_571 : i32 to index
      %get3A_573 = arith.index_cast %scan3A_446 : i32 to index
      %get3A_574 = arith.constant 96 : index
      %get3A_575 = tpu.vector_load %arg9[%get3A_572, %get3A_573, %get3A_574] {strides = array<i32>} : memref<2x80x128xf32, #tpu.memory_space<vmem>>, vector<1x1x16xf32>,
      %get3A_576 = vector.shape_cast %get3A_575 : vector<1x1x16xf32> to vector<16xf32>
      %add3A_577 = arith.addf %get3A_570, %get3A_576 : vector<16xf32>
      %swap3A_578 = arith.constant 0 : i32
      %swap3A_579 = arith.index_cast %swap3A_578 : i32 to index
      %swap3A_580 = arith.index_cast %scan3A_446 : i32 to index
      %swap3A_581 = arith.constant 96 : index
      %swap3A_582 = tpu.vector_load %arg9[%swap3A_579, %swap3A_580, %swap3A_581] {strides = array<i32>} : memref<2x80x128xf32, #tpu.memory_space<vmem>>, vector<1x1x16xf32>,
      %swap3A_583 = vector.shape_cast %swap3A_582 : vector<1x1x16xf32> to vector<16xf32>
      %swap3A_584 = vector.shape_cast %add3A_577 : vector<16xf32> to vector<1x1x16xf32>
      tpu.vector_store %arg9[%swap3A_579, %swap3A_580, %swap3A_581], %swap3A_584 {strides = array<i32>} : memref<2x80x128xf32, #tpu.memory_space<vmem>>, vector<1x1x16xf32>,
      %get3A_585 = arith.constant 0 : i32
      %get3A_586 = arith.index_cast %get3A_585 : i32 to index
      %get3A_587 = arith.index_cast %scan3A_446 : i32 to index
      %get3A_588 = arith.constant 112 : index
      %get3A_589 = tpu.vector_load %arg9[%get3A_586, %get3A_587, %get3A_588] {strides = array<i32>} : memref<2x80x128xf32, #tpu.memory_space<vmem>>, vector<1x1x16xf32>,
      %get3A_590 = vector.shape_cast %get3A_589 : vector<1x1x16xf32> to vector<16xf32>
      %get3A_591 = arith.constant 1 : i32
      %get3A_592 = arith.index_cast %get3A_591 : i32 to index
      %get3A_593 = arith.index_cast %scan3A_446 : i32 to index
      %get3A_594 = arith.constant 112 : index
      %get3A_595 = tpu.vector_load %arg9[%get3A_592, %get3A_593, %get3A_594] {strides = array<i32>} : memref<2x80x128xf32, #tpu.memory_space<vmem>>, vector<1x1x16xf32>,
      %get3A_596 = vector.shape_cast %get3A_595 : vector<1x1x16xf32> to vector<16xf32>
      %add3A_597 = arith.addf %get3A_590, %get3A_596 : vector<16xf32>
      %swap3A_598 = arith.constant 0 : i32
      %swap3A_599 = arith.index_cast %swap3A_598 : i32 to index
      %swap3A_600 = arith.index_cast %scan3A_446 : i32 to index
      %swap3A_601 = arith.constant 112 : index
      %swap3A_602 = tpu.vector_load %arg9[%swap3A_599, %swap3A_600, %swap3A_601] {strides = array<i32>} : memref<2x80x128xf32, #tpu.memory_space<vmem>>, vector<1x1x16xf32>,
      %swap3A_603 = vector.shape_cast %swap3A_602 : vector<1x1x16xf32> to vector<16xf32>
      %swap3A_604 = vector.shape_cast %add3A_597 : vector<16xf32> to vector<1x1x16xf32>
      tpu.vector_store %arg9[%swap3A_599, %swap3A_600, %swap3A_601], %swap3A_604 {strides = array<i32>} : memref<2x80x128xf32, #tpu.memory_space<vmem>>, vector<1x1x16xf32>,
    }
    %scan3A_266 = arith.constant 80 : i32
    %add3A_267 = arith.constant 9600 : i32
    %add3A_268 = arith.addi %mul3A_2, %add3A_267 : i32
    %run_scoped3A_269 = arith.constant 0 : i32
    "tpu.region"() ({
      %run_scoped3A_446 = tpu.sem_alloc : memref<!tpu.dma_semaphore, #tpu.memory_space<semaphore_mem>>
      %dma_start3A_447 = arith.constant 0 : i32
      %dma_start3A_448 = arith.constant 0 : i32
      %dma_start3A_449 = tpu.memref_slice %arg9[%run_scoped3A_269, %dma_start3A_447, %dma_start3A_448] : memref<2x80x128xf32, #tpu.memory_space<vmem>> -> memref<1x80x128xf32, #tpu.memory_space<vmem>>
      %dma_start3A_450 = tpu.memref_squeeze %dma_start3A_449 : memref<1x80x128xf32, #tpu.memory_space<vmem>> -> memref<80x128xf32, #tpu.memory_space<vmem>>
      %dma_start3A_451 = arith.constant 0 : i32
      %dma_start3A_452 = tpu.memref_slice %arg6[%add3A_268, %dma_start3A_451] : memref<320000x128xf32, #tpu.memory_space<hbm>> -> memref<80x128xf32, #tpu.memory_space<hbm>>
      %dma_start3A_453 = arith.constant 0 : i32
      %dma_start3A_454 = tpu.memref_slice %arg6[%add3A_268, %dma_start3A_453] : memref<320000x128xf32, #tpu.memory_space<hbm>> -> memref<80x128xf32, #tpu.memory_space<hbm>>
      %dma_start3A_455 = arith.constant 0 : i32
      %dma_start3A_456 = arith.constant 0 : i32
      %dma_start3A_457 = tpu.memref_slice %arg9[%run_scoped3A_269, %dma_start3A_455, %dma_start3A_456] : memref<2x80x128xf32, #tpu.memory_space<vmem>> -> memref<1x80x128xf32, #tpu.memory_space<vmem>>
      %dma_start3A_458 = tpu.memref_squeeze %dma_start3A_457 : memref<1x80x128xf32, #tpu.memory_space<vmem>> -> memref<80x128xf32, #tpu.memory_space<vmem>>
      tpu.enqueue_dma source(%dma_start3A_458 : memref<80x128xf32, #tpu.memory_space<vmem>>) target(%dma_start3A_454 : memref<80x128xf32, #tpu.memory_space<hbm>>) target_semaphore(%run_scoped3A_446 : memref<!tpu.dma_semaphore, #tpu.memory_space<semaphore_mem>>)
      %dma_wait3A_459 = arith.constant 0 : i32
      %dma_wait3A_460 = arith.constant 0 : i32
      %dma_wait3A_461 = tpu.memref_slice %arg9[%run_scoped3A_269, %dma_wait3A_459, %dma_wait3A_460] : memref<2x80x128xf32, #tpu.memory_space<vmem>> -> memref<1x80x128xf32, #tpu.memory_space<vmem>>
      %dma_wait3A_462 = tpu.memref_squeeze %dma_wait3A_461 : memref<1x80x128xf32, #tpu.memory_space<vmem>> -> memref<80x128xf32, #tpu.memory_space<vmem>>
      %dma_wait3A_463 = arith.constant 0 : i32
      %dma_wait3A_464 = tpu.memref_slice %arg6[%add3A_268, %dma_wait3A_463] : memref<320000x128xf32, #tpu.memory_space<hbm>> -> memref<80x128xf32, #tpu.memory_space<hbm>>
      %dma_wait3A_465 = arith.constant 0 : i32
      %dma_wait3A_466 = tpu.memref_slice %arg6[%add3A_268, %dma_wait3A_465] : memref<320000x128xf32, #tpu.memory_space<hbm>> -> memref<80x128xf32, #tpu.memory_space<hbm>>
      %dma_wait3A_467 = arith.constant 0 : i32
      %dma_wait3A_468 = arith.constant 0 : i32
      %dma_wait3A_469 = tpu.memref_slice %arg9[%run_scoped3A_269, %dma_wait3A_467, %dma_wait3A_468] : memref<2x80x128xf32, #tpu.memory_space<vmem>> -> memref<1x80x128xf32, #tpu.memory_space<vmem>>
      %dma_wait3A_470 = tpu.memref_squeeze %dma_wait3A_469 : memref<1x80x128xf32, #tpu.memory_space<vmem>> -> memref<80x128xf32, #tpu.memory_space<vmem>>
      tpu.wait_dma2 semaphore(%run_scoped3A_446 : memref<!tpu.dma_semaphore, #tpu.memory_space<semaphore_mem>>) src(%dma_wait3A_470 : memref<80x128xf32, #tpu.memory_space<vmem>>) dst(%dma_wait3A_466 : memref<80x128xf32, #tpu.memory_space<hbm>>)
      tpu.yield
    }) : () -> ()
    %dma_start3A_270 = arith.constant 0 : i32
    %dma_start3A_271 = arith.constant 0 : i32
    %dma_start3A_272 = arith.constant 0 : i32
    %dma_start3A_273 = tpu.memref_slice %arg11[%dma_start3A_270, %dma_start3A_271, %dma_start3A_272] : memref<2x80x128xf32, #tpu.memory_space<vmem>> -> memref<1x80x128xf32, #tpu.memory_space<vmem>>
    %dma_start3A_274 = tpu.memref_squeeze %dma_start3A_273 : memref<1x80x128xf32, #tpu.memory_space<vmem>> -> memref<80x128xf32, #tpu.memory_space<vmem>>
    %dma_start3A_275 = arith.constant 9760 : i32
    %dma_start3A_276 = tpu.memref_slice %arg7[%dma_start3A_275] : memref<10000xi32, #tpu.memory_space<vmem>> -> memref<80xi32, #tpu.memory_space<vmem>>
    %dma_start3A_277 = arith.constant 0 : i32
    %dma_start3A_278 = arith.constant 0 : i32
    %dma_start3A_279 = tpu.memref_slice %arg2[%dma_start3A_277, %dma_start3A_278] : memref<10000x128xf32, #tpu.memory_space<hbm>> -> memref<10000x128xf32, #tpu.memory_space<hbm>>
    tpu.enqueue_indirect_dma source(%dma_start3A_279 : memref<10000x128xf32, #tpu.memory_space<hbm>>) target(%dma_start3A_274 : memref<80x128xf32, #tpu.memory_space<vmem>>) offsets(%dma_start3A_276 : memref<80xi32, #tpu.memory_space<vmem>>) semaphore(%arg15 : memref<!tpu.dma_semaphore, #tpu.memory_space<semaphore_mem>>)
    %dma_start3A_280 = arith.constant 1 : i32
    %dma_start3A_281 = arith.constant 0 : i32
    %dma_start3A_282 = arith.constant 0 : i32
    %dma_start3A_283 = tpu.memref_slice %arg11[%dma_start3A_280, %dma_start3A_281, %dma_start3A_282] : memref<2x80x128xf32, #tpu.memory_space<vmem>> -> memref<1x80x128xf32, #tpu.memory_space<vmem>>
    %dma_start3A_284 = tpu.memref_squeeze %dma_start3A_283 : memref<1x80x128xf32, #tpu.memory_space<vmem>> -> memref<80x128xf32, #tpu.memory_space<vmem>>
    %dma_start3A_285 = arith.constant 9760 : i32
    %dma_start3A_286 = tpu.memref_slice %arg8[%dma_start3A_285] : memref<10000xi32, #tpu.memory_space<vmem>> -> memref<80xi32, #tpu.memory_space<vmem>>
    %dma_start3A_287 = arith.constant 0 : i32
    %dma_start3A_288 = arith.constant 0 : i32
    %dma_start3A_289 = tpu.memref_slice %arg3[%dma_start3A_287, %dma_start3A_288] : memref<10000x128xf32, #tpu.memory_space<hbm>> -> memref<10000x128xf32, #tpu.memory_space<hbm>>
    tpu.enqueue_indirect_dma source(%dma_start3A_289 : memref<10000x128xf32, #tpu.memory_space<hbm>>) target(%dma_start3A_284 : memref<80x128xf32, #tpu.memory_space<vmem>>) offsets(%dma_start3A_286 : memref<80xi32, #tpu.memory_space<vmem>>) semaphore(%arg15 : memref<!tpu.dma_semaphore, #tpu.memory_space<semaphore_mem>>)
    %dma_wait3A_290 = arith.constant 0 : i32
    %dma_wait3A_291 = arith.constant 0 : i32
    %dma_wait3A_292 = arith.constant 0 : i32
    %dma_wait3A_293 = tpu.memref_slice %arg10[%dma_wait3A_290, %dma_wait3A_291, %dma_wait3A_292] : memref<2x80x128xf32, #tpu.memory_space<vmem>> -> memref<1x80x128xf32, #tpu.memory_space<vmem>>
    %dma_wait3A_294 = tpu.memref_squeeze %dma_wait3A_293 : memref<1x80x128xf32, #tpu.memory_space<vmem>> -> memref<80x128xf32, #tpu.memory_space<vmem>>
    %dma_wait3A_295 = arith.constant 0 : i32
    %dma_wait3A_296 = tpu.memref_slice %arg7[%dma_wait3A_295] : memref<10000xi32, #tpu.memory_space<vmem>> -> memref<80xi32, #tpu.memory_space<vmem>>
    %dma_wait3A_297 = arith.constant 0 : i32
    %dma_wait3A_298 = arith.constant 0 : i32
    %dma_wait3A_299 = tpu.memref_slice %arg2[%dma_wait3A_297, %dma_wait3A_298] : memref<10000x128xf32, #tpu.memory_space<hbm>> -> memref<10000x128xf32, #tpu.memory_space<hbm>>
    tpu.wait_indirect_dma semaphore(%arg14 : memref<!tpu.dma_semaphore, #tpu.memory_space<semaphore_mem>>) src(%dma_wait3A_299 : memref<10000x128xf32, #tpu.memory_space<hbm>>) dst(%dma_wait3A_294 : memref<80x128xf32, #tpu.memory_space<vmem>>)
    %dma_wait3A_300 = arith.constant 1 : i32
    %dma_wait3A_301 = arith.constant 0 : i32
    %dma_wait3A_302 = arith.constant 0 : i32
    %dma_wait3A_303 = tpu.memref_slice %arg10[%dma_wait3A_300, %dma_wait3A_301, %dma_wait3A_302] : memref<2x80x128xf32, #tpu.memory_space<vmem>> -> memref<1x80x128xf32, #tpu.memory_space<vmem>>
    %dma_wait3A_304 = tpu.memref_squeeze %dma_wait3A_303 : memref<1x80x128xf32, #tpu.memory_space<vmem>> -> memref<80x128xf32, #tpu.memory_space<vmem>>
    %dma_wait3A_305 = arith.constant 0 : i32
    %dma_wait3A_306 = tpu.memref_slice %arg8[%dma_wait3A_305] : memref<10000xi32, #tpu.memory_space<vmem>> -> memref<80xi32, #tpu.memory_space<vmem>>
    %dma_wait3A_307 = arith.constant 0 : i32
    %dma_wait3A_308 = arith.constant 0 : i32
    %dma_wait3A_309 = tpu.memref_slice %arg3[%dma_wait3A_307, %dma_wait3A_308] : memref<10000x128xf32, #tpu.memory_space<hbm>> -> memref<10000x128xf32, #tpu.memory_space<hbm>>
    tpu.wait_indirect_dma semaphore(%arg14 : memref<!tpu.dma_semaphore, #tpu.memory_space<semaphore_mem>>) src(%dma_wait3A_309 : memref<10000x128xf32, #tpu.memory_space<hbm>>) dst(%dma_wait3A_304 : memref<80x128xf32, #tpu.memory_space<vmem>>)
    %scan3A_310 = arith.constant 0 : i32
    %scan3A_311 = arith.constant 0 : i32
    %scan3A_312 = arith.constant 80 : i32
    %scan3A_313 = arith.addi %scan3A_311, %scan3A_312 : i32
    %scan3A_314 = arith.constant 1 : i32
    scf.for %scan3A_446 = %scan3A_311 to %scan3A_313 step %scan3A_314  : i32 {
      %get3A = arith.constant 0 : i32
      %get3A_447 = arith.index_cast %get3A : i32 to index
      %get3A_448 = arith.index_cast %scan3A_446 : i32 to index
      %get3A_449 = arith.constant 0 : index
      %get3A_450 = tpu.vector_load %arg10[%get3A_447, %get3A_448, %get3A_449] {strides = array<i32>} : memref<2x80x128xf32, #tpu.memory_space<vmem>>, vector<1x1x16xf32>,
      %get3A_451 = vector.shape_cast %get3A_450 : vector<1x1x16xf32> to vector<16xf32>
      %get3A_452 = arith.constant 1 : i32
      %get3A_453 = arith.index_cast %get3A_452 : i32 to index
      %get3A_454 = arith.index_cast %scan3A_446 : i32 to index
      %get3A_455 = arith.constant 0 : index
      %get3A_456 = tpu.vector_load %arg10[%get3A_453, %get3A_454, %get3A_455] {strides = array<i32>} : memref<2x80x128xf32, #tpu.memory_space<vmem>>, vector<1x1x16xf32>,
      %get3A_457 = vector.shape_cast %get3A_456 : vector<1x1x16xf32> to vector<16xf32>
      %add3A_458 = arith.addf %get3A_451, %get3A_457 : vector<16xf32>
      %swap3A = arith.constant 0 : i32
      %swap3A_459 = arith.index_cast %swap3A : i32 to index
      %swap3A_460 = arith.index_cast %scan3A_446 : i32 to index
      %swap3A_461 = arith.constant 0 : index
      %swap3A_462 = tpu.vector_load %arg10[%swap3A_459, %swap3A_460, %swap3A_461] {strides = array<i32>} : memref<2x80x128xf32, #tpu.memory_space<vmem>>, vector<1x1x16xf32>,
      %swap3A_463 = vector.shape_cast %swap3A_462 : vector<1x1x16xf32> to vector<16xf32>
      %swap3A_464 = vector.shape_cast %add3A_458 : vector<16xf32> to vector<1x1x16xf32>
      tpu.vector_store %arg10[%swap3A_459, %swap3A_460, %swap3A_461], %swap3A_464 {strides = array<i32>} : memref<2x80x128xf32, #tpu.memory_space<vmem>>, vector<1x1x16xf32>,
      %get3A_465 = arith.constant 0 : i32
      %get3A_466 = arith.index_cast %get3A_465 : i32 to index
      %get3A_467 = arith.index_cast %scan3A_446 : i32 to index
      %get3A_468 = arith.constant 16 : index
      %get3A_469 = tpu.vector_load %arg10[%get3A_466, %get3A_467, %get3A_468] {strides = array<i32>} : memref<2x80x128xf32, #tpu.memory_space<vmem>>, vector<1x1x16xf32>,
      %get3A_470 = vector.shape_cast %get3A_469 : vector<1x1x16xf32> to vector<16xf32>
      %get3A_471 = arith.constant 1 : i32
      %get3A_472 = arith.index_cast %get3A_471 : i32 to index
      %get3A_473 = arith.index_cast %scan3A_446 : i32 to index
      %get3A_474 = arith.constant 16 : index
      %get3A_475 = tpu.vector_load %arg10[%get3A_472, %get3A_473, %get3A_474] {strides = array<i32>} : memref<2x80x128xf32, #tpu.memory_space<vmem>>, vector<1x1x16xf32>,
      %get3A_476 = vector.shape_cast %get3A_475 : vector<1x1x16xf32> to vector<16xf32>
      %add3A_477 = arith.addf %get3A_470, %get3A_476 : vector<16xf32>
      %swap3A_478 = arith.constant 0 : i32
      %swap3A_479 = arith.index_cast %swap3A_478 : i32 to index
      %swap3A_480 = arith.index_cast %scan3A_446 : i32 to index
      %swap3A_481 = arith.constant 16 : index
      %swap3A_482 = tpu.vector_load %arg10[%swap3A_479, %swap3A_480, %swap3A_481] {strides = array<i32>} : memref<2x80x128xf32, #tpu.memory_space<vmem>>, vector<1x1x16xf32>,
      %swap3A_483 = vector.shape_cast %swap3A_482 : vector<1x1x16xf32> to vector<16xf32>
      %swap3A_484 = vector.shape_cast %add3A_477 : vector<16xf32> to vector<1x1x16xf32>
      tpu.vector_store %arg10[%swap3A_479, %swap3A_480, %swap3A_481], %swap3A_484 {strides = array<i32>} : memref<2x80x128xf32, #tpu.memory_space<vmem>>, vector<1x1x16xf32>,
      %get3A_485 = arith.constant 0 : i32
      %get3A_486 = arith.index_cast %get3A_485 : i32 to index
      %get3A_487 = arith.index_cast %scan3A_446 : i32 to index
      %get3A_488 = arith.constant 32 : index
      %get3A_489 = tpu.vector_load %arg10[%get3A_486, %get3A_487, %get3A_488] {strides = array<i32>} : memref<2x80x128xf32, #tpu.memory_space<vmem>>, vector<1x1x16xf32>,
      %get3A_490 = vector.shape_cast %get3A_489 : vector<1x1x16xf32> to vector<16xf32>
      %get3A_491 = arith.constant 1 : i32
      %get3A_492 = arith.index_cast %get3A_491 : i32 to index
      %get3A_493 = arith.index_cast %scan3A_446 : i32 to index
      %get3A_494 = arith.constant 32 : index
      %get3A_495 = tpu.vector_load %arg10[%get3A_492, %get3A_493, %get3A_494] {strides = array<i32>} : memref<2x80x128xf32, #tpu.memory_space<vmem>>, vector<1x1x16xf32>,
      %get3A_496 = vector.shape_cast %get3A_495 : vector<1x1x16xf32> to vector<16xf32>
      %add3A_497 = arith.addf %get3A_490, %get3A_496 : vector<16xf32>
      %swap3A_498 = arith.constant 0 : i32
      %swap3A_499 = arith.index_cast %swap3A_498 : i32 to index
      %swap3A_500 = arith.index_cast %scan3A_446 : i32 to index
      %swap3A_501 = arith.constant 32 : index
      %swap3A_502 = tpu.vector_load %arg10[%swap3A_499, %swap3A_500, %swap3A_501] {strides = array<i32>} : memref<2x80x128xf32, #tpu.memory_space<vmem>>, vector<1x1x16xf32>,
      %swap3A_503 = vector.shape_cast %swap3A_502 : vector<1x1x16xf32> to vector<16xf32>
      %swap3A_504 = vector.shape_cast %add3A_497 : vector<16xf32> to vector<1x1x16xf32>
      tpu.vector_store %arg10[%swap3A_499, %swap3A_500, %swap3A_501], %swap3A_504 {strides = array<i32>} : memref<2x80x128xf32, #tpu.memory_space<vmem>>, vector<1x1x16xf32>,
      %get3A_505 = arith.constant 0 : i32
      %get3A_506 = arith.index_cast %get3A_505 : i32 to index
      %get3A_507 = arith.index_cast %scan3A_446 : i32 to index
      %get3A_508 = arith.constant 48 : index
      %get3A_509 = tpu.vector_load %arg10[%get3A_506, %get3A_507, %get3A_508] {strides = array<i32>} : memref<2x80x128xf32, #tpu.memory_space<vmem>>, vector<1x1x16xf32>,
      %get3A_510 = vector.shape_cast %get3A_509 : vector<1x1x16xf32> to vector<16xf32>
      %get3A_511 = arith.constant 1 : i32
      %get3A_512 = arith.index_cast %get3A_511 : i32 to index
      %get3A_513 = arith.index_cast %scan3A_446 : i32 to index
      %get3A_514 = arith.constant 48 : index
      %get3A_515 = tpu.vector_load %arg10[%get3A_512, %get3A_513, %get3A_514] {strides = array<i32>} : memref<2x80x128xf32, #tpu.memory_space<vmem>>, vector<1x1x16xf32>,
      %get3A_516 = vector.shape_cast %get3A_515 : vector<1x1x16xf32> to vector<16xf32>
      %add3A_517 = arith.addf %get3A_510, %get3A_516 : vector<16xf32>
      %swap3A_518 = arith.constant 0 : i32
      %swap3A_519 = arith.index_cast %swap3A_518 : i32 to index
      %swap3A_520 = arith.index_cast %scan3A_446 : i32 to index
      %swap3A_521 = arith.constant 48 : index
      %swap3A_522 = tpu.vector_load %arg10[%swap3A_519, %swap3A_520, %swap3A_521] {strides = array<i32>} : memref<2x80x128xf32, #tpu.memory_space<vmem>>, vector<1x1x16xf32>,
      %swap3A_523 = vector.shape_cast %swap3A_522 : vector<1x1x16xf32> to vector<16xf32>
      %swap3A_524 = vector.shape_cast %add3A_517 : vector<16xf32> to vector<1x1x16xf32>
      tpu.vector_store %arg10[%swap3A_519, %swap3A_520, %swap3A_521], %swap3A_524 {strides = array<i32>} : memref<2x80x128xf32, #tpu.memory_space<vmem>>, vector<1x1x16xf32>,
      %get3A_525 = arith.constant 0 : i32
      %get3A_526 = arith.index_cast %get3A_525 : i32 to index
      %get3A_527 = arith.index_cast %scan3A_446 : i32 to index
      %get3A_528 = arith.constant 64 : index
      %get3A_529 = tpu.vector_load %arg10[%get3A_526, %get3A_527, %get3A_528] {strides = array<i32>} : memref<2x80x128xf32, #tpu.memory_space<vmem>>, vector<1x1x16xf32>,
      %get3A_530 = vector.shape_cast %get3A_529 : vector<1x1x16xf32> to vector<16xf32>
      %get3A_531 = arith.constant 1 : i32
      %get3A_532 = arith.index_cast %get3A_531 : i32 to index
      %get3A_533 = arith.index_cast %scan3A_446 : i32 to index
      %get3A_534 = arith.constant 64 : index
      %get3A_535 = tpu.vector_load %arg10[%get3A_532, %get3A_533, %get3A_534] {strides = array<i32>} : memref<2x80x128xf32, #tpu.memory_space<vmem>>, vector<1x1x16xf32>,
      %get3A_536 = vector.shape_cast %get3A_535 : vector<1x1x16xf32> to vector<16xf32>
      %add3A_537 = arith.addf %get3A_530, %get3A_536 : vector<16xf32>
      %swap3A_538 = arith.constant 0 : i32
      %swap3A_539 = arith.index_cast %swap3A_538 : i32 to index
      %swap3A_540 = arith.index_cast %scan3A_446 : i32 to index
      %swap3A_541 = arith.constant 64 : index
      %swap3A_542 = tpu.vector_load %arg10[%swap3A_539, %swap3A_540, %swap3A_541] {strides = array<i32>} : memref<2x80x128xf32, #tpu.memory_space<vmem>>, vector<1x1x16xf32>,
      %swap3A_543 = vector.shape_cast %swap3A_542 : vector<1x1x16xf32> to vector<16xf32>
      %swap3A_544 = vector.shape_cast %add3A_537 : vector<16xf32> to vector<1x1x16xf32>
      tpu.vector_store %arg10[%swap3A_539, %swap3A_540, %swap3A_541], %swap3A_544 {strides = array<i32>} : memref<2x80x128xf32, #tpu.memory_space<vmem>>, vector<1x1x16xf32>,
      %get3A_545 = arith.constant 0 : i32
      %get3A_546 = arith.index_cast %get3A_545 : i32 to index
      %get3A_547 = arith.index_cast %scan3A_446 : i32 to index
      %get3A_548 = arith.constant 80 : index
      %get3A_549 = tpu.vector_load %arg10[%get3A_546, %get3A_547, %get3A_548] {strides = array<i32>} : memref<2x80x128xf32, #tpu.memory_space<vmem>>, vector<1x1x16xf32>,
      %get3A_550 = vector.shape_cast %get3A_549 : vector<1x1x16xf32> to vector<16xf32>
      %get3A_551 = arith.constant 1 : i32
      %get3A_552 = arith.index_cast %get3A_551 : i32 to index
      %get3A_553 = arith.index_cast %scan3A_446 : i32 to index
      %get3A_554 = arith.constant 80 : index
      %get3A_555 = tpu.vector_load %arg10[%get3A_552, %get3A_553, %get3A_554] {strides = array<i32>} : memref<2x80x128xf32, #tpu.memory_space<vmem>>, vector<1x1x16xf32>,
      %get3A_556 = vector.shape_cast %get3A_555 : vector<1x1x16xf32> to vector<16xf32>
      %add3A_557 = arith.addf %get3A_550, %get3A_556 : vector<16xf32>
      %swap3A_558 = arith.constant 0 : i32
      %swap3A_559 = arith.index_cast %swap3A_558 : i32 to index
      %swap3A_560 = arith.index_cast %scan3A_446 : i32 to index
      %swap3A_561 = arith.constant 80 : index
      %swap3A_562 = tpu.vector_load %arg10[%swap3A_559, %swap3A_560, %swap3A_561] {strides = array<i32>} : memref<2x80x128xf32, #tpu.memory_space<vmem>>, vector<1x1x16xf32>,
      %swap3A_563 = vector.shape_cast %swap3A_562 : vector<1x1x16xf32> to vector<16xf32>
      %swap3A_564 = vector.shape_cast %add3A_557 : vector<16xf32> to vector<1x1x16xf32>
      tpu.vector_store %arg10[%swap3A_559, %swap3A_560, %swap3A_561], %swap3A_564 {strides = array<i32>} : memref<2x80x128xf32, #tpu.memory_space<vmem>>, vector<1x1x16xf32>,
      %get3A_565 = arith.constant 0 : i32
      %get3A_566 = arith.index_cast %get3A_565 : i32 to index
      %get3A_567 = arith.index_cast %scan3A_446 : i32 to index
      %get3A_568 = arith.constant 96 : index
      %get3A_569 = tpu.vector_load %arg10[%get3A_566, %get3A_567, %get3A_568] {strides = array<i32>} : memref<2x80x128xf32, #tpu.memory_space<vmem>>, vector<1x1x16xf32>,
      %get3A_570 = vector.shape_cast %get3A_569 : vector<1x1x16xf32> to vector<16xf32>
      %get3A_571 = arith.constant 1 : i32
      %get3A_572 = arith.index_cast %get3A_571 : i32 to index
      %get3A_573 = arith.index_cast %scan3A_446 : i32 to index
      %get3A_574 = arith.constant 96 : index
      %get3A_575 = tpu.vector_load %arg10[%get3A_572, %get3A_573, %get3A_574] {strides = array<i32>} : memref<2x80x128xf32, #tpu.memory_space<vmem>>, vector<1x1x16xf32>,
      %get3A_576 = vector.shape_cast %get3A_575 : vector<1x1x16xf32> to vector<16xf32>
      %add3A_577 = arith.addf %get3A_570, %get3A_576 : vector<16xf32>
      %swap3A_578 = arith.constant 0 : i32
      %swap3A_579 = arith.index_cast %swap3A_578 : i32 to index
      %swap3A_580 = arith.index_cast %scan3A_446 : i32 to index
      %swap3A_581 = arith.constant 96 : index
      %swap3A_582 = tpu.vector_load %arg10[%swap3A_579, %swap3A_580, %swap3A_581] {strides = array<i32>} : memref<2x80x128xf32, #tpu.memory_space<vmem>>, vector<1x1x16xf32>,
      %swap3A_583 = vector.shape_cast %swap3A_582 : vector<1x1x16xf32> to vector<16xf32>
      %swap3A_584 = vector.shape_cast %add3A_577 : vector<16xf32> to vector<1x1x16xf32>
      tpu.vector_store %arg10[%swap3A_579, %swap3A_580, %swap3A_581], %swap3A_584 {strides = array<i32>} : memref<2x80x128xf32, #tpu.memory_space<vmem>>, vector<1x1x16xf32>,
      %get3A_585 = arith.constant 0 : i32
      %get3A_586 = arith.index_cast %get3A_585 : i32 to index
      %get3A_587 = arith.index_cast %scan3A_446 : i32 to index
      %get3A_588 = arith.constant 112 : index
      %get3A_589 = tpu.vector_load %arg10[%get3A_586, %get3A_587, %get3A_588] {strides = array<i32>} : memref<2x80x128xf32, #tpu.memory_space<vmem>>, vector<1x1x16xf32>,
      %get3A_590 = vector.shape_cast %get3A_589 : vector<1x1x16xf32> to vector<16xf32>
      %get3A_591 = arith.constant 1 : i32
      %get3A_592 = arith.index_cast %get3A_591 : i32 to index
      %get3A_593 = arith.index_cast %scan3A_446 : i32 to index
      %get3A_594 = arith.constant 112 : index
      %get3A_595 = tpu.vector_load %arg10[%get3A_592, %get3A_593, %get3A_594] {strides = array<i32>} : memref<2x80x128xf32, #tpu.memory_space<vmem>>, vector<1x1x16xf32>,
      %get3A_596 = vector.shape_cast %get3A_595 : vector<1x1x16xf32> to vector<16xf32>
      %add3A_597 = arith.addf %get3A_590, %get3A_596 : vector<16xf32>
      %swap3A_598 = arith.constant 0 : i32
      %swap3A_599 = arith.index_cast %swap3A_598 : i32 to index
      %swap3A_600 = arith.index_cast %scan3A_446 : i32 to index
      %swap3A_601 = arith.constant 112 : index
      %swap3A_602 = tpu.vector_load %arg10[%swap3A_599, %swap3A_600, %swap3A_601] {strides = array<i32>} : memref<2x80x128xf32, #tpu.memory_space<vmem>>, vector<1x1x16xf32>,
      %swap3A_603 = vector.shape_cast %swap3A_602 : vector<1x1x16xf32> to vector<16xf32>
      %swap3A_604 = vector.shape_cast %add3A_597 : vector<16xf32> to vector<1x1x16xf32>
      tpu.vector_store %arg10[%swap3A_599, %swap3A_600, %swap3A_601], %swap3A_604 {strides = array<i32>} : memref<2x80x128xf32, #tpu.memory_space<vmem>>, vector<1x1x16xf32>,
    }
    %scan3A_315 = arith.constant 80 : i32
    %add3A_316 = arith.constant 9680 : i32
    %add3A_317 = arith.addi %mul3A_2, %add3A_316 : i32
    %run_scoped3A_318 = arith.constant 0 : i32
    "tpu.region"() ({
      %run_scoped3A_446 = tpu.sem_alloc : memref<!tpu.dma_semaphore, #tpu.memory_space<semaphore_mem>>
      %dma_start3A_447 = arith.constant 0 : i32
      %dma_start3A_448 = arith.constant 0 : i32
      %dma_start3A_449 = tpu.memref_slice %arg10[%run_scoped3A_318, %dma_start3A_447, %dma_start3A_448] : memref<2x80x128xf32, #tpu.memory_space<vmem>> -> memref<1x80x128xf32, #tpu.memory_space<vmem>>
      %dma_start3A_450 = tpu.memref_squeeze %dma_start3A_449 : memref<1x80x128xf32, #tpu.memory_space<vmem>> -> memref<80x128xf32, #tpu.memory_space<vmem>>
      %dma_start3A_451 = arith.constant 0 : i32
      %dma_start3A_452 = tpu.memref_slice %arg6[%add3A_317, %dma_start3A_451] : memref<320000x128xf32, #tpu.memory_space<hbm>> -> memref<80x128xf32, #tpu.memory_space<hbm>>
      %dma_start3A_453 = arith.constant 0 : i32
      %dma_start3A_454 = tpu.memref_slice %arg6[%add3A_317, %dma_start3A_453] : memref<320000x128xf32, #tpu.memory_space<hbm>> -> memref<80x128xf32, #tpu.memory_space<hbm>>
      %dma_start3A_455 = arith.constant 0 : i32
      %dma_start3A_456 = arith.constant 0 : i32
      %dma_start3A_457 = tpu.memref_slice %arg10[%run_scoped3A_318, %dma_start3A_455, %dma_start3A_456] : memref<2x80x128xf32, #tpu.memory_space<vmem>> -> memref<1x80x128xf32, #tpu.memory_space<vmem>>
      %dma_start3A_458 = tpu.memref_squeeze %dma_start3A_457 : memref<1x80x128xf32, #tpu.memory_space<vmem>> -> memref<80x128xf32, #tpu.memory_space<vmem>>
      tpu.enqueue_dma source(%dma_start3A_458 : memref<80x128xf32, #tpu.memory_space<vmem>>) target(%dma_start3A_454 : memref<80x128xf32, #tpu.memory_space<hbm>>) target_semaphore(%run_scoped3A_446 : memref<!tpu.dma_semaphore, #tpu.memory_space<semaphore_mem>>)
      %dma_wait3A_459 = arith.constant 0 : i32
      %dma_wait3A_460 = arith.constant 0 : i32
      %dma_wait3A_461 = tpu.memref_slice %arg10[%run_scoped3A_318, %dma_wait3A_459, %dma_wait3A_460] : memref<2x80x128xf32, #tpu.memory_space<vmem>> -> memref<1x80x128xf32, #tpu.memory_space<vmem>>
      %dma_wait3A_462 = tpu.memref_squeeze %dma_wait3A_461 : memref<1x80x128xf32, #tpu.memory_space<vmem>> -> memref<80x128xf32, #tpu.memory_space<vmem>>
      %dma_wait3A_463 = arith.constant 0 : i32
      %dma_wait3A_464 = tpu.memref_slice %arg6[%add3A_317, %dma_wait3A_463] : memref<320000x128xf32, #tpu.memory_space<hbm>> -> memref<80x128xf32, #tpu.memory_space<hbm>>
      %dma_wait3A_465 = arith.constant 0 : i32
      %dma_wait3A_466 = tpu.memref_slice %arg6[%add3A_317, %dma_wait3A_465] : memref<320000x128xf32, #tpu.memory_space<hbm>> -> memref<80x128xf32, #tpu.memory_space<hbm>>
      %dma_wait3A_467 = arith.constant 0 : i32
      %dma_wait3A_468 = arith.constant 0 : i32
      %dma_wait3A_469 = tpu.memref_slice %arg10[%run_scoped3A_318, %dma_wait3A_467, %dma_wait3A_468] : memref<2x80x128xf32, #tpu.memory_space<vmem>> -> memref<1x80x128xf32, #tpu.memory_space<vmem>>
      %dma_wait3A_470 = tpu.memref_squeeze %dma_wait3A_469 : memref<1x80x128xf32, #tpu.memory_space<vmem>> -> memref<80x128xf32, #tpu.memory_space<vmem>>
      tpu.wait_dma2 semaphore(%run_scoped3A_446 : memref<!tpu.dma_semaphore, #tpu.memory_space<semaphore_mem>>) src(%dma_wait3A_470 : memref<80x128xf32, #tpu.memory_space<vmem>>) dst(%dma_wait3A_466 : memref<80x128xf32, #tpu.memory_space<hbm>>)
      tpu.yield
    }) : () -> ()
    %dma_start3A_319 = arith.constant 0 : i32
    %dma_start3A_320 = arith.constant 0 : i32
    %dma_start3A_321 = arith.constant 0 : i32
    %dma_start3A_322 = tpu.memref_slice %arg12[%dma_start3A_319, %dma_start3A_320, %dma_start3A_321] : memref<2x80x128xf32, #tpu.memory_space<vmem>> -> memref<1x80x128xf32, #tpu.memory_space<vmem>>
    %dma_start3A_323 = tpu.memref_squeeze %dma_start3A_322 : memref<1x80x128xf32, #tpu.memory_space<vmem>> -> memref<80x128xf32, #tpu.memory_space<vmem>>
    %dma_start3A_324 = arith.constant 9840 : i32
    %dma_start3A_325 = tpu.memref_slice %arg7[%dma_start3A_324] : memref<10000xi32, #tpu.memory_space<vmem>> -> memref<80xi32, #tpu.memory_space<vmem>>
    %dma_start3A_326 = arith.constant 0 : i32
    %dma_start3A_327 = arith.constant 0 : i32
    %dma_start3A_328 = tpu.memref_slice %arg2[%dma_start3A_326, %dma_start3A_327] : memref<10000x128xf32, #tpu.memory_space<hbm>> -> memref<10000x128xf32, #tpu.memory_space<hbm>>
    tpu.enqueue_indirect_dma source(%dma_start3A_328 : memref<10000x128xf32, #tpu.memory_space<hbm>>) target(%dma_start3A_323 : memref<80x128xf32, #tpu.memory_space<vmem>>) offsets(%dma_start3A_325 : memref<80xi32, #tpu.memory_space<vmem>>) semaphore(%arg16 : memref<!tpu.dma_semaphore, #tpu.memory_space<semaphore_mem>>)
    %dma_start3A_329 = arith.constant 1 : i32
    %dma_start3A_330 = arith.constant 0 : i32
    %dma_start3A_331 = arith.constant 0 : i32
    %dma_start3A_332 = tpu.memref_slice %arg12[%dma_start3A_329, %dma_start3A_330, %dma_start3A_331] : memref<2x80x128xf32, #tpu.memory_space<vmem>> -> memref<1x80x128xf32, #tpu.memory_space<vmem>>
    %dma_start3A_333 = tpu.memref_squeeze %dma_start3A_332 : memref<1x80x128xf32, #tpu.memory_space<vmem>> -> memref<80x128xf32, #tpu.memory_space<vmem>>
    %dma_start3A_334 = arith.constant 9840 : i32
    %dma_start3A_335 = tpu.memref_slice %arg8[%dma_start3A_334] : memref<10000xi32, #tpu.memory_space<vmem>> -> memref<80xi32, #tpu.memory_space<vmem>>
    %dma_start3A_336 = arith.constant 0 : i32
    %dma_start3A_337 = arith.constant 0 : i32
    %dma_start3A_338 = tpu.memref_slice %arg3[%dma_start3A_336, %dma_start3A_337] : memref<10000x128xf32, #tpu.memory_space<hbm>> -> memref<10000x128xf32, #tpu.memory_space<hbm>>
    tpu.enqueue_indirect_dma source(%dma_start3A_338 : memref<10000x128xf32, #tpu.memory_space<hbm>>) target(%dma_start3A_333 : memref<80x128xf32, #tpu.memory_space<vmem>>) offsets(%dma_start3A_335 : memref<80xi32, #tpu.memory_space<vmem>>) semaphore(%arg16 : memref<!tpu.dma_semaphore, #tpu.memory_space<semaphore_mem>>)
    %dma_wait3A_339 = arith.constant 0 : i32
    %dma_wait3A_340 = arith.constant 0 : i32
    %dma_wait3A_341 = arith.constant 0 : i32
    %dma_wait3A_342 = tpu.memref_slice %arg11[%dma_wait3A_339, %dma_wait3A_340, %dma_wait3A_341] : memref<2x80x128xf32, #tpu.memory_space<vmem>> -> memref<1x80x128xf32, #tpu.memory_space<vmem>>
    %dma_wait3A_343 = tpu.memref_squeeze %dma_wait3A_342 : memref<1x80x128xf32, #tpu.memory_space<vmem>> -> memref<80x128xf32, #tpu.memory_space<vmem>>
    %dma_wait3A_344 = arith.constant 0 : i32
    %dma_wait3A_345 = tpu.memref_slice %arg7[%dma_wait3A_344] : memref<10000xi32, #tpu.memory_space<vmem>> -> memref<80xi32, #tpu.memory_space<vmem>>
    %dma_wait3A_346 = arith.constant 0 : i32
    %dma_wait3A_347 = arith.constant 0 : i32
    %dma_wait3A_348 = tpu.memref_slice %arg2[%dma_wait3A_346, %dma_wait3A_347] : memref<10000x128xf32, #tpu.memory_space<hbm>> -> memref<10000x128xf32, #tpu.memory_space<hbm>>
    tpu.wait_indirect_dma semaphore(%arg15 : memref<!tpu.dma_semaphore, #tpu.memory_space<semaphore_mem>>) src(%dma_wait3A_348 : memref<10000x128xf32, #tpu.memory_space<hbm>>) dst(%dma_wait3A_343 : memref<80x128xf32, #tpu.memory_space<vmem>>)
    %dma_wait3A_349 = arith.constant 1 : i32
    %dma_wait3A_350 = arith.constant 0 : i32
    %dma_wait3A_351 = arith.constant 0 : i32
    %dma_wait3A_352 = tpu.memref_slice %arg11[%dma_wait3A_349, %dma_wait3A_350, %dma_wait3A_351] : memref<2x80x128xf32, #tpu.memory_space<vmem>> -> memref<1x80x128xf32, #tpu.memory_space<vmem>>
    %dma_wait3A_353 = tpu.memref_squeeze %dma_wait3A_352 : memref<1x80x128xf32, #tpu.memory_space<vmem>> -> memref<80x128xf32, #tpu.memory_space<vmem>>
    %dma_wait3A_354 = arith.constant 0 : i32
    %dma_wait3A_355 = tpu.memref_slice %arg8[%dma_wait3A_354] : memref<10000xi32, #tpu.memory_space<vmem>> -> memref<80xi32, #tpu.memory_space<vmem>>
    %dma_wait3A_356 = arith.constant 0 : i32
    %dma_wait3A_357 = arith.constant 0 : i32
    %dma_wait3A_358 = tpu.memref_slice %arg3[%dma_wait3A_356, %dma_wait3A_357] : memref<10000x128xf32, #tpu.memory_space<hbm>> -> memref<10000x128xf32, #tpu.memory_space<hbm>>
    tpu.wait_indirect_dma semaphore(%arg15 : memref<!tpu.dma_semaphore, #tpu.memory_space<semaphore_mem>>) src(%dma_wait3A_358 : memref<10000x128xf32, #tpu.memory_space<hbm>>) dst(%dma_wait3A_353 : memref<80x128xf32, #tpu.memory_space<vmem>>)
    %scan3A_359 = arith.constant 0 : i32
    %scan3A_360 = arith.constant 0 : i32
    %scan3A_361 = arith.constant 80 : i32
    %scan3A_362 = arith.addi %scan3A_360, %scan3A_361 : i32
    %scan3A_363 = arith.constant 1 : i32
    scf.for %scan3A_446 = %scan3A_360 to %scan3A_362 step %scan3A_363  : i32 {
      %get3A = arith.constant 0 : i32
      %get3A_447 = arith.index_cast %get3A : i32 to index
      %get3A_448 = arith.index_cast %scan3A_446 : i32 to index
      %get3A_449 = arith.constant 0 : index
      %get3A_450 = tpu.vector_load %arg11[%get3A_447, %get3A_448, %get3A_449] {strides = array<i32>} : memref<2x80x128xf32, #tpu.memory_space<vmem>>, vector<1x1x16xf32>,
      %get3A_451 = vector.shape_cast %get3A_450 : vector<1x1x16xf32> to vector<16xf32>
      %get3A_452 = arith.constant 1 : i32
      %get3A_453 = arith.index_cast %get3A_452 : i32 to index
      %get3A_454 = arith.index_cast %scan3A_446 : i32 to index
      %get3A_455 = arith.constant 0 : index
      %get3A_456 = tpu.vector_load %arg11[%get3A_453, %get3A_454, %get3A_455] {strides = array<i32>} : memref<2x80x128xf32, #tpu.memory_space<vmem>>, vector<1x1x16xf32>,
      %get3A_457 = vector.shape_cast %get3A_456 : vector<1x1x16xf32> to vector<16xf32>
      %add3A_458 = arith.addf %get3A_451, %get3A_457 : vector<16xf32>
      %swap3A = arith.constant 0 : i32
      %swap3A_459 = arith.index_cast %swap3A : i32 to index
      %swap3A_460 = arith.index_cast %scan3A_446 : i32 to index
      %swap3A_461 = arith.constant 0 : index
      %swap3A_462 = tpu.vector_load %arg11[%swap3A_459, %swap3A_460, %swap3A_461] {strides = array<i32>} : memref<2x80x128xf32, #tpu.memory_space<vmem>>, vector<1x1x16xf32>,
      %swap3A_463 = vector.shape_cast %swap3A_462 : vector<1x1x16xf32> to vector<16xf32>
      %swap3A_464 = vector.shape_cast %add3A_458 : vector<16xf32> to vector<1x1x16xf32>
      tpu.vector_store %arg11[%swap3A_459, %swap3A_460, %swap3A_461], %swap3A_464 {strides = array<i32>} : memref<2x80x128xf32, #tpu.memory_space<vmem>>, vector<1x1x16xf32>,
      %get3A_465 = arith.constant 0 : i32
      %get3A_466 = arith.index_cast %get3A_465 : i32 to index
      %get3A_467 = arith.index_cast %scan3A_446 : i32 to index
      %get3A_468 = arith.constant 16 : index
      %get3A_469 = tpu.vector_load %arg11[%get3A_466, %get3A_467, %get3A_468] {strides = array<i32>} : memref<2x80x128xf32, #tpu.memory_space<vmem>>, vector<1x1x16xf32>,
      %get3A_470 = vector.shape_cast %get3A_469 : vector<1x1x16xf32> to vector<16xf32>
      %get3A_471 = arith.constant 1 : i32
      %get3A_472 = arith.index_cast %get3A_471 : i32 to index
      %get3A_473 = arith.index_cast %scan3A_446 : i32 to index
      %get3A_474 = arith.constant 16 : index
      %get3A_475 = tpu.vector_load %arg11[%get3A_472, %get3A_473, %get3A_474] {strides = array<i32>} : memref<2x80x128xf32, #tpu.memory_space<vmem>>, vector<1x1x16xf32>,
      %get3A_476 = vector.shape_cast %get3A_475 : vector<1x1x16xf32> to vector<16xf32>
      %add3A_477 = arith.addf %get3A_470, %get3A_476 : vector<16xf32>
      %swap3A_478 = arith.constant 0 : i32
      %swap3A_479 = arith.index_cast %swap3A_478 : i32 to index
      %swap3A_480 = arith.index_cast %scan3A_446 : i32 to index
      %swap3A_481 = arith.constant 16 : index
      %swap3A_482 = tpu.vector_load %arg11[%swap3A_479, %swap3A_480, %swap3A_481] {strides = array<i32>} : memref<2x80x128xf32, #tpu.memory_space<vmem>>, vector<1x1x16xf32>,
      %swap3A_483 = vector.shape_cast %swap3A_482 : vector<1x1x16xf32> to vector<16xf32>
      %swap3A_484 = vector.shape_cast %add3A_477 : vector<16xf32> to vector<1x1x16xf32>
      tpu.vector_store %arg11[%swap3A_479, %swap3A_480, %swap3A_481], %swap3A_484 {strides = array<i32>} : memref<2x80x128xf32, #tpu.memory_space<vmem>>, vector<1x1x16xf32>,
      %get3A_485 = arith.constant 0 : i32
      %get3A_486 = arith.index_cast %get3A_485 : i32 to index
      %get3A_487 = arith.index_cast %scan3A_446 : i32 to index
      %get3A_488 = arith.constant 32 : index
      %get3A_489 = tpu.vector_load %arg11[%get3A_486, %get3A_487, %get3A_488] {strides = array<i32>} : memref<2x80x128xf32, #tpu.memory_space<vmem>>, vector<1x1x16xf32>,
      %get3A_490 = vector.shape_cast %get3A_489 : vector<1x1x16xf32> to vector<16xf32>
      %get3A_491 = arith.constant 1 : i32
      %get3A_492 = arith.index_cast %get3A_491 : i32 to index
      %get3A_493 = arith.index_cast %scan3A_446 : i32 to index
      %get3A_494 = arith.constant 32 : index
      %get3A_495 = tpu.vector_load %arg11[%get3A_492, %get3A_493, %get3A_494] {strides = array<i32>} : memref<2x80x128xf32, #tpu.memory_space<vmem>>, vector<1x1x16xf32>,
      %get3A_496 = vector.shape_cast %get3A_495 : vector<1x1x16xf32> to vector<16xf32>
      %add3A_497 = arith.addf %get3A_490, %get3A_496 : vector<16xf32>
      %swap3A_498 = arith.constant 0 : i32
      %swap3A_499 = arith.index_cast %swap3A_498 : i32 to index
      %swap3A_500 = arith.index_cast %scan3A_446 : i32 to index
      %swap3A_501 = arith.constant 32 : index
      %swap3A_502 = tpu.vector_load %arg11[%swap3A_499, %swap3A_500, %swap3A_501] {strides = array<i32>} : memref<2x80x128xf32, #tpu.memory_space<vmem>>, vector<1x1x16xf32>,
      %swap3A_503 = vector.shape_cast %swap3A_502 : vector<1x1x16xf32> to vector<16xf32>
      %swap3A_504 = vector.shape_cast %add3A_497 : vector<16xf32> to vector<1x1x16xf32>
      tpu.vector_store %arg11[%swap3A_499, %swap3A_500, %swap3A_501], %swap3A_504 {strides = array<i32>} : memref<2x80x128xf32, #tpu.memory_space<vmem>>, vector<1x1x16xf32>,
      %get3A_505 = arith.constant 0 : i32
      %get3A_506 = arith.index_cast %get3A_505 : i32 to index
      %get3A_507 = arith.index_cast %scan3A_446 : i32 to index
      %get3A_508 = arith.constant 48 : index
      %get3A_509 = tpu.vector_load %arg11[%get3A_506, %get3A_507, %get3A_508] {strides = array<i32>} : memref<2x80x128xf32, #tpu.memory_space<vmem>>, vector<1x1x16xf32>,
      %get3A_510 = vector.shape_cast %get3A_509 : vector<1x1x16xf32> to vector<16xf32>
      %get3A_511 = arith.constant 1 : i32
      %get3A_512 = arith.index_cast %get3A_511 : i32 to index
      %get3A_513 = arith.index_cast %scan3A_446 : i32 to index
      %get3A_514 = arith.constant 48 : index
      %get3A_515 = tpu.vector_load %arg11[%get3A_512, %get3A_513, %get3A_514] {strides = array<i32>} : memref<2x80x128xf32, #tpu.memory_space<vmem>>, vector<1x1x16xf32>,
      %get3A_516 = vector.shape_cast %get3A_515 : vector<1x1x16xf32> to vector<16xf32>
      %add3A_517 = arith.addf %get3A_510, %get3A_516 : vector<16xf32>
      %swap3A_518 = arith.constant 0 : i32
      %swap3A_519 = arith.index_cast %swap3A_518 : i32 to index
      %swap3A_520 = arith.index_cast %scan3A_446 : i32 to index
      %swap3A_521 = arith.constant 48 : index
      %swap3A_522 = tpu.vector_load %arg11[%swap3A_519, %swap3A_520, %swap3A_521] {strides = array<i32>} : memref<2x80x128xf32, #tpu.memory_space<vmem>>, vector<1x1x16xf32>,
      %swap3A_523 = vector.shape_cast %swap3A_522 : vector<1x1x16xf32> to vector<16xf32>
      %swap3A_524 = vector.shape_cast %add3A_517 : vector<16xf32> to vector<1x1x16xf32>
      tpu.vector_store %arg11[%swap3A_519, %swap3A_520, %swap3A_521], %swap3A_524 {strides = array<i32>} : memref<2x80x128xf32, #tpu.memory_space<vmem>>, vector<1x1x16xf32>,
      %get3A_525 = arith.constant 0 : i32
      %get3A_526 = arith.index_cast %get3A_525 : i32 to index
      %get3A_527 = arith.index_cast %scan3A_446 : i32 to index
      %get3A_528 = arith.constant 64 : index
      %get3A_529 = tpu.vector_load %arg11[%get3A_526, %get3A_527, %get3A_528] {strides = array<i32>} : memref<2x80x128xf32, #tpu.memory_space<vmem>>, vector<1x1x16xf32>,
      %get3A_530 = vector.shape_cast %get3A_529 : vector<1x1x16xf32> to vector<16xf32>
      %get3A_531 = arith.constant 1 : i32
      %get3A_532 = arith.index_cast %get3A_531 : i32 to index
      %get3A_533 = arith.index_cast %scan3A_446 : i32 to index
      %get3A_534 = arith.constant 64 : index
      %get3A_535 = tpu.vector_load %arg11[%get3A_532, %get3A_533, %get3A_534] {strides = array<i32>} : memref<2x80x128xf32, #tpu.memory_space<vmem>>, vector<1x1x16xf32>,
      %get3A_536 = vector.shape_cast %get3A_535 : vector<1x1x16xf32> to vector<16xf32>
      %add3A_537 = arith.addf %get3A_530, %get3A_536 : vector<16xf32>
      %swap3A_538 = arith.constant 0 : i32
      %swap3A_539 = arith.index_cast %swap3A_538 : i32 to index
      %swap3A_540 = arith.index_cast %scan3A_446 : i32 to index
      %swap3A_541 = arith.constant 64 : index
      %swap3A_542 = tpu.vector_load %arg11[%swap3A_539, %swap3A_540, %swap3A_541] {strides = array<i32>} : memref<2x80x128xf32, #tpu.memory_space<vmem>>, vector<1x1x16xf32>,
      %swap3A_543 = vector.shape_cast %swap3A_542 : vector<1x1x16xf32> to vector<16xf32>
      %swap3A_544 = vector.shape_cast %add3A_537 : vector<16xf32> to vector<1x1x16xf32>
      tpu.vector_store %arg11[%swap3A_539, %swap3A_540, %swap3A_541], %swap3A_544 {strides = array<i32>} : memref<2x80x128xf32, #tpu.memory_space<vmem>>, vector<1x1x16xf32>,
      %get3A_545 = arith.constant 0 : i32
      %get3A_546 = arith.index_cast %get3A_545 : i32 to index
      %get3A_547 = arith.index_cast %scan3A_446 : i32 to index
      %get3A_548 = arith.constant 80 : index
      %get3A_549 = tpu.vector_load %arg11[%get3A_546, %get3A_547, %get3A_548] {strides = array<i32>} : memref<2x80x128xf32, #tpu.memory_space<vmem>>, vector<1x1x16xf32>,
      %get3A_550 = vector.shape_cast %get3A_549 : vector<1x1x16xf32> to vector<16xf32>
      %get3A_551 = arith.constant 1 : i32
      %get3A_552 = arith.index_cast %get3A_551 : i32 to index
      %get3A_553 = arith.index_cast %scan3A_446 : i32 to index
      %get3A_554 = arith.constant 80 : index
      %get3A_555 = tpu.vector_load %arg11[%get3A_552, %get3A_553, %get3A_554] {strides = array<i32>} : memref<2x80x128xf32, #tpu.memory_space<vmem>>, vector<1x1x16xf32>,
      %get3A_556 = vector.shape_cast %get3A_555 : vector<1x1x16xf32> to vector<16xf32>
      %add3A_557 = arith.addf %get3A_550, %get3A_556 : vector<16xf32>
      %swap3A_558 = arith.constant 0 : i32
      %swap3A_559 = arith.index_cast %swap3A_558 : i32 to index
      %swap3A_560 = arith.index_cast %scan3A_446 : i32 to index
      %swap3A_561 = arith.constant 80 : index
      %swap3A_562 = tpu.vector_load %arg11[%swap3A_559, %swap3A_560, %swap3A_561] {strides = array<i32>} : memref<2x80x128xf32, #tpu.memory_space<vmem>>, vector<1x1x16xf32>,
      %swap3A_563 = vector.shape_cast %swap3A_562 : vector<1x1x16xf32> to vector<16xf32>
      %swap3A_564 = vector.shape_cast %add3A_557 : vector<16xf32> to vector<1x1x16xf32>
      tpu.vector_store %arg11[%swap3A_559, %swap3A_560, %swap3A_561], %swap3A_564 {strides = array<i32>} : memref<2x80x128xf32, #tpu.memory_space<vmem>>, vector<1x1x16xf32>,
      %get3A_565 = arith.constant 0 : i32
      %get3A_566 = arith.index_cast %get3A_565 : i32 to index
      %get3A_567 = arith.index_cast %scan3A_446 : i32 to index
      %get3A_568 = arith.constant 96 : index
      %get3A_569 = tpu.vector_load %arg11[%get3A_566, %get3A_567, %get3A_568] {strides = array<i32>} : memref<2x80x128xf32, #tpu.memory_space<vmem>>, vector<1x1x16xf32>,
      %get3A_570 = vector.shape_cast %get3A_569 : vector<1x1x16xf32> to vector<16xf32>
      %get3A_571 = arith.constant 1 : i32
      %get3A_572 = arith.index_cast %get3A_571 : i32 to index
      %get3A_573 = arith.index_cast %scan3A_446 : i32 to index
      %get3A_574 = arith.constant 96 : index
      %get3A_575 = tpu.vector_load %arg11[%get3A_572, %get3A_573, %get3A_574] {strides = array<i32>} : memref<2x80x128xf32, #tpu.memory_space<vmem>>, vector<1x1x16xf32>,
      %get3A_576 = vector.shape_cast %get3A_575 : vector<1x1x16xf32> to vector<16xf32>
      %add3A_577 = arith.addf %get3A_570, %get3A_576 : vector<16xf32>
      %swap3A_578 = arith.constant 0 : i32
      %swap3A_579 = arith.index_cast %swap3A_578 : i32 to index
      %swap3A_580 = arith.index_cast %scan3A_446 : i32 to index
      %swap3A_581 = arith.constant 96 : index
      %swap3A_582 = tpu.vector_load %arg11[%swap3A_579, %swap3A_580, %swap3A_581] {strides = array<i32>} : memref<2x80x128xf32, #tpu.memory_space<vmem>>, vector<1x1x16xf32>,
      %swap3A_583 = vector.shape_cast %swap3A_582 : vector<1x1x16xf32> to vector<16xf32>
      %swap3A_584 = vector.shape_cast %add3A_577 : vector<16xf32> to vector<1x1x16xf32>
      tpu.vector_store %arg11[%swap3A_579, %swap3A_580, %swap3A_581], %swap3A_584 {strides = array<i32>} : memref<2x80x128xf32, #tpu.memory_space<vmem>>, vector<1x1x16xf32>,
      %get3A_585 = arith.constant 0 : i32
      %get3A_586 = arith.index_cast %get3A_585 : i32 to index
      %get3A_587 = arith.index_cast %scan3A_446 : i32 to index
      %get3A_588 = arith.constant 112 : index
      %get3A_589 = tpu.vector_load %arg11[%get3A_586, %get3A_587, %get3A_588] {strides = array<i32>} : memref<2x80x128xf32, #tpu.memory_space<vmem>>, vector<1x1x16xf32>,
      %get3A_590 = vector.shape_cast %get3A_589 : vector<1x1x16xf32> to vector<16xf32>
      %get3A_591 = arith.constant 1 : i32
      %get3A_592 = arith.index_cast %get3A_591 : i32 to index
      %get3A_593 = arith.index_cast %scan3A_446 : i32 to index
      %get3A_594 = arith.constant 112 : index
      %get3A_595 = tpu.vector_load %arg11[%get3A_592, %get3A_593, %get3A_594] {strides = array<i32>} : memref<2x80x128xf32, #tpu.memory_space<vmem>>, vector<1x1x16xf32>,
      %get3A_596 = vector.shape_cast %get3A_595 : vector<1x1x16xf32> to vector<16xf32>
      %add3A_597 = arith.addf %get3A_590, %get3A_596 : vector<16xf32>
      %swap3A_598 = arith.constant 0 : i32
      %swap3A_599 = arith.index_cast %swap3A_598 : i32 to index
      %swap3A_600 = arith.index_cast %scan3A_446 : i32 to index
      %swap3A_601 = arith.constant 112 : index
      %swap3A_602 = tpu.vector_load %arg11[%swap3A_599, %swap3A_600, %swap3A_601] {strides = array<i32>} : memref<2x80x128xf32, #tpu.memory_space<vmem>>, vector<1x1x16xf32>,
      %swap3A_603 = vector.shape_cast %swap3A_602 : vector<1x1x16xf32> to vector<16xf32>
      %swap3A_604 = vector.shape_cast %add3A_597 : vector<16xf32> to vector<1x1x16xf32>
      tpu.vector_store %arg11[%swap3A_599, %swap3A_600, %swap3A_601], %swap3A_604 {strides = array<i32>} : memref<2x80x128xf32, #tpu.memory_space<vmem>>, vector<1x1x16xf32>,
    }
    %scan3A_364 = arith.constant 80 : i32
    %add3A_365 = arith.constant 9760 : i32
    %add3A_366 = arith.addi %mul3A_2, %add3A_365 : i32
    %run_scoped3A_367 = arith.constant 0 : i32
    "tpu.region"() ({
      %run_scoped3A_446 = tpu.sem_alloc : memref<!tpu.dma_semaphore, #tpu.memory_space<semaphore_mem>>
      %dma_start3A_447 = arith.constant 0 : i32
      %dma_start3A_448 = arith.constant 0 : i32
      %dma_start3A_449 = tpu.memref_slice %arg11[%run_scoped3A_367, %dma_start3A_447, %dma_start3A_448] : memref<2x80x128xf32, #tpu.memory_space<vmem>> -> memref<1x80x128xf32, #tpu.memory_space<vmem>>
      %dma_start3A_450 = tpu.memref_squeeze %dma_start3A_449 : memref<1x80x128xf32, #tpu.memory_space<vmem>> -> memref<80x128xf32, #tpu.memory_space<vmem>>
      %dma_start3A_451 = arith.constant 0 : i32
      %dma_start3A_452 = tpu.memref_slice %arg6[%add3A_366, %dma_start3A_451] : memref<320000x128xf32, #tpu.memory_space<hbm>> -> memref<80x128xf32, #tpu.memory_space<hbm>>
      %dma_start3A_453 = arith.constant 0 : i32
      %dma_start3A_454 = tpu.memref_slice %arg6[%add3A_366, %dma_start3A_453] : memref<320000x128xf32, #tpu.memory_space<hbm>> -> memref<80x128xf32, #tpu.memory_space<hbm>>
      %dma_start3A_455 = arith.constant 0 : i32
      %dma_start3A_456 = arith.constant 0 : i32
      %dma_start3A_457 = tpu.memref_slice %arg11[%run_scoped3A_367, %dma_start3A_455, %dma_start3A_456] : memref<2x80x128xf32, #tpu.memory_space<vmem>> -> memref<1x80x128xf32, #tpu.memory_space<vmem>>
      %dma_start3A_458 = tpu.memref_squeeze %dma_start3A_457 : memref<1x80x128xf32, #tpu.memory_space<vmem>> -> memref<80x128xf32, #tpu.memory_space<vmem>>
      tpu.enqueue_dma source(%dma_start3A_458 : memref<80x128xf32, #tpu.memory_space<vmem>>) target(%dma_start3A_454 : memref<80x128xf32, #tpu.memory_space<hbm>>) target_semaphore(%run_scoped3A_446 : memref<!tpu.dma_semaphore, #tpu.memory_space<semaphore_mem>>)
      %dma_wait3A_459 = arith.constant 0 : i32
      %dma_wait3A_460 = arith.constant 0 : i32
      %dma_wait3A_461 = tpu.memref_slice %arg11[%run_scoped3A_367, %dma_wait3A_459, %dma_wait3A_460] : memref<2x80x128xf32, #tpu.memory_space<vmem>> -> memref<1x80x128xf32, #tpu.memory_space<vmem>>
      %dma_wait3A_462 = tpu.memref_squeeze %dma_wait3A_461 : memref<1x80x128xf32, #tpu.memory_space<vmem>> -> memref<80x128xf32, #tpu.memory_space<vmem>>
      %dma_wait3A_463 = arith.constant 0 : i32
      %dma_wait3A_464 = tpu.memref_slice %arg6[%add3A_366, %dma_wait3A_463] : memref<320000x128xf32, #tpu.memory_space<hbm>> -> memref<80x128xf32, #tpu.memory_space<hbm>>
      %dma_wait3A_465 = arith.constant 0 : i32
      %dma_wait3A_466 = tpu.memref_slice %arg6[%add3A_366, %dma_wait3A_465] : memref<320000x128xf32, #tpu.memory_space<hbm>> -> memref<80x128xf32, #tpu.memory_space<hbm>>
      %dma_wait3A_467 = arith.constant 0 : i32
      %dma_wait3A_468 = arith.constant 0 : i32
      %dma_wait3A_469 = tpu.memref_slice %arg11[%run_scoped3A_367, %dma_wait3A_467, %dma_wait3A_468] : memref<2x80x128xf32, #tpu.memory_space<vmem>> -> memref<1x80x128xf32, #tpu.memory_space<vmem>>
      %dma_wait3A_470 = tpu.memref_squeeze %dma_wait3A_469 : memref<1x80x128xf32, #tpu.memory_space<vmem>> -> memref<80x128xf32, #tpu.memory_space<vmem>>
      tpu.wait_dma2 semaphore(%run_scoped3A_446 : memref<!tpu.dma_semaphore, #tpu.memory_space<semaphore_mem>>) src(%dma_wait3A_470 : memref<80x128xf32, #tpu.memory_space<vmem>>) dst(%dma_wait3A_466 : memref<80x128xf32, #tpu.memory_space<hbm>>)
      tpu.yield
    }) : () -> ()
    %dma_start3A_368 = arith.constant 0 : i32
    %dma_start3A_369 = arith.constant 0 : i32
    %dma_start3A_370 = arith.constant 0 : i32
    %dma_start3A_371 = tpu.memref_slice %arg9[%dma_start3A_368, %dma_start3A_369, %dma_start3A_370] : memref<2x80x128xf32, #tpu.memory_space<vmem>> -> memref<1x80x128xf32, #tpu.memory_space<vmem>>
    %dma_start3A_372 = tpu.memref_squeeze %dma_start3A_371 : memref<1x80x128xf32, #tpu.memory_space<vmem>> -> memref<80x128xf32, #tpu.memory_space<vmem>>
    %dma_start3A_373 = arith.constant 9920 : i32
    %dma_start3A_374 = tpu.memref_slice %arg7[%dma_start3A_373] : memref<10000xi32, #tpu.memory_space<vmem>> -> memref<80xi32, #tpu.memory_space<vmem>>
    %dma_start3A_375 = arith.constant 0 : i32
    %dma_start3A_376 = arith.constant 0 : i32
    %dma_start3A_377 = tpu.memref_slice %arg2[%dma_start3A_375, %dma_start3A_376] : memref<10000x128xf32, #tpu.memory_space<hbm>> -> memref<10000x128xf32, #tpu.memory_space<hbm>>
    tpu.enqueue_indirect_dma source(%dma_start3A_377 : memref<10000x128xf32, #tpu.memory_space<hbm>>) target(%dma_start3A_372 : memref<80x128xf32, #tpu.memory_space<vmem>>) offsets(%dma_start3A_374 : memref<80xi32, #tpu.memory_space<vmem>>) semaphore(%arg13 : memref<!tpu.dma_semaphore, #tpu.memory_space<semaphore_mem>>)
    %dma_start3A_378 = arith.constant 1 : i32
    %dma_start3A_379 = arith.constant 0 : i32
    %dma_start3A_380 = arith.constant 0 : i32
    %dma_start3A_381 = tpu.memref_slice %arg9[%dma_start3A_378, %dma_start3A_379, %dma_start3A_380] : memref<2x80x128xf32, #tpu.memory_space<vmem>> -> memref<1x80x128xf32, #tpu.memory_space<vmem>>
    %dma_start3A_382 = tpu.memref_squeeze %dma_start3A_381 : memref<1x80x128xf32, #tpu.memory_space<vmem>> -> memref<80x128xf32, #tpu.memory_space<vmem>>
    %dma_start3A_383 = arith.constant 9920 : i32
    %dma_start3A_384 = tpu.memref_slice %arg8[%dma_start3A_383] : memref<10000xi32, #tpu.memory_space<vmem>> -> memref<80xi32, #tpu.memory_space<vmem>>
    %dma_start3A_385 = arith.constant 0 : i32
    %dma_start3A_386 = arith.constant 0 : i32
    %dma_start3A_387 = tpu.memref_slice %arg3[%dma_start3A_385, %dma_start3A_386] : memref<10000x128xf32, #tpu.memory_space<hbm>> -> memref<10000x128xf32, #tpu.memory_space<hbm>>
    tpu.enqueue_indirect_dma source(%dma_start3A_387 : memref<10000x128xf32, #tpu.memory_space<hbm>>) target(%dma_start3A_382 : memref<80x128xf32, #tpu.memory_space<vmem>>) offsets(%dma_start3A_384 : memref<80xi32, #tpu.memory_space<vmem>>) semaphore(%arg13 : memref<!tpu.dma_semaphore, #tpu.memory_space<semaphore_mem>>)
    %dma_wait3A_388 = arith.constant 0 : i32
    %dma_wait3A_389 = arith.constant 0 : i32
    %dma_wait3A_390 = arith.constant 0 : i32
    %dma_wait3A_391 = tpu.memref_slice %arg12[%dma_wait3A_388, %dma_wait3A_389, %dma_wait3A_390] : memref<2x80x128xf32, #tpu.memory_space<vmem>> -> memref<1x80x128xf32, #tpu.memory_space<vmem>>
    %dma_wait3A_392 = tpu.memref_squeeze %dma_wait3A_391 : memref<1x80x128xf32, #tpu.memory_space<vmem>> -> memref<80x128xf32, #tpu.memory_space<vmem>>
    %dma_wait3A_393 = arith.constant 0 : i32
    %dma_wait3A_394 = tpu.memref_slice %arg7[%dma_wait3A_393] : memref<10000xi32, #tpu.memory_space<vmem>> -> memref<80xi32, #tpu.memory_space<vmem>>
    %dma_wait3A_395 = arith.constant 0 : i32
    %dma_wait3A_396 = arith.constant 0 : i32
    %dma_wait3A_397 = tpu.memref_slice %arg2[%dma_wait3A_395, %dma_wait3A_396] : memref<10000x128xf32, #tpu.memory_space<hbm>> -> memref<10000x128xf32, #tpu.memory_space<hbm>>
    tpu.wait_indirect_dma semaphore(%arg16 : memref<!tpu.dma_semaphore, #tpu.memory_space<semaphore_mem>>) src(%dma_wait3A_397 : memref<10000x128xf32, #tpu.memory_space<hbm>>) dst(%dma_wait3A_392 : memref<80x128xf32, #tpu.memory_space<vmem>>)
    %dma_wait3A_398 = arith.constant 1 : i32
    %dma_wait3A_399 = arith.constant 0 : i32
    %dma_wait3A_400 = arith.constant 0 : i32
    %dma_wait3A_401 = tpu.memref_slice %arg12[%dma_wait3A_398, %dma_wait3A_399, %dma_wait3A_400] : memref<2x80x128xf32, #tpu.memory_space<vmem>> -> memref<1x80x128xf32, #tpu.memory_space<vmem>>
    %dma_wait3A_402 = tpu.memref_squeeze %dma_wait3A_401 : memref<1x80x128xf32, #tpu.memory_space<vmem>> -> memref<80x128xf32, #tpu.memory_space<vmem>>
    %dma_wait3A_403 = arith.constant 0 : i32
    %dma_wait3A_404 = tpu.memref_slice %arg8[%dma_wait3A_403] : memref<10000xi32, #tpu.memory_space<vmem>> -> memref<80xi32, #tpu.memory_space<vmem>>
    %dma_wait3A_405 = arith.constant 0 : i32
    %dma_wait3A_406 = arith.constant 0 : i32
    %dma_wait3A_407 = tpu.memref_slice %arg3[%dma_wait3A_405, %dma_wait3A_406] : memref<10000x128xf32, #tpu.memory_space<hbm>> -> memref<10000x128xf32, #tpu.memory_space<hbm>>
    tpu.wait_indirect_dma semaphore(%arg16 : memref<!tpu.dma_semaphore, #tpu.memory_space<semaphore_mem>>) src(%dma_wait3A_407 : memref<10000x128xf32, #tpu.memory_space<hbm>>) dst(%dma_wait3A_402 : memref<80x128xf32, #tpu.memory_space<vmem>>)
    %scan3A_408 = arith.constant 0 : i32
    %scan3A_409 = arith.constant 0 : i32
    %scan3A_410 = arith.constant 80 : i32
    %scan3A_411 = arith.addi %scan3A_409, %scan3A_410 : i32
    %scan3A_412 = arith.constant 1 : i32
    scf.for %scan3A_446 = %scan3A_409 to %scan3A_411 step %scan3A_412  : i32 {
      %get3A = arith.constant 0 : i32
      %get3A_447 = arith.index_cast %get3A : i32 to index
      %get3A_448 = arith.index_cast %scan3A_446 : i32 to index
      %get3A_449 = arith.constant 0 : index
      %get3A_450 = tpu.vector_load %arg12[%get3A_447, %get3A_448, %get3A_449] {strides = array<i32>} : memref<2x80x128xf32, #tpu.memory_space<vmem>>, vector<1x1x16xf32>,
      %get3A_451 = vector.shape_cast %get3A_450 : vector<1x1x16xf32> to vector<16xf32>
      %get3A_452 = arith.constant 1 : i32
      %get3A_453 = arith.index_cast %get3A_452 : i32 to index
      %get3A_454 = arith.index_cast %scan3A_446 : i32 to index
      %get3A_455 = arith.constant 0 : index
      %get3A_456 = tpu.vector_load %arg12[%get3A_453, %get3A_454, %get3A_455] {strides = array<i32>} : memref<2x80x128xf32, #tpu.memory_space<vmem>>, vector<1x1x16xf32>,
      %get3A_457 = vector.shape_cast %get3A_456 : vector<1x1x16xf32> to vector<16xf32>
      %add3A_458 = arith.addf %get3A_451, %get3A_457 : vector<16xf32>
      %swap3A = arith.constant 0 : i32
      %swap3A_459 = arith.index_cast %swap3A : i32 to index
      %swap3A_460 = arith.index_cast %scan3A_446 : i32 to index
      %swap3A_461 = arith.constant 0 : index
      %swap3A_462 = tpu.vector_load %arg12[%swap3A_459, %swap3A_460, %swap3A_461] {strides = array<i32>} : memref<2x80x128xf32, #tpu.memory_space<vmem>>, vector<1x1x16xf32>,
      %swap3A_463 = vector.shape_cast %swap3A_462 : vector<1x1x16xf32> to vector<16xf32>
      %swap3A_464 = vector.shape_cast %add3A_458 : vector<16xf32> to vector<1x1x16xf32>
      tpu.vector_store %arg12[%swap3A_459, %swap3A_460, %swap3A_461], %swap3A_464 {strides = array<i32>} : memref<2x80x128xf32, #tpu.memory_space<vmem>>, vector<1x1x16xf32>,
      %get3A_465 = arith.constant 0 : i32
      %get3A_466 = arith.index_cast %get3A_465 : i32 to index
      %get3A_467 = arith.index_cast %scan3A_446 : i32 to index
      %get3A_468 = arith.constant 16 : index
      %get3A_469 = tpu.vector_load %arg12[%get3A_466, %get3A_467, %get3A_468] {strides = array<i32>} : memref<2x80x128xf32, #tpu.memory_space<vmem>>, vector<1x1x16xf32>,
      %get3A_470 = vector.shape_cast %get3A_469 : vector<1x1x16xf32> to vector<16xf32>
      %get3A_471 = arith.constant 1 : i32
      %get3A_472 = arith.index_cast %get3A_471 : i32 to index
      %get3A_473 = arith.index_cast %scan3A_446 : i32 to index
      %get3A_474 = arith.constant 16 : index
      %get3A_475 = tpu.vector_load %arg12[%get3A_472, %get3A_473, %get3A_474] {strides = array<i32>} : memref<2x80x128xf32, #tpu.memory_space<vmem>>, vector<1x1x16xf32>,
      %get3A_476 = vector.shape_cast %get3A_475 : vector<1x1x16xf32> to vector<16xf32>
      %add3A_477 = arith.addf %get3A_470, %get3A_476 : vector<16xf32>
      %swap3A_478 = arith.constant 0 : i32
      %swap3A_479 = arith.index_cast %swap3A_478 : i32 to index
      %swap3A_480 = arith.index_cast %scan3A_446 : i32 to index
      %swap3A_481 = arith.constant 16 : index
      %swap3A_482 = tpu.vector_load %arg12[%swap3A_479, %swap3A_480, %swap3A_481] {strides = array<i32>} : memref<2x80x128xf32, #tpu.memory_space<vmem>>, vector<1x1x16xf32>,
      %swap3A_483 = vector.shape_cast %swap3A_482 : vector<1x1x16xf32> to vector<16xf32>
      %swap3A_484 = vector.shape_cast %add3A_477 : vector<16xf32> to vector<1x1x16xf32>
      tpu.vector_store %arg12[%swap3A_479, %swap3A_480, %swap3A_481], %swap3A_484 {strides = array<i32>} : memref<2x80x128xf32, #tpu.memory_space<vmem>>, vector<1x1x16xf32>,
      %get3A_485 = arith.constant 0 : i32
      %get3A_486 = arith.index_cast %get3A_485 : i32 to index
      %get3A_487 = arith.index_cast %scan3A_446 : i32 to index
      %get3A_488 = arith.constant 32 : index
      %get3A_489 = tpu.vector_load %arg12[%get3A_486, %get3A_487, %get3A_488] {strides = array<i32>} : memref<2x80x128xf32, #tpu.memory_space<vmem>>, vector<1x1x16xf32>,
      %get3A_490 = vector.shape_cast %get3A_489 : vector<1x1x16xf32> to vector<16xf32>
      %get3A_491 = arith.constant 1 : i32
      %get3A_492 = arith.index_cast %get3A_491 : i32 to index
      %get3A_493 = arith.index_cast %scan3A_446 : i32 to index
      %get3A_494 = arith.constant 32 : index
      %get3A_495 = tpu.vector_load %arg12[%get3A_492, %get3A_493, %get3A_494] {strides = array<i32>} : memref<2x80x128xf32, #tpu.memory_space<vmem>>, vector<1x1x16xf32>,
      %get3A_496 = vector.shape_cast %get3A_495 : vector<1x1x16xf32> to vector<16xf32>
      %add3A_497 = arith.addf %get3A_490, %get3A_496 : vector<16xf32>
      %swap3A_498 = arith.constant 0 : i32
      %swap3A_499 = arith.index_cast %swap3A_498 : i32 to index
      %swap3A_500 = arith.index_cast %scan3A_446 : i32 to index
      %swap3A_501 = arith.constant 32 : index
      %swap3A_502 = tpu.vector_load %arg12[%swap3A_499, %swap3A_500, %swap3A_501] {strides = array<i32>} : memref<2x80x128xf32, #tpu.memory_space<vmem>>, vector<1x1x16xf32>,
      %swap3A_503 = vector.shape_cast %swap3A_502 : vector<1x1x16xf32> to vector<16xf32>
      %swap3A_504 = vector.shape_cast %add3A_497 : vector<16xf32> to vector<1x1x16xf32>
      tpu.vector_store %arg12[%swap3A_499, %swap3A_500, %swap3A_501], %swap3A_504 {strides = array<i32>} : memref<2x80x128xf32, #tpu.memory_space<vmem>>, vector<1x1x16xf32>,
      %get3A_505 = arith.constant 0 : i32
      %get3A_506 = arith.index_cast %get3A_505 : i32 to index
      %get3A_507 = arith.index_cast %scan3A_446 : i32 to index
      %get3A_508 = arith.constant 48 : index
      %get3A_509 = tpu.vector_load %arg12[%get3A_506, %get3A_507, %get3A_508] {strides = array<i32>} : memref<2x80x128xf32, #tpu.memory_space<vmem>>, vector<1x1x16xf32>,
      %get3A_510 = vector.shape_cast %get3A_509 : vector<1x1x16xf32> to vector<16xf32>
      %get3A_511 = arith.constant 1 : i32
      %get3A_512 = arith.index_cast %get3A_511 : i32 to index
      %get3A_513 = arith.index_cast %scan3A_446 : i32 to index
      %get3A_514 = arith.constant 48 : index
      %get3A_515 = tpu.vector_load %arg12[%get3A_512, %get3A_513, %get3A_514] {strides = array<i32>} : memref<2x80x128xf32, #tpu.memory_space<vmem>>, vector<1x1x16xf32>,
      %get3A_516 = vector.shape_cast %get3A_515 : vector<1x1x16xf32> to vector<16xf32>
      %add3A_517 = arith.addf %get3A_510, %get3A_516 : vector<16xf32>
      %swap3A_518 = arith.constant 0 : i32
      %swap3A_519 = arith.index_cast %swap3A_518 : i32 to index
      %swap3A_520 = arith.index_cast %scan3A_446 : i32 to index
      %swap3A_521 = arith.constant 48 : index
      %swap3A_522 = tpu.vector_load %arg12[%swap3A_519, %swap3A_520, %swap3A_521] {strides = array<i32>} : memref<2x80x128xf32, #tpu.memory_space<vmem>>, vector<1x1x16xf32>,
      %swap3A_523 = vector.shape_cast %swap3A_522 : vector<1x1x16xf32> to vector<16xf32>
      %swap3A_524 = vector.shape_cast %add3A_517 : vector<16xf32> to vector<1x1x16xf32>
      tpu.vector_store %arg12[%swap3A_519, %swap3A_520, %swap3A_521], %swap3A_524 {strides = array<i32>} : memref<2x80x128xf32, #tpu.memory_space<vmem>>, vector<1x1x16xf32>,
      %get3A_525 = arith.constant 0 : i32
      %get3A_526 = arith.index_cast %get3A_525 : i32 to index
      %get3A_527 = arith.index_cast %scan3A_446 : i32 to index
      %get3A_528 = arith.constant 64 : index
      %get3A_529 = tpu.vector_load %arg12[%get3A_526, %get3A_527, %get3A_528] {strides = array<i32>} : memref<2x80x128xf32, #tpu.memory_space<vmem>>, vector<1x1x16xf32>,
      %get3A_530 = vector.shape_cast %get3A_529 : vector<1x1x16xf32> to vector<16xf32>
      %get3A_531 = arith.constant 1 : i32
      %get3A_532 = arith.index_cast %get3A_531 : i32 to index
      %get3A_533 = arith.index_cast %scan3A_446 : i32 to index
      %get3A_534 = arith.constant 64 : index
      %get3A_535 = tpu.vector_load %arg12[%get3A_532, %get3A_533, %get3A_534] {strides = array<i32>} : memref<2x80x128xf32, #tpu.memory_space<vmem>>, vector<1x1x16xf32>,
      %get3A_536 = vector.shape_cast %get3A_535 : vector<1x1x16xf32> to vector<16xf32>
      %add3A_537 = arith.addf %get3A_530, %get3A_536 : vector<16xf32>
      %swap3A_538 = arith.constant 0 : i32
      %swap3A_539 = arith.index_cast %swap3A_538 : i32 to index
      %swap3A_540 = arith.index_cast %scan3A_446 : i32 to index
      %swap3A_541 = arith.constant 64 : index
      %swap3A_542 = tpu.vector_load %arg12[%swap3A_539, %swap3A_540, %swap3A_541] {strides = array<i32>} : memref<2x80x128xf32, #tpu.memory_space<vmem>>, vector<1x1x16xf32>,
      %swap3A_543 = vector.shape_cast %swap3A_542 : vector<1x1x16xf32> to vector<16xf32>
      %swap3A_544 = vector.shape_cast %add3A_537 : vector<16xf32> to vector<1x1x16xf32>
      tpu.vector_store %arg12[%swap3A_539, %swap3A_540, %swap3A_541], %swap3A_544 {strides = array<i32>} : memref<2x80x128xf32, #tpu.memory_space<vmem>>, vector<1x1x16xf32>,
      %get3A_545 = arith.constant 0 : i32
      %get3A_546 = arith.index_cast %get3A_545 : i32 to index
      %get3A_547 = arith.index_cast %scan3A_446 : i32 to index
      %get3A_548 = arith.constant 80 : index
      %get3A_549 = tpu.vector_load %arg12[%get3A_546, %get3A_547, %get3A_548] {strides = array<i32>} : memref<2x80x128xf32, #tpu.memory_space<vmem>>, vector<1x1x16xf32>,
      %get3A_550 = vector.shape_cast %get3A_549 : vector<1x1x16xf32> to vector<16xf32>
      %get3A_551 = arith.constant 1 : i32
      %get3A_552 = arith.index_cast %get3A_551 : i32 to index
      %get3A_553 = arith.index_cast %scan3A_446 : i32 to index
      %get3A_554 = arith.constant 80 : index
      %get3A_555 = tpu.vector_load %arg12[%get3A_552, %get3A_553, %get3A_554] {strides = array<i32>} : memref<2x80x128xf32, #tpu.memory_space<vmem>>, vector<1x1x16xf32>,
      %get3A_556 = vector.shape_cast %get3A_555 : vector<1x1x16xf32> to vector<16xf32>
      %add3A_557 = arith.addf %get3A_550, %get3A_556 : vector<16xf32>
      %swap3A_558 = arith.constant 0 : i32
      %swap3A_559 = arith.index_cast %swap3A_558 : i32 to index
      %swap3A_560 = arith.index_cast %scan3A_446 : i32 to index
      %swap3A_561 = arith.constant 80 : index
      %swap3A_562 = tpu.vector_load %arg12[%swap3A_559, %swap3A_560, %swap3A_561] {strides = array<i32>} : memref<2x80x128xf32, #tpu.memory_space<vmem>>, vector<1x1x16xf32>,
      %swap3A_563 = vector.shape_cast %swap3A_562 : vector<1x1x16xf32> to vector<16xf32>
      %swap3A_564 = vector.shape_cast %add3A_557 : vector<16xf32> to vector<1x1x16xf32>
      tpu.vector_store %arg12[%swap3A_559, %swap3A_560, %swap3A_561], %swap3A_564 {strides = array<i32>} : memref<2x80x128xf32, #tpu.memory_space<vmem>>, vector<1x1x16xf32>,
      %get3A_565 = arith.constant 0 : i32
      %get3A_566 = arith.index_cast %get3A_565 : i32 to index
      %get3A_567 = arith.index_cast %scan3A_446 : i32 to index
      %get3A_568 = arith.constant 96 : index
      %get3A_569 = tpu.vector_load %arg12[%get3A_566, %get3A_567, %get3A_568] {strides = array<i32>} : memref<2x80x128xf32, #tpu.memory_space<vmem>>, vector<1x1x16xf32>,
      %get3A_570 = vector.shape_cast %get3A_569 : vector<1x1x16xf32> to vector<16xf32>
      %get3A_571 = arith.constant 1 : i32
      %get3A_572 = arith.index_cast %get3A_571 : i32 to index
      %get3A_573 = arith.index_cast %scan3A_446 : i32 to index
      %get3A_574 = arith.constant 96 : index
      %get3A_575 = tpu.vector_load %arg12[%get3A_572, %get3A_573, %get3A_574] {strides = array<i32>} : memref<2x80x128xf32, #tpu.memory_space<vmem>>, vector<1x1x16xf32>,
      %get3A_576 = vector.shape_cast %get3A_575 : vector<1x1x16xf32> to vector<16xf32>
      %add3A_577 = arith.addf %get3A_570, %get3A_576 : vector<16xf32>
      %swap3A_578 = arith.constant 0 : i32
      %swap3A_579 = arith.index_cast %swap3A_578 : i32 to index
      %swap3A_580 = arith.index_cast %scan3A_446 : i32 to index
      %swap3A_581 = arith.constant 96 : index
      %swap3A_582 = tpu.vector_load %arg12[%swap3A_579, %swap3A_580, %swap3A_581] {strides = array<i32>} : memref<2x80x128xf32, #tpu.memory_space<vmem>>, vector<1x1x16xf32>,
      %swap3A_583 = vector.shape_cast %swap3A_582 : vector<1x1x16xf32> to vector<16xf32>
      %swap3A_584 = vector.shape_cast %add3A_577 : vector<16xf32> to vector<1x1x16xf32>
      tpu.vector_store %arg12[%swap3A_579, %swap3A_580, %swap3A_581], %swap3A_584 {strides = array<i32>} : memref<2x80x128xf32, #tpu.memory_space<vmem>>, vector<1x1x16xf32>,
      %get3A_585 = arith.constant 0 : i32
      %get3A_586 = arith.index_cast %get3A_585 : i32 to index
      %get3A_587 = arith.index_cast %scan3A_446 : i32 to index
      %get3A_588 = arith.constant 112 : index
      %get3A_589 = tpu.vector_load %arg12[%get3A_586, %get3A_587, %get3A_588] {strides = array<i32>} : memref<2x80x128xf32, #tpu.memory_space<vmem>>, vector<1x1x16xf32>,
      %get3A_590 = vector.shape_cast %get3A_589 : vector<1x1x16xf32> to vector<16xf32>
      %get3A_591 = arith.constant 1 : i32
      %get3A_592 = arith.index_cast %get3A_591 : i32 to index
      %get3A_593 = arith.index_cast %scan3A_446 : i32 to index
      %get3A_594 = arith.constant 112 : index
      %get3A_595 = tpu.vector_load %arg12[%get3A_592, %get3A_593, %get3A_594] {strides = array<i32>} : memref<2x80x128xf32, #tpu.memory_space<vmem>>, vector<1x1x16xf32>,
      %get3A_596 = vector.shape_cast %get3A_595 : vector<1x1x16xf32> to vector<16xf32>
      %add3A_597 = arith.addf %get3A_590, %get3A_596 : vector<16xf32>
      %swap3A_598 = arith.constant 0 : i32
      %swap3A_599 = arith.index_cast %swap3A_598 : i32 to index
      %swap3A_600 = arith.index_cast %scan3A_446 : i32 to index
      %swap3A_601 = arith.constant 112 : index
      %swap3A_602 = tpu.vector_load %arg12[%swap3A_599, %swap3A_600, %swap3A_601] {strides = array<i32>} : memref<2x80x128xf32, #tpu.memory_space<vmem>>, vector<1x1x16xf32>,
      %swap3A_603 = vector.shape_cast %swap3A_602 : vector<1x1x16xf32> to vector<16xf32>
      %swap3A_604 = vector.shape_cast %add3A_597 : vector<16xf32> to vector<1x1x16xf32>
      tpu.vector_store %arg12[%swap3A_599, %swap3A_600, %swap3A_601], %swap3A_604 {strides = array<i32>} : memref<2x80x128xf32, #tpu.memory_space<vmem>>, vector<1x1x16xf32>,
    }
    %scan3A_413 = arith.constant 80 : i32
    %add3A_414 = arith.constant 9840 : i32
    %add3A_415 = arith.addi %mul3A_2, %add3A_414 : i32
    %run_scoped3A_416 = arith.constant 0 : i32
    "tpu.region"() ({
      %run_scoped3A_446 = tpu.sem_alloc : memref<!tpu.dma_semaphore, #tpu.memory_space<semaphore_mem>>
      %dma_start3A_447 = arith.constant 0 : i32
      %dma_start3A_448 = arith.constant 0 : i32
      %dma_start3A_449 = tpu.memref_slice %arg12[%run_scoped3A_416, %dma_start3A_447, %dma_start3A_448] : memref<2x80x128xf32, #tpu.memory_space<vmem>> -> memref<1x80x128xf32, #tpu.memory_space<vmem>>
      %dma_start3A_450 = tpu.memref_squeeze %dma_start3A_449 : memref<1x80x128xf32, #tpu.memory_space<vmem>> -> memref<80x128xf32, #tpu.memory_space<vmem>>
      %dma_start3A_451 = arith.constant 0 : i32
      %dma_start3A_452 = tpu.memref_slice %arg6[%add3A_415, %dma_start3A_451] : memref<320000x128xf32, #tpu.memory_space<hbm>> -> memref<80x128xf32, #tpu.memory_space<hbm>>
      %dma_start3A_453 = arith.constant 0 : i32
      %dma_start3A_454 = tpu.memref_slice %arg6[%add3A_415, %dma_start3A_453] : memref<320000x128xf32, #tpu.memory_space<hbm>> -> memref<80x128xf32, #tpu.memory_space<hbm>>
      %dma_start3A_455 = arith.constant 0 : i32
      %dma_start3A_456 = arith.constant 0 : i32
      %dma_start3A_457 = tpu.memref_slice %arg12[%run_scoped3A_416, %dma_start3A_455, %dma_start3A_456] : memref<2x80x128xf32, #tpu.memory_space<vmem>> -> memref<1x80x128xf32, #tpu.memory_space<vmem>>
      %dma_start3A_458 = tpu.memref_squeeze %dma_start3A_457 : memref<1x80x128xf32, #tpu.memory_space<vmem>> -> memref<80x128xf32, #tpu.memory_space<vmem>>
      tpu.enqueue_dma source(%dma_start3A_458 : memref<80x128xf32, #tpu.memory_space<vmem>>) target(%dma_start3A_454 : memref<80x128xf32, #tpu.memory_space<hbm>>) target_semaphore(%run_scoped3A_446 : memref<!tpu.dma_semaphore, #tpu.memory_space<semaphore_mem>>)
      %dma_wait3A_459 = arith.constant 0 : i32
      %dma_wait3A_460 = arith.constant 0 : i32
      %dma_wait3A_461 = tpu.memref_slice %arg12[%run_scoped3A_416, %dma_wait3A_459, %dma_wait3A_460] : memref<2x80x128xf32, #tpu.memory_space<vmem>> -> memref<1x80x128xf32, #tpu.memory_space<vmem>>
      %dma_wait3A_462 = tpu.memref_squeeze %dma_wait3A_461 : memref<1x80x128xf32, #tpu.memory_space<vmem>> -> memref<80x128xf32, #tpu.memory_space<vmem>>
      %dma_wait3A_463 = arith.constant 0 : i32
      %dma_wait3A_464 = tpu.memref_slice %arg6[%add3A_415, %dma_wait3A_463] : memref<320000x128xf32, #tpu.memory_space<hbm>> -> memref<80x128xf32, #tpu.memory_space<hbm>>
      %dma_wait3A_465 = arith.constant 0 : i32
      %dma_wait3A_466 = tpu.memref_slice %arg6[%add3A_415, %dma_wait3A_465] : memref<320000x128xf32, #tpu.memory_space<hbm>> -> memref<80x128xf32, #tpu.memory_space<hbm>>
      %dma_wait3A_467 = arith.constant 0 : i32
      %dma_wait3A_468 = arith.constant 0 : i32
      %dma_wait3A_469 = tpu.memref_slice %arg12[%run_scoped3A_416, %dma_wait3A_467, %dma_wait3A_468] : memref<2x80x128xf32, #tpu.memory_space<vmem>> -> memref<1x80x128xf32, #tpu.memory_space<vmem>>
      %dma_wait3A_470 = tpu.memref_squeeze %dma_wait3A_469 : memref<1x80x128xf32, #tpu.memory_space<vmem>> -> memref<80x128xf32, #tpu.memory_space<vmem>>
      tpu.wait_dma2 semaphore(%run_scoped3A_446 : memref<!tpu.dma_semaphore, #tpu.memory_space<semaphore_mem>>) src(%dma_wait3A_470 : memref<80x128xf32, #tpu.memory_space<vmem>>) dst(%dma_wait3A_466 : memref<80x128xf32, #tpu.memory_space<hbm>>)
      tpu.yield
    }) : () -> ()
    %dma_wait3A_417 = arith.constant 0 : i32
    %dma_wait3A_418 = arith.constant 0 : i32
    %dma_wait3A_419 = arith.constant 0 : i32
    %dma_wait3A_420 = tpu.memref_slice %arg9[%dma_wait3A_417, %dma_wait3A_418, %dma_wait3A_419] : memref<2x80x128xf32, #tpu.memory_space<vmem>> -> memref<1x80x128xf32, #tpu.memory_space<vmem>>
    %dma_wait3A_421 = tpu.memref_squeeze %dma_wait3A_420 : memref<1x80x128xf32, #tpu.memory_space<vmem>> -> memref<80x128xf32, #tpu.memory_space<vmem>>
    %dma_wait3A_422 = arith.constant 0 : i32
    %dma_wait3A_423 = tpu.memref_slice %arg7[%dma_wait3A_422] : memref<10000xi32, #tpu.memory_space<vmem>> -> memref<80xi32, #tpu.memory_space<vmem>>
    %dma_wait3A_424 = arith.constant 0 : i32
    %dma_wait3A_425 = arith.constant 0 : i32
    %dma_wait3A_426 = tpu.memref_slice %arg2[%dma_wait3A_424, %dma_wait3A_425] : memref<10000x128xf32, #tpu.memory_space<hbm>> -> memref<10000x128xf32, #tpu.memory_space<hbm>>
    tpu.wait_indirect_dma semaphore(%arg13 : memref<!tpu.dma_semaphore, #tpu.memory_space<semaphore_mem>>) src(%dma_wait3A_426 : memref<10000x128xf32, #tpu.memory_space<hbm>>) dst(%dma_wait3A_421 : memref<80x128xf32, #tpu.memory_space<vmem>>)
    %dma_wait3A_427 = arith.constant 1 : i32
    %dma_wait3A_428 = arith.constant 0 : i32
    %dma_wait3A_429 = arith.constant 0 : i32
    %dma_wait3A_430 = tpu.memref_slice %arg9[%dma_wait3A_427, %dma_wait3A_428, %dma_wait3A_429] : memref<2x80x128xf32, #tpu.memory_space<vmem>> -> memref<1x80x128xf32, #tpu.memory_space<vmem>>
    %dma_wait3A_431 = tpu.memref_squeeze %dma_wait3A_430 : memref<1x80x128xf32, #tpu.memory_space<vmem>> -> memref<80x128xf32, #tpu.memory_space<vmem>>
    %dma_wait3A_432 = arith.constant 0 : i32
    %dma_wait3A_433 = tpu.memref_slice %arg8[%dma_wait3A_432] : memref<10000xi32, #tpu.memory_space<vmem>> -> memref<80xi32, #tpu.memory_space<vmem>>
    %dma_wait3A_434 = arith.constant 0 : i32
    %dma_wait3A_435 = arith.constant 0 : i32
    %dma_wait3A_436 = tpu.memref_slice %arg3[%dma_wait3A_434, %dma_wait3A_435] : memref<10000x128xf32, #tpu.memory_space<hbm>> -> memref<10000x128xf32, #tpu.memory_space<hbm>>
    tpu.wait_indirect_dma semaphore(%arg13 : memref<!tpu.dma_semaphore, #tpu.memory_space<semaphore_mem>>) src(%dma_wait3A_436 : memref<10000x128xf32, #tpu.memory_space<hbm>>) dst(%dma_wait3A_431 : memref<80x128xf32, #tpu.memory_space<vmem>>)
    %scan3A_437 = arith.constant 0 : i32
    %scan3A_438 = arith.constant 0 : i32
    %scan3A_439 = arith.constant 80 : i32
    %scan3A_440 = arith.addi %scan3A_438, %scan3A_439 : i32
    %scan3A_441 = arith.constant 1 : i32
    scf.for %scan3A_446 = %scan3A_438 to %scan3A_440 step %scan3A_441  : i32 {
      %get3A = arith.constant 0 : i32
      %get3A_447 = arith.index_cast %get3A : i32 to index
      %get3A_448 = arith.index_cast %scan3A_446 : i32 to index
      %get3A_449 = arith.constant 0 : index
      %get3A_450 = tpu.vector_load %arg9[%get3A_447, %get3A_448, %get3A_449] {strides = array<i32>} : memref<2x80x128xf32, #tpu.memory_space<vmem>>, vector<1x1x16xf32>,
      %get3A_451 = vector.shape_cast %get3A_450 : vector<1x1x16xf32> to vector<16xf32>
      %get3A_452 = arith.constant 1 : i32
      %get3A_453 = arith.index_cast %get3A_452 : i32 to index
      %get3A_454 = arith.index_cast %scan3A_446 : i32 to index
      %get3A_455 = arith.constant 0 : index
      %get3A_456 = tpu.vector_load %arg9[%get3A_453, %get3A_454, %get3A_455] {strides = array<i32>} : memref<2x80x128xf32, #tpu.memory_space<vmem>>, vector<1x1x16xf32>,
      %get3A_457 = vector.shape_cast %get3A_456 : vector<1x1x16xf32> to vector<16xf32>
      %add3A_458 = arith.addf %get3A_451, %get3A_457 : vector<16xf32>
      %swap3A = arith.constant 0 : i32
      %swap3A_459 = arith.index_cast %swap3A : i32 to index
      %swap3A_460 = arith.index_cast %scan3A_446 : i32 to index
      %swap3A_461 = arith.constant 0 : index
      %swap3A_462 = tpu.vector_load %arg9[%swap3A_459, %swap3A_460, %swap3A_461] {strides = array<i32>} : memref<2x80x128xf32, #tpu.memory_space<vmem>>, vector<1x1x16xf32>,
      %swap3A_463 = vector.shape_cast %swap3A_462 : vector<1x1x16xf32> to vector<16xf32>
      %swap3A_464 = vector.shape_cast %add3A_458 : vector<16xf32> to vector<1x1x16xf32>
      tpu.vector_store %arg9[%swap3A_459, %swap3A_460, %swap3A_461], %swap3A_464 {strides = array<i32>} : memref<2x80x128xf32, #tpu.memory_space<vmem>>, vector<1x1x16xf32>,
      %get3A_465 = arith.constant 0 : i32
      %get3A_466 = arith.index_cast %get3A_465 : i32 to index
      %get3A_467 = arith.index_cast %scan3A_446 : i32 to index
      %get3A_468 = arith.constant 16 : index
      %get3A_469 = tpu.vector_load %arg9[%get3A_466, %get3A_467, %get3A_468] {strides = array<i32>} : memref<2x80x128xf32, #tpu.memory_space<vmem>>, vector<1x1x16xf32>,
      %get3A_470 = vector.shape_cast %get3A_469 : vector<1x1x16xf32> to vector<16xf32>
      %get3A_471 = arith.constant 1 : i32
      %get3A_472 = arith.index_cast %get3A_471 : i32 to index
      %get3A_473 = arith.index_cast %scan3A_446 : i32 to index
      %get3A_474 = arith.constant 16 : index
      %get3A_475 = tpu.vector_load %arg9[%get3A_472, %get3A_473, %get3A_474] {strides = array<i32>} : memref<2x80x128xf32, #tpu.memory_space<vmem>>, vector<1x1x16xf32>,
      %get3A_476 = vector.shape_cast %get3A_475 : vector<1x1x16xf32> to vector<16xf32>
      %add3A_477 = arith.addf %get3A_470, %get3A_476 : vector<16xf32>
      %swap3A_478 = arith.constant 0 : i32
      %swap3A_479 = arith.index_cast %swap3A_478 : i32 to index
      %swap3A_480 = arith.index_cast %scan3A_446 : i32 to index
      %swap3A_481 = arith.constant 16 : index
      %swap3A_482 = tpu.vector_load %arg9[%swap3A_479, %swap3A_480, %swap3A_481] {strides = array<i32>} : memref<2x80x128xf32, #tpu.memory_space<vmem>>, vector<1x1x16xf32>,
      %swap3A_483 = vector.shape_cast %swap3A_482 : vector<1x1x16xf32> to vector<16xf32>
      %swap3A_484 = vector.shape_cast %add3A_477 : vector<16xf32> to vector<1x1x16xf32>
      tpu.vector_store %arg9[%swap3A_479, %swap3A_480, %swap3A_481], %swap3A_484 {strides = array<i32>} : memref<2x80x128xf32, #tpu.memory_space<vmem>>, vector<1x1x16xf32>,
      %get3A_485 = arith.constant 0 : i32
      %get3A_486 = arith.index_cast %get3A_485 : i32 to index
      %get3A_487 = arith.index_cast %scan3A_446 : i32 to index
      %get3A_488 = arith.constant 32 : index
      %get3A_489 = tpu.vector_load %arg9[%get3A_486, %get3A_487, %get3A_488] {strides = array<i32>} : memref<2x80x128xf32, #tpu.memory_space<vmem>>, vector<1x1x16xf32>,
      %get3A_490 = vector.shape_cast %get3A_489 : vector<1x1x16xf32> to vector<16xf32>
      %get3A_491 = arith.constant 1 : i32
      %get3A_492 = arith.index_cast %get3A_491 : i32 to index
      %get3A_493 = arith.index_cast %scan3A_446 : i32 to index
      %get3A_494 = arith.constant 32 : index
      %get3A_495 = tpu.vector_load %arg9[%get3A_492, %get3A_493, %get3A_494] {strides = array<i32>} : memref<2x80x128xf32, #tpu.memory_space<vmem>>, vector<1x1x16xf32>,
      %get3A_496 = vector.shape_cast %get3A_495 : vector<1x1x16xf32> to vector<16xf32>
      %add3A_497 = arith.addf %get3A_490, %get3A_496 : vector<16xf32>
      %swap3A_498 = arith.constant 0 : i32
      %swap3A_499 = arith.index_cast %swap3A_498 : i32 to index
      %swap3A_500 = arith.index_cast %scan3A_446 : i32 to index
      %swap3A_501 = arith.constant 32 : index
      %swap3A_502 = tpu.vector_load %arg9[%swap3A_499, %swap3A_500, %swap3A_501] {strides = array<i32>} : memref<2x80x128xf32, #tpu.memory_space<vmem>>, vector<1x1x16xf32>,
      %swap3A_503 = vector.shape_cast %swap3A_502 : vector<1x1x16xf32> to vector<16xf32>
      %swap3A_504 = vector.shape_cast %add3A_497 : vector<16xf32> to vector<1x1x16xf32>
      tpu.vector_store %arg9[%swap3A_499, %swap3A_500, %swap3A_501], %swap3A_504 {strides = array<i32>} : memref<2x80x128xf32, #tpu.memory_space<vmem>>, vector<1x1x16xf32>,
      %get3A_505 = arith.constant 0 : i32
      %get3A_506 = arith.index_cast %get3A_505 : i32 to index
      %get3A_507 = arith.index_cast %scan3A_446 : i32 to index
      %get3A_508 = arith.constant 48 : index
      %get3A_509 = tpu.vector_load %arg9[%get3A_506, %get3A_507, %get3A_508] {strides = array<i32>} : memref<2x80x128xf32, #tpu.memory_space<vmem>>, vector<1x1x16xf32>,
      %get3A_510 = vector.shape_cast %get3A_509 : vector<1x1x16xf32> to vector<16xf32>
      %get3A_511 = arith.constant 1 : i32
      %get3A_512 = arith.index_cast %get3A_511 : i32 to index
      %get3A_513 = arith.index_cast %scan3A_446 : i32 to index
      %get3A_514 = arith.constant 48 : index
      %get3A_515 = tpu.vector_load %arg9[%get3A_512, %get3A_513, %get3A_514] {strides = array<i32>} : memref<2x80x128xf32, #tpu.memory_space<vmem>>, vector<1x1x16xf32>,
      %get3A_516 = vector.shape_cast %get3A_515 : vector<1x1x16xf32> to vector<16xf32>
      %add3A_517 = arith.addf %get3A_510, %get3A_516 : vector<16xf32>
      %swap3A_518 = arith.constant 0 : i32
      %swap3A_519 = arith.index_cast %swap3A_518 : i32 to index
      %swap3A_520 = arith.index_cast %scan3A_446 : i32 to index
      %swap3A_521 = arith.constant 48 : index
      %swap3A_522 = tpu.vector_load %arg9[%swap3A_519, %swap3A_520, %swap3A_521] {strides = array<i32>} : memref<2x80x128xf32, #tpu.memory_space<vmem>>, vector<1x1x16xf32>,
      %swap3A_523 = vector.shape_cast %swap3A_522 : vector<1x1x16xf32> to vector<16xf32>
      %swap3A_524 = vector.shape_cast %add3A_517 : vector<16xf32> to vector<1x1x16xf32>
      tpu.vector_store %arg9[%swap3A_519, %swap3A_520, %swap3A_521], %swap3A_524 {strides = array<i32>} : memref<2x80x128xf32, #tpu.memory_space<vmem>>, vector<1x1x16xf32>,
      %get3A_525 = arith.constant 0 : i32
      %get3A_526 = arith.index_cast %get3A_525 : i32 to index
      %get3A_527 = arith.index_cast %scan3A_446 : i32 to index
      %get3A_528 = arith.constant 64 : index
      %get3A_529 = tpu.vector_load %arg9[%get3A_526, %get3A_527, %get3A_528] {strides = array<i32>} : memref<2x80x128xf32, #tpu.memory_space<vmem>>, vector<1x1x16xf32>,
      %get3A_530 = vector.shape_cast %get3A_529 : vector<1x1x16xf32> to vector<16xf32>
      %get3A_531 = arith.constant 1 : i32
      %get3A_532 = arith.index_cast %get3A_531 : i32 to index
      %get3A_533 = arith.index_cast %scan3A_446 : i32 to index
      %get3A_534 = arith.constant 64 : index
      %get3A_535 = tpu.vector_load %arg9[%get3A_532, %get3A_533, %get3A_534] {strides = array<i32>} : memref<2x80x128xf32, #tpu.memory_space<vmem>>, vector<1x1x16xf32>,
      %get3A_536 = vector.shape_cast %get3A_535 : vector<1x1x16xf32> to vector<16xf32>
      %add3A_537 = arith.addf %get3A_530, %get3A_536 : vector<16xf32>
      %swap3A_538 = arith.constant 0 : i32
      %swap3A_539 = arith.index_cast %swap3A_538 : i32 to index
      %swap3A_540 = arith.index_cast %scan3A_446 : i32 to index
      %swap3A_541 = arith.constant 64 : index
      %swap3A_542 = tpu.vector_load %arg9[%swap3A_539, %swap3A_540, %swap3A_541] {strides = array<i32>} : memref<2x80x128xf32, #tpu.memory_space<vmem>>, vector<1x1x16xf32>,
      %swap3A_543 = vector.shape_cast %swap3A_542 : vector<1x1x16xf32> to vector<16xf32>
      %swap3A_544 = vector.shape_cast %add3A_537 : vector<16xf32> to vector<1x1x16xf32>
      tpu.vector_store %arg9[%swap3A_539, %swap3A_540, %swap3A_541], %swap3A_544 {strides = array<i32>} : memref<2x80x128xf32, #tpu.memory_space<vmem>>, vector<1x1x16xf32>,
      %get3A_545 = arith.constant 0 : i32
      %get3A_546 = arith.index_cast %get3A_545 : i32 to index
      %get3A_547 = arith.index_cast %scan3A_446 : i32 to index
      %get3A_548 = arith.constant 80 : index
      %get3A_549 = tpu.vector_load %arg9[%get3A_546, %get3A_547, %get3A_548] {strides = array<i32>} : memref<2x80x128xf32, #tpu.memory_space<vmem>>, vector<1x1x16xf32>,
      %get3A_550 = vector.shape_cast %get3A_549 : vector<1x1x16xf32> to vector<16xf32>
      %get3A_551 = arith.constant 1 : i32
      %get3A_552 = arith.index_cast %get3A_551 : i32 to index
      %get3A_553 = arith.index_cast %scan3A_446 : i32 to index
      %get3A_554 = arith.constant 80 : index
      %get3A_555 = tpu.vector_load %arg9[%get3A_552, %get3A_553, %get3A_554] {strides = array<i32>} : memref<2x80x128xf32, #tpu.memory_space<vmem>>, vector<1x1x16xf32>,
      %get3A_556 = vector.shape_cast %get3A_555 : vector<1x1x16xf32> to vector<16xf32>
      %add3A_557 = arith.addf %get3A_550, %get3A_556 : vector<16xf32>
      %swap3A_558 = arith.constant 0 : i32
      %swap3A_559 = arith.index_cast %swap3A_558 : i32 to index
      %swap3A_560 = arith.index_cast %scan3A_446 : i32 to index
      %swap3A_561 = arith.constant 80 : index
      %swap3A_562 = tpu.vector_load %arg9[%swap3A_559, %swap3A_560, %swap3A_561] {strides = array<i32>} : memref<2x80x128xf32, #tpu.memory_space<vmem>>, vector<1x1x16xf32>,
      %swap3A_563 = vector.shape_cast %swap3A_562 : vector<1x1x16xf32> to vector<16xf32>
      %swap3A_564 = vector.shape_cast %add3A_557 : vector<16xf32> to vector<1x1x16xf32>
      tpu.vector_store %arg9[%swap3A_559, %swap3A_560, %swap3A_561], %swap3A_564 {strides = array<i32>} : memref<2x80x128xf32, #tpu.memory_space<vmem>>, vector<1x1x16xf32>,
      %get3A_565 = arith.constant 0 : i32
      %get3A_566 = arith.index_cast %get3A_565 : i32 to index
      %get3A_567 = arith.index_cast %scan3A_446 : i32 to index
      %get3A_568 = arith.constant 96 : index
      %get3A_569 = tpu.vector_load %arg9[%get3A_566, %get3A_567, %get3A_568] {strides = array<i32>} : memref<2x80x128xf32, #tpu.memory_space<vmem>>, vector<1x1x16xf32>,
      %get3A_570 = vector.shape_cast %get3A_569 : vector<1x1x16xf32> to vector<16xf32>
      %get3A_571 = arith.constant 1 : i32
      %get3A_572 = arith.index_cast %get3A_571 : i32 to index
      %get3A_573 = arith.index_cast %scan3A_446 : i32 to index
      %get3A_574 = arith.constant 96 : index
      %get3A_575 = tpu.vector_load %arg9[%get3A_572, %get3A_573, %get3A_574] {strides = array<i32>} : memref<2x80x128xf32, #tpu.memory_space<vmem>>, vector<1x1x16xf32>,
      %get3A_576 = vector.shape_cast %get3A_575 : vector<1x1x16xf32> to vector<16xf32>
      %add3A_577 = arith.addf %get3A_570, %get3A_576 : vector<16xf32>
      %swap3A_578 = arith.constant 0 : i32
      %swap3A_579 = arith.index_cast %swap3A_578 : i32 to index
      %swap3A_580 = arith.index_cast %scan3A_446 : i32 to index
      %swap3A_581 = arith.constant 96 : index
      %swap3A_582 = tpu.vector_load %arg9[%swap3A_579, %swap3A_580, %swap3A_581] {strides = array<i32>} : memref<2x80x128xf32, #tpu.memory_space<vmem>>, vector<1x1x16xf32>,
      %swap3A_583 = vector.shape_cast %swap3A_582 : vector<1x1x16xf32> to vector<16xf32>
      %swap3A_584 = vector.shape_cast %add3A_577 : vector<16xf32> to vector<1x1x16xf32>
      tpu.vector_store %arg9[%swap3A_579, %swap3A_580, %swap3A_581], %swap3A_584 {strides = array<i32>} : memref<2x80x128xf32, #tpu.memory_space<vmem>>, vector<1x1x16xf32>,
      %get3A_585 = arith.constant 0 : i32
      %get3A_586 = arith.index_cast %get3A_585 : i32 to index
      %get3A_587 = arith.index_cast %scan3A_446 : i32 to index
      %get3A_588 = arith.constant 112 : index
      %get3A_589 = tpu.vector_load %arg9[%get3A_586, %get3A_587, %get3A_588] {strides = array<i32>} : memref<2x80x128xf32, #tpu.memory_space<vmem>>, vector<1x1x16xf32>,
      %get3A_590 = vector.shape_cast %get3A_589 : vector<1x1x16xf32> to vector<16xf32>
      %get3A_591 = arith.constant 1 : i32
      %get3A_592 = arith.index_cast %get3A_591 : i32 to index
      %get3A_593 = arith.index_cast %scan3A_446 : i32 to index
      %get3A_594 = arith.constant 112 : index
      %get3A_595 = tpu.vector_load %arg9[%get3A_592, %get3A_593, %get3A_594] {strides = array<i32>} : memref<2x80x128xf32, #tpu.memory_space<vmem>>, vector<1x1x16xf32>,
      %get3A_596 = vector.shape_cast %get3A_595 : vector<1x1x16xf32> to vector<16xf32>
      %add3A_597 = arith.addf %get3A_590, %get3A_596 : vector<16xf32>
      %swap3A_598 = arith.constant 0 : i32
      %swap3A_599 = arith.index_cast %swap3A_598 : i32 to index
      %swap3A_600 = arith.index_cast %scan3A_446 : i32 to index
      %swap3A_601 = arith.constant 112 : index
      %swap3A_602 = tpu.vector_load %arg9[%swap3A_599, %swap3A_600, %swap3A_601] {strides = array<i32>} : memref<2x80x128xf32, #tpu.memory_space<vmem>>, vector<1x1x16xf32>,
      %swap3A_603 = vector.shape_cast %swap3A_602 : vector<1x1x16xf32> to vector<16xf32>
      %swap3A_604 = vector.shape_cast %add3A_597 : vector<16xf32> to vector<1x1x16xf32>
      tpu.vector_store %arg9[%swap3A_599, %swap3A_600, %swap3A_601], %swap3A_604 {strides = array<i32>} : memref<2x80x128xf32, #tpu.memory_space<vmem>>, vector<1x1x16xf32>,
    }
    %scan3A_442 = arith.constant 80 : i32
    %add3A_443 = arith.constant 9920 : i32
    %add3A_444 = arith.addi %mul3A_2, %add3A_443 : i32
    %run_scoped3A_445 = arith.constant 0 : i32
    "tpu.region"() ({
      %run_scoped3A_446 = tpu.sem_alloc : memref<!tpu.dma_semaphore, #tpu.memory_space<semaphore_mem>>
      %dma_start3A_447 = arith.constant 0 : i32
      %dma_start3A_448 = arith.constant 0 : i32
      %dma_start3A_449 = tpu.memref_slice %arg9[%run_scoped3A_445, %dma_start3A_447, %dma_start3A_448] : memref<2x80x128xf32, #tpu.memory_space<vmem>> -> memref<1x80x128xf32, #tpu.memory_space<vmem>>
      %dma_start3A_450 = tpu.memref_squeeze %dma_start3A_449 : memref<1x80x128xf32, #tpu.memory_space<vmem>> -> memref<80x128xf32, #tpu.memory_space<vmem>>
      %dma_start3A_451 = arith.constant 0 : i32
      %dma_start3A_452 = tpu.memref_slice %arg6[%add3A_444, %dma_start3A_451] : memref<320000x128xf32, #tpu.memory_space<hbm>> -> memref<80x128xf32, #tpu.memory_space<hbm>>
      %dma_start3A_453 = arith.constant 0 : i32
      %dma_start3A_454 = tpu.memref_slice %arg6[%add3A_444, %dma_start3A_453] : memref<320000x128xf32, #tpu.memory_space<hbm>> -> memref<80x128xf32, #tpu.memory_space<hbm>>
      %dma_start3A_455 = arith.constant 0 : i32
      %dma_start3A_456 = arith.constant 0 : i32
      %dma_start3A_457 = tpu.memref_slice %arg9[%run_scoped3A_445, %dma_start3A_455, %dma_start3A_456] : memref<2x80x128xf32, #tpu.memory_space<vmem>> -> memref<1x80x128xf32, #tpu.memory_space<vmem>>
      %dma_start3A_458 = tpu.memref_squeeze %dma_start3A_457 : memref<1x80x128xf32, #tpu.memory_space<vmem>> -> memref<80x128xf32, #tpu.memory_space<vmem>>
      tpu.enqueue_dma source(%dma_start3A_458 : memref<80x128xf32, #tpu.memory_space<vmem>>) target(%dma_start3A_454 : memref<80x128xf32, #tpu.memory_space<hbm>>) target_semaphore(%run_scoped3A_446 : memref<!tpu.dma_semaphore, #tpu.memory_space<semaphore_mem>>)
      %dma_wait3A_459 = arith.constant 0 : i32
      %dma_wait3A_460 = arith.constant 0 : i32
      %dma_wait3A_461 = tpu.memref_slice %arg9[%run_scoped3A_445, %dma_wait3A_459, %dma_wait3A_460] : memref<2x80x128xf32, #tpu.memory_space<vmem>> -> memref<1x80x128xf32, #tpu.memory_space<vmem>>
      %dma_wait3A_462 = tpu.memref_squeeze %dma_wait3A_461 : memref<1x80x128xf32, #tpu.memory_space<vmem>> -> memref<80x128xf32, #tpu.memory_space<vmem>>
      %dma_wait3A_463 = arith.constant 0 : i32
      %dma_wait3A_464 = tpu.memref_slice %arg6[%add3A_444, %dma_wait3A_463] : memref<320000x128xf32, #tpu.memory_space<hbm>> -> memref<80x128xf32, #tpu.memory_space<hbm>>
      %dma_wait3A_465 = arith.constant 0 : i32
      %dma_wait3A_466 = tpu.memref_slice %arg6[%add3A_444, %dma_wait3A_465] : memref<320000x128xf32, #tpu.memory_space<hbm>> -> memref<80x128xf32, #tpu.memory_space<hbm>>
      %dma_wait3A_467 = arith.constant 0 : i32
      %dma_wait3A_468 = arith.constant 0 : i32
      %dma_wait3A_469 = tpu.memref_slice %arg9[%run_scoped3A_445, %dma_wait3A_467, %dma_wait3A_468] : memref<2x80x128xf32, #tpu.memory_space<vmem>> -> memref<1x80x128xf32, #tpu.memory_space<vmem>>
      %dma_wait3A_470 = tpu.memref_squeeze %dma_wait3A_469 : memref<1x80x128xf32, #tpu.memory_space<vmem>> -> memref<80x128xf32, #tpu.memory_space<vmem>>
      tpu.wait_dma2 semaphore(%run_scoped3A_446 : memref<!tpu.dma_semaphore, #tpu.memory_space<semaphore_mem>>) src(%dma_wait3A_470 : memref<80x128xf32, #tpu.memory_space<vmem>>) dst(%dma_wait3A_466 : memref<80x128xf32, #tpu.memory_space<hbm>>)
      tpu.yield
    }) : () -> ()
    return
  }
}

module attributes {stable_mosaic.version = 14 : i64} {
  func.func @_prep_body(%arg0: i32, %arg1: memref<2000x128xf32, #tpu.memory_space<vmem>>, %arg2: memref<128x128xf32, #tpu.memory_space<vmem>>, %arg3: memref<128x128xf32, #tpu.memory_space<vmem>>, %arg4: memref<1x32xf32, #tpu.memory_space<vmem>>, %arg5: memref<32x128xf32, #tpu.memory_space<vmem>>, %arg6: memref<1x128xf32, #tpu.memory_space<vmem>>, %arg7: memref<32x128xf32, #tpu.memory_space<vmem>>, %arg8: memref<1x128xf32, #tpu.memory_space<vmem>>, %arg9: memref<2000x128xf32, #tpu.memory_space<vmem>>, %arg10: memref<2000x128xf32, #tpu.memory_space<vmem>>, %arg11: memref<1x128xf32, #tpu.memory_space<vmem>>, %arg12: memref<1x128xf32, #tpu.memory_space<vmem>>) attributes {dimension_semantics = [#tpu.dimension_semantics<arbitrary>], iteration_bounds = array<i64: 5>, scalar_prefetch = 0 : i64, scratch_operands = 0 : i64, tpu.core_type = #tpu.core_type<tc>, window_params = [{transform_indices = @transform_0, window_bounds = array<i64: 2000, 128>}, {pipeline_mode = #tpu.pipeline_mode<synchronous>, transform_indices = @transform_1, window_bounds = array<i64: 128, 128>}, {pipeline_mode = #tpu.pipeline_mode<synchronous>, transform_indices = @transform_2, window_bounds = array<i64: 128, 128>}, {pipeline_mode = #tpu.pipeline_mode<synchronous>, transform_indices = @transform_3, window_bounds = array<i64: 1, 32>}, {pipeline_mode = #tpu.pipeline_mode<synchronous>, transform_indices = @transform_4, window_bounds = array<i64: 32, 128>}, {pipeline_mode = #tpu.pipeline_mode<synchronous>, transform_indices = @transform_5, window_bounds = array<i64: 1, 128>}, {pipeline_mode = #tpu.pipeline_mode<synchronous>, transform_indices = @transform_6, window_bounds = array<i64: 32, 128>}, {pipeline_mode = #tpu.pipeline_mode<synchronous>, transform_indices = @transform_7, window_bounds = array<i64: 1, 128>}, {transform_indices = @transform_8, window_bounds = array<i64: 2000, 128>}, {transform_indices = @transform_9, window_bounds = array<i64: 2000, 128>}, {pipeline_mode = #tpu.pipeline_mode<synchronous>, transform_indices = @transform_10, window_bounds = array<i64: 1, 128>}, {pipeline_mode = #tpu.pipeline_mode<synchronous>, transform_indices = @transform_11, window_bounds = array<i64: 1, 128>}]} {
    %get3A = arith.constant 0 : index
    %get3A_0 = arith.constant 0 : index
    %get3A_1 = vector.load %arg1[%get3A, %get3A_0] : memref<2000x128xf32, #tpu.memory_space<vmem>>, vector<2000x128xf32>
    %get3A_2 = arith.constant 0 : index
    %get3A_3 = arith.constant 0 : index
    %get3A_4 = vector.load %arg2[%get3A_2, %get3A_3] : memref<128x128xf32, #tpu.memory_space<vmem>>, vector<128x128xf32>
    %dot_general3A = arith.constant dense<0.000000e+00> : vector<2000x128xf32>
    %dot_general3A_5 = tpu.matmul %get3A_1, %get3A_4, %dot_general3A {dimension_numbers = #tpu.dot_dimension_numbers<[1], [0], [0], [1], [0, 0, 1, 1], [], []>, transpose_lhs_hint = false} : vector<2000x128xf32>, vector<128x128xf32>, vector<2000x128xf32> -> vector<2000x128xf32>
    %swap3A = arith.constant 0 : index
    %swap3A_6 = arith.constant 0 : index
    %swap3A_7 = vector.load %arg9[%swap3A, %swap3A_6] : memref<2000x128xf32, #tpu.memory_space<vmem>>, vector<2000x128xf32>
    tpu.vector_store %arg9[%swap3A, %swap3A_6], %dot_general3A_5 {strides = array<i32>} : memref<2000x128xf32, #tpu.memory_space<vmem>>, vector<2000x128xf32>,
    %get3A_8 = arith.constant 0 : index
    %get3A_9 = arith.constant 0 : index
    %get3A_10 = vector.load %arg3[%get3A_8, %get3A_9] : memref<128x128xf32, #tpu.memory_space<vmem>>, vector<128x128xf32>
    %dot_general3A_11 = arith.constant dense<0.000000e+00> : vector<2000x128xf32>
    %dot_general3A_12 = tpu.matmul %get3A_1, %get3A_10, %dot_general3A_11 {dimension_numbers = #tpu.dot_dimension_numbers<[1], [0], [0], [1], [0, 0, 1, 1], [], []>, transpose_lhs_hint = false} : vector<2000x128xf32>, vector<128x128xf32>, vector<2000x128xf32> -> vector<2000x128xf32>
    %swap3A_13 = arith.constant 0 : index
    %swap3A_14 = arith.constant 0 : index
    %swap3A_15 = vector.load %arg10[%swap3A_13, %swap3A_14] : memref<2000x128xf32, #tpu.memory_space<vmem>>, vector<2000x128xf32>
    tpu.vector_store %arg10[%swap3A_13, %swap3A_14], %dot_general3A_12 {strides = array<i32>} : memref<2000x128xf32, #tpu.memory_space<vmem>>, vector<2000x128xf32>,
    %eq3A = arith.constant 0 : i32
    %eq3A_16 = arith.cmpi eq, %arg0, %eq3A : i32
    %convert_element_type3A = arith.extui %eq3A_16 : i1 to i32
    %cond3A = arith.constant 0 : i32
    %cond3A_17 = arith.cmpi ne, %convert_element_type3A, %cond3A : i32
    scf.if %cond3A_17 {
      %get3A_18 = arith.constant 0 : index
      %get3A_19 = arith.constant 0 : index
      %get3A_20 = vector.load %arg4[%get3A_18, %get3A_19] : memref<1x32xf32, #tpu.memory_space<vmem>>, vector<1x32xf32>
      %get3A_21 = arith.constant 0 : index
      %get3A_22 = arith.constant 0 : index
      %get3A_23 = vector.load %arg5[%get3A_21, %get3A_22] : memref<32x128xf32, #tpu.memory_space<vmem>>, vector<32x128xf32>
      %dot_general3A_24 = arith.constant dense<0.000000e+00> : vector<1x128xf32>
      %dot_general3A_25 = tpu.matmul %get3A_20, %get3A_23, %dot_general3A_24 {dimension_numbers = #tpu.dot_dimension_numbers<[1], [0], [0], [1], [0, 0, 1, 1], [], []>, transpose_lhs_hint = false} : vector<1x32xf32>, vector<32x128xf32>, vector<1x128xf32> -> vector<1x128xf32>
      %get3A_26 = arith.constant 0 : index
      %get3A_27 = arith.constant 0 : index
      %get3A_28 = vector.load %arg6[%get3A_26, %get3A_27] : memref<1x128xf32, #tpu.memory_space<vmem>>, vector<1x128xf32>
      %add3A = arith.addf %dot_general3A_25, %get3A_28 : vector<1x128xf32>
      %swap3A_29 = arith.constant 0 : index
      %swap3A_30 = arith.constant 0 : index
      %swap3A_31 = vector.load %arg11[%swap3A_29, %swap3A_30] : memref<1x128xf32, #tpu.memory_space<vmem>>, vector<1x128xf32>
      tpu.vector_store %arg11[%swap3A_29, %swap3A_30], %add3A {strides = array<i32>} : memref<1x128xf32, #tpu.memory_space<vmem>>, vector<1x128xf32>,
      %get3A_32 = arith.constant 0 : index
      %get3A_33 = arith.constant 0 : index
      %get3A_34 = vector.load %arg7[%get3A_32, %get3A_33] : memref<32x128xf32, #tpu.memory_space<vmem>>, vector<32x128xf32>
      %dot_general3A_35 = arith.constant dense<0.000000e+00> : vector<1x128xf32>
      %dot_general3A_36 = tpu.matmul %get3A_20, %get3A_34, %dot_general3A_35 {dimension_numbers = #tpu.dot_dimension_numbers<[1], [0], [0], [1], [0, 0, 1, 1], [], []>, transpose_lhs_hint = false} : vector<1x32xf32>, vector<32x128xf32>, vector<1x128xf32> -> vector<1x128xf32>
      %get3A_37 = arith.constant 0 : index
      %get3A_38 = arith.constant 0 : index
      %get3A_39 = vector.load %arg8[%get3A_37, %get3A_38] : memref<1x128xf32, #tpu.memory_space<vmem>>, vector<1x128xf32>
      %add3A_40 = arith.addf %dot_general3A_36, %get3A_39 : vector<1x128xf32>
      %swap3A_41 = arith.constant 0 : index
      %swap3A_42 = arith.constant 0 : index
      %swap3A_43 = vector.load %arg12[%swap3A_41, %swap3A_42] : memref<1x128xf32, #tpu.memory_space<vmem>>, vector<1x128xf32>
      tpu.vector_store %arg12[%swap3A_41, %swap3A_42], %add3A_40 {strides = array<i32>} : memref<1x128xf32, #tpu.memory_space<vmem>>, vector<1x128xf32>,
    } else {
    }
    return
  }
  func.func @transform_0(%arg0: i32) -> (i32, i32) {
    %c0_i32 = arith.constant 0 : i32
    %c0_i32_0 = arith.constant 0 : i32
    return %arg0, %c0_i32 : i32, i32
  }
  func.func @transform_1(%arg0: i32) -> (i32, i32) {
    %c0_i32 = arith.constant 0 : i32
    %c0_i32_0 = arith.constant 0 : i32
    %c0_i32_1 = arith.constant 0 : i32
    return %c0_i32, %c0_i32_0 : i32, i32
  }
  func.func @transform_2(%arg0: i32) -> (i32, i32) {
    %c0_i32 = arith.constant 0 : i32
    %c0_i32_0 = arith.constant 0 : i32
    %c0_i32_1 = arith.constant 0 : i32
    return %c0_i32, %c0_i32_0 : i32, i32
  }
  func.func @transform_3(%arg0: i32) -> (i32, i32) {
    %c0_i32 = arith.constant 0 : i32
    %c0_i32_0 = arith.constant 0 : i32
    %c0_i32_1 = arith.constant 0 : i32
    return %c0_i32, %c0_i32_0 : i32, i32
  }
  func.func @transform_4(%arg0: i32) -> (i32, i32) {
    %c0_i32 = arith.constant 0 : i32
    %c0_i32_0 = arith.constant 0 : i32
    %c0_i32_1 = arith.constant 0 : i32
    return %c0_i32, %c0_i32_0 : i32, i32
  }
  func.func @transform_5(%arg0: i32) -> (i32, i32) {
    %c0_i32 = arith.constant 0 : i32
    %c0_i32_0 = arith.constant 0 : i32
    %c0_i32_1 = arith.constant 0 : i32
    return %c0_i32, %c0_i32_0 : i32, i32
  }
  func.func @transform_6(%arg0: i32) -> (i32, i32) {
    %c0_i32 = arith.constant 0 : i32
    %c0_i32_0 = arith.constant 0 : i32
    %c0_i32_1 = arith.constant 0 : i32
    return %c0_i32, %c0_i32_0 : i32, i32
  }
  func.func @transform_7(%arg0: i32) -> (i32, i32) {
    %c0_i32 = arith.constant 0 : i32
    %c0_i32_0 = arith.constant 0 : i32
    %c0_i32_1 = arith.constant 0 : i32
    return %c0_i32, %c0_i32_0 : i32, i32
  }
  func.func @transform_8(%arg0: i32) -> (i32, i32) {
    %c0_i32 = arith.constant 0 : i32
    %c0_i32_0 = arith.constant 0 : i32
    return %arg0, %c0_i32 : i32, i32
  }
  func.func @transform_9(%arg0: i32) -> (i32, i32) {
    %c0_i32 = arith.constant 0 : i32
    %c0_i32_0 = arith.constant 0 : i32
    return %arg0, %c0_i32 : i32, i32
  }
  func.func @transform_10(%arg0: i32) -> (i32, i32) {
    %c0_i32 = arith.constant 0 : i32
    %c0_i32_0 = arith.constant 0 : i32
    %c0_i32_1 = arith.constant 0 : i32
    return %c0_i32, %c0_i32_0 : i32, i32
  }
  func.func @transform_11(%arg0: i32) -> (i32, i32) {
    %c0_i32 = arith.constant 0 : i32
    %c0_i32_0 = arith.constant 0 : i32
    %c0_i32_1 = arith.constant 0 : i32
    return %c0_i32, %c0_i32_0 : i32, i32
  }
}

module attributes {stable_mosaic.version = 14 : i64} {
  func.func @_edge_body(%arg0: i32, %arg1: memref<8000x128xf32, #tpu.memory_space<vmem>>, %arg2: memref<8000x16xf32, #tpu.memory_space<vmem>>, %arg3: memref<16x128xf32, #tpu.memory_space<vmem>>, %arg4: memref<128x128xf32, #tpu.memory_space<vmem>>, %arg5: memref<1x128xf32, #tpu.memory_space<vmem>>, %arg6: memref<1x128xf32, #tpu.memory_space<vmem>>, %arg7: memref<8000x128xf32, #tpu.memory_space<vmem>>, %arg8: memref<1x128xf32, #tpu.memory_space<vmem>>) attributes {dimension_semantics = [#tpu.dimension_semantics<arbitrary>], iteration_bounds = array<i64: 40>, scalar_prefetch = 0 : i64, scratch_operands = 0 : i64, tpu.core_type = #tpu.core_type<tc>, window_params = [{transform_indices = @transform_0, window_bounds = array<i64: 8000, 128>}, {transform_indices = @transform_1, window_bounds = array<i64: 8000, 16>}, {pipeline_mode = #tpu.pipeline_mode<synchronous>, transform_indices = @transform_2, window_bounds = array<i64: 16, 128>}, {pipeline_mode = #tpu.pipeline_mode<synchronous>, transform_indices = @transform_3, window_bounds = array<i64: 128, 128>}, {pipeline_mode = #tpu.pipeline_mode<synchronous>, transform_indices = @transform_4, window_bounds = array<i64: 1, 128>}, {pipeline_mode = #tpu.pipeline_mode<synchronous>, transform_indices = @transform_5, window_bounds = array<i64: 1, 128>}, {transform_indices = @transform_6, window_bounds = array<i64: 8000, 128>}, {pipeline_mode = #tpu.pipeline_mode<synchronous>, transform_indices = @transform_7, window_bounds = array<i64: 1, 128>}]} {
    %get3A = arith.constant 0 : index
    %get3A_0 = arith.constant 0 : index
    %get3A_1 = vector.load %arg1[%get3A, %get3A_0] : memref<8000x128xf32, #tpu.memory_space<vmem>>, vector<8000x128xf32>
    %get3A_2 = arith.constant 0 : index
    %get3A_3 = arith.constant 0 : index
    %get3A_4 = vector.load %arg5[%get3A_2, %get3A_3] : memref<1x128xf32, #tpu.memory_space<vmem>>, vector<1x128xf32>
    %add3A = vector.broadcast %get3A_4 : vector<1x128xf32> to vector<8000x128xf32>
    %add3A_5 = arith.addf %get3A_1, %add3A : vector<8000x128xf32>
    %get3A_6 = arith.constant 0 : index
    %get3A_7 = arith.constant 0 : index
    %get3A_8 = vector.load %arg2[%get3A_6, %get3A_7] : memref<8000x16xf32, #tpu.memory_space<vmem>>, vector<8000x16xf32>
    %get3A_9 = arith.constant 0 : index
    %get3A_10 = arith.constant 0 : index
    %get3A_11 = vector.load %arg3[%get3A_9, %get3A_10] : memref<16x128xf32, #tpu.memory_space<vmem>>, vector<16x128xf32>
    %dot_general3A = arith.constant dense<0.000000e+00> : vector<8000x128xf32>
    %dot_general3A_12 = tpu.matmul %get3A_8, %get3A_11, %dot_general3A {dimension_numbers = #tpu.dot_dimension_numbers<[1], [0], [0], [1], [0, 0, 1, 1], [], []>, transpose_lhs_hint = false} : vector<8000x16xf32>, vector<16x128xf32>, vector<8000x128xf32> -> vector<8000x128xf32>
    %add3A_13 = arith.addf %add3A_5, %dot_general3A_12 : vector<8000x128xf32>
    %max3A = arith.constant 0.000000e+00 : f32
    %max3A_14 = vector.broadcast %max3A : f32 to vector<8000x128xf32>
    %max3A_15 = arith.maximumf %add3A_13, %max3A_14 : vector<8000x128xf32>
    %get3A_16 = arith.constant 0 : index
    %get3A_17 = arith.constant 0 : index
    %get3A_18 = vector.load %arg4[%get3A_16, %get3A_17] : memref<128x128xf32, #tpu.memory_space<vmem>>, vector<128x128xf32>
    %dot_general3A_19 = arith.constant dense<0.000000e+00> : vector<8000x128xf32>
    %dot_general3A_20 = tpu.matmul %max3A_15, %get3A_18, %dot_general3A_19 {dimension_numbers = #tpu.dot_dimension_numbers<[1], [0], [0], [1], [0, 0, 1, 1], [], []>, transpose_lhs_hint = false} : vector<8000x128xf32>, vector<128x128xf32>, vector<8000x128xf32> -> vector<8000x128xf32>
    %get3A_21 = arith.constant 0 : index
    %get3A_22 = arith.constant 0 : index
    %get3A_23 = vector.load %arg6[%get3A_21, %get3A_22] : memref<1x128xf32, #tpu.memory_space<vmem>>, vector<1x128xf32>
    %add3A_24 = vector.broadcast %get3A_23 : vector<1x128xf32> to vector<8000x128xf32>
    %add3A_25 = arith.addf %dot_general3A_20, %add3A_24 : vector<8000x128xf32>
    %swap3A = arith.constant 0 : index
    %swap3A_26 = arith.constant 0 : index
    %swap3A_27 = vector.load %arg7[%swap3A, %swap3A_26] : memref<8000x128xf32, #tpu.memory_space<vmem>>, vector<8000x128xf32>
    tpu.vector_store %arg7[%swap3A, %swap3A_26], %add3A_25 {strides = array<i32>} : memref<8000x128xf32, #tpu.memory_space<vmem>>, vector<8000x128xf32>,
    %reduce_sum3A = arith.constant dense<0.000000e+00> : vector<128xf32>
    %reduce_sum3A_28 = vector.multi_reduction <add>, %add3A_25, %reduce_sum3A [0] : vector<8000x128xf32> to vector<128xf32>
    %broadcast_in_dim3A = vector.shape_cast %reduce_sum3A_28 : vector<128xf32> to vector<1x128xf32>
    %eq3A = arith.constant 0 : i32
    %eq3A_29 = arith.cmpi eq, %arg0, %eq3A : i32
    %convert_element_type3A = arith.extui %eq3A_29 : i1 to i32
    %cond3A = arith.constant 0 : i32
    %cond3A_30 = arith.cmpi ne, %convert_element_type3A, %cond3A : i32
    scf.if %cond3A_30 {
      %swap3A_35 = arith.constant 0 : index
      %swap3A_36 = arith.constant 0 : index
      %swap3A_37 = vector.load %arg8[%swap3A_35, %swap3A_36] : memref<1x128xf32, #tpu.memory_space<vmem>>, vector<1x128xf32>
      tpu.vector_store %arg8[%swap3A_35, %swap3A_36], %broadcast_in_dim3A {strides = array<i32>} : memref<1x128xf32, #tpu.memory_space<vmem>>, vector<1x128xf32>,
    } else {
    }
    %ne3A = arith.constant 0 : i32
    %ne3A_31 = arith.cmpi ne, %arg0, %ne3A : i32
    %convert_element_type3A_32 = arith.extui %ne3A_31 : i1 to i32
    %cond3A_33 = arith.constant 0 : i32
    %cond3A_34 = arith.cmpi ne, %convert_element_type3A_32, %cond3A_33 : i32
    scf.if %cond3A_34 {
      %get3A_35 = arith.constant 0 : index
      %get3A_36 = arith.constant 0 : index
      %get3A_37 = vector.load %arg8[%get3A_35, %get3A_36] : memref<1x128xf32, #tpu.memory_space<vmem>>, vector<1x128xf32>
      %add3A_38 = arith.addf %get3A_37, %broadcast_in_dim3A : vector<1x128xf32>
      %swap3A_39 = arith.constant 0 : index
      %swap3A_40 = arith.constant 0 : index
      %swap3A_41 = vector.load %arg8[%swap3A_39, %swap3A_40] : memref<1x128xf32, #tpu.memory_space<vmem>>, vector<1x128xf32>
      tpu.vector_store %arg8[%swap3A_39, %swap3A_40], %add3A_38 {strides = array<i32>} : memref<1x128xf32, #tpu.memory_space<vmem>>, vector<1x128xf32>,
    } else {
    }
    return
  }
  func.func @transform_0(%arg0: i32) -> (i32, i32) {
    %c0_i32 = arith.constant 0 : i32
    %c0_i32_0 = arith.constant 0 : i32
    return %arg0, %c0_i32 : i32, i32
  }
  func.func @transform_1(%arg0: i32) -> (i32, i32) {
    %c0_i32 = arith.constant 0 : i32
    %c0_i32_0 = arith.constant 0 : i32
    return %arg0, %c0_i32 : i32, i32
  }
  func.func @transform_2(%arg0: i32) -> (i32, i32) {
    %c0_i32 = arith.constant 0 : i32
    %c0_i32_0 = arith.constant 0 : i32
    %c0_i32_1 = arith.constant 0 : i32
    return %c0_i32, %c0_i32_0 : i32, i32
  }
  func.func @transform_3(%arg0: i32) -> (i32, i32) {
    %c0_i32 = arith.constant 0 : i32
    %c0_i32_0 = arith.constant 0 : i32
    %c0_i32_1 = arith.constant 0 : i32
    return %c0_i32, %c0_i32_0 : i32, i32
  }
  func.func @transform_4(%arg0: i32) -> (i32, i32) {
    %c0_i32 = arith.constant 0 : i32
    %c0_i32_0 = arith.constant 0 : i32
    %c0_i32_1 = arith.constant 0 : i32
    return %c0_i32, %c0_i32_0 : i32, i32
  }
  func.func @transform_5(%arg0: i32) -> (i32, i32) {
    %c0_i32 = arith.constant 0 : i32
    %c0_i32_0 = arith.constant 0 : i32
    %c0_i32_1 = arith.constant 0 : i32
    return %c0_i32, %c0_i32_0 : i32, i32
  }
  func.func @transform_6(%arg0: i32) -> (i32, i32) {
    %c0_i32 = arith.constant 0 : i32
    %c0_i32_0 = arith.constant 0 : i32
    return %arg0, %c0_i32 : i32, i32
  }
  func.func @transform_7(%arg0: i32) -> (i32, i32) {
    %c0_i32 = arith.constant 0 : i32
    %c0_i32_0 = arith.constant 0 : i32
    %c0_i32_1 = arith.constant 0 : i32
    return %c0_i32, %c0_i32_0 : i32, i32
  }
}

module attributes {stable_mosaic.version = 14 : i64} {
  func.func @_node_body(%arg0: i32, %arg1: memref<2000x128xf32, #tpu.memory_space<vmem>>, %arg2: memref<2x2000x128xf32, #tpu.memory_space<vmem>>, %arg3: memref<1x32xf32, #tpu.memory_space<vmem>>, %arg4: memref<1x128xf32, #tpu.memory_space<vmem>>, %arg5: memref<128x128xf32, #tpu.memory_space<vmem>>, %arg6: memref<128x128xf32, #tpu.memory_space<vmem>>, %arg7: memref<1x128xf32, #tpu.memory_space<vmem>>, %arg8: memref<128x128xf32, #tpu.memory_space<vmem>>, %arg9: memref<1x128xf32, #tpu.memory_space<vmem>>, %arg10: memref<128x128xf32, #tpu.memory_space<vmem>>, %arg11: memref<128x128xf32, #tpu.memory_space<vmem>>, %arg12: memref<32x128xf32, #tpu.memory_space<vmem>>, %arg13: memref<1x128xf32, #tpu.memory_space<vmem>>, %arg14: memref<128x128xf32, #tpu.memory_space<vmem>>, %arg15: memref<1x128xf32, #tpu.memory_space<vmem>>, %arg16: memref<2000x128xf32, #tpu.memory_space<vmem>>, %arg17: memref<1x128xf32, #tpu.memory_space<vmem>>, %arg18: memref<1x128xf32, #tpu.memory_space<vmem>>) attributes {dimension_semantics = [#tpu.dimension_semantics<arbitrary>], iteration_bounds = array<i64: 5>, scalar_prefetch = 0 : i64, scratch_operands = 1 : i64, tpu.core_type = #tpu.core_type<tc>, window_params = [{transform_indices = @transform_0, window_bounds = array<i64: 2000, 128>}, {transform_indices = @transform_1, window_bounds = array<i64: 2, 2000, 128>}, {pipeline_mode = #tpu.pipeline_mode<synchronous>, transform_indices = @transform_2, window_bounds = array<i64: 1, 32>}, {pipeline_mode = #tpu.pipeline_mode<synchronous>, transform_indices = @transform_3, window_bounds = array<i64: 1, 128>}, {pipeline_mode = #tpu.pipeline_mode<synchronous>, transform_indices = @transform_4, window_bounds = array<i64: 128, 128>}, {pipeline_mode = #tpu.pipeline_mode<synchronous>, transform_indices = @transform_5, window_bounds = array<i64: 128, 128>}, {pipeline_mode = #tpu.pipeline_mode<synchronous>, transform_indices = @transform_6, window_bounds = array<i64: 1, 128>}, {pipeline_mode = #tpu.pipeline_mode<synchronous>, transform_indices = @transform_7, window_bounds = array<i64: 128, 128>}, {pipeline_mode = #tpu.pipeline_mode<synchronous>, transform_indices = @transform_8, window_bounds = array<i64: 1, 128>}, {pipeline_mode = #tpu.pipeline_mode<synchronous>, transform_indices = @transform_9, window_bounds = array<i64: 128, 128>}, {pipeline_mode = #tpu.pipeline_mode<synchronous>, transform_indices = @transform_10, window_bounds = array<i64: 128, 128>}, {pipeline_mode = #tpu.pipeline_mode<synchronous>, transform_indices = @transform_11, window_bounds = array<i64: 32, 128>}, {pipeline_mode = #tpu.pipeline_mode<synchronous>, transform_indices = @transform_12, window_bounds = array<i64: 1, 128>}, {pipeline_mode = #tpu.pipeline_mode<synchronous>, transform_indices = @transform_13, window_bounds = array<i64: 128, 128>}, {pipeline_mode = #tpu.pipeline_mode<synchronous>, transform_indices = @transform_14, window_bounds = array<i64: 1, 128>}, {transform_indices = @transform_15, window_bounds = array<i64: 2000, 128>}, {pipeline_mode = #tpu.pipeline_mode<synchronous>, transform_indices = @transform_16, window_bounds = array<i64: 1, 128>}]} {
    %get3A = arith.constant 0 : index
    %get3A_0 = arith.constant 0 : index
    %get3A_1 = arith.constant 0 : index
    %get3A_2 = vector.load %arg2[%get3A, %get3A_0, %get3A_1] : memref<2x2000x128xf32, #tpu.memory_space<vmem>>, vector<1x2000x128xf32>
    %get3A_3 = vector.shape_cast %get3A_2 : vector<1x2000x128xf32> to vector<2000x128xf32>
    %get3A_4 = arith.constant 1 : index
    %get3A_5 = arith.constant 0 : index
    %get3A_6 = arith.constant 0 : index
    %get3A_7 = vector.load %arg2[%get3A_4, %get3A_5, %get3A_6] : memref<2x2000x128xf32, #tpu.memory_space<vmem>>, vector<1x2000x128xf32>
    %get3A_8 = vector.shape_cast %get3A_7 : vector<1x2000x128xf32> to vector<2000x128xf32>
    %add3A = arith.addf %get3A_3, %get3A_8 : vector<2000x128xf32>
    %get3A_9 = arith.constant 0 : index
    %get3A_10 = arith.constant 0 : index
    %get3A_11 = vector.load %arg1[%get3A_9, %get3A_10] : memref<2000x128xf32, #tpu.memory_space<vmem>>, vector<2000x128xf32>
    %get3A_12 = arith.constant 0 : index
    %get3A_13 = arith.constant 0 : index
    %get3A_14 = vector.load %arg5[%get3A_12, %get3A_13] : memref<128x128xf32, #tpu.memory_space<vmem>>, vector<128x128xf32>
    %dot_general3A = arith.constant dense<0.000000e+00> : vector<2000x128xf32>
    %dot_general3A_15 = tpu.matmul %get3A_11, %get3A_14, %dot_general3A {dimension_numbers = #tpu.dot_dimension_numbers<[1], [0], [0], [1], [0, 0, 1, 1], [], []>, transpose_lhs_hint = false} : vector<2000x128xf32>, vector<128x128xf32>, vector<2000x128xf32> -> vector<2000x128xf32>
    %get3A_16 = arith.constant 0 : index
    %get3A_17 = arith.constant 0 : index
    %get3A_18 = vector.load %arg6[%get3A_16, %get3A_17] : memref<128x128xf32, #tpu.memory_space<vmem>>, vector<128x128xf32>
    %dot_general3A_19 = arith.constant dense<0.000000e+00> : vector<2000x128xf32>
    %dot_general3A_20 = tpu.matmul %add3A, %get3A_18, %dot_general3A_19 {dimension_numbers = #tpu.dot_dimension_numbers<[1], [0], [0], [1], [0, 0, 1, 1], [], []>, transpose_lhs_hint = false} : vector<2000x128xf32>, vector<128x128xf32>, vector<2000x128xf32> -> vector<2000x128xf32>
    %add3A_21 = arith.addf %dot_general3A_15, %dot_general3A_20 : vector<2000x128xf32>
    %get3A_22 = arith.constant 0 : index
    %get3A_23 = arith.constant 0 : index
    %get3A_24 = vector.load %arg7[%get3A_22, %get3A_23] : memref<1x128xf32, #tpu.memory_space<vmem>>, vector<1x128xf32>
    %add3A_25 = vector.broadcast %get3A_24 : vector<1x128xf32> to vector<2000x128xf32>
    %add3A_26 = arith.addf %add3A_21, %add3A_25 : vector<2000x128xf32>
    %max3A = arith.constant 0.000000e+00 : f32
    %max3A_27 = vector.broadcast %max3A : f32 to vector<2000x128xf32>
    %max3A_28 = arith.maximumf %add3A_26, %max3A_27 : vector<2000x128xf32>
    %get3A_29 = arith.constant 0 : index
    %get3A_30 = arith.constant 0 : index
    %get3A_31 = vector.load %arg8[%get3A_29, %get3A_30] : memref<128x128xf32, #tpu.memory_space<vmem>>, vector<128x128xf32>
    %dot_general3A_32 = arith.constant dense<0.000000e+00> : vector<2000x128xf32>
    %dot_general3A_33 = tpu.matmul %max3A_28, %get3A_31, %dot_general3A_32 {dimension_numbers = #tpu.dot_dimension_numbers<[1], [0], [0], [1], [0, 0, 1, 1], [], []>, transpose_lhs_hint = false} : vector<2000x128xf32>, vector<128x128xf32>, vector<2000x128xf32> -> vector<2000x128xf32>
    %get3A_34 = arith.constant 0 : index
    %get3A_35 = arith.constant 0 : index
    %get3A_36 = vector.load %arg9[%get3A_34, %get3A_35] : memref<1x128xf32, #tpu.memory_space<vmem>>, vector<1x128xf32>
    %add3A_37 = vector.broadcast %get3A_36 : vector<1x128xf32> to vector<2000x128xf32>
    %add3A_38 = arith.addf %dot_general3A_33, %add3A_37 : vector<2000x128xf32>
    %swap3A = arith.constant 0 : index
    %swap3A_39 = arith.constant 0 : index
    %swap3A_40 = vector.load %arg16[%swap3A, %swap3A_39] : memref<2000x128xf32, #tpu.memory_space<vmem>>, vector<2000x128xf32>
    tpu.vector_store %arg16[%swap3A, %swap3A_39], %add3A_38 {strides = array<i32>} : memref<2000x128xf32, #tpu.memory_space<vmem>>, vector<2000x128xf32>,
    %reduce_sum3A = arith.constant dense<0.000000e+00> : vector<128xf32>
    %reduce_sum3A_41 = vector.multi_reduction <add>, %add3A_38, %reduce_sum3A [0] : vector<2000x128xf32> to vector<128xf32>
    %broadcast_in_dim3A = vector.shape_cast %reduce_sum3A_41 : vector<128xf32> to vector<1x128xf32>
    %eq3A = arith.constant 0 : i32
    %eq3A_42 = arith.cmpi eq, %arg0, %eq3A : i32
    %convert_element_type3A = arith.extui %eq3A_42 : i1 to i32
    %cond3A = arith.constant 0 : i32
    %cond3A_43 = arith.cmpi ne, %convert_element_type3A, %cond3A : i32
    scf.if %cond3A_43 {
      %swap3A_53 = arith.constant 0 : index
      %swap3A_54 = arith.constant 0 : index
      %swap3A_55 = vector.load %arg18[%swap3A_53, %swap3A_54] : memref<1x128xf32, #tpu.memory_space<vmem>>, vector<1x128xf32>
      tpu.vector_store %arg18[%swap3A_53, %swap3A_54], %broadcast_in_dim3A {strides = array<i32>} : memref<1x128xf32, #tpu.memory_space<vmem>>, vector<1x128xf32>,
    } else {
    }
    %ne3A = arith.constant 0 : i32
    %ne3A_44 = arith.cmpi ne, %arg0, %ne3A : i32
    %convert_element_type3A_45 = arith.extui %ne3A_44 : i1 to i32
    %cond3A_46 = arith.constant 0 : i32
    %cond3A_47 = arith.cmpi ne, %convert_element_type3A_45, %cond3A_46 : i32
    scf.if %cond3A_47 {
      %get3A_53 = arith.constant 0 : index
      %get3A_54 = arith.constant 0 : index
      %get3A_55 = vector.load %arg18[%get3A_53, %get3A_54] : memref<1x128xf32, #tpu.memory_space<vmem>>, vector<1x128xf32>
      %add3A_56 = arith.addf %get3A_55, %broadcast_in_dim3A : vector<1x128xf32>
      %swap3A_57 = arith.constant 0 : index
      %swap3A_58 = arith.constant 0 : index
      %swap3A_59 = vector.load %arg18[%swap3A_57, %swap3A_58] : memref<1x128xf32, #tpu.memory_space<vmem>>, vector<1x128xf32>
      tpu.vector_store %arg18[%swap3A_57, %swap3A_58], %add3A_56 {strides = array<i32>} : memref<1x128xf32, #tpu.memory_space<vmem>>, vector<1x128xf32>,
    } else {
    }
    %eq3A_48 = arith.constant 4 : i32
    %eq3A_49 = arith.cmpi eq, %arg0, %eq3A_48 : i32
    %convert_element_type3A_50 = arith.extui %eq3A_49 : i1 to i32
    %cond3A_51 = arith.constant 0 : i32
    %cond3A_52 = arith.cmpi ne, %convert_element_type3A_50, %cond3A_51 : i32
    scf.if %cond3A_52 {
      %get3A_53 = arith.constant 0 : index
      %get3A_54 = arith.constant 0 : index
      %get3A_55 = vector.load %arg18[%get3A_53, %get3A_54] : memref<1x128xf32, #tpu.memory_space<vmem>>, vector<1x128xf32>
      %get3A_56 = arith.constant 0 : index
      %get3A_57 = arith.constant 0 : index
      %get3A_58 = vector.load %arg10[%get3A_56, %get3A_57] : memref<128x128xf32, #tpu.memory_space<vmem>>, vector<128x128xf32>
      %dot_general3A_59 = arith.constant dense<0.000000e+00> : vector<1x128xf32>
      %dot_general3A_60 = tpu.matmul %get3A_55, %get3A_58, %dot_general3A_59 {dimension_numbers = #tpu.dot_dimension_numbers<[1], [0], [0], [1], [0, 0, 1, 1], [], []>, transpose_lhs_hint = false} : vector<1x128xf32>, vector<128x128xf32>, vector<1x128xf32> -> vector<1x128xf32>
      %get3A_61 = arith.constant 0 : index
      %get3A_62 = arith.constant 0 : index
      %get3A_63 = vector.load %arg4[%get3A_61, %get3A_62] : memref<1x128xf32, #tpu.memory_space<vmem>>, vector<1x128xf32>
      %get3A_64 = arith.constant 0 : index
      %get3A_65 = arith.constant 0 : index
      %get3A_66 = vector.load %arg11[%get3A_64, %get3A_65] : memref<128x128xf32, #tpu.memory_space<vmem>>, vector<128x128xf32>
      %dot_general3A_67 = arith.constant dense<0.000000e+00> : vector<1x128xf32>
      %dot_general3A_68 = tpu.matmul %get3A_63, %get3A_66, %dot_general3A_67 {dimension_numbers = #tpu.dot_dimension_numbers<[1], [0], [0], [1], [0, 0, 1, 1], [], []>, transpose_lhs_hint = false} : vector<1x128xf32>, vector<128x128xf32>, vector<1x128xf32> -> vector<1x128xf32>
      %add3A_69 = arith.addf %dot_general3A_60, %dot_general3A_68 : vector<1x128xf32>
      %get3A_70 = arith.constant 0 : index
      %get3A_71 = arith.constant 0 : index
      %get3A_72 = vector.load %arg3[%get3A_70, %get3A_71] : memref<1x32xf32, #tpu.memory_space<vmem>>, vector<1x32xf32>
      %get3A_73 = arith.constant 0 : index
      %get3A_74 = arith.constant 0 : index
      %get3A_75 = vector.load %arg12[%get3A_73, %get3A_74] : memref<32x128xf32, #tpu.memory_space<vmem>>, vector<32x128xf32>
      %dot_general3A_76 = arith.constant dense<0.000000e+00> : vector<1x128xf32>
      %dot_general3A_77 = tpu.matmul %get3A_72, %get3A_75, %dot_general3A_76 {dimension_numbers = #tpu.dot_dimension_numbers<[1], [0], [0], [1], [0, 0, 1, 1], [], []>, transpose_lhs_hint = false} : vector<1x32xf32>, vector<32x128xf32>, vector<1x128xf32> -> vector<1x128xf32>
      %add3A_78 = arith.addf %add3A_69, %dot_general3A_77 : vector<1x128xf32>
      %get3A_79 = arith.constant 0 : index
      %get3A_80 = arith.constant 0 : index
      %get3A_81 = vector.load %arg13[%get3A_79, %get3A_80] : memref<1x128xf32, #tpu.memory_space<vmem>>, vector<1x128xf32>
      %add3A_82 = arith.addf %add3A_78, %get3A_81 : vector<1x128xf32>
      %max3A_83 = arith.constant 0.000000e+00 : f32
      %max3A_84 = vector.broadcast %max3A_83 : f32 to vector<1x128xf32>
      %max3A_85 = arith.maximumf %add3A_82, %max3A_84 : vector<1x128xf32>
      %get3A_86 = arith.constant 0 : index
      %get3A_87 = arith.constant 0 : index
      %get3A_88 = vector.load %arg14[%get3A_86, %get3A_87] : memref<128x128xf32, #tpu.memory_space<vmem>>, vector<128x128xf32>
      %dot_general3A_89 = arith.constant dense<0.000000e+00> : vector<1x128xf32>
      %dot_general3A_90 = tpu.matmul %max3A_85, %get3A_88, %dot_general3A_89 {dimension_numbers = #tpu.dot_dimension_numbers<[1], [0], [0], [1], [0, 0, 1, 1], [], []>, transpose_lhs_hint = false} : vector<1x128xf32>, vector<128x128xf32>, vector<1x128xf32> -> vector<1x128xf32>
      %get3A_91 = arith.constant 0 : index
      %get3A_92 = arith.constant 0 : index
      %get3A_93 = vector.load %arg15[%get3A_91, %get3A_92] : memref<1x128xf32, #tpu.memory_space<vmem>>, vector<1x128xf32>
      %add3A_94 = arith.addf %dot_general3A_90, %get3A_93 : vector<1x128xf32>
      %swap3A_95 = arith.constant 0 : index
      %swap3A_96 = arith.constant 0 : index
      %swap3A_97 = vector.load %arg17[%swap3A_95, %swap3A_96] : memref<1x128xf32, #tpu.memory_space<vmem>>, vector<1x128xf32>
      tpu.vector_store %arg17[%swap3A_95, %swap3A_96], %add3A_94 {strides = array<i32>} : memref<1x128xf32, #tpu.memory_space<vmem>>, vector<1x128xf32>,
    } else {
    }
    return
  }
  func.func @transform_0(%arg0: i32) -> (i32, i32) {
    %c0_i32 = arith.constant 0 : i32
    %c0_i32_0 = arith.constant 0 : i32
    return %arg0, %c0_i32 : i32, i32
  }
  func.func @transform_1(%arg0: i32) -> (i32, i32, i32) {
    %c0_i32 = arith.constant 0 : i32
    %c0_i32_0 = arith.constant 0 : i32
    %c0_i32_1 = arith.constant 0 : i32
    return %c0_i32, %arg0, %c0_i32_0 : i32, i32, i32
  }
  func.func @transform_2(%arg0: i32) -> (i32, i32) {
    %c0_i32 = arith.constant 0 : i32
    %c0_i32_0 = arith.constant 0 : i32
    %c0_i32_1 = arith.constant 0 : i32
    return %c0_i32, %c0_i32_0 : i32, i32
  }
  func.func @transform_3(%arg0: i32) -> (i32, i32) {
    %c0_i32 = arith.constant 0 : i32
    %c0_i32_0 = arith.constant 0 : i32
    %c0_i32_1 = arith.constant 0 : i32
    return %c0_i32, %c0_i32_0 : i32, i32
  }
  func.func @transform_4(%arg0: i32) -> (i32, i32) {
    %c0_i32 = arith.constant 0 : i32
    %c0_i32_0 = arith.constant 0 : i32
    %c0_i32_1 = arith.constant 0 : i32
    return %c0_i32, %c0_i32_0 : i32, i32
  }
  func.func @transform_5(%arg0: i32) -> (i32, i32) {
    %c0_i32 = arith.constant 0 : i32
    %c0_i32_0 = arith.constant 0 : i32
    %c0_i32_1 = arith.constant 0 : i32
    return %c0_i32, %c0_i32_0 : i32, i32
  }
  func.func @transform_6(%arg0: i32) -> (i32, i32) {
    %c0_i32 = arith.constant 0 : i32
    %c0_i32_0 = arith.constant 0 : i32
    %c0_i32_1 = arith.constant 0 : i32
    return %c0_i32, %c0_i32_0 : i32, i32
  }
  func.func @transform_7(%arg0: i32) -> (i32, i32) {
    %c0_i32 = arith.constant 0 : i32
    %c0_i32_0 = arith.constant 0 : i32
    %c0_i32_1 = arith.constant 0 : i32
    return %c0_i32, %c0_i32_0 : i32, i32
  }
  func.func @transform_8(%arg0: i32) -> (i32, i32) {
    %c0_i32 = arith.constant 0 : i32
    %c0_i32_0 = arith.constant 0 : i32
    %c0_i32_1 = arith.constant 0 : i32
    return %c0_i32, %c0_i32_0 : i32, i32
  }
  func.func @transform_9(%arg0: i32) -> (i32, i32) {
    %c0_i32 = arith.constant 0 : i32
    %c0_i32_0 = arith.constant 0 : i32
    %c0_i32_1 = arith.constant 0 : i32
    return %c0_i32, %c0_i32_0 : i32, i32
  }
  func.func @transform_10(%arg0: i32) -> (i32, i32) {
    %c0_i32 = arith.constant 0 : i32
    %c0_i32_0 = arith.constant 0 : i32
    %c0_i32_1 = arith.constant 0 : i32
    return %c0_i32, %c0_i32_0 : i32, i32
  }
  func.func @transform_11(%arg0: i32) -> (i32, i32) {
    %c0_i32 = arith.constant 0 : i32
    %c0_i32_0 = arith.constant 0 : i32
    %c0_i32_1 = arith.constant 0 : i32
    return %c0_i32, %c0_i32_0 : i32, i32
  }
  func.func @transform_12(%arg0: i32) -> (i32, i32) {
    %c0_i32 = arith.constant 0 : i32
    %c0_i32_0 = arith.constant 0 : i32
    %c0_i32_1 = arith.constant 0 : i32
    return %c0_i32, %c0_i32_0 : i32, i32
  }
  func.func @transform_13(%arg0: i32) -> (i32, i32) {
    %c0_i32 = arith.constant 0 : i32
    %c0_i32_0 = arith.constant 0 : i32
    %c0_i32_1 = arith.constant 0 : i32
    return %c0_i32, %c0_i32_0 : i32, i32
  }
  func.func @transform_14(%arg0: i32) -> (i32, i32) {
    %c0_i32 = arith.constant 0 : i32
    %c0_i32_0 = arith.constant 0 : i32
    %c0_i32_1 = arith.constant 0 : i32
    return %c0_i32, %c0_i32_0 : i32, i32
  }
  func.func @transform_15(%arg0: i32) -> (i32, i32) {
    %c0_i32 = arith.constant 0 : i32
    %c0_i32_0 = arith.constant 0 : i32
    return %arg0, %c0_i32 : i32, i32
  }
  func.func @transform_16(%arg0: i32) -> (i32, i32) {
    %c0_i32 = arith.constant 0 : i32
    %c0_i32_0 = arith.constant 0 : i32
    %c0_i32_1 = arith.constant 0 : i32
    return %c0_i32, %c0_i32_0 : i32, i32
  }
}

</mosaic_0001>

<sc_bundles>
// kernel: kernel.10.cloned.1.call-start
scs
__scs_entry_jumppad:
0x0: {  	(pc) =	sbr.rel $0x88, $3  }
0x1: {  	(tag) =	ssettag $0x0;
	lr =	simm.s32 $0x1  }
0x2: {  	[smem:$0x3F91] =	sst lr;
	_ =	strace $0xD0000000  }
0x3: {  	_ = 	snop  }
0x4: {  	_ = 	snop  }
0x5: {  	_ = 	snop  }
0x6: {  	_ = 	snop  }
0x7: {  	_ = 	snop  }
__scs_overlays_trampoline_lowered:
0x8: {  	[smem:$0x3FA0] =	sst s0  }
0x9: {  	[smem:$0x3FA1] =	sst s1  }
0xa: {  	[smem:$0x3FA2] =	sst s2  }
0xb: {  	[smem:$0x3FA3] =	sst s3  }
0xc: {  	[smem:$0x3FA4] =	sst s4  }
0xd: {  	[smem:$0x3FA5] =	sst s5  }
0xe: {  	[smem:$0x3FA6] =	sst s6  }
0xf: {  	[smem:$0x3FA7] =	sst s7  }
0x10: {  	[smem:$0x3FA8] =	sst s8  }
0x11: {  	[smem:$0x3FA9] =	sst s9;
	s0 =	simm.s32 @!p0 $0x0  }
0x12: {  	s1 =	sld [smem:$0x3F8F];
	s0 =	simm.s32 @p0 $0x1  }
0x13: {  	[smem:$0x3FAA] =	sst s0;
	s0 =	simm.s32 @!p1 $0x0  }
0x14: {  	s2 =	sld [smem:$0x3F8E];
	s0 =	simm.s32 @p1 $0x1  }
0x15: {  	[smem:$0x3FAB] =	sst s0;
	s0 =	simm.s32 @!p2 $0x0  }
0x16: {  	s3 =	sld [smem:$0x3FDB];
	s0 =	simm.s32 @p2 $0x1  }
0x17: {  	s4 =	simm.s32 $0x1BF5;
	[smem:$0x3FAD] =	sst s0  }
0x18: {  	s0 =	sld [smem:$0x3F90];
	_ =	swait.ge [sflag:s4], $0x0  }
0x19: {  	s7 =	sld [smem:$0x3F91]  }
0x1a: {  	s8 =	sadd.s32 $0xFFFFE003, lr  }
0x1b: {  	s9 =	sadd.s32 $0xFFFFFEF7, lr;
	s5 =	simm.s32 $0xFFFFFFFF;
	p2 =	slt.u32 s8, $0xFFFFF086  }
0x1c: {  	p1 =	slt.u32 s9, $0xF7A;
	s5 =	simm.s32 @!p2 $0x0  }
0x1d: {  	s5 =	simm.s32 @p1 $0x1;
	p0 =	seq.s32 s7, s2  }
0x1e: {  	s7 =	smul.u32 @!p0 $0xF7A, s2;
	p2 =	seq.s32 @!p0 s5, $0x0  }
0x1f: {  	s9 =	smul.u32 $0xF7A, s1;
	s8 =	simm.s32 @!p0 $0x1BF5;
	p2 =	por !p2, p0  }
0x20: {  	[sflag:s8] =	ssyncset.s32 @!p0 $0xFFFFF086;
	s6 =	sadd.s32 @!p0 s3, s7;
	s7 =	simm.s32 @!p0 $0x108  }
0x21: {  	s3 =	sadd.s32 s3, s9;
	s6 =	sadd.s32 @!p0 $0x88, s6;
	s7 =	simm.s32 @p2 $0x1082  }
0x22: {  	[simem:s7], [sflag:s8] =	dma.local @!p0 [hbm:s6], $0xF7A  }
0x23: {  	s9 =	sor.u32 $0xD0000000, s2;
	s6 =	simm.s32 $0x108;
	_ =	swait.ge @!p0 [sflag:s8], $0x0  }
0x24: {  	s3 =	sadd.s32 $0x88, s3;
	s6 =	simm.s32 @!p1 $0x1082;
	[sflag:s4] =	ssyncset.s32 $0xFFFFF086  }
0x25: {  	[simem:s6], [sflag:s4] =	dma.local [hbm:s3], $0xF7A  }
0x26: {  	[smem:$0x3F91] =	sst s1;
	(tag) =	ssettag s2;
	_ =	strace s9  }
0x27: {  	s1 =	sld [smem:$0x3FA1]  }
0x28: {  	s2 =	sld [smem:$0x3FA2]  }
0x29: {  	s4 =	sld [smem:$0x3FA4]  }
0x2a: {  	p0 =	seq.s32 s5, $0x0;
	s5 =	sld [smem:$0x3FA5]  }
0x2b: {  	s6 =	sld [smem:$0x3FA6]  }
0x2c: {  	s7 =	sld [smem:$0x3FA7]  }
0x2d: {  	s3 =	simm.s32 $0x108;
	s8 =	sld [smem:$0x3FA8]  }
0x2e: {  	s3 =	simm.s32 @!p0 $0x1082;
	s9 =	sld [smem:$0x3FA9]  }
0x2f: {  	lr =	sadd.s32 s0, s3;
	s0 =	sld [smem:$0x3FA0]  }
0x30: {  	s3 =	sld [smem:$0x3FA3]  }
0x31: {  	[smem:$0x3FAC] =	sst s10  }
0x32: {  	s10 =	sld [smem:$0x3FAA];
	_ =	sdelay $0x3  }
0x33: {  	p0 =	seq.s32 s10, $0x1;
	s10 =	sld [smem:$0x3FAC];
	_ =	sdelay $0x3  }
0x34: {  	[smem:$0x3FAC] =	sst s10  }
0x35: {  	s10 =	sld [smem:$0x3FAB];
	_ =	sdelay $0x3  }
0x36: {  	p1 =	seq.s32 s10, $0x1;
	s10 =	sld [smem:$0x3FAC];
	_ =	sdelay $0x3  }
0x37: {  	[smem:$0x3FAC] =	sst s10  }
0x38: {  	s10 =	sld [smem:$0x3FAD]  }
0x39: {  	_ = 	snop;
	(pc) =	sbr.ind lr, $3  }
0x3a: {  	_ = 	snop  }
0x3b: {  	_ = 	snop  }
0x3c: {  	p2 =	seq.s32 s10, $0x1;
	s10 =	sld [smem:$0x3FAC]  }
0x3d: {  	_ =	shalt  }
0x3e: {  	_ =	shalt  }
0x3f: {  	_ =	shalt  }
0x40: {  	_ =	shalt  }
0x41: {  	_ =	shalt  }
0x42: {  	_ =	shalt  }
0x43: {  	_ =	shalt  }
0x44: {  	_ =	shalt  }
0x45: {  	_ =	shalt  }
0x46: {  	_ =	shalt  }
0x47: {  	_ =	shalt  }
0x48: {  	_ =	shalt  }
0x49: {  	_ =	shalt  }
0x4a: {  	_ =	shalt  }
0x4b: {  	_ =	shalt  }
0x4c: {  	_ =	shalt  }
0x4d: {  	_ =	shalt  }
0x4e: {  	_ =	shalt  }
0x4f: {  	_ =	shalt  }
0x50: {  	_ =	shalt  }
0x51: {  	_ =	shalt  }
0x52: {  	_ =	shalt  }
0x53: {  	_ =	shalt  }
0x54: {  	_ =	shalt  }
0x55: {  	_ =	shalt  }
0x56: {  	_ =	shalt  }
0x57: {  	_ =	shalt  }
0x58: {  	_ =	shalt  }
0x59: {  	_ =	shalt  }
0x5a: {  	_ =	shalt  }
0x5b: {  	_ =	shalt  }
0x5c: {  	_ =	shalt  }
0x5d: {  	_ =	shalt  }
0x5e: {  	_ =	shalt  }
0x5f: {  	_ =	shalt  }
0x60: {  	_ =	shalt  }
0x61: {  	_ =	shalt  }
0x62: {  	_ =	shalt  }
0x63: {  	_ =	shalt  }
0x64: {  	_ =	shalt  }
0x65: {  	_ =	shalt  }
0x66: {  	_ =	shalt  }
0x67: {  	_ =	shalt  }
0x68: {  	_ =	shalt  }
0x69: {  	_ =	shalt  }
0x6a: {  	_ =	shalt  }
0x6b: {  	_ =	shalt  }
0x6c: {  	_ =	shalt  }
0x6d: {  	_ =	shalt  }
0x6e: {  	_ =	shalt  }
0x6f: {  	_ =	shalt  }
0x70: {  	_ =	shalt  }
0x71: {  	_ =	shalt  }
0x72: {  	_ =	shalt  }
0x73: {  	_ =	shalt  }
0x74: {  	_ =	shalt  }
0x75: {  	_ =	shalt  }
0x76: {  	_ =	shalt  }
0x77: {  	_ =	shalt  }
0x78: {  	_ =	shalt  }
0x79: {  	_ =	shalt  }
0x7a: {  	_ =	shalt  }
0x7b: {  	_ =	shalt  }
0x7c: {  	_ =	shalt  }
0x7d: {  	_ =	shalt  }
0x7e: {  	_ =	shalt  }
0x7f: {  	_ =	shalt  }
0x80: {  	_ =	shalt  }
0x81: {  	_ =	shalt  }
0x82: {  	_ =	shalt  }
0x83: {  	_ =	shalt  }
0x84: {  	_ =	shalt  }
0x85: {  	_ =	shalt  }
0x86: {  	_ =	shalt  }
0x87: {  	_ =	shalt  }
.Lfunc_end0:
.L_simem_size_0:
called_computation.1_lowered:
.L_overlay_start_0:
0x88: {  	s2 =	sld [smem:$0x3FD9]  }
0x89: {  	s3 =	sld [smem:$0x3FFE];
	_ =	sdelay $0x1  }
0x8a: {  	s1 =	srdreg.scid  }
0x8b: {  	s0 =	sand.u32 $0x1, s1  }
0x8c: {  	s14 =	sshll.u32 s0, $0xA;
	s2 =	sadd.s32 s3, s2  }
0x8d: {  	s2 =	sadd.s32 s2, s14  }
0x8e: {  	[smem:$0x3FB8] =	sst s2  }
0x8f: {  	_ = 	snop  }
0x90: {  	s2 =	sld [smem:$0x3FD0];
	_ =	sdelay $0x2  }
0x91: {  	s15 =	simm.s32 $0xA;
	s4 =	simm.s32 $0x10  }
0x92: {  	[smem:s4], [sflag:s15] =	dma.local [hbm:s2], $0x1  }
0x93: {  	_ =	swait.eq [sflag:s15], $0x1  }
0x94: {  	[sflag:s15] =	ssyncset.done $0x0  }
0x95: {  	s16 =	sld [smem:$0x10];
	[sflag:s15] =	ssyncadd.s32 $0xFFFFFFFF  }
0x96: {  	s17 =	sld [smem:$0x11];
	(tm) =	ssettm $0x1  }
0x97: {  	s18 =	sld [smem:$0x3FFB];
	_ =	sdelay $0x3  }
0x98: {  	_ =	strace s18  }
0x99: {  	s4 =	sld [smem:$0x3FFC];
	_ =	sdelay $0x3  }
0x9a: {  	_ =	strace s4  }
0x9b: {  	s4 =	sld [smem:$0x3FFD];
	_ =	sdelay $0x3  }
0x9c: {  	_ =	strace s4  }
0x9d: {  	_ =	strace $0x8FFFFFFF  }
0x9e: {  	s19 =	sld [smem:$0x3FDB];
	_ =	sdelay $0x1  }
0x9f: {  	s5 =	simm.s32 $_scs_section_size  }
0xa0: {  	s6 =	simm.s32 $_size__tile_overlayer_lowered;
	s7 =	simm.s32 $_tile_overlayer_lowered  }
0xa1: {  	s22 =	simm.s32 $0x1BFF;
	s21 =	sshll.u32 s7, $0x1;
	s4 =	sadd.s32 s5, s19  }
0xa2: {  	s8 =	simm.s32 $0x0;
	s20 =	sshll.u32 s6, $0x1;
	s6 =	sadd.s32 s21, s4  }
0xa3: {  	[timem:s8], [sflag:s22] =	dma.local [hbm:s6], s20  }
0xa4: {  	_ =	swait.ge [sflag:s22], s20  }
0xa5: {  	s5 =	ssub.s32 $0x0, s20;
	[sflag:s22] =	ssyncset.done $0x0  }
0xa6: {  	[sflag:s22] =	ssyncadd.s32 s5;
	_ =	sdelay $0x1  }
0xa7: {  	s23 =	simm.s32 $0x1B8B  }
0xa8: {  	_ =	swait.ge [sflag:s23], $0x1  }
0xa9: {  	[sflag:s23] =	ssyncset.done $0x0  }
0xaa: {  	s25 =	simm.s32 $0x1B8E;
	s24 =	sld [smem:$0x3FFE];
	[sflag:s23] =	ssyncadd.s32 $0xFFFFFFFF  }
0xab: {  	s26 =	simm.s32 $execute0_lowered;
	[smem:$0x3FD2] =	sst s25  }
0xac: {  	s6 =	sshll.u32 s26, $0x1;
	_ =	strace $0x80000049;
	[dreg:$0x1] =	wrdreg $0xFFFFFFFF  }
0xad: {  	s28 =	simm.s32 $_size_execute0_lowered;
	s4 =	sadd.s32 s4, s6;
	[dreg:$0x0] =	wrdreg $0x0  }
0xae: {  	s6 =	sshll.u32 s28, $0x1;
	[dreg:$0x2] =	wrdreg s4  }
0xaf: {  	[dreg:$0x3] =	wrdreg s6  }
0xb0: {  	[dreg:$0x4] =	wrdreg $0xC0  }
0xb1: {  	_ =	task [dreg:s8], $0x5FFFF  }
0xb2: {  	[dreg:$0x1] =	wrdreg $0xFFFFFFFF  }
0xb3: {  	[dreg:$0x0] =	wrdreg $0x60  }
0xb4: {  	[dreg:$0x2] =	wrdreg s16  }
0xb5: {  	[dreg:$0x3] =	wrdreg s24  }
0xb6: {  	[dreg:$0x4] =	wrdreg s17  }
0xb7: {  	[dreg:$0x5] =	wrdreg $0xA2000  }
0xb8: {  	[dreg:$0x6] =	wrdreg $0x9  }
0xb9: {  	_ =	task.clear_ibuf [dreg:s8], $0x7FFFF;
	_ =	strace $0x90000049  }
0xba: {  	s29 =	simm.s32 $0x9;
	_ =	strace $0x8000004B  }
0xbb: {  	_ =	swait.ge [sflag:s29], $0x1  }
0xbc: {  	[sflag:s29] =	ssyncadd.s32 $0xFFFFFFFF  }
0xbd: {  	_ =	strace $0x9000004B  }
0xbe: {  	_ =	sfence  }
0xbf: {  	s30 =	sld [smem:$0x0];
	_ =	sdelay $0x2  }
0xc0: {  	s31 =	sshll.u32 s1, $0xD;
	s1 =	sshrl.u32 s1, $0x2  }
0xc1: {  	s3 =	sand.u32 $0x4000, s31;
	s1 =	sadd.s32 s1, s30  }
0xc2: {  	s0 =	sor.u32 s3, s0;
	s1 =	sshll.u32 s1, $0x11  }
0xc3: {  	s0 =	sor.u32 s1, s0  }
0xc4: {  	s0 =	sadd.s32 $0x8F2B, s0  }
0xc5: {  	[sflag:s0] =	ssyncadd.remote.s32 $0x1  }
0xc6: {  	_ =	sfence.sel $0xFFFF  }
0xc7: {  	[dreg:$0x0] =	wrdreg $0xFFFFFFFF;
	(pc) =	sbr.abs _section_cstart, $3  }
0xc8: {  	[dreg:$0x1] =	wrdreg $0xFFFFFFFF  }
0xc9: {  	_ =	task.clear_ibuf [dreg:s8], $0x2FFFF;
	_ =	strace $0x9FFFFFFF  }
0xca: {  	(tm) =	ssettm $0x7FFFFFFF  }
0xcb: {  	_ =	shalt  }
tec
execute0_lowered:
.L_overlay_start_1:
0x0: {  	(tag) =	ssettag $0x1  }
0x1: {  	s0 =	srdreg.scid;
	s1 =	stileid.u32  }
0x2: {  	s5 =	rddreg [dreg:$0x0];
	s6 =	sand.u32 $0x1, s0;
	s19 =	sshll.u32 s1, $0x1  }
0x3: {  	s7 =	rddreg [dreg:$0x1];
	s3 =	sor.u32 s6, s19;
	s19 =	smul.u32 $0x4E200, s1  }
0x4: {  	s2 =	rddreg [dreg:$0x2];
	s30 =	smul.u32 $0x27100, s6  }
0x5: {  	s0 =	simm.s32 $0x0;
	s4 =	ssub.s32 $0x2, s6;
	s8 =	smul.u32 $0x2710, s3  }
0x6: {  	p0 =	sne.s32 s1, $0x0;
	s9 =	sshrl.u32 s4, $0x1;
	s10 =	smul.u32 $0x27100, s3  }
0x7: {  	[smem:$0x7FF] =	sst s0;
	s3 =	ssub.s32 s4, s9;
	s4 =	smul.u32 $0x13800, s1  }
0x8: {  	s28 =	sadd.s32 s19, s5;
	s11 =	sadd.s32 $0x50, s8;
	s10 =	sadd.s32 s5, s10  }
0x9: {  	s12 =	sadd.s32 $0xF0, s8;
	s13 =	sadd.s32 $0x140, s8;
	s15 =	sadd.s32 $0x2620, s8  }
0xa: {  	s16 =	sadd.s32 $0x2670, s8;
	s31 =	sadd.s32 s30, s28;
	s28 =	sadd.s32 $0xD800, s7  }
0xb: {  	s20 =	sshll.u32 s11, $0x4;
	[dreg:$0x6] =	wrdreg s10;
	s22 =	sshll.u32 s12, $0x4  }
0xc: {  	s14 =	sshll.u32 s13, $0x4;
	s17 =	sshll.u32 s15, $0x4;
	s18 =	sshll.u32 s16, $0x4  }
0xd: {  	s15 =	sshrl.u32 s15, $0x3;
	s16 =	sshrl.u32 s16, $0x3;
	s9 =	sadd.s32 s5, s20  }
0xe: {  	s23 =	sadd.s32 s5, s14;
	s14 =	sadd.s32 $0x190, s8;
	[dreg:$0x7] =	wrdreg s9  }
0xf: {  	s25 =	sadd.s32 s5, s17;
	s26 =	sadd.s32 s5, s18;
	[dreg:$0xa] =	wrdreg s23  }
0x10: {  	s17 =	sadd.s32 $0x26C0, s8;
	s9 =	sadd.s32 $0xA0, s8;
	[dreg:$0xc] =	wrdreg s25  }
0x11: {  	s24 =	sshll.u32 s14, $0x4;
	[dreg:$0xd] =	wrdreg s26;
	s23 =	smul.u32 $0x4E20, s1  }
0x12: {  	s20 =	sshll.u32 s17, $0x4;
	s25 =	smul.u32 $0x4E000, s1;
	s8 =	sshrl.u32 s8, $0x3  }
0x13: {  	s1 =	sshll.u32 s1, $0x6;
	s21 =	sshll.u32 s9, $0x4;
	s8 =	sadd.s32 s28, s8  }
0x14: {  	s9 =	sshrl.u32 s9, $0x3;
	s10 =	sadd.s32 s5, s21;
	s21 =	smul.u32 $0x138800, s6  }
0x15: {  	s29 =	sor.u32 $0x1C09, s1;
	s6 =	smul.u32 $0x2710, s6;
	s30 =	sshrl.u32 s25, $0x2  }
0x16: {  	s9 =	sadd.s32 s28, s9;
	[dreg:$0x8] =	wrdreg s10;
	s10 =	sadd.s32 s5, s22  }
0x17: {  	s22 =	sadd.s32 $0x17800, s7;
	s7 =	simm.s32 $0x50;
	[dreg:$0x9] =	wrdreg s10  }
0x18: {  	s10 =	sadd.s32 s5, s24;
	s5 =	sadd.s32 s5, s20;
	s20 =	sadd.s32 s4, s21  }
0x19: {  	s24 =	sshrl.u32 s21, $0x3;
	s26 =	sadd.s32 s6, s23;
	[dreg:$0xb] =	wrdreg s10  }
0x1a: {  	s4 =	sshrl.u32 s4, $0x3;
	s6 =	simm.s32 $0x1;
	s10 =	rddreg [dreg:$0x3]  }
0x1b: {  	[dreg:$0xe] =	wrdreg s5;
	s18 =	sshrl.u32 s20, $0x3;
	s19 =	sadd.s32 $0x2D0, s26  }
0x1c: {  	s20 =	sshrl.u32 s17, $0x3;
	s23 =	sadd.s32 $0x230, s26;
	s5 =	sadd.s32 $0x1E0, s26  }
0x1d: {  	s4 =	sadd.s32 s2, s4;
	_ =	strace $0x8000004A;
	[dreg:$0x5] =	wrdreg s31  }
0x1e: {  	s17 =	simm.s32 $0x4;
	s18 =	sadd.s32 s22, s18;
	[dreg:$0x10] =	wrdreg s8  }
0x1f: {  	s31 =	sshrl.u32 s11, $0x3;
	[dreg:$0x12] =	wrdreg s9;
	s11 =	sshrl.u32 s12, $0x3  }
0x20: {  	s12 =	sshrl.u32 s13, $0x3;
	s13 =	sshrl.u32 s14, $0x3;
	[dreg:$0x1e] =	wrdreg s4  }
0x21: {  	s9 =	sshrl.u32 s19, $0x3;
	s25 =	sadd.s32 s30, s10;
	[dreg:$0xf] =	wrdreg s18  }
0x22: {  	s5 =	sshrl.u32 s5, $0x3;
	s30 =	smax.u32 s3, $0x1;
	[dreg:$0x1d] =	wrdreg s25  }
0x23: {  	s3 =	simm.s32 $0xA000;
	s8 =	sadd.s32 s28, s31;
	[smem:$0x7FC] =	sst s30  }
0x24: {  	s4 =	simm.s32 $0x2800;
	s14 =	sadd.s32 s28, s13;
	[dreg:$0x11] =	wrdreg s8  }
0x25: {  	s19 =	simm.s32 $0x7;
	s21 =	sadd.s32 s9, s28;
	[dreg:$0x15] =	wrdreg s14  }
0x26: {  	s18 =	sadd.s32 s22, s24;
	s5 =	sadd.s32 s5, s28;
	[dreg:$0x19] =	wrdreg s21  }
0x27: {  	s22 =	sadd.s32 $0x280, s26;
	s26 =	sadd.s32 $0x27000, s2;
	[dreg:$0x1c] =	wrdreg s5  }
0x28: {  	s24 =	sshrl.u32 s23, $0x3;
	s31 =	sadd.s32 $0x138000, s10;
	[dreg:$0x1f] =	wrdreg s26  }
0x29: {  	s2 =	simm.s32 $0x9;
	s8 =	sadd.s32 s28, s11;
	[smem:$0x7FD] =	sst s31  }
0x2a: {  	s13 =	simm.s32 $0x7800;
	[dreg:$0x13] =	wrdreg s8;
	s8 =	sadd.s32 s28, s12  }
0x2b: {  	s5 =	simm.s32 $0xA080;
	[dreg:$0x14] =	wrdreg s8;
	s8 =	sadd.s32 s28, s15  }
0x2c: {  	s11 =	simm.s32 $0xA100;
	[dreg:$0x16] =	wrdreg s8;
	s8 =	sadd.s32 s28, s16  }
0x2d: {  	s14 =	simm.s32 $0xA180;
	[dreg:$0x17] =	wrdreg s8;
	s8 =	sadd.s32 s28, s20  }
0x2e: {  	s21 =	simm.s32 $0x0;
	[dreg:$0x18] =	wrdreg s8;
	s8 =	sshrl.u32 s22, $0x3  }
0x2f: {  	s12 =	simm.s32 $0x2;
	s15 =	simm.s32 $0x3;
	s8 =	sadd.s32 s8, s28  }
0x30: {  	s16 =	simm.s32 $0x5;
	[dreg:$0x1a] =	wrdreg s8;
	s8 =	sadd.s32 s24, s28  }
0x31: {  	s20 =	simm.s32 $0x8;
	s28 =	sadd.s32 $0x27000, s18;
	[dreg:$0x1b] =	wrdreg s8  }
0x32: {  	s18 =	simm.s32 $0x6;
	[smem:$0x7FB] =	sst s28;
	s8 =	simm.s32 $0x5000  }
.LBB2_1:
0x33: {  	s1 =	rddreg [dreg:$0x1d]  }
0x34: {  	s25 =	rddreg [dreg:$0x1e];
	s26 =	sshrl.u32 s1, $0x3  }
0x35: {  	[spmem:s26], [sflag:s29] =	dma.local [hbm:s25], $0x2700  }
0x36: {  	_ =	swait.ge [sflag:s2], $0x2700  }
0x37: {  	s1 =	sld [smem:$0x7FD];
	_ =	sdelay $0x1  }
0x38: {  	[sflag:s2] =	ssyncset.done $0x0  }
0x39: {  	[sflag:s2] =	ssyncadd.s32 $0xFFFFD900;
	s28 =	sshrl.u32 @!p0 s1, $0x3;
	s1 =	rddreg [dreg:$0x1f]  }
0x3a: {  	[spmem:s28], [sflag:s29] =	dma.local @!p0 [hbm:s1], $0x100  }
0x3b: {  	s1 =	simm.s32 @!p0 $0x9  }
0x3c: {  	_ =	swait.ge @!p0 [sflag:s1], $0x100  }
0x3d: {  	[sflag:s1] =	ssyncset.done @!p0 $0x0  }
0x3e: {  	[sflag:s1] =	ssyncadd.s32 @!p0 $0xFFFFFF00  }
0x3f: {  	[bflag:$0x0] =	sbarrier.arrive $0xFFFF  }
0x40: {  	s9 =	rddreg [dreg:$0x6]  }
0x41: {  	[tilespmem:s0], [sflag:$0x1] =	stream.linear.gather [hbm4b:s9+s0], $0x2800, $0x38;
	[tilespmem:$0x1DA80] =	vst v63  }
0x42: {  	s22 =	rddreg [dreg:$0x10]  }
0x43: {  	[tilespmem:s3], [sflag:$0x1] =	stream.linear.gather [hbm4b:s22+s0], $0x50, $0x38;
	[tilespmem:$0x1DA80] =	vst v63  }
0x44: {  	s23 =	rddreg [dreg:$0x7]  }
0x45: {  	[tilespmem:s4], [sflag:$0x2] =	stream.linear.gather [hbm4b:s23+s0], $0x2800, $0x38;
	[tilespmem:$0x1DA80] =	vst v63  }
0x46: {  	s24 =	rddreg [dreg:$0x11]  }
0x47: {  	[tilespmem:s5], [sflag:$0x2] =	stream.linear.gather [hbm4b:s24+s0], $0x50, $0x38;
	[tilespmem:$0x1DA80] =	vst v63  }
0x48: {  	_ =	swait.ge [sflag:s6], $0x2800  }
0x49: {  	[sflag:s6] =	ssyncset.done $0x0  }
0x4a: {  	[sflag:s6] =	ssyncadd.s32 $0xFFFFD800  }
0x4b: {  	_ =	swait.ge [sflag:s6], $0x50  }
0x4c: {  	[sflag:s6] =	ssyncset.done $0x0  }
0x4d: {  	[sflag:s6] =	ssyncadd.s32 $0xFFFFFFB0  }
0x4e: {  	[spmem:s10] =	stream.indirect.scatter.add.f32 [tilespmem:s0], [sflag:$0x5], $0x80, s3, s7, $0xb8;
	[tilespmem:$0x1DA80] =	vst v63  }
0x4f: {  	s25 =	rddreg [dreg:$0x8]  }
0x50: {  	[tilespmem:s8], [sflag:$0x3] =	stream.linear.gather [hbm4b:s25+s0], $0x2800, $0x38;
	[tilespmem:$0x1DA80] =	vst v63  }
0x51: {  	s9 =	rddreg [dreg:$0x12]  }
0x52: {  	[tilespmem:s11], [sflag:$0x3] =	stream.linear.gather [hbm4b:s9+s0], $0x50, $0x38;
	[tilespmem:$0x1DA80] =	vst v63  }
0x53: {  	_ =	swait.ge [sflag:s12], $0x2800  }
0x54: {  	[sflag:s12] =	ssyncset.done $0x0  }
0x55: {  	[sflag:s12] =	ssyncadd.s32 $0xFFFFD800  }
0x56: {  	_ =	swait.ge [sflag:s12], $0x50  }
0x57: {  	[sflag:s12] =	ssyncset.done $0x0  }
0x58: {  	[sflag:s12] =	ssyncadd.s32 $0xFFFFFFB0  }
0x59: {  	[spmem:s10] =	stream.indirect.scatter.add.f32 [tilespmem:s4], [sflag:$0x6], $0x80, s5, s7, $0xb8;
	[tilespmem:$0x1DA80] =	vst v63  }
0x5a: {  	s22 =	rddreg [dreg:$0x9]  }
0x5b: {  	[tilespmem:s13], [sflag:$0x4] =	stream.linear.gather [hbm4b:s22+s0], $0x2800, $0x38;
	[tilespmem:$0x1DA80] =	vst v63  }
0x5c: {  	s23 =	rddreg [dreg:$0x13]  }
0x5d: {  	[tilespmem:s14], [sflag:$0x4] =	stream.linear.gather [hbm4b:s23+s0], $0x50, $0x38;
	[tilespmem:$0x1DA80] =	vst v63  }
0x5e: {  	_ =	swait.ge [sflag:s15], $0x2800  }
0x5f: {  	[sflag:s15] =	ssyncset.done $0x0  }
0x60: {  	[sflag:s15] =	ssyncadd.s32 $0xFFFFD800  }
0x61: {  	_ =	swait.ge [sflag:s15], $0x50  }
0x62: {  	[sflag:s15] =	ssyncset.done $0x0  }
0x63: {  	[sflag:s15] =	ssyncadd.s32 $0xFFFFFFB0  }
0x64: {  	[spmem:s10] =	stream.indirect.scatter.add.f32 [tilespmem:s8], [sflag:$0x7], $0x80, s11, s7, $0xb8;
	[tilespmem:$0x1DA80] =	vst v63  }
0x65: {  	_ =	swait.ge [sflag:s16], $0x2800  }
0x66: {  	[sflag:s16] =	ssyncset.done $0x0  }
0x67: {  	s24 =	rddreg [dreg:$0xa];
	[sflag:s16] =	ssyncadd.s32 $0xFFFFD800  }
0x68: {  	[tilespmem:s0], [sflag:$0x1] =	stream.linear.gather [hbm4b:s24+s0], $0x2800, $0x38;
	[tilespmem:$0x1DA80] =	vst v63  }
0x69: {  	s25 =	rddreg [dreg:$0x14]  }
0x6a: {  	[tilespmem:s3], [sflag:$0x1] =	stream.linear.gather [hbm4b:s25+s0], $0x50, $0x38;
	[tilespmem:$0x1DA80] =	vst v63  }
0x6b: {  	_ =	swait.ge [sflag:s17], $0x2800  }
0x6c: {  	[sflag:s17] =	ssyncset.done $0x0  }
0x6d: {  	[sflag:s17] =	ssyncadd.s32 $0xFFFFD800  }
0x6e: {  	_ =	swait.ge [sflag:s17], $0x50  }
0x6f: {  	[sflag:s17] =	ssyncset.done $0x0  }
0x70: {  	[sflag:s17] =	ssyncadd.s32 $0xFFFFFFB0  }
0x71: {  	[spmem:s10] =	stream.indirect.scatter.add.f32 [tilespmem:s13], [sflag:$0x8], $0x80, s14, s7, $0xb8;
	[tilespmem:$0x1DA80] =	vst v63  }
0x72: {  	_ =	swait.ge [sflag:s18], $0x2800  }
0x73: {  	[sflag:s18] =	ssyncset.done $0x0  }
0x74: {  	s9 =	rddreg [dreg:$0xb];
	[sflag:s18] =	ssyncadd.s32 $0xFFFFD800  }
0x75: {  	[tilespmem:s4], [sflag:$0x2] =	stream.linear.gather [hbm4b:s9+s0], $0x2800, $0x38;
	[tilespmem:$0x1DA80] =	vst v63  }
0x76: {  	s22 =	rddreg [dreg:$0x15]  }
0x77: {  	[tilespmem:s5], [sflag:$0x2] =	stream.linear.gather [hbm4b:s22+s0], $0x50, $0x38;
	[tilespmem:$0x1DA80] =	vst v63  }
0x78: {  	_ =	swait.ge [sflag:s6], $0x2800  }
0x79: {  	[sflag:s6] =	ssyncset.done $0x0  }
0x7a: {  	[sflag:s6] =	ssyncadd.s32 $0xFFFFD800  }
0x7b: {  	_ =	swait.ge [sflag:s6], $0x50  }
0x7c: {  	[sflag:s6] =	ssyncset.done $0x0  }
0x7d: {  	[sflag:s6] =	ssyncadd.s32 $0xFFFFFFB0  }
0x7e: {  	[spmem:s10] =	stream.indirect.scatter.add.f32 [tilespmem:s0], [sflag:$0x5], $0x80, s3, s7, $0xb8;
	[tilespmem:$0x1DA80] =	vst v63  }
0x7f: {  	_ =	swait.ge [sflag:s19], $0x2800  }
0x80: {  	s23 =	rddreg [dreg:$0x5]  }
0x81: {  	[sflag:s19] =	ssyncset.done $0x0;
	s1 =	sadd.s32 $0x0, s23  }
0x82: {  	[sflag:s19] =	ssyncadd.s32 $0xFFFFD800;
	s9 =	sadd.s32 $0x1E00, s1  }
0x83: {  	[tilespmem:s8], [sflag:$0x3] =	stream.linear.gather [hbm4b:s9+s0], $0x2800, $0x38;
	[tilespmem:$0x1DA80] =	vst v63  }
0x84: {  	s23 =	rddreg [dreg:$0x1c]  }
0x85: {  	[tilespmem:s11], [sflag:$0x3] =	stream.linear.gather [hbm4b:s23+s0], $0x50, $0x38;
	[tilespmem:$0x1DA80] =	vst v63  }
0x86: {  	_ =	swait.ge [sflag:s12], $0x2800  }
0x87: {  	[sflag:s12] =	ssyncset.done $0x0  }
0x88: {  	[sflag:s12] =	ssyncadd.s32 $0xFFFFD800  }
0x89: {  	_ =	swait.ge [sflag:s12], $0x50  }
0x8a: {  	[sflag:s12] =	ssyncset.done $0x0  }
0x8b: {  	[sflag:s12] =	ssyncadd.s32 $0xFFFFFFB0  }
0x8c: {  	[spmem:s10] =	stream.indirect.scatter.add.f32 [tilespmem:s4], [sflag:$0x6], $0x80, s5, s7, $0xb8;
	[tilespmem:$0x1DA80] =	vst v63  }
0x8d: {  	_ =	swait.ge [sflag:s20], $0x2800  }
0x8e: {  	[sflag:s20] =	ssyncset.done $0x0  }
0x8f: {  	s24 =	sadd.s32 $0x2300, s1;
	[sflag:s20] =	ssyncadd.s32 $0xFFFFD800  }
0x90: {  	[tilespmem:s13], [sflag:$0x4] =	stream.linear.gather [hbm4b:s24+s0], $0x2800, $0x38;
	[tilespmem:$0x1DA80] =	vst v63  }
0x91: {  	s24 =	rddreg [dreg:$0x1b]  }
0x92: {  	[tilespmem:s14], [sflag:$0x4] =	stream.linear.gather [hbm4b:s24+s0], $0x50, $0x38;
	[tilespmem:$0x1DA80] =	vst v63  }
0x93: {  	_ =	swait.ge [sflag:s15], $0x2800  }
0x94: {  	[sflag:s15] =	ssyncset.done $0x0  }
0x95: {  	[sflag:s15] =	ssyncadd.s32 $0xFFFFD800  }
0x96: {  	_ =	swait.ge [sflag:s15], $0x50  }
0x97: {  	[sflag:s15] =	ssyncset.done $0x0  }
0x98: {  	[sflag:s15] =	ssyncadd.s32 $0xFFFFFFB0  }
0x99: {  	[spmem:s10] =	stream.indirect.scatter.add.f32 [tilespmem:s8], [sflag:$0x7], $0x80, s11, s7, $0xb8;
	[tilespmem:$0x1DA80] =	vst v63  }
0x9a: {  	_ =	swait.ge [sflag:s16], $0x2800  }
0x9b: {  	[sflag:s16] =	ssyncset.done $0x0  }
0x9c: {  	s25 =	sadd.s32 $0x2800, s1;
	[sflag:s16] =	ssyncadd.s32 $0xFFFFD800  }
0x9d: {  	[tilespmem:s0], [sflag:$0x1] =	stream.linear.gather [hbm4b:s25+s0], $0x2800, $0x38;
	[tilespmem:$0x1DA80] =	vst v63  }
0x9e: {  	s22 =	rddreg [dreg:$0x1a]  }
0x9f: {  	[tilespmem:s3], [sflag:$0x1] =	stream.linear.gather [hbm4b:s22+s0], $0x50, $0x38;
	[tilespmem:$0x1DA80] =	vst v63  }
0xa0: {  	_ =	swait.ge [sflag:s17], $0x2800  }
0xa1: {  	[sflag:s17] =	ssyncset.done $0x0  }
0xa2: {  	[sflag:s17] =	ssyncadd.s32 $0xFFFFD800  }
0xa3: {  	_ =	swait.ge [sflag:s17], $0x50  }
0xa4: {  	[sflag:s17] =	ssyncset.done $0x0  }
0xa5: {  	[sflag:s17] =	ssyncadd.s32 $0xFFFFFFB0  }
0xa6: {  	[spmem:s10] =	stream.indirect.scatter.add.f32 [tilespmem:s13], [sflag:$0x8], $0x80, s14, s7, $0xb8;
	[tilespmem:$0x1DA80] =	vst v63  }
0xa7: {  	_ =	swait.ge [sflag:s18], $0x2800  }
0xa8: {  	s30 =	simm.s32 $0x1400;
	s1 =	sadd.s32 $0x2D00, s1;
	[sflag:s18] =	ssyncset.done $0x0  }
0xa9: {  	s31 =	sadd.s32 $0x28, s23;
	s23 =	rddreg [dreg:$0x19];
	[sflag:s18] =	ssyncadd.s32 $0xFFFFD800  }
0xaa: {  	[tilespmem:s4], [sflag:$0x2] =	stream.linear.gather [hbm4b:s1+s0], $0x2800, $0x38;
	[tilespmem:$0x1DA80] =	vst v63  }
0xab: {  	s9 =	sadd.s32 $0x28, s23;
	s1 =	sadd.s32 $0x28, s22;
	s22 =	sadd.s32 $0x28, s24  }
.LBB2_2:
0xac: {  	[tilespmem:s5], [sflag:$0x2] =	stream.linear.gather [hbm4b:s23+s0], $0x50, $0x38;
	[tilespmem:$0x1DA80] =	vst v63  }
0xad: {  	_ =	swait.ge [sflag:s6], $0x2800  }
0xae: {  	[sflag:s6] =	ssyncset.done $0x0  }
0xaf: {  	[sflag:s6] =	ssyncadd.s32 $0xFFFFD800  }
0xb0: {  	_ =	swait.ge [sflag:s6], $0x50  }
0xb1: {  	[sflag:s6] =	ssyncset.done $0x0  }
0xb2: {  	[sflag:s6] =	ssyncadd.s32 $0xFFFFFFB0  }
0xb3: {  	[spmem:s10] =	stream.indirect.scatter.add.f32 [tilespmem:s0], [sflag:$0x5], $0x80, s3, s7, $0xb8;
	[tilespmem:$0x1DA80] =	vst v63  }
0xb4: {  	_ =	swait.ge [sflag:s19], $0x2800  }
0xb5: {  	s24 =	smov.u32 s30;
	s25 =	rddreg [dreg:$0x5]  }
0xb6: {  	[sflag:s19] =	ssyncset.done $0x0;
	s24 =	sadd.s32 s24, s25  }
0xb7: {  	[sflag:s19] =	ssyncadd.s32 $0xFFFFD800;
	s25 =	sadd.s32 $0x1E00, s24  }
0xb8: {  	[tilespmem:s8], [sflag:$0x3] =	stream.linear.gather [hbm4b:s25+s0], $0x2800, $0x38;
	[tilespmem:$0x1DA80] =	vst v63  }
0xb9: {  	_ = 	snop  }
0xba: {  	[tilespmem:s11], [sflag:$0x3] =	stream.linear.gather [hbm4b:s31+s0], $0x50, $0x38;
	[tilespmem:$0x1DA80] =	vst v63  }
0xbb: {  	_ =	swait.ge [sflag:s12], $0x2800  }
0xbc: {  	[sflag:s12] =	ssyncset.done $0x0  }
0xbd: {  	[sflag:s12] =	ssyncadd.s32 $0xFFFFD800  }
0xbe: {  	_ =	swait.ge [sflag:s12], $0x50  }
0xbf: {  	[sflag:s12] =	ssyncset.done $0x0  }
0xc0: {  	[sflag:s12] =	ssyncadd.s32 $0xFFFFFFB0  }
0xc1: {  	[spmem:s10] =	stream.indirect.scatter.add.f32 [tilespmem:s4], [sflag:$0x6], $0x80, s5, s7, $0xb8;
	[tilespmem:$0x1DA80] =	vst v63  }
0xc2: {  	_ =	swait.ge [sflag:s20], $0x2800  }
0xc3: {  	[sflag:s20] =	ssyncset.done $0x0  }
0xc4: {  	s25 =	sadd.s32 $0x2300, s24;
	[sflag:s20] =	ssyncadd.s32 $0xFFFFD800  }
0xc5: {  	[tilespmem:s13], [sflag:$0x4] =	stream.linear.gather [hbm4b:s25+s0], $0x2800, $0x38;
	[tilespmem:$0x1DA80] =	vst v63  }
0xc6: {  	_ = 	snop  }
0xc7: {  	[tilespmem:s14], [sflag:$0x4] =	stream.linear.gather [hbm4b:s22+s0], $0x50, $0x38;
	[tilespmem:$0x1DA80] =	vst v63  }
0xc8: {  	_ =	swait.ge [sflag:s15], $0x2800  }
0xc9: {  	[sflag:s15] =	ssyncset.done $0x0  }
0xca: {  	[sflag:s15] =	ssyncadd.s32 $0xFFFFD800  }
0xcb: {  	_ =	swait.ge [sflag:s15], $0x50  }
0xcc: {  	[sflag:s15] =	ssyncset.done $0x0  }
0xcd: {  	[sflag:s15] =	ssyncadd.s32 $0xFFFFFFB0  }
0xce: {  	[spmem:s10] =	stream.indirect.scatter.add.f32 [tilespmem:s8], [sflag:$0x7], $0x80, s11, s7, $0xb8;
	[tilespmem:$0x1DA80] =	vst v63  }
0xcf: {  	_ =	swait.ge [sflag:s16], $0x2800  }
0xd0: {  	[sflag:s16] =	ssyncset.done $0x0  }
0xd1: {  	s25 =	sadd.s32 $0x2800, s24;
	[sflag:s16] =	ssyncadd.s32 $0xFFFFD800  }
0xd2: {  	[tilespmem:s0], [sflag:$0x1] =	stream.linear.gather [hbm4b:s25+s0], $0x2800, $0x38;
	[tilespmem:$0x1DA80] =	vst v63  }
0xd3: {  	_ = 	snop  }
0xd4: {  	[tilespmem:s3], [sflag:$0x1] =	stream.linear.gather [hbm4b:s1+s0], $0x50, $0x38;
	[tilespmem:$0x1DA80] =	vst v63  }
0xd5: {  	_ =	swait.ge [sflag:s17], $0x2800  }
0xd6: {  	[sflag:s17] =	ssyncset.done $0x0  }
0xd7: {  	[sflag:s17] =	ssyncadd.s32 $0xFFFFD800  }
0xd8: {  	_ =	swait.ge [sflag:s17], $0x50  }
0xd9: {  	[sflag:s17] =	ssyncset.done $0x0  }
0xda: {  	p1 =	sne.s32 s30, $0x23000;
	[sflag:s17] =	ssyncadd.s32 $0xFFFFFFB0  }
0xdb: {  	[spmem:s10] =	stream.indirect.scatter.add.f32 [tilespmem:s13], [sflag:$0x8], $0x80, s14, s7, $0xb8;
	[tilespmem:$0x1DA80] =	vst v63  }
.Ltmp0:
0xdc: {  	s23 =	smov.u32 s9;
	(pc) =	sbr.rel @p1 .LBB2_2-.Ltmp0, $4  }
0xdd: {  	s30 =	sadd.s32 $0x1400, s30;
	s9 =	sadd.s32 $0x28, s9;
	_ =	swait.ge [sflag:s18], $0x2800  }
0xde: {  	s31 =	sadd.s32 $0x28, s31;
	s24 =	sadd.s32 $0x2D00, s24;
	[sflag:s18] =	ssyncset.done $0x0  }
0xdf: {  	s22 =	sadd.s32 $0x28, s22;
	s1 =	sadd.s32 $0x28, s1;
	[sflag:s18] =	ssyncadd.s32 $0xFFFFD800  }
0xe0: {  	[tilespmem:s4], [sflag:$0x2] =	stream.linear.gather [hbm4b:s24+s0], $0x2800, $0x38;
	[tilespmem:$0x1DA80] =	vst v63  }
0xe1: {  	[tilespmem:s5], [sflag:$0x2] =	stream.linear.gather [hbm4b:s23+s0], $0x50, $0x38;
	[tilespmem:$0x1DA80] =	vst v63  }
0xe2: {  	_ =	swait.ge [sflag:s6], $0x2800  }
0xe3: {  	[sflag:s6] =	ssyncset.done $0x0  }
0xe4: {  	[sflag:s6] =	ssyncadd.s32 $0xFFFFD800  }
0xe5: {  	_ =	swait.ge [sflag:s6], $0x50  }
0xe6: {  	[sflag:s6] =	ssyncset.done $0x0  }
0xe7: {  	[sflag:s6] =	ssyncadd.s32 $0xFFFFFFB0  }
0xe8: {  	[spmem:s10] =	stream.indirect.scatter.add.f32 [tilespmem:s0], [sflag:$0x5], $0x80, s3, s7, $0xb8;
	[tilespmem:$0x1DA80] =	vst v63  }
0xe9: {  	_ =	swait.ge [sflag:s19], $0x2800  }
0xea: {  	[sflag:s19] =	ssyncset.done $0x0  }
0xeb: {  	s1 =	rddreg [dreg:$0xc];
	[sflag:s19] =	ssyncadd.s32 $0xFFFFD800  }
0xec: {  	[tilespmem:s8], [sflag:$0x3] =	stream.linear.gather [hbm4b:s1+s0], $0x2800, $0x38;
	[tilespmem:$0x1DA80] =	vst v63  }
0xed: {  	s22 =	rddreg [dreg:$0x16]  }
0xee: {  	[tilespmem:s11], [sflag:$0x3] =	stream.linear.gather [hbm4b:s22+s0], $0x50, $0x38;
	[tilespmem:$0x1DA80] =	vst v63  }
0xef: {  	_ =	swait.ge [sflag:s12], $0x2800  }
0xf0: {  	[sflag:s12] =	ssyncset.done $0x0  }
0xf1: {  	[sflag:s12] =	ssyncadd.s32 $0xFFFFD800  }
0xf2: {  	_ =	swait.ge [sflag:s12], $0x50  }
0xf3: {  	[sflag:s12] =	ssyncset.done $0x0  }
0xf4: {  	[sflag:s12] =	ssyncadd.s32 $0xFFFFFFB0  }
0xf5: {  	[spmem:s10] =	stream.indirect.scatter.add.f32 [tilespmem:s4], [sflag:$0x6], $0x80, s5, s7, $0xb8;
	[tilespmem:$0x1DA80] =	vst v63  }
0xf6: {  	_ =	swait.ge [sflag:s20], $0x2800  }
0xf7: {  	[sflag:s20] =	ssyncset.done $0x0  }
0xf8: {  	s23 =	rddreg [dreg:$0xd];
	[sflag:s20] =	ssyncadd.s32 $0xFFFFD800  }
0xf9: {  	[tilespmem:s13], [sflag:$0x4] =	stream.linear.gather [hbm4b:s23+s0], $0x2800, $0x38;
	[tilespmem:$0x1DA80] =	vst v63  }
0xfa: {  	s24 =	rddreg [dreg:$0x17]  }
0xfb: {  	[tilespmem:s14], [sflag:$0x4] =	stream.linear.gather [hbm4b:s24+s0], $0x50, $0x38;
	[tilespmem:$0x1DA80] =	vst v63  }
0xfc: {  	_ =	swait.ge [sflag:s15], $0x2800  }
0xfd: {  	[sflag:s15] =	ssyncset.done $0x0  }
0xfe: {  	[sflag:s15] =	ssyncadd.s32 $0xFFFFD800  }
0xff: {  	_ =	swait.ge [sflag:s15], $0x50  }
0x100: {  	[sflag:s15] =	ssyncset.done $0x0  }
0x101: {  	[sflag:s15] =	ssyncadd.s32 $0xFFFFFFB0  }
0x102: {  	[spmem:s10] =	stream.indirect.scatter.add.f32 [tilespmem:s8], [sflag:$0x7], $0x80, s11, s7, $0xb8;
	[tilespmem:$0x1DA80] =	vst v63  }
0x103: {  	_ =	swait.ge [sflag:s16], $0x2800  }
0x104: {  	[sflag:s16] =	ssyncset.done $0x0  }
0x105: {  	s25 =	rddreg [dreg:$0xe];
	[sflag:s16] =	ssyncadd.s32 $0xFFFFD800  }
0x106: {  	[tilespmem:s0], [sflag:$0x1] =	stream.linear.gather [hbm4b:s25+s0], $0x2800, $0x38;
	[tilespmem:$0x1DA80] =	vst v63  }
0x107: {  	s30 =	rddreg [dreg:$0x18]  }
0x108: {  	[tilespmem:s3], [sflag:$0x1] =	stream.linear.gather [hbm4b:s30+s0], $0x50, $0x38;
	[tilespmem:$0x1DA80] =	vst v63  }
0x109: {  	_ =	swait.ge [sflag:s17], $0x2800  }
0x10a: {  	[sflag:s17] =	ssyncset.done $0x0  }
0x10b: {  	[sflag:s17] =	ssyncadd.s32 $0xFFFFD800  }
0x10c: {  	_ =	swait.ge [sflag:s17], $0x50  }
0x10d: {  	[sflag:s17] =	ssyncset.done $0x0  }
0x10e: {  	[sflag:s17] =	ssyncadd.s32 $0xFFFFFFB0  }
0x10f: {  	[spmem:s10] =	stream.indirect.scatter.add.f32 [tilespmem:s13], [sflag:$0x8], $0x80, s14, s7, $0xb8;
	[tilespmem:$0x1DA80] =	vst v63  }
0x110: {  	_ =	swait.ge [sflag:s6], $0x2800  }
0x111: {  	[sflag:s6] =	ssyncset.done $0x0  }
0x112: {  	[sflag:s6] =	ssyncadd.s32 $0xFFFFD800  }
0x113: {  	_ =	swait.ge [sflag:s6], $0x50  }
0x114: {  	[sflag:s6] =	ssyncset.done $0x0  }
0x115: {  	[sflag:s6] =	ssyncadd.s32 $0xFFFFFFB0  }
0x116: {  	[spmem:s10] =	stream.indirect.scatter.add.f32 [tilespmem:s0], [sflag:$0x5], $0x80, s3, s7, $0xb8;
	[tilespmem:$0x1DA80] =	vst v63  }
0x117: {  	_ =	swait.ge [sflag:s16], $0x2800  }
0x118: {  	[sflag:s16] =	ssyncset.done $0x0  }
0x119: {  	[sflag:s16] =	ssyncadd.s32 $0xFFFFD800  }
0x11a: {  	_ =	swait.ge [sflag:s18], $0x2800  }
0x11b: {  	[sflag:s18] =	ssyncset.done $0x0  }
0x11c: {  	[sflag:s18] =	ssyncadd.s32 $0xFFFFD800  }
0x11d: {  	_ =	swait.ge [sflag:s19], $0x2800  }
0x11e: {  	[sflag:s19] =	ssyncset.done $0x0  }
0x11f: {  	[sflag:s19] =	ssyncadd.s32 $0xFFFFD800  }
0x120: {  	_ =	swait.ge [sflag:s20], $0x2800  }
0x121: {  	[sflag:s20] =	ssyncset.done $0x0  }
0x122: {  	[sflag:s20] =	ssyncadd.s32 $0xFFFFD800  }
0x123: {  	[bflag:$0x0] =	sbarrier.arrive $0xFFFF  }
0x124: {  	s31 =	rddreg [dreg:$0xf]  }
0x125: {  	[hbm:s31], [sflag:s29] =	dma.local [spmem:s26], $0x2700  }
0x126: {  	_ =	swait.ge [sflag:s2], $0x2700  }
0x127: {  	s1 =	sld [smem:$0x7FB]  }
0x128: {  	[sflag:s2] =	ssyncset.done $0x0  }
0x129: {  	[sflag:s2] =	ssyncadd.s32 $0xFFFFD900  }
0x12a: {  	[hbm:s1], [sflag:s29] =	dma.local @!p0 [spmem:s28], $0x100  }
0x12b: {  	s1 =	simm.s32 @!p0 $0x9  }
0x12c: {  	_ =	swait.ge @!p0 [sflag:s1], $0x100  }
0x12d: {  	s9 =	sld [smem:$0x7FC];
	_ =	sdelay $0x1  }
0x12e: {  	s21 =	sadd.s32 $0x1, s21  }
0x12f: {  	p1 =	sne.s32 s21, s9  }
.Ltmp1:
0x130: {  	_ = 	snop;
	(pc) =	sbr.rel @p1 .LBB2_1-.Ltmp1, $3  }
0x131: {  	_ =	sdelay $0x1  }
0x132: {  	[sflag:s1] =	ssyncset.done @!p0 $0x0  }
0x133: {  	[sflag:s1] =	ssyncadd.s32 @!p0 $0xFFFFFF00  }
0x134: {  	_ =	sfence.sel $0x180000  }
0x135: {  	[bflag:$0x0] =	sbarrier.arrive $0xFFFF  }
0x136: {  	_ =	strace $0x9000004A  }
0x137: {  	[bflag:$0x2] =	sbarrier.arrive $0xFFFF  }
0x138: {  	s0 =	rddreg [dreg:$0x4]  }
0x139: {  	s0 =	sadd.s32 @!p0 $0x100000, s0  }
0x13a: {  	[sflag:s0] =	ssyncadd.tile.s32 @!p0 $0x1;
	_ =	shalt  }
.Lfunc_end2:
_tile_overlayer_lowered:
.L_overlay_start_2:
0x13b: {  	(tag) =	ssettag $0x2  }
0x13c: {  	s0 =	rddreg [dreg:$0x0];
	s2 =	stileid.u32  }
0x13d: {  	s1 =	rddreg [dreg:$0x1];
	p0 =	sne.s32 s2, $0x0  }
0x13e: {  	s3 =	rddreg [dreg:$0x2];
	[bflag:$0x3] =	sbarrier.arrive $0xFFFF;
	s2 =	simm.s32 @!p0 $0x1C09  }
0x13f: {  	[timem:s3], [sflag:s2] =	dma.local @!p0 [hbm:s0], s1  }
0x140: {  	s0 =	simm.s32 @!p0 $0x9  }
0x141: {  	_ =	swait.ge @!p0 [sflag:s0], s1  }
0x142: {  	s1 =	ssub.s32 @!p0 $0x0, s1;
	[sflag:s0] =	ssyncset.done @!p0 $0x0  }
0x143: {  	[sflag:s0] =	ssyncadd.s32 @!p0 s1  }
0x144: {  	[bflag:$0x3] =	sbarrier.arrive $0xFFFF  }
0x145: {  	_ =	shalt  }

// kernel: kernel.7.cloned.1.call-start
scs
__scs_entry_jumppad:
0x0: {  	(pc) =	sbr.rel $0x88, $3  }
0x1: {  	(tag) =	ssettag $0x0;
	lr =	simm.s32 $0x1  }
0x2: {  	[smem:$0x3F91] =	sst lr;
	_ =	strace $0xD0000000  }
0x3: {  	_ = 	snop  }
0x4: {  	_ = 	snop  }
0x5: {  	_ = 	snop  }
0x6: {  	_ = 	snop  }
0x7: {  	_ = 	snop  }
__scs_overlays_trampoline_lowered:
0x8: {  	[smem:$0x3FA0] =	sst s0  }
0x9: {  	[smem:$0x3FA1] =	sst s1  }
0xa: {  	[smem:$0x3FA2] =	sst s2  }
0xb: {  	[smem:$0x3FA3] =	sst s3  }
0xc: {  	[smem:$0x3FA4] =	sst s4  }
0xd: {  	[smem:$0x3FA5] =	sst s5  }
0xe: {  	[smem:$0x3FA6] =	sst s6  }
0xf: {  	[smem:$0x3FA7] =	sst s7  }
0x10: {  	[smem:$0x3FA8] =	sst s8  }
0x11: {  	[smem:$0x3FA9] =	sst s9;
	s0 =	simm.s32 @!p0 $0x0  }
0x12: {  	s1 =	sld [smem:$0x3F8F];
	s0 =	simm.s32 @p0 $0x1  }
0x13: {  	[smem:$0x3FAA] =	sst s0;
	s0 =	simm.s32 @!p1 $0x0  }
0x14: {  	s2 =	sld [smem:$0x3F8E];
	s0 =	simm.s32 @p1 $0x1  }
0x15: {  	[smem:$0x3FAB] =	sst s0;
	s0 =	simm.s32 @!p2 $0x0  }
0x16: {  	s3 =	sld [smem:$0x3FDB];
	s0 =	simm.s32 @p2 $0x1  }
0x17: {  	s4 =	simm.s32 $0x1BF5;
	[smem:$0x3FAD] =	sst s0  }
0x18: {  	s0 =	sld [smem:$0x3F90];
	_ =	swait.ge [sflag:s4], $0x0  }
0x19: {  	s7 =	sld [smem:$0x3F91]  }
0x1a: {  	s8 =	sadd.s32 $0xFFFFE003, lr  }
0x1b: {  	s9 =	sadd.s32 $0xFFFFFEF7, lr;
	s5 =	simm.s32 $0xFFFFFFFF;
	p2 =	slt.u32 s8, $0xFFFFF086  }
0x1c: {  	p1 =	slt.u32 s9, $0xF7A;
	s5 =	simm.s32 @!p2 $0x0  }
0x1d: {  	s5 =	simm.s32 @p1 $0x1;
	p0 =	seq.s32 s7, s2  }
0x1e: {  	s7 =	smul.u32 @!p0 $0xF7A, s2;
	p2 =	seq.s32 @!p0 s5, $0x0  }
0x1f: {  	s9 =	smul.u32 $0xF7A, s1;
	s8 =	simm.s32 @!p0 $0x1BF5;
	p2 =	por !p2, p0  }
0x20: {  	[sflag:s8] =	ssyncset.s32 @!p0 $0xFFFFF086;
	s6 =	sadd.s32 @!p0 s3, s7;
	s7 =	simm.s32 @!p0 $0x108  }
0x21: {  	s3 =	sadd.s32 s3, s9;
	s6 =	sadd.s32 @!p0 $0x88, s6;
	s7 =	simm.s32 @p2 $0x1082  }
0x22: {  	[simem:s7], [sflag:s8] =	dma.local @!p0 [hbm:s6], $0xF7A  }
0x23: {  	s9 =	sor.u32 $0xD0000000, s2;
	s6 =	simm.s32 $0x108;
	_ =	swait.ge @!p0 [sflag:s8], $0x0  }
0x24: {  	s3 =	sadd.s32 $0x88, s3;
	s6 =	simm.s32 @!p1 $0x1082;
	[sflag:s4] =	ssyncset.s32 $0xFFFFF086  }
0x25: {  	[simem:s6], [sflag:s4] =	dma.local [hbm:s3], $0xF7A  }
0x26: {  	[smem:$0x3F91] =	sst s1;
	(tag) =	ssettag s2;
	_ =	strace s9  }
0x27: {  	s1 =	sld [smem:$0x3FA1]  }
0x28: {  	s2 =	sld [smem:$0x3FA2]  }
0x29: {  	s4 =	sld [smem:$0x3FA4]  }
0x2a: {  	p0 =	seq.s32 s5, $0x0;
	s5 =	sld [smem:$0x3FA5]  }
0x2b: {  	s6 =	sld [smem:$0x3FA6]  }
0x2c: {  	s7 =	sld [smem:$0x3FA7]  }
0x2d: {  	s3 =	simm.s32 $0x108;
	s8 =	sld [smem:$0x3FA8]  }
0x2e: {  	s3 =	simm.s32 @!p0 $0x1082;
	s9 =	sld [smem:$0x3FA9]  }
0x2f: {  	lr =	sadd.s32 s0, s3;
	s0 =	sld [smem:$0x3FA0]  }
0x30: {  	s3 =	sld [smem:$0x3FA3]  }
0x31: {  	[smem:$0x3FAC] =	sst s10  }
0x32: {  	s10 =	sld [smem:$0x3FAA];
	_ =	sdelay $0x3  }
0x33: {  	p0 =	seq.s32 s10, $0x1;
	s10 =	sld [smem:$0x3FAC];
	_ =	sdelay $0x3  }
0x34: {  	[smem:$0x3FAC] =	sst s10  }
0x35: {  	s10 =	sld [smem:$0x3FAB];
	_ =	sdelay $0x3  }
0x36: {  	p1 =	seq.s32 s10, $0x1;
	s10 =	sld [smem:$0x3FAC];
	_ =	sdelay $0x3  }
0x37: {  	[smem:$0x3FAC] =	sst s10  }
0x38: {  	s10 =	sld [smem:$0x3FAD]  }
0x39: {  	_ = 	snop;
	(pc) =	sbr.ind lr, $3  }
0x3a: {  	_ = 	snop  }
0x3b: {  	_ = 	snop  }
0x3c: {  	p2 =	seq.s32 s10, $0x1;
	s10 =	sld [smem:$0x3FAC]  }
0x3d: {  	_ =	shalt  }
0x3e: {  	_ =	shalt  }
0x3f: {  	_ =	shalt  }
0x40: {  	_ =	shalt  }
0x41: {  	_ =	shalt  }
0x42: {  	_ =	shalt  }
0x43: {  	_ =	shalt  }
0x44: {  	_ =	shalt  }
0x45: {  	_ =	shalt  }
0x46: {  	_ =	shalt  }
0x47: {  	_ =	shalt  }
0x48: {  	_ =	shalt  }
0x49: {  	_ =	shalt  }
0x4a: {  	_ =	shalt  }
0x4b: {  	_ =	shalt  }
0x4c: {  	_ =	shalt  }
0x4d: {  	_ =	shalt  }
0x4e: {  	_ =	shalt  }
0x4f: {  	_ =	shalt  }
0x50: {  	_ =	shalt  }
0x51: {  	_ =	shalt  }
0x52: {  	_ =	shalt  }
0x53: {  	_ =	shalt  }
0x54: {  	_ =	shalt  }
0x55: {  	_ =	shalt  }
0x56: {  	_ =	shalt  }
0x57: {  	_ =	shalt  }
0x58: {  	_ =	shalt  }
0x59: {  	_ =	shalt  }
0x5a: {  	_ =	shalt  }
0x5b: {  	_ =	shalt  }
0x5c: {  	_ =	shalt  }
0x5d: {  	_ =	shalt  }
0x5e: {  	_ =	shalt  }
0x5f: {  	_ =	shalt  }
0x60: {  	_ =	shalt  }
0x61: {  	_ =	shalt  }
0x62: {  	_ =	shalt  }
0x63: {  	_ =	shalt  }
0x64: {  	_ =	shalt  }
0x65: {  	_ =	shalt  }
0x66: {  	_ =	shalt  }
0x67: {  	_ =	shalt  }
0x68: {  	_ =	shalt  }
0x69: {  	_ =	shalt  }
0x6a: {  	_ =	shalt  }
0x6b: {  	_ =	shalt  }
0x6c: {  	_ =	shalt  }
0x6d: {  	_ =	shalt  }
0x6e: {  	_ =	shalt  }
0x6f: {  	_ =	shalt  }
0x70: {  	_ =	shalt  }
0x71: {  	_ =	shalt  }
0x72: {  	_ =	shalt  }
0x73: {  	_ =	shalt  }
0x74: {  	_ =	shalt  }
0x75: {  	_ =	shalt  }
0x76: {  	_ =	shalt  }
0x77: {  	_ =	shalt  }
0x78: {  	_ =	shalt  }
0x79: {  	_ =	shalt  }
0x7a: {  	_ =	shalt  }
0x7b: {  	_ =	shalt  }
0x7c: {  	_ =	shalt  }
0x7d: {  	_ =	shalt  }
0x7e: {  	_ =	shalt  }
0x7f: {  	_ =	shalt  }
0x80: {  	_ =	shalt  }
0x81: {  	_ =	shalt  }
0x82: {  	_ =	shalt  }
0x83: {  	_ =	shalt  }
0x84: {  	_ =	shalt  }
0x85: {  	_ =	shalt  }
0x86: {  	_ =	shalt  }
0x87: {  	_ =	shalt  }
.Lfunc_end0:
.L_simem_size_0:
called_computation_lowered:
.L_overlay_start_0:
0x88: {  	s2 =	sld [smem:$0x3FD9]  }
0x89: {  	s3 =	sld [smem:$0x3FFE];
	_ =	sdelay $0x1  }
0x8a: {  	s1 =	srdreg.scid  }
0x8b: {  	s0 =	sand.u32 $0x1, s1  }
0x8c: {  	s14 =	sshll.u32 s0, $0xA;
	s2 =	sadd.s32 s3, s2  }
0x8d: {  	s2 =	sadd.s32 s2, s14  }
0x8e: {  	[smem:$0x3FB8] =	sst s2  }
0x8f: {  	_ = 	snop  }
0x90: {  	s2 =	sld [smem:$0x3FD0];
	_ =	sdelay $0x2  }
0x91: {  	s15 =	simm.s32 $0xA;
	s4 =	simm.s32 $0x10  }
0x92: {  	[smem:s4], [sflag:s15] =	dma.local [hbm:s2], $0x1  }
0x93: {  	_ =	swait.eq [sflag:s15], $0x1  }
0x94: {  	[sflag:s15] =	ssyncset.done $0x0  }
0x95: {  	s16 =	sld [smem:$0x10];
	[sflag:s15] =	ssyncadd.s32 $0xFFFFFFFF  }
0x96: {  	s17 =	sld [smem:$0x11];
	(tm) =	ssettm $0x1  }
0x97: {  	s18 =	sld [smem:$0x3FFB];
	_ =	sdelay $0x3  }
0x98: {  	_ =	strace s18  }
0x99: {  	s4 =	sld [smem:$0x3FFC];
	_ =	sdelay $0x3  }
0x9a: {  	_ =	strace s4  }
0x9b: {  	s4 =	sld [smem:$0x3FFD];
	_ =	sdelay $0x3  }
0x9c: {  	_ =	strace s4  }
0x9d: {  	_ =	strace $0x8FFFFFFF  }
0x9e: {  	s19 =	sld [smem:$0x3FDB];
	_ =	sdelay $0x1  }
0x9f: {  	s5 =	simm.s32 $_scs_section_size  }
0xa0: {  	s6 =	simm.s32 $_size__tile_overlayer_lowered;
	s7 =	simm.s32 $_tile_overlayer_lowered  }
0xa1: {  	s22 =	simm.s32 $0x1BFF;
	s21 =	sshll.u32 s7, $0x1;
	s4 =	sadd.s32 s5, s19  }
0xa2: {  	s8 =	simm.s32 $0x0;
	s20 =	sshll.u32 s6, $0x1;
	s6 =	sadd.s32 s21, s4  }
0xa3: {  	[timem:s8], [sflag:s22] =	dma.local [hbm:s6], s20  }
0xa4: {  	_ =	swait.ge [sflag:s22], s20  }
0xa5: {  	s5 =	ssub.s32 $0x0, s20;
	[sflag:s22] =	ssyncset.done $0x0  }
0xa6: {  	[sflag:s22] =	ssyncadd.s32 s5;
	_ =	sdelay $0x1  }
0xa7: {  	s23 =	simm.s32 $0x1B8B  }
0xa8: {  	_ =	swait.ge [sflag:s23], $0x1  }
0xa9: {  	[sflag:s23] =	ssyncset.done $0x0  }
0xaa: {  	s25 =	simm.s32 $0x1B8E;
	s24 =	sld [smem:$0x3FFE];
	[sflag:s23] =	ssyncadd.s32 $0xFFFFFFFF  }
0xab: {  	s26 =	simm.s32 $execute0_lowered;
	[smem:$0x3FD2] =	sst s25  }
0xac: {  	s6 =	sshll.u32 s26, $0x1;
	_ =	strace $0x80000046;
	[dreg:$0x1] =	wrdreg $0xFFFFFFFF  }
0xad: {  	s28 =	simm.s32 $_size_execute0_lowered;
	s4 =	sadd.s32 s4, s6;
	[dreg:$0x0] =	wrdreg $0x0  }
0xae: {  	s6 =	sshll.u32 s28, $0x1;
	[dreg:$0x2] =	wrdreg s4  }
0xaf: {  	[dreg:$0x3] =	wrdreg s6  }
0xb0: {  	[dreg:$0x4] =	wrdreg $0xC0  }
0xb1: {  	_ =	task [dreg:s8], $0x5FFFF  }
0xb2: {  	[dreg:$0x1] =	wrdreg $0xFFFFFFFF  }
0xb3: {  	[dreg:$0x0] =	wrdreg $0x60  }
0xb4: {  	[dreg:$0x2] =	wrdreg s17  }
0xb5: {  	[dreg:$0x3] =	wrdreg s16  }
0xb6: {  	[dreg:$0x4] =	wrdreg s24  }
0xb7: {  	[dreg:$0x5] =	wrdreg $0x9  }
0xb8: {  	_ =	task.clear_ibuf [dreg:s8], $0x6FFFF;
	_ =	strace $0x90000046  }
0xb9: {  	s29 =	simm.s32 $0x9;
	_ =	strace $0x80000048  }
0xba: {  	_ =	swait.ge [sflag:s29], $0x1  }
0xbb: {  	[sflag:s29] =	ssyncadd.s32 $0xFFFFFFFF  }
0xbc: {  	_ =	strace $0x90000048  }
0xbd: {  	_ =	sfence  }
0xbe: {  	s30 =	sld [smem:$0x0];
	_ =	sdelay $0x2  }
0xbf: {  	s31 =	sshll.u32 s1, $0xD;
	s1 =	sshrl.u32 s1, $0x2  }
0xc0: {  	s3 =	sand.u32 $0x4000, s31;
	s1 =	sadd.s32 s1, s30  }
0xc1: {  	s0 =	sor.u32 s3, s0;
	s1 =	sshll.u32 s1, $0x11  }
0xc2: {  	s0 =	sor.u32 s1, s0  }
0xc3: {  	s0 =	sadd.s32 $0x8F2B, s0  }
0xc4: {  	[sflag:s0] =	ssyncadd.remote.s32 $0x1  }
0xc5: {  	_ =	sfence.sel $0xFFFF  }
0xc6: {  	[dreg:$0x0] =	wrdreg $0xFFFFFFFF;
	(pc) =	sbr.abs _section_cstart, $3  }
0xc7: {  	[dreg:$0x1] =	wrdreg $0xFFFFFFFF  }
0xc8: {  	_ =	task.clear_ibuf [dreg:s8], $0x2FFFF;
	_ =	strace $0x9FFFFFFF  }
0xc9: {  	(tm) =	ssettm $0x7FFFFFFF  }
tec
execute0_lowered:
.L_overlay_start_1:
0x0: {  	(tag) =	ssettag $0x1  }
0x1: {  	s1 =	rddreg [dreg:$0x0]  }
0x2: {  	s3 =	rddreg [dreg:$0x1];
	s0 =	srdreg.scid  }
0x3: {  	s4 =	stileid.u32;
	s2 =	rddreg [dreg:$0x2]  }
0x4: {  	s28 =	simm.s32 $0xC700;
	s0 =	sand.u32 $0x1, s0;
	s5 =	sshll.u32 s4, $0x1  }
0x5: {  	s29 =	simm.s32 $0x1;
	s4 =	simm.s32 $0x0;
	s7 =	sor.u32 s0, s5  }
0x6: {  	s31 =	simm.s32 $0xEF00;
	[smem:$0x7FF] =	sst s4;
	s5 =	smul.u32 $0x2710, s7  }
0x7: {  	s30 =	simm.s32 $0x16700;
	s0 =	ssub.s32 $0x2, s0;
	_ =	strace $0x80000047  }
0x8: {  	s8 =	smul.u32 $0x138800, s7;
	s16 =	sshrl.u32 s0, $0x1;
	s6 =	sshrl.u32 s5, $0x3  }
0x9: {  	s17 =	smul.u32 $0x27100, s7;
	s0 =	ssub.s32 s0, s16;
	s9 =	sadd.s32 s6, s2  }
0xa: {  	s18 =	sshrl.u32 s8, $0x3;
	s13 =	sadd.s32 $0x50, s5;
	s19 =	sadd.s32 $0x3A00, s9  }
0xb: {  	s6 =	sadd.s32 $0x17800, s2;
	s20 =	sadd.s32 $0xD800, s9;
	[dreg:$0x4] =	wrdreg s19  }
0xc: {  	s7 =	sadd.s32 s6, s18;
	s2 =	sadd.s32 s6, s17;
	[dreg:$0x5] =	wrdreg s20  }
0xd: {  	s8 =	simm.s32 $0x0;
	[dreg:$0x6] =	wrdreg s2;
	s21 =	sadd.s32 $0x500, s7  }
0xe: {  	s22 =	sadd.s32 $0xA00, s7;
	s23 =	sadd.s32 $0xF00, s7;
	[dreg:$0x7] =	wrdreg s21  }
0xf: {  	s24 =	sadd.s32 $0x25800, s7;
	s25 =	sadd.s32 $0x25D00, s7;
	[dreg:$0x8] =	wrdreg s22  }
0x10: {  	s26 =	sadd.s32 $0x26200, s7;
	s17 =	sadd.s32 $0x26700, s7;
	[dreg:$0x9] =	wrdreg s23  }
0x11: {  	s18 =	sadd.s32 $0x26C00, s7;
	s19 =	smax.u32 s0, $0x1;
	[dreg:$0xa] =	wrdreg s24  }
0x12: {  	s20 =	simm.s32 $0x5;
	s0 =	simm.s32 $0x11700;
	[dreg:$0xb] =	wrdreg s25  }
0x13: {  	s2 =	simm.s32 $0x13F00;
	s7 =	simm.s32 $0x4;
	[dreg:$0xc] =	wrdreg s26  }
0x14: {  	s22 =	simm.s32 $0x50;
	s23 =	simm.s32 $0x4F00;
	s24 =	simm.s32 $0x7700  }
0x15: {  	s25 =	simm.s32 $0x9F00;
	s26 =	simm.s32 $0x2;
	s21 =	simm.s32 $0x3  }
.LBB2_1:
0x16: {  	s9 =	rddreg [dreg:$0x4]  }
0x17: {  	[tilespmem:s4], [sflag:$0x5] =	stream.linear.gather [hbm4b:s9+s4], $0x2710, $0x38;
	[tilespmem:$0x18F00] =	vst v63  }
0x18: {  	_ =	swait.ge [sflag:s20], $0x2710  }
0x19: {  	[sflag:s20] =	ssyncset.done $0x0  }
0x1a: {  	s10 =	simm.s32 $0x2780;
	s15 =	rddreg [dreg:$0x5];
	[sflag:s20] =	ssyncadd.s32 $0xFFFFD8F0  }
0x1b: {  	[tilespmem:s10], [sflag:$0x5] =	stream.linear.gather [hbm4b:s15+s4], $0x2710, $0x38;
	[tilespmem:$0x18F00] =	vst v63  }
0x1c: {  	_ =	swait.ge [sflag:s20], $0x2710  }
0x1d: {  	[sflag:s20] =	ssyncset.done $0x0  }
0x1e: {  	[sflag:s20] =	ssyncadd.s32 $0xFFFFD8F0  }
0x1f: {  	[tilespmem:s23], [sflag:$0x1] =	stream.indirect.gather [hbm4b:s1+s22], $0x80, s4, s22, $0xb8;
	[tilespmem:$0x18F00] =	vst v63  }
0x20: {  	_ = 	snop  }
0x21: {  	[tilespmem:s24], [sflag:$0x1] =	stream.indirect.gather [hbm4b:s3+s22], $0x80, s10, s22, $0xb8;
	[tilespmem:$0x18F00] =	vst v63  }
0x22: {  	_ = 	snop  }
0x23: {  	[tilespmem:s25], [sflag:$0x2] =	stream.indirect.gather [hbm4b:s1+s22], $0x80, s22, s22, $0xb8;
	[tilespmem:$0x18F00] =	vst v63  }
0x24: {  	s16 =	simm.s32 $0x27D0  }
0x25: {  	[tilespmem:s28], [sflag:$0x2] =	stream.indirect.gather [hbm4b:s3+s22], $0x80, s16, s22, $0xb8;
	[tilespmem:$0x18F00] =	vst v63  }
0x26: {  	_ =	swait.ge [sflag:s29], $0x2800  }
0x27: {  	[sflag:s29] =	ssyncset.done $0x0  }
0x28: {  	[sflag:s29] =	ssyncadd.s32 $0xFFFFD800  }
0x29: {  	_ =	swait.ge [sflag:s29], $0x2800  }
0x2a: {  	[sflag:s29] =	ssyncset.done $0x0  }
0x2b: {  	s9 =	simm.s32 $0x40;
	[sflag:s29] =	ssyncadd.s32 $0xFFFFD800  }
0x2c: {  	v7 =	vld [tilespmem:s9+$0x76C0]  }
0x2d: {  	v11 =	vld [tilespmem:s9+$0x76D0]  }
0x2e: {  	v5 =	vld [tilespmem:s9+$0x76E0]  }
0x2f: {  	v4 =	vld [tilespmem:s9+$0x76F0]  }
0x30: {  	v3 =	vld [tilespmem:s9+$0x7700]  }
0x31: {  	v2 =	vld [tilespmem:s9+$0x7710]  }
0x32: {  	v1 =	vld [tilespmem:s9+$0x7720]  }
0x33: {  	v0 =	vld [tilespmem:s9+$0x7730]  }
0x34: {  	v12 =	vld [tilespmem:s9+$0x4EC0]  }
0x35: {  	v13 =	vld [tilespmem:s9+$0x4ED0]  }
0x36: {  	v10 =	vld [tilespmem:s9+$0x4EE0]  }
0x37: {  	v9 =	vld [tilespmem:s9+$0x4EF0]  }
0x38: {  	v8 =	vld [tilespmem:s9+$0x4F00]  }
0x39: {  	v6 =	vld [tilespmem:s9+$0x4F10];
	v12 =	vadd.f32 v7, v12  }
0x3a: {  	s10 =	simm.s32 $0x300;
	v11 =	vadd.f32 v11, v13;
	v7 =	vld [tilespmem:s9+$0x4F20]  }
.LBB2_2:
0x3b: {  	s11 =	sshra.s32 s10, $0x2;
	p0 =	sne.s32 s10, $0x9F00;
	[tilespmem:s9+$0x4EC0] =	vst v12;
	v5 =	vadd.f32 v5, v10;
	v10 =	vld [tilespmem:s9+$0x4F30]  }
0x3c: {  	v12 =	vld [tilespmem:s11+$0x76C0];
	[tilespmem:s9+$0x4ED0] =	vst v11;
	v4 =	vadd.f32 v4, v9  }
0x3d: {  	v11 =	vld [tilespmem:s11+$0x76D0];
	[tilespmem:s9+$0x4EE0] =	vst v5;
	v3 =	vadd.f32 v3, v8  }
0x3e: {  	v5 =	vld [tilespmem:s11+$0x76E0];
	[tilespmem:s9+$0x4EF0] =	vst v4;
	v2 =	vadd.f32 v2, v6  }
0x3f: {  	v4 =	vld [tilespmem:s11+$0x76F0];
	[tilespmem:s9+$0x4F00] =	vst v3;
	v1 =	vadd.f32 v1, v7  }
0x40: {  	v3 =	vld [tilespmem:s11+$0x7700];
	[tilespmem:s9+$0x4F10] =	vst v2;
	v0 =	vadd.f32 v0, v10  }
0x41: {  	v2 =	vld [tilespmem:s11+$0x7710];
	[tilespmem:s9+$0x4F20] =	vst v1  }
0x42: {  	v1 =	vld [tilespmem:s11+$0x7720];
	[tilespmem:s9+$0x4F30] =	vst v0;
	s9 =	smov.u32 s11  }
0x43: {  	v0 =	vld [tilespmem:s9+$0x7730]  }
0x44: {  	v6 =	vld [tilespmem:s9+$0x4EC0]  }
0x45: {  	v7 =	vld [tilespmem:s9+$0x4ED0]  }
.Ltmp0:
0x46: {  	v10 =	vld [tilespmem:s9+$0x4EE0];
	(pc) =	sbr.rel @p0 .LBB2_2-.Ltmp0, $4  }
0x47: {  	v9 =	vld [tilespmem:s9+$0x4EF0]  }
0x48: {  	v8 =	vld [tilespmem:s9+$0x4F00]  }
0x49: {  	v12 =	vadd.f32 v12, v6;
	v6 =	vld [tilespmem:s9+$0x4F10]  }
0x4a: {  	s10 =	sadd.s32 $0x200, s10;
	v11 =	vadd.f32 v11, v7;
	v7 =	vld [tilespmem:s9+$0x4F20]  }
0x4b: {  	[tilespmem:s9+$0x4EC0] =	vst v12;
	v5 =	vadd.f32 v5, v10;
	v10 =	vld [tilespmem:s9+$0x4F30]  }
0x4c: {  	[tilespmem:s9+$0x4ED0] =	vst v11;
	v4 =	vadd.f32 v4, v9  }
0x4d: {  	[tilespmem:s9+$0x4EE0] =	vst v5;
	v3 =	vadd.f32 v3, v8  }
0x4e: {  	[tilespmem:s9+$0x4EF0] =	vst v4;
	v2 =	vadd.f32 v2, v6  }
0x4f: {  	[tilespmem:s9+$0x4F00] =	vst v3;
	v1 =	vadd.f32 v1, v7  }
0x50: {  	[tilespmem:s9+$0x4F10] =	vst v2;
	v0 =	vadd.f32 v0, v10  }
0x51: {  	[tilespmem:s9+$0x4F20] =	vst v1  }
0x52: {  	s14 =	rddreg [dreg:$0x6];
	[tilespmem:s9+$0x4F30] =	vst v0  }
0x53: {  	[hbm4b:s14+s4] =	stream.linear.scatter [tilespmem:s23], [sflag:$0x5], $0x2800, $0x38;
	[tilespmem:$0x18F00] =	vst v63  }
0x54: {  	_ =	swait.ge [sflag:s20], $0x2800  }
0x55: {  	[sflag:s20] =	ssyncset.done $0x0  }
0x56: {  	s15 =	simm.s32 $0xA0;
	[sflag:s20] =	ssyncadd.s32 $0xFFFFD800  }
0x57: {  	[tilespmem:s31], [sflag:$0x3] =	stream.indirect.gather [hbm4b:s1+s22], $0x80, s15, s22, $0xb8;
	[tilespmem:$0x18F00] =	vst v63  }
0x58: {  	s16 =	simm.s32 $0x2820  }
0x59: {  	[tilespmem:s0], [sflag:$0x3] =	stream.indirect.gather [hbm4b:s3+s22], $0x80, s16, s22, $0xb8;
	[tilespmem:$0x18F00] =	vst v63  }
0x5a: {  	_ =	swait.ge [sflag:s26], $0x2800  }
0x5b: {  	[sflag:s26] =	ssyncset.done $0x0  }
0x5c: {  	[sflag:s26] =	ssyncadd.s32 $0xFFFFD800  }
0x5d: {  	_ =	swait.ge [sflag:s26], $0x2800  }
0x5e: {  	[sflag:s26] =	ssyncset.done $0x0  }
0x5f: {  	s9 =	simm.s32 $0x40;
	[sflag:s26] =	ssyncadd.s32 $0xFFFFD800  }
0x60: {  	v7 =	vld [tilespmem:s9+$0xC6C0]  }
0x61: {  	v11 =	vld [tilespmem:s9+$0xC6D0]  }
0x62: {  	v5 =	vld [tilespmem:s9+$0xC6E0]  }
0x63: {  	v4 =	vld [tilespmem:s9+$0xC6F0]  }
0x64: {  	v3 =	vld [tilespmem:s9+$0xC700]  }
0x65: {  	v2 =	vld [tilespmem:s9+$0xC710]  }
0x66: {  	v1 =	vld [tilespmem:s9+$0xC720]  }
0x67: {  	v0 =	vld [tilespmem:s9+$0xC730]  }
0x68: {  	v12 =	vld [tilespmem:s9+$0x9EC0]  }
0x69: {  	v13 =	vld [tilespmem:s9+$0x9ED0]  }
0x6a: {  	v10 =	vld [tilespmem:s9+$0x9EE0]  }
0x6b: {  	v9 =	vld [tilespmem:s9+$0x9EF0]  }
0x6c: {  	v8 =	vld [tilespmem:s9+$0x9F00]  }
0x6d: {  	v6 =	vld [tilespmem:s9+$0x9F10];
	v12 =	vadd.f32 v7, v12  }
0x6e: {  	s10 =	simm.s32 $0x300;
	v11 =	vadd.f32 v11, v13;
	v7 =	vld [tilespmem:s9+$0x9F20]  }
.LBB2_4:
0x6f: {  	s11 =	sshra.s32 s10, $0x2;
	p0 =	sne.s32 s10, $0x9F00;
	[tilespmem:s9+$0x9EC0] =	vst v12;
	v5 =	vadd.f32 v5, v10;
	v10 =	vld [tilespmem:s9+$0x9F30]  }
0x70: {  	v12 =	vld [tilespmem:s11+$0xC6C0];
	[tilespmem:s9+$0x9ED0] =	vst v11;
	v4 =	vadd.f32 v4, v9  }
0x71: {  	v11 =	vld [tilespmem:s11+$0xC6D0];
	[tilespmem:s9+$0x9EE0] =	vst v5;
	v3 =	vadd.f32 v3, v8  }
0x72: {  	v5 =	vld [tilespmem:s11+$0xC6E0];
	[tilespmem:s9+$0x9EF0] =	vst v4;
	v2 =	vadd.f32 v2, v6  }
0x73: {  	v4 =	vld [tilespmem:s11+$0xC6F0];
	[tilespmem:s9+$0x9F00] =	vst v3;
	v1 =	vadd.f32 v1, v7  }
0x74: {  	v3 =	vld [tilespmem:s11+$0xC700];
	[tilespmem:s9+$0x9F10] =	vst v2;
	v0 =	vadd.f32 v0, v10  }
0x75: {  	v2 =	vld [tilespmem:s11+$0xC710];
	[tilespmem:s9+$0x9F20] =	vst v1  }
0x76: {  	v1 =	vld [tilespmem:s11+$0xC720];
	[tilespmem:s9+$0x9F30] =	vst v0;
	s9 =	smov.u32 s11  }
0x77: {  	v0 =	vld [tilespmem:s9+$0xC730]  }
0x78: {  	v6 =	vld [tilespmem:s9+$0x9EC0]  }
0x79: {  	v7 =	vld [tilespmem:s9+$0x9ED0]  }
.Ltmp1:
0x7a: {  	v10 =	vld [tilespmem:s9+$0x9EE0];
	(pc) =	sbr.rel @p0 .LBB2_4-.Ltmp1, $4  }
0x7b: {  	v9 =	vld [tilespmem:s9+$0x9EF0]  }
0x7c: {  	v8 =	vld [tilespmem:s9+$0x9F00]  }
0x7d: {  	v12 =	vadd.f32 v12, v6;
	v6 =	vld [tilespmem:s9+$0x9F10]  }
0x7e: {  	s10 =	sadd.s32 $0x200, s10;
	v11 =	vadd.f32 v11, v7;
	v7 =	vld [tilespmem:s9+$0x9F20]  }
0x7f: {  	[tilespmem:s9+$0x9EC0] =	vst v12;
	v5 =	vadd.f32 v5, v10;
	v10 =	vld [tilespmem:s9+$0x9F30]  }
0x80: {  	[tilespmem:s9+$0x9ED0] =	vst v11;
	v4 =	vadd.f32 v4, v9  }
0x81: {  	[tilespmem:s9+$0x9EE0] =	vst v5;
	v3 =	vadd.f32 v3, v8  }
0x82: {  	[tilespmem:s9+$0x9EF0] =	vst v4;
	v2 =	vadd.f32 v2, v6  }
0x83: {  	[tilespmem:s9+$0x9F00] =	vst v3;
	v1 =	vadd.f32 v1, v7  }
0x84: {  	[tilespmem:s9+$0x9F10] =	vst v2;
	v0 =	vadd.f32 v0, v10  }
0x85: {  	[tilespmem:s9+$0x9F20] =	vst v1  }
0x86: {  	s14 =	rddreg [dreg:$0x7];
	[tilespmem:s9+$0x9F30] =	vst v0  }
0x87: {  	[hbm4b:s14+s4] =	stream.linear.scatter [tilespmem:s25], [sflag:$0x5], $0x2800, $0x38;
	[tilespmem:$0x18F00] =	vst v63  }
0x88: {  	_ =	swait.ge [sflag:s20], $0x2800  }
0x89: {  	[sflag:s20] =	ssyncset.done $0x0  }
0x8a: {  	s15 =	simm.s32 $0xF0;
	[sflag:s20] =	ssyncadd.s32 $0xFFFFD800  }
0x8b: {  	[tilespmem:s2], [sflag:$0x4] =	stream.indirect.gather [hbm4b:s1+s22], $0x80, s15, s22, $0xb8;
	[tilespmem:$0x18F00] =	vst v63  }
0x8c: {  	s16 =	simm.s32 $0x2870  }
0x8d: {  	[tilespmem:s30], [sflag:$0x4] =	stream.indirect.gather [hbm4b:s3+s22], $0x80, s16, s22, $0xb8;
	[tilespmem:$0x18F00] =	vst v63  }
0x8e: {  	_ =	swait.ge [sflag:s21], $0x2800  }
0x8f: {  	[sflag:s21] =	ssyncset.done $0x0  }
0x90: {  	[sflag:s21] =	ssyncadd.s32 $0xFFFFD800  }
0x91: {  	_ =	swait.ge [sflag:s21], $0x2800  }
0x92: {  	[sflag:s21] =	ssyncset.done $0x0  }
0x93: {  	s9 =	simm.s32 $0x40;
	[sflag:s21] =	ssyncadd.s32 $0xFFFFD800  }
0x94: {  	v7 =	vld [tilespmem:s9+$0x116C0]  }
0x95: {  	v11 =	vld [tilespmem:s9+$0x116D0]  }
0x96: {  	v5 =	vld [tilespmem:s9+$0x116E0]  }
0x97: {  	v4 =	vld [tilespmem:s9+$0x116F0]  }
0x98: {  	v3 =	vld [tilespmem:s9+$0x11700]  }
0x99: {  	v2 =	vld [tilespmem:s9+$0x11710]  }
0x9a: {  	v1 =	vld [tilespmem:s9+$0x11720]  }
0x9b: {  	v0 =	vld [tilespmem:s9+$0x11730]  }
0x9c: {  	v12 =	vld [tilespmem:s9+$0xEEC0]  }
0x9d: {  	v13 =	vld [tilespmem:s9+$0xEED0]  }
0x9e: {  	v10 =	vld [tilespmem:s9+$0xEEE0]  }
0x9f: {  	v9 =	vld [tilespmem:s9+$0xEEF0]  }
0xa0: {  	v8 =	vld [tilespmem:s9+$0xEF00]  }
0xa1: {  	v6 =	vld [tilespmem:s9+$0xEF10];
	v12 =	vadd.f32 v7, v12  }
0xa2: {  	s10 =	simm.s32 $0x300;
	v11 =	vadd.f32 v11, v13;
	v7 =	vld [tilespmem:s9+$0xEF20]  }
.LBB2_6:
0xa3: {  	s11 =	sshra.s32 s10, $0x2;
	p0 =	sne.s32 s10, $0x9F00;
	[tilespmem:s9+$0xEEC0] =	vst v12;
	v5 =	vadd.f32 v5, v10;
	v10 =	vld [tilespmem:s9+$0xEF30]  }
0xa4: {  	v12 =	vld [tilespmem:s11+$0x116C0];
	[tilespmem:s9+$0xEED0] =	vst v11;
	v4 =	vadd.f32 v4, v9  }
0xa5: {  	v11 =	vld [tilespmem:s11+$0x116D0];
	[tilespmem:s9+$0xEEE0] =	vst v5;
	v3 =	vadd.f32 v3, v8  }
0xa6: {  	v5 =	vld [tilespmem:s11+$0x116E0];
	[tilespmem:s9+$0xEEF0] =	vst v4;
	v2 =	vadd.f32 v2, v6  }
0xa7: {  	v4 =	vld [tilespmem:s11+$0x116F0];
	[tilespmem:s9+$0xEF00] =	vst v3;
	v1 =	vadd.f32 v1, v7  }
0xa8: {  	v3 =	vld [tilespmem:s11+$0x11700];
	[tilespmem:s9+$0xEF10] =	vst v2;
	v0 =	vadd.f32 v0, v10  }
0xa9: {  	v2 =	vld [tilespmem:s11+$0x11710];
	[tilespmem:s9+$0xEF20] =	vst v1  }
0xaa: {  	v1 =	vld [tilespmem:s11+$0x11720];
	[tilespmem:s9+$0xEF30] =	vst v0;
	s9 =	smov.u32 s11  }
0xab: {  	v0 =	vld [tilespmem:s9+$0x11730]  }
0xac: {  	v6 =	vld [tilespmem:s9+$0xEEC0]  }
0xad: {  	v7 =	vld [tilespmem:s9+$0xEED0]  }
.Ltmp2:
0xae: {  	v10 =	vld [tilespmem:s9+$0xEEE0];
	(pc) =	sbr.rel @p0 .LBB2_6-.Ltmp2, $4  }
0xaf: {  	v9 =	vld [tilespmem:s9+$0xEEF0]  }
0xb0: {  	v8 =	vld [tilespmem:s9+$0xEF00]  }
0xb1: {  	v12 =	vadd.f32 v12, v6;
	v6 =	vld [tilespmem:s9+$0xEF10]  }
0xb2: {  	s10 =	sadd.s32 $0x200, s10;
	v11 =	vadd.f32 v11, v7;
	v7 =	vld [tilespmem:s9+$0xEF20]  }
0xb3: {  	[tilespmem:s9+$0xEEC0] =	vst v12;
	v5 =	vadd.f32 v5, v10;
	v10 =	vld [tilespmem:s9+$0xEF30]  }
0xb4: {  	[tilespmem:s9+$0xEED0] =	vst v11;
	v4 =	vadd.f32 v4, v9  }
0xb5: {  	[tilespmem:s9+$0xEEE0] =	vst v5;
	v3 =	vadd.f32 v3, v8  }
0xb6: {  	[tilespmem:s9+$0xEEF0] =	vst v4;
	v2 =	vadd.f32 v2, v6  }
0xb7: {  	[tilespmem:s9+$0xEF00] =	vst v3;
	v1 =	vadd.f32 v1, v7  }
0xb8: {  	[tilespmem:s9+$0xEF10] =	vst v2;
	v0 =	vadd.f32 v0, v10  }
0xb9: {  	[tilespmem:s9+$0xEF20] =	vst v1  }
0xba: {  	s14 =	rddreg [dreg:$0x8];
	[tilespmem:s9+$0xEF30] =	vst v0  }
0xbb: {  	[hbm4b:s14+s4] =	stream.linear.scatter [tilespmem:s31], [sflag:$0x5], $0x2800, $0x38;
	[tilespmem:$0x18F00] =	vst v63  }
0xbc: {  	_ =	swait.ge [sflag:s20], $0x2800  }
0xbd: {  	[sflag:s20] =	ssyncset.done $0x0  }
0xbe: {  	s15 =	simm.s32 $0x140;
	[sflag:s20] =	ssyncadd.s32 $0xFFFFD800  }
0xbf: {  	[tilespmem:s23], [sflag:$0x1] =	stream.indirect.gather [hbm4b:s1+s22], $0x80, s15, s22, $0xb8;
	[tilespmem:$0x18F00] =	vst v63  }
0xc0: {  	s16 =	simm.s32 $0x28C0  }
0xc1: {  	[tilespmem:s24], [sflag:$0x1] =	stream.indirect.gather [hbm4b:s3+s22], $0x80, s16, s22, $0xb8;
	[tilespmem:$0x18F00] =	vst v63  }
0xc2: {  	_ =	swait.ge [sflag:s7], $0x2800  }
0xc3: {  	[sflag:s7] =	ssyncset.done $0x0  }
0xc4: {  	[sflag:s7] =	ssyncadd.s32 $0xFFFFD800  }
0xc5: {  	_ =	swait.ge [sflag:s7], $0x2800  }
0xc6: {  	[sflag:s7] =	ssyncset.done $0x0  }
0xc7: {  	s9 =	simm.s32 $0x40;
	[sflag:s7] =	ssyncadd.s32 $0xFFFFD800  }
0xc8: {  	v7 =	vld [tilespmem:s9+$0x166C0]  }
0xc9: {  	v11 =	vld [tilespmem:s9+$0x166D0]  }
0xca: {  	v5 =	vld [tilespmem:s9+$0x166E0]  }
0xcb: {  	v4 =	vld [tilespmem:s9+$0x166F0]  }
0xcc: {  	v3 =	vld [tilespmem:s9+$0x16700]  }
0xcd: {  	v2 =	vld [tilespmem:s9+$0x16710]  }
0xce: {  	v1 =	vld [tilespmem:s9+$0x16720]  }
0xcf: {  	v0 =	vld [tilespmem:s9+$0x16730]  }
0xd0: {  	v12 =	vld [tilespmem:s9+$0x13EC0]  }
0xd1: {  	v13 =	vld [tilespmem:s9+$0x13ED0]  }
0xd2: {  	v10 =	vld [tilespmem:s9+$0x13EE0]  }
0xd3: {  	v9 =	vld [tilespmem:s9+$0x13EF0]  }
0xd4: {  	v8 =	vld [tilespmem:s9+$0x13F00]  }
0xd5: {  	v6 =	vld [tilespmem:s9+$0x13F10];
	v12 =	vadd.f32 v7, v12  }
0xd6: {  	s10 =	simm.s32 $0x300;
	v11 =	vadd.f32 v11, v13;
	v7 =	vld [tilespmem:s9+$0x13F20]  }
.LBB2_8:
0xd7: {  	s11 =	sshra.s32 s10, $0x2;
	p0 =	sne.s32 s10, $0x9F00;
	[tilespmem:s9+$0x13EC0] =	vst v12;
	v5 =	vadd.f32 v5, v10;
	v10 =	vld [tilespmem:s9+$0x13F30]  }
0xd8: {  	v12 =	vld [tilespmem:s11+$0x166C0];
	[tilespmem:s9+$0x13ED0] =	vst v11;
	v4 =	vadd.f32 v4, v9  }
0xd9: {  	v11 =	vld [tilespmem:s11+$0x166D0];
	[tilespmem:s9+$0x13EE0] =	vst v5;
	v3 =	vadd.f32 v3, v8  }
0xda: {  	v5 =	vld [tilespmem:s11+$0x166E0];
	[tilespmem:s9+$0x13EF0] =	vst v4;
	v2 =	vadd.f32 v2, v6  }
0xdb: {  	v4 =	vld [tilespmem:s11+$0x166F0];
	[tilespmem:s9+$0x13F00] =	vst v3;
	v1 =	vadd.f32 v1, v7  }
0xdc: {  	v3 =	vld [tilespmem:s11+$0x16700];
	[tilespmem:s9+$0x13F10] =	vst v2;
	v0 =	vadd.f32 v0, v10  }
0xdd: {  	v2 =	vld [tilespmem:s11+$0x16710];
	[tilespmem:s9+$0x13F20] =	vst v1  }
0xde: {  	v1 =	vld [tilespmem:s11+$0x16720];
	[tilespmem:s9+$0x13F30] =	vst v0;
	s9 =	smov.u32 s11  }
0xdf: {  	v0 =	vld [tilespmem:s9+$0x16730]  }
0xe0: {  	v6 =	vld [tilespmem:s9+$0x13EC0]  }
0xe1: {  	v7 =	vld [tilespmem:s9+$0x13ED0]  }
.Ltmp3:
0xe2: {  	v10 =	vld [tilespmem:s9+$0x13EE0];
	(pc) =	sbr.rel @p0 .LBB2_8-.Ltmp3, $4  }
0xe3: {  	v9 =	vld [tilespmem:s9+$0x13EF0]  }
0xe4: {  	v8 =	vld [tilespmem:s9+$0x13F00]  }
0xe5: {  	v12 =	vadd.f32 v12, v6;
	v6 =	vld [tilespmem:s9+$0x13F10]  }
0xe6: {  	s10 =	sadd.s32 $0x200, s10;
	v11 =	vadd.f32 v11, v7;
	v7 =	vld [tilespmem:s9+$0x13F20]  }
0xe7: {  	[tilespmem:s9+$0x13EC0] =	vst v12;
	v5 =	vadd.f32 v5, v10;
	v63 =	vld [tilespmem:s9+$0x13F30]  }
0xe8: {  	[tilespmem:s9+$0x13ED0] =	vst v11;
	v4 =	vadd.f32 v4, v9  }
0xe9: {  	[tilespmem:s9+$0x13EE0] =	vst v5;
	v3 =	vadd.f32 v3, v8  }
0xea: {  	[tilespmem:s9+$0x13EF0] =	vst v4;
	v2 =	vadd.f32 v2, v6  }
0xeb: {  	[tilespmem:s9+$0x13F00] =	vst v3;
	v1 =	vadd.f32 v1, v7  }
0xec: {  	[tilespmem:s9+$0x13F10] =	vst v2;
	v0 =	vadd.f32 v0, v63  }
0xed: {  	[tilespmem:s9+$0x13F20] =	vst v1  }
0xee: {  	s14 =	rddreg [dreg:$0x9];
	[tilespmem:s9+$0x13F30] =	vst v0  }
0xef: {  	[hbm4b:s14+s4] =	stream.linear.scatter [tilespmem:s2], [sflag:$0x5], $0x2800, $0x38;
	[tilespmem:$0x18F00] =	vst v63  }
0xf0: {  	_ =	swait.ge [sflag:s20], $0x2800  }
0xf1: {  	[sflag:s20] =	ssyncset.done $0x0  }
0xf2: {  	s15 =	simm.s32 $0x190;
	[sflag:s20] =	ssyncadd.s32 $0xFFFFD800  }
0xf3: {  	[tilespmem:s25], [sflag:$0x2] =	stream.indirect.gather [hbm4b:s1+s22], $0x80, s15, s22, $0xb8;
	[tilespmem:$0x18F00] =	vst v63  }
0xf4: {  	s16 =	simm.s32 $0x2910;
	s9 =	simm.s32 $0x1  }
0xf5: {  	[tilespmem:s28], [sflag:$0x2] =	stream.indirect.gather [hbm4b:s3+s22], $0x80, s16, s22, $0xb8;
	[tilespmem:$0x18F00] =	vst v63  }
.LBB2_10:
0xf6: {  	_ =	swait.ge [sflag:s29], $0x2800  }
0xf7: {  	[sflag:s29] =	ssyncset.done $0x0  }
0xf8: {  	[sflag:s29] =	ssyncadd.s32 $0xFFFFD800  }
0xf9: {  	_ =	swait.ge [sflag:s29], $0x2800  }
0xfa: {  	[sflag:s29] =	ssyncset.done $0x0  }
0xfb: {  	s11 =	simm.s32 $0x40;
	[sflag:s29] =	ssyncadd.s32 $0xFFFFD800  }
0xfc: {  	v6 =	vld [tilespmem:s11+$0x76C0]  }
0xfd: {  	v11 =	vld [tilespmem:s11+$0x76D0]  }
0xfe: {  	v5 =	vld [tilespmem:s11+$0x76E0]  }
0xff: {  	v4 =	vld [tilespmem:s11+$0x76F0]  }
0x100: {  	v3 =	vld [tilespmem:s11+$0x7700]  }
0x101: {  	v2 =	vld [tilespmem:s11+$0x7710]  }
0x102: {  	v1 =	vld [tilespmem:s11+$0x7720]  }
0x103: {  	v0 =	vld [tilespmem:s11+$0x7730]  }
0x104: {  	v12 =	vld [tilespmem:s11+$0x4EC0]  }
0x105: {  	v13 =	vld [tilespmem:s11+$0x4ED0]  }
0x106: {  	v10 =	vld [tilespmem:s11+$0x4EE0]  }
0x107: {  	v9 =	vld [tilespmem:s11+$0x4EF0]  }
0x108: {  	v8 =	vld [tilespmem:s11+$0x4F00]  }
0x109: {  	v7 =	vld [tilespmem:s11+$0x4F10];
	v12 =	vadd.f32 v6, v12  }
0x10a: {  	s10 =	simm.s32 $0x300;
	v11 =	vadd.f32 v11, v13;
	v6 =	vld [tilespmem:s11+$0x4F20]  }
.LBB2_11:
0x10b: {  	s12 =	sshra.s32 s10, $0x2;
	p0 =	sne.s32 s10, $0x9F00;
	[tilespmem:s11+$0x4EC0] =	vst v12;
	v5 =	vadd.f32 v5, v10;
	v10 =	vld [tilespmem:s11+$0x4F30]  }
0x10c: {  	v12 =	vld [tilespmem:s12+$0x76C0];
	[tilespmem:s11+$0x4ED0] =	vst v11;
	v4 =	vadd.f32 v4, v9  }
0x10d: {  	v11 =	vld [tilespmem:s12+$0x76D0];
	[tilespmem:s11+$0x4EE0] =	vst v5;
	v3 =	vadd.f32 v3, v8  }
0x10e: {  	v5 =	vld [tilespmem:s12+$0x76E0];
	[tilespmem:s11+$0x4EF0] =	vst v4;
	v2 =	vadd.f32 v2, v7  }
0x10f: {  	v4 =	vld [tilespmem:s12+$0x76F0];
	[tilespmem:s11+$0x4F00] =	vst v3;
	v1 =	vadd.f32 v1, v6  }
0x110: {  	v3 =	vld [tilespmem:s12+$0x7700];
	[tilespmem:s11+$0x4F10] =	vst v2;
	v0 =	vadd.f32 v0, v10  }
0x111: {  	v2 =	vld [tilespmem:s12+$0x7710];
	[tilespmem:s11+$0x4F20] =	vst v1  }
0x112: {  	v1 =	vld [tilespmem:s12+$0x7720];
	[tilespmem:s11+$0x4F30] =	vst v0;
	s11 =	smov.u32 s12  }
0x113: {  	v0 =	vld [tilespmem:s11+$0x7730]  }
0x114: {  	v6 =	vld [tilespmem:s11+$0x4EC0]  }
0x115: {  	v13 =	vld [tilespmem:s11+$0x4ED0]  }
.Ltmp4:
0x116: {  	v10 =	vld [tilespmem:s11+$0x4EE0];
	(pc) =	sbr.rel @p0 .LBB2_11-.Ltmp4, $4  }
0x117: {  	v9 =	vld [tilespmem:s11+$0x4EF0]  }
0x118: {  	v8 =	vld [tilespmem:s11+$0x4F00]  }
0x119: {  	v12 =	vadd.f32 v12, v6;
	v7 =	vld [tilespmem:s11+$0x4F10]  }
0x11a: {  	s10 =	sadd.s32 $0x200, s10;
	v11 =	vadd.f32 v11, v13;
	v6 =	vld [tilespmem:s11+$0x4F20]  }
0x11b: {  	[tilespmem:s11+$0x4EC0] =	vst v12;
	v5 =	vadd.f32 v5, v10;
	v10 =	vld [tilespmem:s11+$0x4F30]  }
0x11c: {  	[tilespmem:s11+$0x4ED0] =	vst v11;
	v4 =	vadd.f32 v4, v9  }
0x11d: {  	[tilespmem:s11+$0x4EE0] =	vst v5;
	v3 =	vadd.f32 v3, v8  }
0x11e: {  	s10 =	smul.u32 $0x140, s9;
	[tilespmem:s11+$0x4EF0] =	vst v4;
	v2 =	vadd.f32 v2, v7  }
0x11f: {  	[tilespmem:s11+$0x4F00] =	vst v3;
	v1 =	vadd.f32 v1, v6  }
0x120: {  	s12 =	sadd.s32 s5, s10;
	[tilespmem:s11+$0x4F10] =	vst v2;
	v0 =	vadd.f32 v0, v10  }
0x121: {  	s12 =	sshll.u32 s12, $0x4;
	[tilespmem:s11+$0x4F20] =	vst v1  }
0x122: {  	s15 =	sadd.s32 s6, s12;
	[tilespmem:s11+$0x4F30] =	vst v0  }
0x123: {  	[hbm4b:s15+s4] =	stream.linear.scatter [tilespmem:s23], [sflag:$0x5], $0x2800, $0x38;
	[tilespmem:$0x18F00] =	vst v63  }
0x124: {  	_ =	swait.ge [sflag:s20], $0x2800  }
0x125: {  	[sflag:s20] =	ssyncset.done $0x0  }
0x126: {  	s11 =	sadd.s32 $0xA0, s10;
	[sflag:s20] =	ssyncadd.s32 $0xFFFFD800  }
0x127: {  	[tilespmem:s31], [sflag:$0x3] =	stream.indirect.gather [hbm4b:s1+s22], $0x80, s11, s22, $0xb8;
	[tilespmem:$0x18F00] =	vst v63  }
0x128: {  	s16 =	sadd.s32 $0x2820, s10  }
0x129: {  	[tilespmem:s0], [sflag:$0x3] =	stream.indirect.gather [hbm4b:s3+s22], $0x80, s16, s22, $0xb8;
	[tilespmem:$0x18F00] =	vst v63  }
0x12a: {  	_ =	swait.ge [sflag:s26], $0x2800  }
0x12b: {  	[sflag:s26] =	ssyncset.done $0x0  }
0x12c: {  	[sflag:s26] =	ssyncadd.s32 $0xFFFFD800  }
0x12d: {  	_ =	swait.ge [sflag:s26], $0x2800  }
0x12e: {  	[sflag:s26] =	ssyncset.done $0x0  }
0x12f: {  	s12 =	simm.s32 $0x40;
	[sflag:s26] =	ssyncadd.s32 $0xFFFFD800  }
0x130: {  	v7 =	vld [tilespmem:s12+$0xC6C0]  }
0x131: {  	v11 =	vld [tilespmem:s12+$0xC6D0]  }
0x132: {  	v5 =	vld [tilespmem:s12+$0xC6E0]  }
0x133: {  	v4 =	vld [tilespmem:s12+$0xC6F0]  }
0x134: {  	v3 =	vld [tilespmem:s12+$0xC700]  }
0x135: {  	v2 =	vld [tilespmem:s12+$0xC710]  }
0x136: {  	v1 =	vld [tilespmem:s12+$0xC720]  }
0x137: {  	v0 =	vld [tilespmem:s12+$0xC730]  }
0x138: {  	v12 =	vld [tilespmem:s12+$0x9EC0]  }
0x139: {  	v13 =	vld [tilespmem:s12+$0x9ED0]  }
0x13a: {  	v10 =	vld [tilespmem:s12+$0x9EE0]  }
0x13b: {  	v9 =	vld [tilespmem:s12+$0x9EF0]  }
0x13c: {  	v8 =	vld [tilespmem:s12+$0x9F00]  }
0x13d: {  	v6 =	vld [tilespmem:s12+$0x9F10];
	v12 =	vadd.f32 v7, v12  }
0x13e: {  	s14 =	simm.s32 $0x300;
	v11 =	vadd.f32 v11, v13;
	v7 =	vld [tilespmem:s12+$0x9F20]  }
.LBB2_13:
0x13f: {  	s15 =	sshra.s32 s14, $0x2;
	p0 =	sne.s32 s14, $0x9F00;
	[tilespmem:s12+$0x9EC0] =	vst v12;
	v5 =	vadd.f32 v5, v10;
	v10 =	vld [tilespmem:s12+$0x9F30]  }
0x140: {  	v12 =	vld [tilespmem:s15+$0xC6C0];
	[tilespmem:s12+$0x9ED0] =	vst v11;
	v4 =	vadd.f32 v4, v9  }
0x141: {  	v11 =	vld [tilespmem:s15+$0xC6D0];
	[tilespmem:s12+$0x9EE0] =	vst v5;
	v3 =	vadd.f32 v3, v8  }
0x142: {  	v5 =	vld [tilespmem:s15+$0xC6E0];
	[tilespmem:s12+$0x9EF0] =	vst v4;
	v2 =	vadd.f32 v2, v6  }
0x143: {  	v4 =	vld [tilespmem:s15+$0xC6F0];
	[tilespmem:s12+$0x9F00] =	vst v3;
	v1 =	vadd.f32 v1, v7  }
0x144: {  	v3 =	vld [tilespmem:s15+$0xC700];
	[tilespmem:s12+$0x9F10] =	vst v2;
	v0 =	vadd.f32 v0, v10  }
0x145: {  	v2 =	vld [tilespmem:s15+$0xC710];
	[tilespmem:s12+$0x9F20] =	vst v1  }
0x146: {  	v1 =	vld [tilespmem:s15+$0xC720];
	[tilespmem:s12+$0x9F30] =	vst v0;
	s12 =	smov.u32 s15  }
0x147: {  	v0 =	vld [tilespmem:s12+$0xC730]  }
0x148: {  	v6 =	vld [tilespmem:s12+$0x9EC0]  }
0x149: {  	v7 =	vld [tilespmem:s12+$0x9ED0]  }
.Ltmp5:
0x14a: {  	v10 =	vld [tilespmem:s12+$0x9EE0];
	(pc) =	sbr.rel @p0 .LBB2_13-.Ltmp5, $4  }
0x14b: {  	v9 =	vld [tilespmem:s12+$0x9EF0]  }
0x14c: {  	v8 =	vld [tilespmem:s12+$0x9F00]  }
0x14d: {  	v12 =	vadd.f32 v12, v6;
	v6 =	vld [tilespmem:s12+$0x9F10]  }
0x14e: {  	s14 =	sadd.s32 $0x200, s14;
	v11 =	vadd.f32 v11, v7;
	v7 =	vld [tilespmem:s12+$0x9F20]  }
0x14f: {  	[tilespmem:s12+$0x9EC0] =	vst v12;
	v5 =	vadd.f32 v5, v10;
	v10 =	vld [tilespmem:s12+$0x9F30]  }
0x150: {  	[tilespmem:s12+$0x9ED0] =	vst v11;
	v4 =	vadd.f32 v4, v9  }
0x151: {  	[tilespmem:s12+$0x9EE0] =	vst v5;
	v3 =	vadd.f32 v3, v8  }
0x152: {  	[tilespmem:s12+$0x9EF0] =	vst v4;
	v2 =	vadd.f32 v2, v6  }
0x153: {  	[tilespmem:s12+$0x9F00] =	vst v3;
	v1 =	vadd.f32 v1, v7  }
0x154: {  	s14 =	sadd.s32 s10, s13;
	[tilespmem:s12+$0x9F10] =	vst v2;
	v0 =	vadd.f32 v0, v10  }
0x155: {  	s14 =	sshll.u32 s14, $0x4;
	[tilespmem:s12+$0x9F20] =	vst v1  }
0x156: {  	s15 =	sadd.s32 s6, s14;
	[tilespmem:s12+$0x9F30] =	vst v0  }
0x157: {  	[hbm4b:s15+s4] =	stream.linear.scatter [tilespmem:s25], [sflag:$0x5], $0x2800, $0x38;
	[tilespmem:$0x18F00] =	vst v63  }
0x158: {  	_ =	swait.ge [sflag:s20], $0x2800  }
0x159: {  	[sflag:s20] =	ssyncset.done $0x0  }
0x15a: {  	s12 =	sadd.s32 $0xF0, s10;
	[sflag:s20] =	ssyncadd.s32 $0xFFFFD800  }
0x15b: {  	[tilespmem:s2], [sflag:$0x4] =	stream.indirect.gather [hbm4b:s1+s22], $0x80, s12, s22, $0xb8;
	[tilespmem:$0x18F00] =	vst v63  }
0x15c: {  	s16 =	sadd.s32 $0x2870, s10  }
0x15d: {  	[tilespmem:s30], [sflag:$0x4] =	stream.indirect.gather [hbm4b:s3+s22], $0x80, s16, s22, $0xb8;
	[tilespmem:$0x18F00] =	vst v63  }
0x15e: {  	_ =	swait.ge [sflag:s21], $0x2800  }
0x15f: {  	[sflag:s21] =	ssyncset.done $0x0  }
0x160: {  	[sflag:s21] =	ssyncadd.s32 $0xFFFFD800  }
0x161: {  	_ =	swait.ge [sflag:s21], $0x2800  }
0x162: {  	[sflag:s21] =	ssyncset.done $0x0  }
0x163: {  	s14 =	simm.s32 $0x40;
	[sflag:s21] =	ssyncadd.s32 $0xFFFFD800  }
0x164: {  	v7 =	vld [tilespmem:s14+$0x116C0]  }
0x165: {  	v11 =	vld [tilespmem:s14+$0x116D0]  }
0x166: {  	v5 =	vld [tilespmem:s14+$0x116E0]  }
0x167: {  	v4 =	vld [tilespmem:s14+$0x116F0]  }
0x168: {  	v3 =	vld [tilespmem:s14+$0x11700]  }
0x169: {  	v2 =	vld [tilespmem:s14+$0x11710]  }
0x16a: {  	v1 =	vld [tilespmem:s14+$0x11720]  }
0x16b: {  	v0 =	vld [tilespmem:s14+$0x11730]  }
0x16c: {  	v12 =	vld [tilespmem:s14+$0xEEC0]  }
0x16d: {  	v13 =	vld [tilespmem:s14+$0xEED0]  }
0x16e: {  	v10 =	vld [tilespmem:s14+$0xEEE0]  }
0x16f: {  	v9 =	vld [tilespmem:s14+$0xEEF0]  }
0x170: {  	v8 =	vld [tilespmem:s14+$0xEF00]  }
0x171: {  	v6 =	vld [tilespmem:s14+$0xEF10];
	v12 =	vadd.f32 v7, v12  }
0x172: {  	s15 =	simm.s32 $0x300;
	v11 =	vadd.f32 v11, v13;
	v7 =	vld [tilespmem:s14+$0xEF20]  }
.LBB2_15:
0x173: {  	s16 =	sshra.s32 s15, $0x2;
	p0 =	sne.s32 s15, $0x9F00;
	[tilespmem:s14+$0xEEC0] =	vst v12;
	v5 =	vadd.f32 v5, v10;
	v10 =	vld [tilespmem:s14+$0xEF30]  }
0x174: {  	v12 =	vld [tilespmem:s16+$0x116C0];
	[tilespmem:s14+$0xEED0] =	vst v11;
	v4 =	vadd.f32 v4, v9  }
0x175: {  	v11 =	vld [tilespmem:s16+$0x116D0];
	[tilespmem:s14+$0xEEE0] =	vst v5;
	v3 =	vadd.f32 v3, v8  }
0x176: {  	v5 =	vld [tilespmem:s16+$0x116E0];
	[tilespmem:s14+$0xEEF0] =	vst v4;
	v2 =	vadd.f32 v2, v6  }
0x177: {  	v4 =	vld [tilespmem:s16+$0x116F0];
	[tilespmem:s14+$0xEF00] =	vst v3;
	v1 =	vadd.f32 v1, v7  }
0x178: {  	v3 =	vld [tilespmem:s16+$0x11700];
	[tilespmem:s14+$0xEF10] =	vst v2;
	v0 =	vadd.f32 v0, v10  }
0x179: {  	v2 =	vld [tilespmem:s16+$0x11710];
	[tilespmem:s14+$0xEF20] =	vst v1  }
0x17a: {  	v1 =	vld [tilespmem:s16+$0x11720];
	[tilespmem:s14+$0xEF30] =	vst v0;
	s14 =	smov.u32 s16  }
0x17b: {  	v0 =	vld [tilespmem:s14+$0x11730]  }
0x17c: {  	v6 =	vld [tilespmem:s14+$0xEEC0]  }
0x17d: {  	v7 =	vld [tilespmem:s14+$0xEED0]  }
.Ltmp6:
0x17e: {  	v10 =	vld [tilespmem:s14+$0xEEE0];
	(pc) =	sbr.rel @p0 .LBB2_15-.Ltmp6, $4  }
0x17f: {  	v9 =	vld [tilespmem:s14+$0xEEF0]  }
0x180: {  	v8 =	vld [tilespmem:s14+$0xEF00]  }
0x181: {  	v12 =	vadd.f32 v12, v6;
	v6 =	vld [tilespmem:s14+$0xEF10]  }
0x182: {  	s15 =	sadd.s32 $0x200, s15;
	v11 =	vadd.f32 v11, v7;
	v7 =	vld [tilespmem:s14+$0xEF20]  }
0x183: {  	[tilespmem:s14+$0xEEC0] =	vst v12;
	v5 =	vadd.f32 v5, v10;
	v10 =	vld [tilespmem:s14+$0xEF30]  }
0x184: {  	[tilespmem:s14+$0xEED0] =	vst v11;
	v4 =	vadd.f32 v4, v9  }
0x185: {  	[tilespmem:s14+$0xEEE0] =	vst v5;
	v3 =	vadd.f32 v3, v8  }
0x186: {  	[tilespmem:s14+$0xEEF0] =	vst v4;
	v2 =	vadd.f32 v2, v6  }
0x187: {  	[tilespmem:s14+$0xEF00] =	vst v3;
	v1 =	vadd.f32 v1, v7  }
0x188: {  	s11 =	sadd.s32 s5, s11;
	[tilespmem:s14+$0xEF10] =	vst v2;
	v0 =	vadd.f32 v0, v10  }
0x189: {  	s11 =	sshll.u32 s11, $0x4;
	[tilespmem:s14+$0xEF20] =	vst v1  }
0x18a: {  	s11 =	sadd.s32 s6, s11;
	[tilespmem:s14+$0xEF30] =	vst v0  }
0x18b: {  	[hbm4b:s11+s4] =	stream.linear.scatter [tilespmem:s31], [sflag:$0x5], $0x2800, $0x38;
	[tilespmem:$0x18F00] =	vst v63  }
0x18c: {  	_ =	swait.ge [sflag:s20], $0x2800  }
0x18d: {  	[sflag:s20] =	ssyncset.done $0x0  }
0x18e: {  	s15 =	sadd.s32 $0x140, s10;
	[sflag:s20] =	ssyncadd.s32 $0xFFFFD800  }
0x18f: {  	[tilespmem:s23], [sflag:$0x1] =	stream.indirect.gather [hbm4b:s1+s22], $0x80, s15, s22, $0xb8;
	[tilespmem:$0x18F00] =	vst v63  }
0x190: {  	s16 =	sadd.s32 $0x28C0, s10  }
0x191: {  	[tilespmem:s24], [sflag:$0x1] =	stream.indirect.gather [hbm4b:s3+s22], $0x80, s16, s22, $0xb8;
	[tilespmem:$0x18F00] =	vst v63  }
0x192: {  	_ =	swait.ge [sflag:s7], $0x2800  }
0x193: {  	[sflag:s7] =	ssyncset.done $0x0  }
0x194: {  	[sflag:s7] =	ssyncadd.s32 $0xFFFFD800  }
0x195: {  	_ =	swait.ge [sflag:s7], $0x2800  }
0x196: {  	[sflag:s7] =	ssyncset.done $0x0  }
0x197: {  	s11 =	simm.s32 $0x40;
	[sflag:s7] =	ssyncadd.s32 $0xFFFFD800  }
0x198: {  	v7 =	vld [tilespmem:s11+$0x166C0]  }
0x199: {  	v11 =	vld [tilespmem:s11+$0x166D0]  }
0x19a: {  	v5 =	vld [tilespmem:s11+$0x166E0]  }
0x19b: {  	v4 =	vld [tilespmem:s11+$0x166F0]  }
0x19c: {  	v3 =	vld [tilespmem:s11+$0x16700]  }
0x19d: {  	v2 =	vld [tilespmem:s11+$0x16710]  }
0x19e: {  	v1 =	vld [tilespmem:s11+$0x16720]  }
0x19f: {  	v0 =	vld [tilespmem:s11+$0x16730]  }
0x1a0: {  	v12 =	vld [tilespmem:s11+$0x13EC0]  }
0x1a1: {  	v13 =	vld [tilespmem:s11+$0x13ED0]  }
0x1a2: {  	v10 =	vld [tilespmem:s11+$0x13EE0]  }
0x1a3: {  	v9 =	vld [tilespmem:s11+$0x13EF0]  }
0x1a4: {  	v8 =	vld [tilespmem:s11+$0x13F00]  }
0x1a5: {  	v6 =	vld [tilespmem:s11+$0x13F10];
	v12 =	vadd.f32 v7, v12  }
0x1a6: {  	s14 =	simm.s32 $0x300;
	v11 =	vadd.f32 v11, v13;
	v7 =	vld [tilespmem:s11+$0x13F20]  }
.LBB2_17:
0x1a7: {  	s15 =	sshra.s32 s14, $0x2;
	p0 =	sne.s32 s14, $0x9F00;
	[tilespmem:s11+$0x13EC0] =	vst v12;
	v5 =	vadd.f32 v5, v10;
	v10 =	vld [tilespmem:s11+$0x13F30]  }
0x1a8: {  	v12 =	vld [tilespmem:s15+$0x166C0];
	[tilespmem:s11+$0x13ED0] =	vst v11;
	v4 =	vadd.f32 v4, v9  }
0x1a9: {  	v11 =	vld [tilespmem:s15+$0x166D0];
	[tilespmem:s11+$0x13EE0] =	vst v5;
	v3 =	vadd.f32 v3, v8  }
0x1aa: {  	v5 =	vld [tilespmem:s15+$0x166E0];
	[tilespmem:s11+$0x13EF0] =	vst v4;
	v2 =	vadd.f32 v2, v6  }
0x1ab: {  	v4 =	vld [tilespmem:s15+$0x166F0];
	[tilespmem:s11+$0x13F00] =	vst v3;
	v1 =	vadd.f32 v1, v7  }
0x1ac: {  	v3 =	vld [tilespmem:s15+$0x16700];
	[tilespmem:s11+$0x13F10] =	vst v2;
	v0 =	vadd.f32 v0, v10  }
0x1ad: {  	v2 =	vld [tilespmem:s15+$0x16710];
	[tilespmem:s11+$0x13F20] =	vst v1  }
0x1ae: {  	v1 =	vld [tilespmem:s15+$0x16720];
	[tilespmem:s11+$0x13F30] =	vst v0;
	s11 =	smov.u32 s15  }
0x1af: {  	v0 =	vld [tilespmem:s11+$0x16730]  }
0x1b0: {  	v6 =	vld [tilespmem:s11+$0x13EC0]  }
0x1b1: {  	v7 =	vld [tilespmem:s11+$0x13ED0]  }
.Ltmp7:
0x1b2: {  	v10 =	vld [tilespmem:s11+$0x13EE0];
	(pc) =	sbr.rel @p0 .LBB2_17-.Ltmp7, $4  }
0x1b3: {  	v9 =	vld [tilespmem:s11+$0x13EF0]  }
0x1b4: {  	v8 =	vld [tilespmem:s11+$0x13F00]  }
0x1b5: {  	v12 =	vadd.f32 v12, v6;
	v6 =	vld [tilespmem:s11+$0x13F10]  }
0x1b6: {  	s14 =	sadd.s32 $0x200, s14;
	v11 =	vadd.f32 v11, v7;
	v7 =	vld [tilespmem:s11+$0x13F20]  }
0x1b7: {  	[tilespmem:s11+$0x13EC0] =	vst v12;
	v5 =	vadd.f32 v5, v10;
	v63 =	vld [tilespmem:s11+$0x13F30]  }
0x1b8: {  	[tilespmem:s11+$0x13ED0] =	vst v11;
	v4 =	vadd.f32 v4, v9  }
0x1b9: {  	[tilespmem:s11+$0x13EE0] =	vst v5;
	v3 =	vadd.f32 v3, v8  }
0x1ba: {  	[tilespmem:s11+$0x13EF0] =	vst v4;
	v2 =	vadd.f32 v2, v6  }
0x1bb: {  	[tilespmem:s11+$0x13F00] =	vst v3;
	v1 =	vadd.f32 v1, v7  }
0x1bc: {  	s12 =	sadd.s32 s5, s12;
	[tilespmem:s11+$0x13F10] =	vst v2;
	v0 =	vadd.f32 v0, v63  }
0x1bd: {  	s12 =	sshll.u32 s12, $0x4;
	[tilespmem:s11+$0x13F20] =	vst v1  }
0x1be: {  	s9 =	sadd.s32 $0x1, s9;
	s14 =	sadd.s32 s6, s12;
	[tilespmem:s11+$0x13F30] =	vst v0  }
0x1bf: {  	[hbm4b:s14+s4] =	stream.linear.scatter [tilespmem:s2], [sflag:$0x5], $0x2800, $0x38;
	[tilespmem:$0x18F00] =	vst v63  }
0x1c0: {  	p0 =	sne.s32 s9, $0x1E;
	_ =	swait.ge [sflag:s20], $0x2800  }
.Ltmp8:
0x1c1: {  	[sflag:s20] =	ssyncset.done $0x0;
	(pc) =	sbr.rel @p0 .LBB2_10-.Ltmp8, $4  }
0x1c2: {  	s15 =	sadd.s32 $0x190, s10;
	[sflag:s20] =	ssyncadd.s32 $0xFFFFD800  }
0x1c3: {  	[tilespmem:s25], [sflag:$0x2] =	stream.indirect.gather [hbm4b:s1+s22], $0x80, s15, s22, $0xb8;
	[tilespmem:$0x18F00] =	vst v63  }
0x1c4: {  	s16 =	sadd.s32 $0x2910, s10  }
0x1c5: {  	[tilespmem:s28], [sflag:$0x2] =	stream.indirect.gather [hbm4b:s3+s22], $0x80, s16, s22, $0xb8;
	[tilespmem:$0x18F00] =	vst v63  }
0x1c6: {  	_ =	swait.ge [sflag:s29], $0x2800  }
0x1c7: {  	[sflag:s29] =	ssyncset.done $0x0  }
0x1c8: {  	[sflag:s29] =	ssyncadd.s32 $0xFFFFD800  }
0x1c9: {  	_ =	swait.ge [sflag:s29], $0x2800  }
0x1ca: {  	[sflag:s29] =	ssyncset.done $0x0  }
0x1cb: {  	s9 =	simm.s32 $0x40;
	[sflag:s29] =	ssyncadd.s32 $0xFFFFD800  }
0x1cc: {  	v7 =	vld [tilespmem:s9+$0x76C0]  }
0x1cd: {  	v11 =	vld [tilespmem:s9+$0x76D0]  }
0x1ce: {  	v5 =	vld [tilespmem:s9+$0x76E0]  }
0x1cf: {  	v4 =	vld [tilespmem:s9+$0x76F0]  }
0x1d0: {  	v3 =	vld [tilespmem:s9+$0x7700]  }
0x1d1: {  	v2 =	vld [tilespmem:s9+$0x7710]  }
0x1d2: {  	v1 =	vld [tilespmem:s9+$0x7720]  }
0x1d3: {  	v0 =	vld [tilespmem:s9+$0x7730]  }
0x1d4: {  	v12 =	vld [tilespmem:s9+$0x4EC0]  }
0x1d5: {  	v13 =	vld [tilespmem:s9+$0x4ED0]  }
0x1d6: {  	v10 =	vld [tilespmem:s9+$0x4EE0]  }
0x1d7: {  	v9 =	vld [tilespmem:s9+$0x4EF0]  }
0x1d8: {  	v8 =	vld [tilespmem:s9+$0x4F00]  }
0x1d9: {  	v6 =	vld [tilespmem:s9+$0x4F10];
	v12 =	vadd.f32 v7, v12  }
0x1da: {  	s10 =	simm.s32 $0x300;
	v11 =	vadd.f32 v11, v13;
	v7 =	vld [tilespmem:s9+$0x4F20]  }
.LBB2_20:
0x1db: {  	s11 =	sshra.s32 s10, $0x2;
	p0 =	sne.s32 s10, $0x9F00;
	[tilespmem:s9+$0x4EC0] =	vst v12;
	v5 =	vadd.f32 v5, v10;
	v10 =	vld [tilespmem:s9+$0x4F30]  }
0x1dc: {  	v12 =	vld [tilespmem:s11+$0x76C0];
	[tilespmem:s9+$0x4ED0] =	vst v11;
	v4 =	vadd.f32 v4, v9  }
0x1dd: {  	v11 =	vld [tilespmem:s11+$0x76D0];
	[tilespmem:s9+$0x4EE0] =	vst v5;
	v3 =	vadd.f32 v3, v8  }
0x1de: {  	v5 =	vld [tilespmem:s11+$0x76E0];
	[tilespmem:s9+$0x4EF0] =	vst v4;
	v2 =	vadd.f32 v2, v6  }
0x1df: {  	v4 =	vld [tilespmem:s11+$0x76F0];
	[tilespmem:s9+$0x4F00] =	vst v3;
	v1 =	vadd.f32 v1, v7  }
0x1e0: {  	v3 =	vld [tilespmem:s11+$0x7700];
	[tilespmem:s9+$0x4F10] =	vst v2;
	v0 =	vadd.f32 v0, v10  }
0x1e1: {  	v2 =	vld [tilespmem:s11+$0x7710];
	[tilespmem:s9+$0x4F20] =	vst v1  }
0x1e2: {  	v1 =	vld [tilespmem:s11+$0x7720];
	[tilespmem:s9+$0x4F30] =	vst v0;
	s9 =	smov.u32 s11  }
0x1e3: {  	v0 =	vld [tilespmem:s9+$0x7730]  }
0x1e4: {  	v6 =	vld [tilespmem:s9+$0x4EC0]  }
0x1e5: {  	v7 =	vld [tilespmem:s9+$0x4ED0]  }
.Ltmp9:
0x1e6: {  	v10 =	vld [tilespmem:s9+$0x4EE0];
	(pc) =	sbr.rel @p0 .LBB2_20-.Ltmp9, $4  }
0x1e7: {  	v9 =	vld [tilespmem:s9+$0x4EF0]  }
0x1e8: {  	v8 =	vld [tilespmem:s9+$0x4F00]  }
0x1e9: {  	v12 =	vadd.f32 v12, v6;
	v6 =	vld [tilespmem:s9+$0x4F10]  }
0x1ea: {  	s10 =	sadd.s32 $0x200, s10;
	v11 =	vadd.f32 v11, v7;
	v7 =	vld [tilespmem:s9+$0x4F20]  }
0x1eb: {  	[tilespmem:s9+$0x4EC0] =	vst v12;
	v5 =	vadd.f32 v5, v10;
	v10 =	vld [tilespmem:s9+$0x4F30]  }
0x1ec: {  	[tilespmem:s9+$0x4ED0] =	vst v11;
	v4 =	vadd.f32 v4, v9  }
0x1ed: {  	[tilespmem:s9+$0x4EE0] =	vst v5;
	v3 =	vadd.f32 v3, v8  }
0x1ee: {  	[tilespmem:s9+$0x4EF0] =	vst v4;
	v2 =	vadd.f32 v2, v6  }
0x1ef: {  	[tilespmem:s9+$0x4F00] =	vst v3;
	v1 =	vadd.f32 v1, v7  }
0x1f0: {  	[tilespmem:s9+$0x4F10] =	vst v2;
	v0 =	vadd.f32 v0, v10  }
0x1f1: {  	[tilespmem:s9+$0x4F20] =	vst v1  }
0x1f2: {  	s14 =	rddreg [dreg:$0xa];
	[tilespmem:s9+$0x4F30] =	vst v0  }
0x1f3: {  	[hbm4b:s14+s4] =	stream.linear.scatter [tilespmem:s23], [sflag:$0x5], $0x2800, $0x38;
	[tilespmem:$0x18F00] =	vst v63  }
0x1f4: {  	_ =	swait.ge [sflag:s20], $0x2800  }
0x1f5: {  	[sflag:s20] =	ssyncset.done $0x0  }
0x1f6: {  	s15 =	simm.s32 $0x2620;
	[sflag:s20] =	ssyncadd.s32 $0xFFFFD800  }
0x1f7: {  	[tilespmem:s31], [sflag:$0x3] =	stream.indirect.gather [hbm4b:s1+s22], $0x80, s15, s22, $0xb8;
	[tilespmem:$0x18F00] =	vst v63  }
0x1f8: {  	s16 =	simm.s32 $0x4DA0  }
0x1f9: {  	[tilespmem:s0], [sflag:$0x3] =	stream.indirect.gather [hbm4b:s3+s22], $0x80, s16, s22, $0xb8;
	[tilespmem:$0x18F00] =	vst v63  }
0x1fa: {  	_ =	swait.ge [sflag:s26], $0x2800  }
0x1fb: {  	[sflag:s26] =	ssyncset.done $0x0  }
0x1fc: {  	[sflag:s26] =	ssyncadd.s32 $0xFFFFD800  }
0x1fd: {  	_ =	swait.ge [sflag:s26], $0x2800  }
0x1fe: {  	[sflag:s26] =	ssyncset.done $0x0  }
0x1ff: {  	s9 =	simm.s32 $0x40;
	[sflag:s26] =	ssyncadd.s32 $0xFFFFD800  }
0x200: {  	v7 =	vld [tilespmem:s9+$0xC6C0]  }
0x201: {  	v11 =	vld [tilespmem:s9+$0xC6D0]  }
0x202: {  	v5 =	vld [tilespmem:s9+$0xC6E0]  }
0x203: {  	v4 =	vld [tilespmem:s9+$0xC6F0]  }
0x204: {  	v3 =	vld [tilespmem:s9+$0xC700]  }
0x205: {  	v2 =	vld [tilespmem:s9+$0xC710]  }
0x206: {  	v1 =	vld [tilespmem:s9+$0xC720]  }
0x207: {  	v0 =	vld [tilespmem:s9+$0xC730]  }
0x208: {  	v12 =	vld [tilespmem:s9+$0x9EC0]  }
0x209: {  	v13 =	vld [tilespmem:s9+$0x9ED0]  }
0x20a: {  	v10 =	vld [tilespmem:s9+$0x9EE0]  }
0x20b: {  	v9 =	vld [tilespmem:s9+$0x9EF0]  }
0x20c: {  	v8 =	vld [tilespmem:s9+$0x9F00]  }
0x20d: {  	v6 =	vld [tilespmem:s9+$0x9F10];
	v12 =	vadd.f32 v7, v12  }
0x20e: {  	s10 =	simm.s32 $0x300;
	v11 =	vadd.f32 v11, v13;
	v7 =	vld [tilespmem:s9+$0x9F20]  }
.LBB2_22:
0x20f: {  	s11 =	sshra.s32 s10, $0x2;
	p0 =	sne.s32 s10, $0x9F00;
	[tilespmem:s9+$0x9EC0] =	vst v12;
	v5 =	vadd.f32 v5, v10;
	v10 =	vld [tilespmem:s9+$0x9F30]  }
0x210: {  	v12 =	vld [tilespmem:s11+$0xC6C0];
	[tilespmem:s9+$0x9ED0] =	vst v11;
	v4 =	vadd.f32 v4, v9  }
0x211: {  	v11 =	vld [tilespmem:s11+$0xC6D0];
	[tilespmem:s9+$0x9EE0] =	vst v5;
	v3 =	vadd.f32 v3, v8  }
0x212: {  	v5 =	vld [tilespmem:s11+$0xC6E0];
	[tilespmem:s9+$0x9EF0] =	vst v4;
	v2 =	vadd.f32 v2, v6  }
0x213: {  	v4 =	vld [tilespmem:s11+$0xC6F0];
	[tilespmem:s9+$0x9F00] =	vst v3;
	v1 =	vadd.f32 v1, v7  }
0x214: {  	v3 =	vld [tilespmem:s11+$0xC700];
	[tilespmem:s9+$0x9F10] =	vst v2;
	v0 =	vadd.f32 v0, v10  }
0x215: {  	v2 =	vld [tilespmem:s11+$0xC710];
	[tilespmem:s9+$0x9F20] =	vst v1  }
0x216: {  	v1 =	vld [tilespmem:s11+$0xC720];
	[tilespmem:s9+$0x9F30] =	vst v0;
	s9 =	smov.u32 s11  }
0x217: {  	v0 =	vld [tilespmem:s9+$0xC730]  }
0x218: {  	v6 =	vld [tilespmem:s9+$0x9EC0]  }
0x219: {  	v7 =	vld [tilespmem:s9+$0x9ED0]  }
.Ltmp10:
0x21a: {  	v10 =	vld [tilespmem:s9+$0x9EE0];
	(pc) =	sbr.rel @p0 .LBB2_22-.Ltmp10, $4  }
0x21b: {  	v9 =	vld [tilespmem:s9+$0x9EF0]  }
0x21c: {  	v8 =	vld [tilespmem:s9+$0x9F00]  }
0x21d: {  	v12 =	vadd.f32 v12, v6;
	v6 =	vld [tilespmem:s9+$0x9F10]  }
0x21e: {  	s10 =	sadd.s32 $0x200, s10;
	v11 =	vadd.f32 v11, v7;
	v7 =	vld [tilespmem:s9+$0x9F20]  }
0x21f: {  	[tilespmem:s9+$0x9EC0] =	vst v12;
	v5 =	vadd.f32 v5, v10;
	v10 =	vld [tilespmem:s9+$0x9F30]  }
0x220: {  	[tilespmem:s9+$0x9ED0] =	vst v11;
	v4 =	vadd.f32 v4, v9  }
0x221: {  	[tilespmem:s9+$0x9EE0] =	vst v5;
	v3 =	vadd.f32 v3, v8  }
0x222: {  	[tilespmem:s9+$0x9EF0] =	vst v4;
	v2 =	vadd.f32 v2, v6  }
0x223: {  	[tilespmem:s9+$0x9F00] =	vst v3;
	v1 =	vadd.f32 v1, v7  }
0x224: {  	[tilespmem:s9+$0x9F10] =	vst v2;
	v0 =	vadd.f32 v0, v10  }
0x225: {  	[tilespmem:s9+$0x9F20] =	vst v1  }
0x226: {  	s14 =	rddreg [dreg:$0xb];
	[tilespmem:s9+$0x9F30] =	vst v0  }
0x227: {  	[hbm4b:s14+s4] =	stream.linear.scatter [tilespmem:s25], [sflag:$0x5], $0x2800, $0x38;
	[tilespmem:$0x18F00] =	vst v63  }
0x228: {  	_ =	swait.ge [sflag:s20], $0x2800  }
0x229: {  	[sflag:s20] =	ssyncset.done $0x0  }
0x22a: {  	s15 =	simm.s32 $0x2670;
	[sflag:s20] =	ssyncadd.s32 $0xFFFFD800  }
0x22b: {  	[tilespmem:s2], [sflag:$0x4] =	stream.indirect.gather [hbm4b:s1+s22], $0x80, s15, s22, $0xb8;
	[tilespmem:$0x18F00] =	vst v63  }
0x22c: {  	s16 =	simm.s32 $0x4DF0  }
0x22d: {  	[tilespmem:s30], [sflag:$0x4] =	stream.indirect.gather [hbm4b:s3+s22], $0x80, s16, s22, $0xb8;
	[tilespmem:$0x18F00] =	vst v63  }
0x22e: {  	_ =	swait.ge [sflag:s21], $0x2800  }
0x22f: {  	[sflag:s21] =	ssyncset.done $0x0  }
0x230: {  	[sflag:s21] =	ssyncadd.s32 $0xFFFFD800  }
0x231: {  	_ =	swait.ge [sflag:s21], $0x2800  }
0x232: {  	[sflag:s21] =	ssyncset.done $0x0  }
0x233: {  	s9 =	simm.s32 $0x40;
	[sflag:s21] =	ssyncadd.s32 $0xFFFFD800  }
0x234: {  	v7 =	vld [tilespmem:s9+$0x116C0]  }
0x235: {  	v11 =	vld [tilespmem:s9+$0x116D0]  }
0x236: {  	v5 =	vld [tilespmem:s9+$0x116E0]  }
0x237: {  	v4 =	vld [tilespmem:s9+$0x116F0]  }
0x238: {  	v3 =	vld [tilespmem:s9+$0x11700]  }
0x239: {  	v2 =	vld [tilespmem:s9+$0x11710]  }
0x23a: {  	v1 =	vld [tilespmem:s9+$0x11720]  }
0x23b: {  	v0 =	vld [tilespmem:s9+$0x11730]  }
0x23c: {  	v12 =	vld [tilespmem:s9+$0xEEC0]  }
0x23d: {  	v13 =	vld [tilespmem:s9+$0xEED0]  }
0x23e: {  	v10 =	vld [tilespmem:s9+$0xEEE0]  }
0x23f: {  	v9 =	vld [tilespmem:s9+$0xEEF0]  }
0x240: {  	v8 =	vld [tilespmem:s9+$0xEF00]  }
0x241: {  	v6 =	vld [tilespmem:s9+$0xEF10];
	v12 =	vadd.f32 v7, v12  }
0x242: {  	s10 =	simm.s32 $0x300;
	v11 =	vadd.f32 v11, v13;
	v7 =	vld [tilespmem:s9+$0xEF20]  }
.LBB2_24:
0x243: {  	s11 =	sshra.s32 s10, $0x2;
	p0 =	sne.s32 s10, $0x9F00;
	[tilespmem:s9+$0xEEC0] =	vst v12;
	v5 =	vadd.f32 v5, v10;
	v10 =	vld [tilespmem:s9+$0xEF30]  }
0x244: {  	v12 =	vld [tilespmem:s11+$0x116C0];
	[tilespmem:s9+$0xEED0] =	vst v11;
	v4 =	vadd.f32 v4, v9  }
0x245: {  	v11 =	vld [tilespmem:s11+$0x116D0];
	[tilespmem:s9+$0xEEE0] =	vst v5;
	v3 =	vadd.f32 v3, v8  }
0x246: {  	v5 =	vld [tilespmem:s11+$0x116E0];
	[tilespmem:s9+$0xEEF0] =	vst v4;
	v2 =	vadd.f32 v2, v6  }
0x247: {  	v4 =	vld [tilespmem:s11+$0x116F0];
	[tilespmem:s9+$0xEF00] =	vst v3;
	v1 =	vadd.f32 v1, v7  }
0x248: {  	v3 =	vld [tilespmem:s11+$0x11700];
	[tilespmem:s9+$0xEF10] =	vst v2;
	v0 =	vadd.f32 v0, v10  }
0x249: {  	v2 =	vld [tilespmem:s11+$0x11710];
	[tilespmem:s9+$0xEF20] =	vst v1  }
0x24a: {  	v1 =	vld [tilespmem:s11+$0x11720];
	[tilespmem:s9+$0xEF30] =	vst v0;
	s9 =	smov.u32 s11  }
0x24b: {  	v0 =	vld [tilespmem:s9+$0x11730]  }
0x24c: {  	v6 =	vld [tilespmem:s9+$0xEEC0]  }
0x24d: {  	v7 =	vld [tilespmem:s9+$0xEED0]  }
.Ltmp11:
0x24e: {  	v10 =	vld [tilespmem:s9+$0xEEE0];
	(pc) =	sbr.rel @p0 .LBB2_24-.Ltmp11, $4  }
0x24f: {  	v9 =	vld [tilespmem:s9+$0xEEF0]  }
0x250: {  	v8 =	vld [tilespmem:s9+$0xEF00]  }
0x251: {  	v12 =	vadd.f32 v12, v6;
	v6 =	vld [tilespmem:s9+$0xEF10]  }
0x252: {  	s10 =	sadd.s32 $0x200, s10;
	v11 =	vadd.f32 v11, v7;
	v7 =	vld [tilespmem:s9+$0xEF20]  }
0x253: {  	[tilespmem:s9+$0xEEC0] =	vst v12;
	v5 =	vadd.f32 v5, v10;
	v10 =	vld [tilespmem:s9+$0xEF30]  }
0x254: {  	[tilespmem:s9+$0xEED0] =	vst v11;
	v4 =	vadd.f32 v4, v9  }
0x255: {  	[tilespmem:s9+$0xEEE0] =	vst v5;
	v3 =	vadd.f32 v3, v8  }
0x256: {  	[tilespmem:s9+$0xEEF0] =	vst v4;
	v2 =	vadd.f32 v2, v6  }
0x257: {  	[tilespmem:s9+$0xEF00] =	vst v3;
	v1 =	vadd.f32 v1, v7  }
0x258: {  	[tilespmem:s9+$0xEF10] =	vst v2;
	v0 =	vadd.f32 v0, v10  }
0x259: {  	[tilespmem:s9+$0xEF20] =	vst v1  }
0x25a: {  	s14 =	rddreg [dreg:$0xc];
	[tilespmem:s9+$0xEF30] =	vst v0  }
0x25b: {  	[hbm4b:s14+s4] =	stream.linear.scatter [tilespmem:s31], [sflag:$0x5], $0x2800, $0x38;
	[tilespmem:$0x18F00] =	vst v63  }
0x25c: {  	_ =	swait.ge [sflag:s20], $0x2800  }
0x25d: {  	[sflag:s20] =	ssyncset.done $0x0  }
0x25e: {  	s15 =	simm.s32 $0x26C0;
	[sflag:s20] =	ssyncadd.s32 $0xFFFFD800  }
0x25f: {  	[tilespmem:s23], [sflag:$0x1] =	stream.indirect.gather [hbm4b:s1+s22], $0x80, s15, s22, $0xb8;
	[tilespmem:$0x18F00] =	vst v63  }
0x260: {  	s16 =	simm.s32 $0x4E40  }
0x261: {  	[tilespmem:s24], [sflag:$0x1] =	stream.indirect.gather [hbm4b:s3+s22], $0x80, s16, s22, $0xb8;
	[tilespmem:$0x18F00] =	vst v63  }
0x262: {  	_ =	swait.ge [sflag:s7], $0x2800  }
0x263: {  	[sflag:s7] =	ssyncset.done $0x0  }
0x264: {  	[sflag:s7] =	ssyncadd.s32 $0xFFFFD800  }
0x265: {  	_ =	swait.ge [sflag:s7], $0x2800  }
0x266: {  	[sflag:s7] =	ssyncset.done $0x0  }
0x267: {  	s9 =	simm.s32 $0x40;
	[sflag:s7] =	ssyncadd.s32 $0xFFFFD800  }
0x268: {  	v7 =	vld [tilespmem:s9+$0x166C0]  }
0x269: {  	v11 =	vld [tilespmem:s9+$0x166D0]  }
0x26a: {  	v5 =	vld [tilespmem:s9+$0x166E0]  }
0x26b: {  	v4 =	vld [tilespmem:s9+$0x166F0]  }
0x26c: {  	v3 =	vld [tilespmem:s9+$0x16700]  }
0x26d: {  	v2 =	vld [tilespmem:s9+$0x16710]  }
0x26e: {  	v1 =	vld [tilespmem:s9+$0x16720]  }
0x26f: {  	v0 =	vld [tilespmem:s9+$0x16730]  }
0x270: {  	v12 =	vld [tilespmem:s9+$0x13EC0]  }
0x271: {  	v13 =	vld [tilespmem:s9+$0x13ED0]  }
0x272: {  	v10 =	vld [tilespmem:s9+$0x13EE0]  }
0x273: {  	v9 =	vld [tilespmem:s9+$0x13EF0]  }
0x274: {  	v8 =	vld [tilespmem:s9+$0x13F00]  }
0x275: {  	v6 =	vld [tilespmem:s9+$0x13F10];
	v12 =	vadd.f32 v7, v12  }
0x276: {  	s10 =	simm.s32 $0x300;
	v11 =	vadd.f32 v11, v13;
	v7 =	vld [tilespmem:s9+$0x13F20]  }
.LBB2_26:
0x277: {  	s11 =	sshra.s32 s10, $0x2;
	p0 =	sne.s32 s10, $0x9F00;
	[tilespmem:s9+$0x13EC0] =	vst v12;
	v5 =	vadd.f32 v5, v10;
	v10 =	vld [tilespmem:s9+$0x13F30]  }
0x278: {  	v12 =	vld [tilespmem:s11+$0x166C0];
	[tilespmem:s9+$0x13ED0] =	vst v11;
	v4 =	vadd.f32 v4, v9  }
0x279: {  	v11 =	vld [tilespmem:s11+$0x166D0];
	[tilespmem:s9+$0x13EE0] =	vst v5;
	v3 =	vadd.f32 v3, v8  }
0x27a: {  	v5 =	vld [tilespmem:s11+$0x166E0];
	[tilespmem:s9+$0x13EF0] =	vst v4;
	v2 =	vadd.f32 v2, v6  }
0x27b: {  	v4 =	vld [tilespmem:s11+$0x166F0];
	[tilespmem:s9+$0x13F00] =	vst v3;
	v1 =	vadd.f32 v1, v7  }
0x27c: {  	v3 =	vld [tilespmem:s11+$0x16700];
	[tilespmem:s9+$0x13F10] =	vst v2;
	v0 =	vadd.f32 v0, v10  }
0x27d: {  	v2 =	vld [tilespmem:s11+$0x16710];
	[tilespmem:s9+$0x13F20] =	vst v1  }
0x27e: {  	v1 =	vld [tilespmem:s11+$0x16720];
	[tilespmem:s9+$0x13F30] =	vst v0;
	s9 =	smov.u32 s11  }
0x27f: {  	v0 =	vld [tilespmem:s9+$0x16730]  }
0x280: {  	v6 =	vld [tilespmem:s9+$0x13EC0]  }
0x281: {  	v7 =	vld [tilespmem:s9+$0x13ED0]  }
.Ltmp12:
0x282: {  	v10 =	vld [tilespmem:s9+$0x13EE0];
	(pc) =	sbr.rel @p0 .LBB2_26-.Ltmp12, $4  }
0x283: {  	v9 =	vld [tilespmem:s9+$0x13EF0]  }
0x284: {  	v8 =	vld [tilespmem:s9+$0x13F00]  }
0x285: {  	v12 =	vadd.f32 v12, v6;
	v6 =	vld [tilespmem:s9+$0x13F10]  }
0x286: {  	s10 =	sadd.s32 $0x200, s10;
	v11 =	vadd.f32 v11, v7;
	v7 =	vld [tilespmem:s9+$0x13F20]  }
0x287: {  	[tilespmem:s9+$0x13EC0] =	vst v12;
	v5 =	vadd.f32 v5, v10;
	v10 =	vld [tilespmem:s9+$0x13F30]  }
0x288: {  	[tilespmem:s9+$0x13ED0] =	vst v11;
	v4 =	vadd.f32 v4, v9  }
0x289: {  	[tilespmem:s9+$0x13EE0] =	vst v5;
	v3 =	vadd.f32 v3, v8  }
0x28a: {  	[tilespmem:s9+$0x13EF0] =	vst v4;
	v2 =	vadd.f32 v2, v6  }
0x28b: {  	[tilespmem:s9+$0x13F00] =	vst v3;
	v1 =	vadd.f32 v1, v7  }
0x28c: {  	[tilespmem:s9+$0x13F10] =	vst v2;
	v0 =	vadd.f32 v0, v10  }
0x28d: {  	[tilespmem:s9+$0x13F20] =	vst v1  }
0x28e: {  	[tilespmem:s9+$0x13F30] =	vst v0  }
0x28f: {  	[hbm4b:s17+s4] =	stream.linear.scatter [tilespmem:s2], [sflag:$0x5], $0x2800, $0x38;
	[tilespmem:$0x18F00] =	vst v63  }
0x290: {  	_ =	swait.ge [sflag:s20], $0x2800  }
0x291: {  	[sflag:s20] =	ssyncset.done $0x0  }
0x292: {  	[sflag:s20] =	ssyncadd.s32 $0xFFFFD800  }
0x293: {  	_ =	swait.ge [sflag:s29], $0x2800  }
0x294: {  	[sflag:s29] =	ssyncset.done $0x0  }
0x295: {  	[sflag:s29] =	ssyncadd.s32 $0xFFFFD800  }
0x296: {  	_ =	swait.ge [sflag:s29], $0x2800  }
0x297: {  	[sflag:s29] =	ssyncset.done $0x0  }
0x298: {  	s9 =	simm.s32 $0x40;
	[sflag:s29] =	ssyncadd.s32 $0xFFFFD800  }
0x299: {  	v7 =	vld [tilespmem:s9+$0x76C0]  }
0x29a: {  	v11 =	vld [tilespmem:s9+$0x76D0]  }
0x29b: {  	v5 =	vld [tilespmem:s9+$0x76E0]  }
0x29c: {  	v4 =	vld [tilespmem:s9+$0x76F0]  }
0x29d: {  	v3 =	vld [tilespmem:s9+$0x7700]  }
0x29e: {  	v2 =	vld [tilespmem:s9+$0x7710]  }
0x29f: {  	v1 =	vld [tilespmem:s9+$0x7720]  }
0x2a0: {  	v0 =	vld [tilespmem:s9+$0x7730]  }
0x2a1: {  	v12 =	vld [tilespmem:s9+$0x4EC0]  }
0x2a2: {  	v13 =	vld [tilespmem:s9+$0x4ED0]  }
0x2a3: {  	v10 =	vld [tilespmem:s9+$0x4EE0]  }
0x2a4: {  	v9 =	vld [tilespmem:s9+$0x4EF0]  }
0x2a5: {  	v8 =	vld [tilespmem:s9+$0x4F00]  }
0x2a6: {  	v6 =	vld [tilespmem:s9+$0x4F10];
	v12 =	vadd.f32 v7, v12  }
0x2a7: {  	s10 =	simm.s32 $0x300;
	v11 =	vadd.f32 v11, v13;
	v7 =	vld [tilespmem:s9+$0x4F20]  }
.LBB2_28:
0x2a8: {  	s11 =	sshra.s32 s10, $0x2;
	p0 =	sne.s32 s10, $0x9F00;
	[tilespmem:s9+$0x4EC0] =	vst v12;
	v5 =	vadd.f32 v5, v10;
	v10 =	vld [tilespmem:s9+$0x4F30]  }
0x2a9: {  	v12 =	vld [tilespmem:s11+$0x76C0];
	[tilespmem:s9+$0x4ED0] =	vst v11;
	v4 =	vadd.f32 v4, v9  }
0x2aa: {  	v11 =	vld [tilespmem:s11+$0x76D0];
	[tilespmem:s9+$0x4EE0] =	vst v5;
	v3 =	vadd.f32 v3, v8  }
0x2ab: {  	v5 =	vld [tilespmem:s11+$0x76E0];
	[tilespmem:s9+$0x4EF0] =	vst v4;
	v2 =	vadd.f32 v2, v6  }
0x2ac: {  	v4 =	vld [tilespmem:s11+$0x76F0];
	[tilespmem:s9+$0x4F00] =	vst v3;
	v1 =	vadd.f32 v1, v7  }
0x2ad: {  	v3 =	vld [tilespmem:s11+$0x7700];
	[tilespmem:s9+$0x4F10] =	vst v2;
	v0 =	vadd.f32 v0, v10  }
0x2ae: {  	v2 =	vld [tilespmem:s11+$0x7710];
	[tilespmem:s9+$0x4F20] =	vst v1  }
0x2af: {  	v1 =	vld [tilespmem:s11+$0x7720];
	[tilespmem:s9+$0x4F30] =	vst v0;
	s9 =	smov.u32 s11  }
0x2b0: {  	v0 =	vld [tilespmem:s9+$0x7730]  }
0x2b1: {  	v6 =	vld [tilespmem:s9+$0x4EC0]  }
0x2b2: {  	v7 =	vld [tilespmem:s9+$0x4ED0]  }
.Ltmp13:
0x2b3: {  	v10 =	vld [tilespmem:s9+$0x4EE0];
	(pc) =	sbr.rel @p0 .LBB2_28-.Ltmp13, $4  }
0x2b4: {  	v9 =	vld [tilespmem:s9+$0x4EF0]  }
0x2b5: {  	v8 =	vld [tilespmem:s9+$0x4F00]  }
0x2b6: {  	v12 =	vadd.f32 v12, v6;
	v6 =	vld [tilespmem:s9+$0x4F10]  }
0x2b7: {  	s10 =	sadd.s32 $0x200, s10;
	v11 =	vadd.f32 v11, v7;
	v7 =	vld [tilespmem:s9+$0x4F20]  }
0x2b8: {  	[tilespmem:s9+$0x4EC0] =	vst v12;
	v5 =	vadd.f32 v5, v10;
	v63 =	vld [tilespmem:s9+$0x4F30]  }
0x2b9: {  	[tilespmem:s9+$0x4ED0] =	vst v11;
	v4 =	vadd.f32 v4, v9  }
0x2ba: {  	[tilespmem:s9+$0x4EE0] =	vst v5;
	v3 =	vadd.f32 v3, v8  }
0x2bb: {  	[tilespmem:s9+$0x4EF0] =	vst v4;
	v2 =	vadd.f32 v2, v6  }
0x2bc: {  	[tilespmem:s9+$0x4F00] =	vst v3;
	v1 =	vadd.f32 v1, v7  }
0x2bd: {  	s8 =	sadd.s32 $0x1, s8;
	[tilespmem:s9+$0x4F10] =	vst v2;
	v0 =	vadd.f32 v0, v63  }
0x2be: {  	p0 =	sne.s32 s8, s19;
	[tilespmem:s9+$0x4F20] =	vst v1  }
.Ltmp14:
0x2bf: {  	[tilespmem:s9+$0x4F30] =	vst v0;
	(pc) =	sbr.rel @p0 .LBB2_1-.Ltmp14, $4  }
0x2c0: {  	[hbm4b:s18+s4] =	stream.linear.scatter [tilespmem:s23], [sflag:$0x5], $0x2800, $0x38;
	[tilespmem:$0x18F00] =	vst v63  }
0x2c1: {  	_ =	swait.ge [sflag:s20], $0x2800  }
0x2c2: {  	[sflag:s20] =	ssyncset.done $0x0  }
0x2c3: {  	[sflag:s20] =	ssyncadd.s32 $0xFFFFD800  }
0x2c4: {  	_ =	sfence.sel $0x180000  }
0x2c5: {  	[bflag:$0x0] =	sbarrier.arrive $0xFFFF  }
0x2c6: {  	_ =	strace $0x90000047  }
0x2c7: {  	s0 =	stileid.u32;
	[bflag:$0x2] =	sbarrier.arrive $0xFFFF  }
0x2c8: {  	p0 =	sne.s32 s0, $0x0;
	s0 =	rddreg [dreg:$0x3]  }
0x2c9: {  	s0 =	sadd.s32 @!p0 $0x100000, s0  }
0x2ca: {  	[sflag:s0] =	ssyncadd.tile.s32 @!p0 $0x1;
	_ =	shalt  }
.Lfunc_end2:
_tile_overlayer_lowered:
.L_overlay_start_2:
0x2cb: {  	(tag) =	ssettag $0x2  }
0x2cc: {  	s0 =	rddreg [dreg:$0x0];
	s2 =	stileid.u32  }
0x2cd: {  	s1 =	rddreg [dreg:$0x1];
	p0 =	sne.s32 s2, $0x0  }
0x2ce: {  	s3 =	rddreg [dreg:$0x2];
	[bflag:$0x3] =	sbarrier.arrive $0xFFFF;
	s2 =	simm.s32 @!p0 $0x1C05  }
0x2cf: {  	[timem:s3], [sflag:s2] =	dma.local @!p0 [hbm:s0], s1  }
0x2d0: {  	s0 =	simm.s32 @!p0 $0x5  }
0x2d1: {  	_ =	swait.ge @!p0 [sflag:s0], s1  }
0x2d2: {  	s1 =	ssub.s32 @!p0 $0x0, s1;
	[sflag:s0] =	ssyncset.done @!p0 $0x0  }
0x2d3: {  	[sflag:s0] =	ssyncadd.s32 @!p0 s1  }
0x2d4: {  	[bflag:$0x3] =	sbarrier.arrive $0xFFFF  }
0x2d5: {  	_ =	shalt  }

</sc_bundles>
